<compile_context>
chip_gen: v7x
topology: tpu7x:2x2x1
jax: 0.10.2.dev20260603
libtpu: 0.0.44.dev20260713+nightly
codegen_flags: <defaults>
</compile_context>

<pallas_src>
import jax
import jax.numpy as jnp
from jax import lax
from jax.experimental import pallas as pl
from jax.experimental.pallas import tpu as pltpu
from jax.experimental.pallas import tpu_sc as plsc

N = 5000
N_PAD = 5120
NUM_TECS = 16
NB = N_PAD // 16
ROWS_PER_TEC = N_PAD // NUM_TECS
SLOTS = 328
SCORE_THRESHOLD = 0.05
NMS_THRESHOLD = 0.5

_f32 = jnp.float32
_i32 = jnp.int32


def _nms_body(x1h, y1h, x2h, y2h, ph,
              o_x1, o_y1, o_x2, o_y2, o_p,
              vx1, vy1, vx2, vy2, vp,
              sx1, sy1, sx2, sy2, sa,
              kept_all, tmp96, pall, tmp_ax,
              vo0, vo1, vo2, vo3, vo4,
              sh_part):
    c = lax.axis_index("c")
    w = lax.axis_index("s")

    @pl.when(c == 0)
    def _():
        pltpu.sync_copy(x1h, vx1.at[pl.ds(0, N_PAD)])
        pltpu.sync_copy(y1h, vy1.at[pl.ds(0, N_PAD)])
        pltpu.sync_copy(x2h, vx2.at[pl.ds(0, N_PAD)])
        pltpu.sync_copy(y2h, vy2.at[pl.ds(0, N_PAD)])
        pltpu.sync_copy(ph, vp)

        zf = jnp.zeros((16,), _f32)

        @pl.loop(0, SLOTS)
        def _zero(k):
            sx1[pl.ds(16 * k, 16)] = zf
            sy1[pl.ds(16 * k, 16)] = zf
            sx2[pl.ds(16 * k, 16)] = zf
            sy2[pl.ds(16 * k, 16)] = zf
            sa[pl.ds(16 * k, 16)] = zf

        lanes = lax.iota(_i32, 16)

        def block_body(b, l_len):
            base = 16 * b
            cx1 = vx1[pl.ds(base, 16)]
            cy1 = vy1[pl.ds(base, 16)]
            cx2 = vx2[pl.ds(base, 16)]
            cy2 = vy2[pl.ds(base, 16)]
            cp = vp[pl.ds(base, 16)]
            carea = jnp.maximum(cx2 - cx1, 0.0) * jnp.maximum(cy2 - cy1, 0.0)

            xw1 = jnp.full((16,), vx1[pl.ds(base + w, 16)][0], _f32)
            yw1 = jnp.full((16,), vy1[pl.ds(base + w, 16)][0], _f32)
            xw2 = jnp.full((16,), vx2[pl.ds(base + w, 16)][0], _f32)
            yw2 = jnp.full((16,), vy2[pl.ds(base + w, 16)][0], _f32)
            aw = (jnp.maximum(xw2 - xw1, 0.0)
                  * jnp.maximum(yw2 - yw1, 0.0))

            nk = jnp.maximum(l_len - w + 15, 0) // 16
            nk4 = (nk + 3) // 4

            def chunk_body(j, sup):
                for u in range(4):
                    r0 = 16 * (4 * j + u)
                    rx1 = sx1[pl.ds(r0, 16)]
                    ry1 = sy1[pl.ds(r0, 16)]
                    rx2 = sx2[pl.ds(r0, 16)]
                    ry2 = sy2[pl.ds(r0, 16)]
                    ra = sa[pl.ds(r0, 16)]
                    xx1 = jnp.maximum(cx1, rx1)
                    yy1 = jnp.maximum(cy1, ry1)
                    xx2 = jnp.minimum(cx2, rx2)
                    yy2 = jnp.minimum(cy2, ry2)
                    inter = (jnp.maximum(xx2 - xx1, 0.0)
                             * jnp.maximum(yy2 - yy1, 0.0))
                    union = carea + ra - inter
                    sup = sup + jnp.where(inter > NMS_THRESHOLD * union,
                                          1.0, 0.0)
                return sup

            sup = lax.fori_loop(0, nk4, chunk_body,
                                jnp.zeros((16,), _f32))

            xx1 = jnp.maximum(cx1, xw1)
            yy1 = jnp.maximum(cy1, yw1)
            xx2 = jnp.minimum(cx2, xw2)
            yy2 = jnp.minimum(cy2, yw2)
            inter = (jnp.maximum(xx2 - xx1, 0.0)
                     * jnp.maximum(yy2 - yy1, 0.0))
            union = carea + aw - inter
            wv = jnp.full((16,), w, _i32)
            rowm = (jnp.where(inter > NMS_THRESHOLD * union, 1.0, 0.0)
                    * jnp.where(lanes > wv, 1.0, 0.0))

            tmp96[pl.ds(0, 16)] = sup
            tmp96[pl.ds(16, 16)] = rowm
            pltpu.sync_copy(tmp96.at[pl.ds(0, 32)],
                            sh_part.at[pl.ds(32 * w, 32)])
            plsc.subcore_barrier()

            pltpu.sync_copy(sh_part, pall)
            acc = pall[pl.ds(0, 16)]
            for i in range(1, NUM_TECS):
                acc = acc + pall[pl.ds(32 * i, 16)]
            keptf = jnp.where((cp >= SCORE_THRESHOLD) & (acc == 0.0),
                              1.0, 0.0)
            pos = w * 0
            ax1 = jnp.zeros((16,), _f32)
            ay1 = jnp.zeros((16,), _f32)
            ax2 = jnp.zeros((16,), _f32)
            ay2 = jnp.zeros((16,), _f32)
            aa = jnp.zeros((16,), _f32)
            for t in range(16):
                rowt = pall[pl.ds(32 * t + 16, 16)]
                ktf = keptf[t]
                keptf = keptf * (1.0 - rowt * jnp.full((16,), ktf, _f32))
                xt1 = jnp.full((16,), vx1[pl.ds(base + t, 16)][0], _f32)
                yt1 = jnp.full((16,), vy1[pl.ds(base + t, 16)][0], _f32)
                xt2 = jnp.full((16,), vx2[pl.ds(base + t, 16)][0], _f32)
                yt2 = jnp.full((16,), vy2[pl.ds(base + t, 16)][0], _f32)
                at = (jnp.maximum(xt2 - xt1, 0.0)
                      * jnp.maximum(yt2 - yt1, 0.0))
                hit = lanes == jnp.full((16,), pos, _i32)
                mf = jnp.where(hit, ktf, 0.0)
                ax1 = ax1 + mf * (xt1 - ax1)
                ay1 = ay1 + mf * (yt1 - ay1)
                ax2 = ax2 + mf * (xt2 - ax2)
                ay2 = ay2 + mf * (yt2 - ay2)
                aa = aa + mf * (at - aa)
                pos = pos + ktf.astype(_i32)
            kept_all[pl.ds(base, 16)] = jnp.where(keptf != 0.0, 1, 0)

            tmp_ax[pl.ds(0, 16)] = ax1
            tmp_ax[pl.ds(32, 16)] = ay1
            tmp_ax[pl.ds(64, 16)] = ax2
            tmp_ax[pl.ds(96, 16)] = ay2
            tmp_ax[pl.ds(128, 16)] = aa
            j_w = (w - (l_len & 15)) & 15

            @pl.when(j_w < pos)
            def _():
                slot = (l_len + j_w - w) // 16
                s0 = 16 * slot
                sx1[pl.ds(s0, 16)] = jnp.full(
                    (16,), tmp_ax[pl.ds(j_w, 16)][0], _f32)
                sy1[pl.ds(s0, 16)] = jnp.full(
                    (16,), tmp_ax[pl.ds(32 + j_w, 16)][0], _f32)
                sx2[pl.ds(s0, 16)] = jnp.full(
                    (16,), tmp_ax[pl.ds(64 + j_w, 16)][0], _f32)
                sy2[pl.ds(s0, 16)] = jnp.full(
                    (16,), tmp_ax[pl.ds(96 + j_w, 16)][0], _f32)
                sa[pl.ds(s0, 16)] = jnp.full(
                    (16,), tmp_ax[pl.ds(128 + j_w, 16)][0], _f32)

            return l_len + pos

        lax.fori_loop(0, NB, block_body, jnp.int32(0))

        row0 = ROWS_PER_TEC * w
        for g in range(ROWS_PER_TEC // 16):
            idx = row0 + 16 * g
            keepf = jnp.where(kept_all[pl.ds(idx, 16)] != 0, 1.0, 0.0)
            vo0[pl.ds(16 * g, 16)] = vx1[pl.ds(idx, 16)] * keepf
            vo1[pl.ds(16 * g, 16)] = vy1[pl.ds(idx, 16)] * keepf
            vo2[pl.ds(16 * g, 16)] = vx2[pl.ds(idx, 16)] * keepf
            vo3[pl.ds(16 * g, 16)] = vy2[pl.ds(idx, 16)] * keepf
            vo4[pl.ds(16 * g, 16)] = vp[pl.ds(idx, 16)] * keepf
        pltpu.sync_copy(vo0, o_x1.at[pl.ds(row0, ROWS_PER_TEC)])
        pltpu.sync_copy(vo1, o_y1.at[pl.ds(row0, ROWS_PER_TEC)])
        pltpu.sync_copy(vo2, o_x2.at[pl.ds(row0, ROWS_PER_TEC)])
        pltpu.sync_copy(vo3, o_y2.at[pl.ds(row0, ROWS_PER_TEC)])
        pltpu.sync_copy(vo4, o_p.at[pl.ds(row0, ROWS_PER_TEC)])


@jax.jit
def kernel(boxes, scores):
    probs = jax.nn.sigmoid(scores)
    order = jnp.argsort(-probs)
    b = jnp.take(boxes, order, axis=0)
    p = jnp.take(probs, order, axis=0)

    pad = N_PAD - N
    x1 = jnp.pad(b[:, 0], (0, pad))
    y1 = jnp.pad(b[:, 1], (0, pad))
    x2 = jnp.pad(b[:, 2], (0, pad))
    y2 = jnp.pad(b[:, 3], (0, pad))
    pp = jnp.pad(p, (0, pad))

    mesh = plsc.VectorSubcoreMesh(core_axis_name="c", subcore_axis_name="s")
    f = pl.kernel(
        _nms_body,
        out_type=[jax.ShapeDtypeStruct((N_PAD,), _f32)] * 5,
        mesh=mesh,
        scratch_types=[
            pltpu.VMEM((N_PAD + 16,), _f32),
            pltpu.VMEM((N_PAD + 16,), _f32),
            pltpu.VMEM((N_PAD + 16,), _f32),
            pltpu.VMEM((N_PAD + 16,), _f32),
            pltpu.VMEM((N_PAD,), _f32),
            pltpu.VMEM((SLOTS * 16,), _f32),
            pltpu.VMEM((SLOTS * 16,), _f32),
            pltpu.VMEM((SLOTS * 16,), _f32),
            pltpu.VMEM((SLOTS * 16,), _f32),
            pltpu.VMEM((SLOTS * 16,), _f32),
            pltpu.VMEM((N_PAD,), _i32),
            pltpu.VMEM((96,), _f32),
            pltpu.VMEM((NUM_TECS * 32,), _f32),
            pltpu.VMEM((160,), _f32),
            pltpu.VMEM((ROWS_PER_TEC,), _f32),
            pltpu.VMEM((ROWS_PER_TEC,), _f32),
            pltpu.VMEM((ROWS_PER_TEC,), _f32),
            pltpu.VMEM((ROWS_PER_TEC,), _f32),
            pltpu.VMEM((ROWS_PER_TEC,), _f32),
            pltpu.VMEM_SHARED((NUM_TECS * 32,), _f32),
        ],
    )
    o_x1, o_y1, o_x2, o_y2, o_p = f(x1, y1, x2, y2, pp)
    out = jnp.stack([o_x1, o_y1, o_x2, o_y2, o_p], axis=1)
    return out[:N]

# --- scband reference (transcript-rebuilt; emitter-appended) ---
"""Pipeline reference for scband-voxel-transformer-26731876450583 (READ-ONLY COPY).

The authoritative reference and input builder live on the scoring server;
editing this copy changes nothing except your own understanding.
"""

import jax, jax.numpy as jnp
import numpy as np

N = 5000
SCORE_THRESHOLD = 0.05
NMS_THRESHOLD = 0.5


def setup_inputs(seed: int = 0) -> dict:
    key = jax.random.key(seed)
    k1, k2 = jax.random.split(key)
    raw = jax.random.uniform(k1, (N, 4), dtype=jnp.float32)
    x1 = raw[:, 0] * 512.0
    y1 = raw[:, 1] * 512.0
    x2 = x1 + raw[:, 2] * 64.0 + 1.0
    y2 = y1 + raw[:, 3] * 64.0 + 1.0
    boxes = jnp.stack([x1, y1, x2, y2], axis=1)
    scores = jax.random.normal(k2, (N,), dtype=jnp.float32)
    return {"boxes": boxes, "scores": scores}


def _pairwise_iou(boxes):
    x1, y1, x2, y2 = boxes[:, 0], boxes[:, 1], boxes[:, 2], boxes[:, 3]
    area = jnp.clip(x2 - x1, 0.0) * jnp.clip(y2 - y1, 0.0)
    xx1 = jnp.maximum(x1[:, None], x1[None, :])
    yy1 = jnp.maximum(y1[:, None], y1[None, :])
    xx2 = jnp.minimum(x2[:, None], x2[None, :])
    yy2 = jnp.minimum(y2[:, None], y2[None, :])
    inter = jnp.clip(xx2 - xx1, 0.0) * jnp.clip(yy2 - yy1, 0.0)
    union = area[:, None] + area[None, :] - inter
    return inter / jnp.maximum(union, 1e-9)


def reference(boxes, scores):
    # Faithful jax translation of RegionProposalNetwork.filter_proposals:
    # sigmoid(objectness) -> score threshold -> greedy NMS at iou threshold.
    probs = jax.nn.sigmoid(scores)
    order = jnp.argsort(-probs)
    b = jnp.take(boxes, order, axis=0)
    p = jnp.take(probs, order, axis=0)
    valid = p >= SCORE_THRESHOLD
    iou = jax.lax.stop_gradient(_pairwise_iou(b))
    n = b.shape[0]
    idx = jnp.arange(n)

    def body(i, keep):
        suppress = (iou[i] > NMS_THRESHOLD) & (idx > i) & keep[i]
        return keep & (~suppress)

    keep = jax.lax.fori_loop(0, n, body, valid)
    keepf = keep.astype(b.dtype)
    out = jnp.concatenate([b * keepf[:, None], (p * keepf)[:, None]], axis=1)
    return out

if __name__ == "__main__":
    import jax
    _d = setup_inputs()
    print(jax.jit(kernel)(*tuple(_d.values())))

</pallas_src>

<mosaic_0001>
#map = affine_map<(d0, d1) -> (0)>
module attributes {stable_mosaic.version = 14 : i64} {
  func.func @_nms_body(%arg0: i32, %arg1: i32, %arg2: memref<5120xf32, #tpu.memory_space<hbm>>, %arg3: memref<5120xf32, #tpu.memory_space<hbm>>, %arg4: memref<5120xf32, #tpu.memory_space<hbm>>, %arg5: memref<5120xf32, #tpu.memory_space<hbm>>, %arg6: memref<5120xf32, #tpu.memory_space<hbm>>, %arg7: memref<5120xf32, #tpu.memory_space<hbm>>, %arg8: memref<5120xf32, #tpu.memory_space<hbm>>, %arg9: memref<5120xf32, #tpu.memory_space<hbm>>, %arg10: memref<5120xf32, #tpu.memory_space<hbm>>, %arg11: memref<5120xf32, #tpu.memory_space<hbm>>, %arg12: memref<5136xf32, #tpu.memory_space<vmem>>, %arg13: memref<5136xf32, #tpu.memory_space<vmem>>, %arg14: memref<5136xf32, #tpu.memory_space<vmem>>, %arg15: memref<5136xf32, #tpu.memory_space<vmem>>, %arg16: memref<5120xf32, #tpu.memory_space<vmem>>, %arg17: memref<5248xf32, #tpu.memory_space<vmem>>, %arg18: memref<5248xf32, #tpu.memory_space<vmem>>, %arg19: memref<5248xf32, #tpu.memory_space<vmem>>, %arg20: memref<5248xf32, #tpu.memory_space<vmem>>, %arg21: memref<5248xf32, #tpu.memory_space<vmem>>, %arg22: memref<5120xi32, #tpu.memory_space<vmem>>, %arg23: memref<96xf32, #tpu.memory_space<vmem>>, %arg24: memref<512xf32, #tpu.memory_space<vmem>>, %arg25: memref<160xf32, #tpu.memory_space<vmem>>, %arg26: memref<320xf32, #tpu.memory_space<vmem>>, %arg27: memref<320xf32, #tpu.memory_space<vmem>>, %arg28: memref<320xf32, #tpu.memory_space<vmem>>, %arg29: memref<320xf32, #tpu.memory_space<vmem>>, %arg30: memref<320xf32, #tpu.memory_space<vmem>>, %arg31: memref<512xf32, #tpu.memory_space<vmem_shared>>) attributes {dimension_semantics = [#tpu.dimension_semantics<core_parallel>, #tpu.dimension_semantics<subcore_parallel>], iteration_bounds = array<i64: 2, 16>, scalar_prefetch = 0 : i64, scratch_operands = 20 : i64, tpu.core_type = #tpu.core_type<sc_vector_subcore>, window_params = [{transform_indices = #map}, {transform_indices = #map}, {transform_indices = #map}, {transform_indices = #map}, {transform_indices = #map}, {transform_indices = #map}, {transform_indices = #map}, {transform_indices = #map}, {transform_indices = #map}, {transform_indices = #map}]} {
    %eq3A = arith.constant 0 : i32
    %eq3A_0 = arith.cmpi eq, %arg0, %eq3A : i32
    %convert_element_type3A = arith.extui %eq3A_0 : i1 to i32
    %cond3A = arith.constant 0 : i32
    %cond3A_1 = arith.cmpi ne, %convert_element_type3A, %cond3A : i32
    scf.if %cond3A_1 {
      "tpu.region"() ({
        %run_scoped3A = tpu.sem_alloc : memref<!tpu.dma_semaphore, #tpu.memory_space<semaphore_mem>>
        %dma_start3A = arith.constant 0 : i32
        %dma_start3A_1069 = tpu.memref_slice %arg12[%dma_start3A] : memref<5136xf32, #tpu.memory_space<vmem>> -> memref<5120xf32, #tpu.memory_space<vmem>>
        %dma_start3A_1070 = arith.constant 0 : i32
        %dma_start3A_1071 = tpu.memref_slice %arg12[%dma_start3A_1070] : memref<5136xf32, #tpu.memory_space<vmem>> -> memref<5120xf32, #tpu.memory_space<vmem>>
        tpu.enqueue_dma source(%arg2 : memref<5120xf32, #tpu.memory_space<hbm>>) target(%dma_start3A_1071 : memref<5120xf32, #tpu.memory_space<vmem>>) target_semaphore(%run_scoped3A : memref<!tpu.dma_semaphore, #tpu.memory_space<semaphore_mem>>)
        %dma_wait3A = arith.constant 0 : i32
        %dma_wait3A_1072 = tpu.memref_slice %arg12[%dma_wait3A] : memref<5136xf32, #tpu.memory_space<vmem>> -> memref<5120xf32, #tpu.memory_space<vmem>>
        %dma_wait3A_1073 = arith.constant 0 : i32
        %dma_wait3A_1074 = tpu.memref_slice %arg12[%dma_wait3A_1073] : memref<5136xf32, #tpu.memory_space<vmem>> -> memref<5120xf32, #tpu.memory_space<vmem>>
        tpu.wait_dma2 semaphore(%run_scoped3A : memref<!tpu.dma_semaphore, #tpu.memory_space<semaphore_mem>>) src(%arg2 : memref<5120xf32, #tpu.memory_space<hbm>>) dst(%dma_wait3A_1074 : memref<5120xf32, #tpu.memory_space<vmem>>)
        tpu.yield
      }) : () -> ()
      "tpu.region"() ({
        %run_scoped3A = tpu.sem_alloc : memref<!tpu.dma_semaphore, #tpu.memory_space<semaphore_mem>>
        %dma_start3A = arith.constant 0 : i32
        %dma_start3A_1069 = tpu.memref_slice %arg13[%dma_start3A] : memref<5136xf32, #tpu.memory_space<vmem>> -> memref<5120xf32, #tpu.memory_space<vmem>>
        %dma_start3A_1070 = arith.constant 0 : i32
        %dma_start3A_1071 = tpu.memref_slice %arg13[%dma_start3A_1070] : memref<5136xf32, #tpu.memory_space<vmem>> -> memref<5120xf32, #tpu.memory_space<vmem>>
        tpu.enqueue_dma source(%arg3 : memref<5120xf32, #tpu.memory_space<hbm>>) target(%dma_start3A_1071 : memref<5120xf32, #tpu.memory_space<vmem>>) target_semaphore(%run_scoped3A : memref<!tpu.dma_semaphore, #tpu.memory_space<semaphore_mem>>)
        %dma_wait3A = arith.constant 0 : i32
        %dma_wait3A_1072 = tpu.memref_slice %arg13[%dma_wait3A] : memref<5136xf32, #tpu.memory_space<vmem>> -> memref<5120xf32, #tpu.memory_space<vmem>>
        %dma_wait3A_1073 = arith.constant 0 : i32
        %dma_wait3A_1074 = tpu.memref_slice %arg13[%dma_wait3A_1073] : memref<5136xf32, #tpu.memory_space<vmem>> -> memref<5120xf32, #tpu.memory_space<vmem>>
        tpu.wait_dma2 semaphore(%run_scoped3A : memref<!tpu.dma_semaphore, #tpu.memory_space<semaphore_mem>>) src(%arg3 : memref<5120xf32, #tpu.memory_space<hbm>>) dst(%dma_wait3A_1074 : memref<5120xf32, #tpu.memory_space<vmem>>)
        tpu.yield
      }) : () -> ()
      "tpu.region"() ({
        %run_scoped3A = tpu.sem_alloc : memref<!tpu.dma_semaphore, #tpu.memory_space<semaphore_mem>>
        %dma_start3A = arith.constant 0 : i32
        %dma_start3A_1069 = tpu.memref_slice %arg14[%dma_start3A] : memref<5136xf32, #tpu.memory_space<vmem>> -> memref<5120xf32, #tpu.memory_space<vmem>>
        %dma_start3A_1070 = arith.constant 0 : i32
        %dma_start3A_1071 = tpu.memref_slice %arg14[%dma_start3A_1070] : memref<5136xf32, #tpu.memory_space<vmem>> -> memref<5120xf32, #tpu.memory_space<vmem>>
        tpu.enqueue_dma source(%arg4 : memref<5120xf32, #tpu.memory_space<hbm>>) target(%dma_start3A_1071 : memref<5120xf32, #tpu.memory_space<vmem>>) target_semaphore(%run_scoped3A : memref<!tpu.dma_semaphore, #tpu.memory_space<semaphore_mem>>)
        %dma_wait3A = arith.constant 0 : i32
        %dma_wait3A_1072 = tpu.memref_slice %arg14[%dma_wait3A] : memref<5136xf32, #tpu.memory_space<vmem>> -> memref<5120xf32, #tpu.memory_space<vmem>>
        %dma_wait3A_1073 = arith.constant 0 : i32
        %dma_wait3A_1074 = tpu.memref_slice %arg14[%dma_wait3A_1073] : memref<5136xf32, #tpu.memory_space<vmem>> -> memref<5120xf32, #tpu.memory_space<vmem>>
        tpu.wait_dma2 semaphore(%run_scoped3A : memref<!tpu.dma_semaphore, #tpu.memory_space<semaphore_mem>>) src(%arg4 : memref<5120xf32, #tpu.memory_space<hbm>>) dst(%dma_wait3A_1074 : memref<5120xf32, #tpu.memory_space<vmem>>)
        tpu.yield
      }) : () -> ()
      "tpu.region"() ({
        %run_scoped3A = tpu.sem_alloc : memref<!tpu.dma_semaphore, #tpu.memory_space<semaphore_mem>>
        %dma_start3A = arith.constant 0 : i32
        %dma_start3A_1069 = tpu.memref_slice %arg15[%dma_start3A] : memref<5136xf32, #tpu.memory_space<vmem>> -> memref<5120xf32, #tpu.memory_space<vmem>>
        %dma_start3A_1070 = arith.constant 0 : i32
        %dma_start3A_1071 = tpu.memref_slice %arg15[%dma_start3A_1070] : memref<5136xf32, #tpu.memory_space<vmem>> -> memref<5120xf32, #tpu.memory_space<vmem>>
        tpu.enqueue_dma source(%arg5 : memref<5120xf32, #tpu.memory_space<hbm>>) target(%dma_start3A_1071 : memref<5120xf32, #tpu.memory_space<vmem>>) target_semaphore(%run_scoped3A : memref<!tpu.dma_semaphore, #tpu.memory_space<semaphore_mem>>)
        %dma_wait3A = arith.constant 0 : i32
        %dma_wait3A_1072 = tpu.memref_slice %arg15[%dma_wait3A] : memref<5136xf32, #tpu.memory_space<vmem>> -> memref<5120xf32, #tpu.memory_space<vmem>>
        %dma_wait3A_1073 = arith.constant 0 : i32
        %dma_wait3A_1074 = tpu.memref_slice %arg15[%dma_wait3A_1073] : memref<5136xf32, #tpu.memory_space<vmem>> -> memref<5120xf32, #tpu.memory_space<vmem>>
        tpu.wait_dma2 semaphore(%run_scoped3A : memref<!tpu.dma_semaphore, #tpu.memory_space<semaphore_mem>>) src(%arg5 : memref<5120xf32, #tpu.memory_space<hbm>>) dst(%dma_wait3A_1074 : memref<5120xf32, #tpu.memory_space<vmem>>)
        tpu.yield
      }) : () -> ()
      "tpu.region"() ({
        %run_scoped3A = tpu.sem_alloc : memref<!tpu.dma_semaphore, #tpu.memory_space<semaphore_mem>>
        tpu.enqueue_dma source(%arg6 : memref<5120xf32, #tpu.memory_space<hbm>>) target(%arg16 : memref<5120xf32, #tpu.memory_space<vmem>>) target_semaphore(%run_scoped3A : memref<!tpu.dma_semaphore, #tpu.memory_space<semaphore_mem>>)
        tpu.wait_dma2 semaphore(%run_scoped3A : memref<!tpu.dma_semaphore, #tpu.memory_space<semaphore_mem>>) src(%arg6 : memref<5120xf32, #tpu.memory_space<hbm>>) dst(%arg16 : memref<5120xf32, #tpu.memory_space<vmem>>)
        tpu.yield
      }) : () -> ()
      %broadcast_in_dim3A = arith.constant 0.000000e+00 : f32
      %broadcast_in_dim3A_2 = vector.broadcast %broadcast_in_dim3A : f32 to vector<16xf32>
      %scan3A = arith.constant 0 : i32
      %scan3A_3 = arith.constant 328 : i32
      %scan3A_4 = arith.addi %scan3A, %scan3A_3 : i32
      %scan3A_5 = arith.constant 1 : i32
      scf.for %scan3A_1069 = %scan3A to %scan3A_4 step %scan3A_5  : i32 {
        %mul3A_1070 = arith.constant 1 : i32
        %mul3A_1071 = arith.muli %scan3A_1069, %mul3A_1070 : i32
        %add3A_1072 = arith.constant 0 : i32
        %add3A_1073 = arith.addi %add3A_1072, %mul3A_1071 : i32
        %mul3A_1074 = arith.constant 16 : i32
        %mul3A_1075 = arith.muli %mul3A_1074, %add3A_1073 : i32
        %swap3A_1076 = arith.index_cast %mul3A_1075 : i32 to index
        %swap3A_1077 = tpu.vector_load %arg17[%swap3A_1076] {strides = array<i32>} : memref<5248xf32, #tpu.memory_space<vmem>>, vector<16xf32>,
        %swap3A_1078 = vector.shape_cast %swap3A_1077 : vector<16xf32> to vector<16xf32>
        %swap3A_1079 = vector.shape_cast %broadcast_in_dim3A_2 : vector<16xf32> to vector<16xf32>
        tpu.vector_store %arg17[%swap3A_1076], %swap3A_1079 {strides = array<i32>} : memref<5248xf32, #tpu.memory_space<vmem>>, vector<16xf32>,
        %mul3A_1080 = arith.constant 16 : i32
        %mul3A_1081 = arith.muli %mul3A_1080, %add3A_1073 : i32
        %swap3A_1082 = arith.index_cast %mul3A_1081 : i32 to index
        %swap3A_1083 = tpu.vector_load %arg18[%swap3A_1082] {strides = array<i32>} : memref<5248xf32, #tpu.memory_space<vmem>>, vector<16xf32>,
        %swap3A_1084 = vector.shape_cast %swap3A_1083 : vector<16xf32> to vector<16xf32>
        %swap3A_1085 = vector.shape_cast %broadcast_in_dim3A_2 : vector<16xf32> to vector<16xf32>
        tpu.vector_store %arg18[%swap3A_1082], %swap3A_1085 {strides = array<i32>} : memref<5248xf32, #tpu.memory_space<vmem>>, vector<16xf32>,
        %mul3A_1086 = arith.constant 16 : i32
        %mul3A_1087 = arith.muli %mul3A_1086, %add3A_1073 : i32
        %swap3A_1088 = arith.index_cast %mul3A_1087 : i32 to index
        %swap3A_1089 = tpu.vector_load %arg19[%swap3A_1088] {strides = array<i32>} : memref<5248xf32, #tpu.memory_space<vmem>>, vector<16xf32>,
        %swap3A_1090 = vector.shape_cast %swap3A_1089 : vector<16xf32> to vector<16xf32>
        %swap3A_1091 = vector.shape_cast %broadcast_in_dim3A_2 : vector<16xf32> to vector<16xf32>
        tpu.vector_store %arg19[%swap3A_1088], %swap3A_1091 {strides = array<i32>} : memref<5248xf32, #tpu.memory_space<vmem>>, vector<16xf32>,
        %mul3A_1092 = arith.constant 16 : i32
        %mul3A_1093 = arith.muli %mul3A_1092, %add3A_1073 : i32
        %swap3A_1094 = arith.index_cast %mul3A_1093 : i32 to index
        %swap3A_1095 = tpu.vector_load %arg20[%swap3A_1094] {strides = array<i32>} : memref<5248xf32, #tpu.memory_space<vmem>>, vector<16xf32>,
        %swap3A_1096 = vector.shape_cast %swap3A_1095 : vector<16xf32> to vector<16xf32>
        %swap3A_1097 = vector.shape_cast %broadcast_in_dim3A_2 : vector<16xf32> to vector<16xf32>
        tpu.vector_store %arg20[%swap3A_1094], %swap3A_1097 {strides = array<i32>} : memref<5248xf32, #tpu.memory_space<vmem>>, vector<16xf32>,
        %mul3A_1098 = arith.constant 16 : i32
        %mul3A_1099 = arith.muli %mul3A_1098, %add3A_1073 : i32
        %swap3A_1100 = arith.index_cast %mul3A_1099 : i32 to index
        %swap3A_1101 = tpu.vector_load %arg21[%swap3A_1100] {strides = array<i32>} : memref<5248xf32, #tpu.memory_space<vmem>>, vector<16xf32>,
        %swap3A_1102 = vector.shape_cast %swap3A_1101 : vector<16xf32> to vector<16xf32>
        %swap3A_1103 = vector.shape_cast %broadcast_in_dim3A_2 : vector<16xf32> to vector<16xf32>
        tpu.vector_store %arg21[%swap3A_1100], %swap3A_1103 {strides = array<i32>} : memref<5248xf32, #tpu.memory_space<vmem>>, vector<16xf32>,
      }
      %scan3A_6 = arith.constant 328 : i32
      %iota3A = tpu.iota {dimensions = array<i32: 0>} : vector<16xi32>
      %scan3A_7 = arith.constant 0 : i32
      %scan3A_8 = arith.constant 0 : i32
      %scan3A_9 = arith.constant 320 : i32
      %scan3A_10 = arith.addi %scan3A_8, %scan3A_9 : i32
      %scan3A_11 = arith.constant 1 : i32
      %scan3A_12 = scf.for %scan3A_1069 = %scan3A_8 to %scan3A_10 step %scan3A_11 iter_args(%scan3A_1070 = %scan3A_7) -> (i32)  : i32 {
        %mul3A_1071 = arith.constant 16 : i32
        %mul3A_1072 = arith.muli %mul3A_1071, %scan3A_1069 : i32
        %get3A_1073 = arith.index_cast %mul3A_1072 : i32 to index
        %get3A_1074 = tpu.vector_load %arg12[%get3A_1073] {strides = array<i32>} : memref<5136xf32, #tpu.memory_space<vmem>>, vector<16xf32>,
        %get3A_1075 = vector.shape_cast %get3A_1074 : vector<16xf32> to vector<16xf32>
        %get3A_1076 = arith.index_cast %mul3A_1072 : i32 to index
        %get3A_1077 = tpu.vector_load %arg13[%get3A_1076] {strides = array<i32>} : memref<5136xf32, #tpu.memory_space<vmem>>, vector<16xf32>,
        %get3A_1078 = vector.shape_cast %get3A_1077 : vector<16xf32> to vector<16xf32>
        %get3A_1079 = arith.index_cast %mul3A_1072 : i32 to index
        %get3A_1080 = tpu.vector_load %arg14[%get3A_1079] {strides = array<i32>} : memref<5136xf32, #tpu.memory_space<vmem>>, vector<16xf32>,
        %get3A_1081 = vector.shape_cast %get3A_1080 : vector<16xf32> to vector<16xf32>
        %get3A_1082 = arith.index_cast %mul3A_1072 : i32 to index
        %get3A_1083 = tpu.vector_load %arg15[%get3A_1082] {strides = array<i32>} : memref<5136xf32, #tpu.memory_space<vmem>>, vector<16xf32>,
        %get3A_1084 = vector.shape_cast %get3A_1083 : vector<16xf32> to vector<16xf32>
        %get3A_1085 = arith.index_cast %mul3A_1072 : i32 to index
        %get3A_1086 = tpu.vector_load %arg16[%get3A_1085] {strides = array<i32>} : memref<5120xf32, #tpu.memory_space<vmem>>, vector<16xf32>,
        %get3A_1087 = vector.shape_cast %get3A_1086 : vector<16xf32> to vector<16xf32>
        %sub3A = arith.subf %get3A_1081, %get3A_1075 : vector<16xf32>
        %max3A = arith.constant 0.000000e+00 : f32
        %max3A_1088 = vector.broadcast %max3A : f32 to vector<16xf32>
        %max3A_1089 = arith.maximumf %sub3A, %max3A_1088 : vector<16xf32>
        %sub3A_1090 = arith.subf %get3A_1084, %get3A_1078 : vector<16xf32>
        %max3A_1091 = arith.constant 0.000000e+00 : f32
        %max3A_1092 = vector.broadcast %max3A_1091 : f32 to vector<16xf32>
        %max3A_1093 = arith.maximumf %sub3A_1090, %max3A_1092 : vector<16xf32>
        %mul3A_1094 = arith.mulf %max3A_1089, %max3A_1093 : vector<16xf32>
        %add3A_1095 = arith.addi %mul3A_1072, %arg1 : i32
        %get3A_1096 = arith.index_cast %add3A_1095 : i32 to index
        %get3A_1097 = tpu.vector_load %arg12[%get3A_1096] {strides = array<i32>} : memref<5136xf32, #tpu.memory_space<vmem>>, vector<16xf32>,
        %get3A_1098 = vector.shape_cast %get3A_1097 : vector<16xf32> to vector<16xf32>
        %slice3A = vector.extract_strided_slice %get3A_1098 {offsets = [0], sizes = [1], strides = [1]} : vector<16xf32> to vector<1xf32>
        %squeeze3A = vector.extract %slice3A[0] : f32 from vector<1xf32>
        %broadcast_in_dim3A_1099 = vector.broadcast %squeeze3A : f32 to vector<16xf32>
        %add3A_1100 = arith.addi %mul3A_1072, %arg1 : i32
        %get3A_1101 = arith.index_cast %add3A_1100 : i32 to index
        %get3A_1102 = tpu.vector_load %arg13[%get3A_1101] {strides = array<i32>} : memref<5136xf32, #tpu.memory_space<vmem>>, vector<16xf32>,
        %get3A_1103 = vector.shape_cast %get3A_1102 : vector<16xf32> to vector<16xf32>
        %slice3A_1104 = vector.extract_strided_slice %get3A_1103 {offsets = [0], sizes = [1], strides = [1]} : vector<16xf32> to vector<1xf32>
        %squeeze3A_1105 = vector.extract %slice3A_1104[0] : f32 from vector<1xf32>
        %broadcast_in_dim3A_1106 = vector.broadcast %squeeze3A_1105 : f32 to vector<16xf32>
        %add3A_1107 = arith.addi %mul3A_1072, %arg1 : i32
        %get3A_1108 = arith.index_cast %add3A_1107 : i32 to index
        %get3A_1109 = tpu.vector_load %arg14[%get3A_1108] {strides = array<i32>} : memref<5136xf32, #tpu.memory_space<vmem>>, vector<16xf32>,
        %get3A_1110 = vector.shape_cast %get3A_1109 : vector<16xf32> to vector<16xf32>
        %slice3A_1111 = vector.extract_strided_slice %get3A_1110 {offsets = [0], sizes = [1], strides = [1]} : vector<16xf32> to vector<1xf32>
        %squeeze3A_1112 = vector.extract %slice3A_1111[0] : f32 from vector<1xf32>
        %broadcast_in_dim3A_1113 = vector.broadcast %squeeze3A_1112 : f32 to vector<16xf32>
        %add3A_1114 = arith.addi %mul3A_1072, %arg1 : i32
        %get3A_1115 = arith.index_cast %add3A_1114 : i32 to index
        %get3A_1116 = tpu.vector_load %arg15[%get3A_1115] {strides = array<i32>} : memref<5136xf32, #tpu.memory_space<vmem>>, vector<16xf32>,
        %get3A_1117 = vector.shape_cast %get3A_1116 : vector<16xf32> to vector<16xf32>
        %slice3A_1118 = vector.extract_strided_slice %get3A_1117 {offsets = [0], sizes = [1], strides = [1]} : vector<16xf32> to vector<1xf32>
        %squeeze3A_1119 = vector.extract %slice3A_1118[0] : f32 from vector<1xf32>
        %broadcast_in_dim3A_1120 = vector.broadcast %squeeze3A_1119 : f32 to vector<16xf32>
        %sub3A_1121 = arith.subf %broadcast_in_dim3A_1113, %broadcast_in_dim3A_1099 : vector<16xf32>
        %max3A_1122 = arith.constant 0.000000e+00 : f32
        %max3A_1123 = vector.broadcast %max3A_1122 : f32 to vector<16xf32>
        %max3A_1124 = arith.maximumf %sub3A_1121, %max3A_1123 : vector<16xf32>
        %sub3A_1125 = arith.subf %broadcast_in_dim3A_1120, %broadcast_in_dim3A_1106 : vector<16xf32>
        %max3A_1126 = arith.constant 0.000000e+00 : f32
        %max3A_1127 = vector.broadcast %max3A_1126 : f32 to vector<16xf32>
        %max3A_1128 = arith.maximumf %sub3A_1125, %max3A_1127 : vector<16xf32>
        %mul3A_1129 = arith.mulf %max3A_1124, %max3A_1128 : vector<16xf32>
        %sub3A_1130 = arith.subi %scan3A_1070, %arg1 : i32
        %add3A_1131 = arith.constant 15 : i32
        %add3A_1132 = arith.addi %sub3A_1130, %add3A_1131 : i32
        %max3A_1133 = arith.constant 0 : i32
        %max3A_1134 = arith.maxsi %add3A_1132, %max3A_1133 : i32
        %jit3A_1135 = arith.constant 16 : i32
        %div3A = arith.divsi %max3A_1134, %jit3A_1135 : i32
        %sign3A = arith.constant 0 : i32
        %sign3A_1136 = arith.cmpi sgt, %max3A_1134, %sign3A : i32
        %sign3A_1137 = arith.extui %sign3A_1136 : i1 to i32
        %sign3A_1138 = arith.constant 0 : i32
        %sign3A_1139 = arith.cmpi slt, %max3A_1134, %sign3A_1138 : i32
        %sign3A_1140 = arith.extui %sign3A_1139 : i1 to i32
        %sign3A_1141 = arith.subi %sign3A_1137, %sign3A_1140 : i32
        %sign3A_1142 = arith.constant 0 : i32
        %sign3A_1143 = arith.cmpi sgt, %jit3A_1135, %sign3A_1142 : i32
        %sign3A_1144 = arith.extui %sign3A_1143 : i1 to i32
        %sign3A_1145 = arith.constant 0 : i32
        %sign3A_1146 = arith.cmpi slt, %jit3A_1135, %sign3A_1145 : i32
        %sign3A_1147 = arith.extui %sign3A_1146 : i1 to i32
        %sign3A_1148 = arith.subi %sign3A_1144, %sign3A_1147 : i32
        %ne3A_1149 = arith.cmpi ne, %sign3A_1141, %sign3A_1148 : i32
        %rem3A = arith.remsi %max3A_1134, %jit3A_1135 : i32
        %ne3A_1150 = arith.constant 0 : i32
        %ne3A_1151 = arith.cmpi ne, %rem3A, %ne3A_1150 : i32
        %and3A = arith.andi %ne3A_1149, %ne3A_1151 : i1
        %sub3A_1152 = arith.constant 1 : i32
        %sub3A_1153 = arith.subi %div3A, %sub3A_1152 : i32
        %select_n3A_1154 = arith.select %and3A, %sub3A_1153, %div3A : i32
        %add3A_1155 = arith.constant 3 : i32
        %add3A_1156 = arith.addi %select_n3A_1154, %add3A_1155 : i32
        %jit3A_1157 = arith.constant 4 : i32
        %div3A_1158 = arith.divsi %add3A_1156, %jit3A_1157 : i32
        %sign3A_1159 = arith.constant 0 : i32
        %sign3A_1160 = arith.cmpi sgt, %add3A_1156, %sign3A_1159 : i32
        %sign3A_1161 = arith.extui %sign3A_1160 : i1 to i32
        %sign3A_1162 = arith.constant 0 : i32
        %sign3A_1163 = arith.cmpi slt, %add3A_1156, %sign3A_1162 : i32
        %sign3A_1164 = arith.extui %sign3A_1163 : i1 to i32
        %sign3A_1165 = arith.subi %sign3A_1161, %sign3A_1164 : i32
        %sign3A_1166 = arith.constant 0 : i32
        %sign3A_1167 = arith.cmpi sgt, %jit3A_1157, %sign3A_1166 : i32
        %sign3A_1168 = arith.extui %sign3A_1167 : i1 to i32
        %sign3A_1169 = arith.constant 0 : i32
        %sign3A_1170 = arith.cmpi slt, %jit3A_1157, %sign3A_1169 : i32
        %sign3A_1171 = arith.extui %sign3A_1170 : i1 to i32
        %sign3A_1172 = arith.subi %sign3A_1168, %sign3A_1171 : i32
        %ne3A_1173 = arith.cmpi ne, %sign3A_1165, %sign3A_1172 : i32
        %rem3A_1174 = arith.remsi %add3A_1156, %jit3A_1157 : i32
        %ne3A_1175 = arith.constant 0 : i32
        %ne3A_1176 = arith.cmpi ne, %rem3A_1174, %ne3A_1175 : i32
        %and3A_1177 = arith.andi %ne3A_1173, %ne3A_1176 : i1
        %sub3A_1178 = arith.constant 1 : i32
        %sub3A_1179 = arith.subi %div3A_1158, %sub3A_1178 : i32
        %select_n3A_1180 = arith.select %and3A_1177, %sub3A_1179, %div3A_1158 : i32
        %broadcast_in_dim3A_1181 = arith.constant 0.000000e+00 : f32
        %broadcast_in_dim3A_1182 = vector.broadcast %broadcast_in_dim3A_1181 : f32 to vector<16xf32>
        %while3A = arith.constant 0 : i32
        %while3A_1183 = arith.subi %select_n3A_1180, %while3A : i32
        %while3A_1184 = arith.addi %while3A, %while3A_1183 : i32
        %while3A_1185 = arith.constant 1 : i32
        %while3A_1186 = arith.divsi %while3A_1183, %while3A_1185 : i32
        %while3A_1187 = arith.muli %while3A_1186, %while3A_1185 : i32
        %while3A_1188 = arith.addi %while3A, %while3A_1187 : i32
        %while3A_1189 = arith.constant 1 : i32
        %while3A_1190 = scf.for %while3A_2560 = %while3A to %while3A_1188 step %while3A_1189 iter_args(%while3A_2561 = %broadcast_in_dim3A_1182) -> (vector<16xf32>)  : i32 {
          %mul3A_2562 = arith.constant 4 : i32
          %mul3A_2563 = arith.muli %mul3A_2562, %while3A_2560 : i32
          %add3A_2564 = arith.constant 0 : i32
          %add3A_2565 = arith.addi %mul3A_2563, %add3A_2564 : i32
          %mul3A_2566 = arith.constant 16 : i32
          %mul3A_2567 = arith.muli %mul3A_2566, %add3A_2565 : i32
          %get3A_2568 = arith.index_cast %mul3A_2567 : i32 to index
          %get3A_2569 = tpu.vector_load %arg17[%get3A_2568] {strides = array<i32>} : memref<5248xf32, #tpu.memory_space<vmem>>, vector<16xf32>,
          %get3A_2570 = vector.shape_cast %get3A_2569 : vector<16xf32> to vector<16xf32>
          %get3A_2571 = arith.index_cast %mul3A_2567 : i32 to index
          %get3A_2572 = tpu.vector_load %arg18[%get3A_2571] {strides = array<i32>} : memref<5248xf32, #tpu.memory_space<vmem>>, vector<16xf32>,
          %get3A_2573 = vector.shape_cast %get3A_2572 : vector<16xf32> to vector<16xf32>
          %get3A_2574 = arith.index_cast %mul3A_2567 : i32 to index
          %get3A_2575 = tpu.vector_load %arg19[%get3A_2574] {strides = array<i32>} : memref<5248xf32, #tpu.memory_space<vmem>>, vector<16xf32>,
          %get3A_2576 = vector.shape_cast %get3A_2575 : vector<16xf32> to vector<16xf32>
          %get3A_2577 = arith.index_cast %mul3A_2567 : i32 to index
          %get3A_2578 = tpu.vector_load %arg20[%get3A_2577] {strides = array<i32>} : memref<5248xf32, #tpu.memory_space<vmem>>, vector<16xf32>,
          %get3A_2579 = vector.shape_cast %get3A_2578 : vector<16xf32> to vector<16xf32>
          %get3A_2580 = arith.index_cast %mul3A_2567 : i32 to index
          %get3A_2581 = tpu.vector_load %arg21[%get3A_2580] {strides = array<i32>} : memref<5248xf32, #tpu.memory_space<vmem>>, vector<16xf32>,
          %get3A_2582 = vector.shape_cast %get3A_2581 : vector<16xf32> to vector<16xf32>
          %max3A_2583 = arith.maximumf %get3A_1075, %get3A_2570 : vector<16xf32>
          %max3A_2584 = arith.maximumf %get3A_1078, %get3A_2573 : vector<16xf32>
          %min3A_2585 = arith.minimumf %get3A_1081, %get3A_2576 : vector<16xf32>
          %min3A_2586 = arith.minimumf %get3A_1084, %get3A_2579 : vector<16xf32>
          %sub3A_2587 = arith.subf %min3A_2585, %max3A_2583 : vector<16xf32>
          %max3A_2588 = arith.constant 0.000000e+00 : f32
          %max3A_2589 = vector.broadcast %max3A_2588 : f32 to vector<16xf32>
          %max3A_2590 = arith.maximumf %sub3A_2587, %max3A_2589 : vector<16xf32>
          %sub3A_2591 = arith.subf %min3A_2586, %max3A_2584 : vector<16xf32>
          %max3A_2592 = arith.constant 0.000000e+00 : f32
          %max3A_2593 = vector.broadcast %max3A_2592 : f32 to vector<16xf32>
          %max3A_2594 = arith.maximumf %sub3A_2591, %max3A_2593 : vector<16xf32>
          %mul3A_2595 = arith.mulf %max3A_2590, %max3A_2594 : vector<16xf32>
          %add3A_2596 = arith.addf %mul3A_1094, %get3A_2582 : vector<16xf32>
          %sub3A_2597 = arith.subf %add3A_2596, %mul3A_2595 : vector<16xf32>
          %mul3A_2598 = arith.constant 5.000000e-01 : f32
          %mul3A_2599 = vector.broadcast %mul3A_2598 : f32 to vector<16xf32>
          %mul3A_2600 = arith.mulf %mul3A_2599, %sub3A_2597 : vector<16xf32>
          %gt3A_2601 = arith.cmpf ogt, %mul3A_2595, %mul3A_2600 : vector<16xf32>
          %jit3A_2602 = arith.constant 1.000000e+00 : f32
          %jit3A_2603 = arith.constant 0.000000e+00 : f32
          %broadcast_in_dim3A_2604 = vector.broadcast %jit3A_2602 : f32 to vector<16xf32>
          %broadcast_in_dim3A_2605 = vector.broadcast %jit3A_2603 : f32 to vector<16xf32>
          %select_n3A_2606 = arith.select %gt3A_2601, %broadcast_in_dim3A_2604, %broadcast_in_dim3A_2605 : vector<16xi1>, vector<16xf32>
          %add3A_2607 = arith.addf %while3A_2561, %select_n3A_2606 : vector<16xf32>
          %mul3A_2608 = arith.constant 4 : i32
          %mul3A_2609 = arith.muli %mul3A_2608, %while3A_2560 : i32
          %add3A_2610 = arith.constant 1 : i32
          %add3A_2611 = arith.addi %mul3A_2609, %add3A_2610 : i32
          %mul3A_2612 = arith.constant 16 : i32
          %mul3A_2613 = arith.muli %mul3A_2612, %add3A_2611 : i32
          %get3A_2614 = arith.index_cast %mul3A_2613 : i32 to index
          %get3A_2615 = tpu.vector_load %arg17[%get3A_2614] {strides = array<i32>} : memref<5248xf32, #tpu.memory_space<vmem>>, vector<16xf32>,
          %get3A_2616 = vector.shape_cast %get3A_2615 : vector<16xf32> to vector<16xf32>
          %get3A_2617 = arith.index_cast %mul3A_2613 : i32 to index
          %get3A_2618 = tpu.vector_load %arg18[%get3A_2617] {strides = array<i32>} : memref<5248xf32, #tpu.memory_space<vmem>>, vector<16xf32>,
          %get3A_2619 = vector.shape_cast %get3A_2618 : vector<16xf32> to vector<16xf32>
          %get3A_2620 = arith.index_cast %mul3A_2613 : i32 to index
          %get3A_2621 = tpu.vector_load %arg19[%get3A_2620] {strides = array<i32>} : memref<5248xf32, #tpu.memory_space<vmem>>, vector<16xf32>,
          %get3A_2622 = vector.shape_cast %get3A_2621 : vector<16xf32> to vector<16xf32>
          %get3A_2623 = arith.index_cast %mul3A_2613 : i32 to index
          %get3A_2624 = tpu.vector_load %arg20[%get3A_2623] {strides = array<i32>} : memref<5248xf32, #tpu.memory_space<vmem>>, vector<16xf32>,
          %get3A_2625 = vector.shape_cast %get3A_2624 : vector<16xf32> to vector<16xf32>
          %get3A_2626 = arith.index_cast %mul3A_2613 : i32 to index
          %get3A_2627 = tpu.vector_load %arg21[%get3A_2626] {strides = array<i32>} : memref<5248xf32, #tpu.memory_space<vmem>>, vector<16xf32>,
          %get3A_2628 = vector.shape_cast %get3A_2627 : vector<16xf32> to vector<16xf32>
          %max3A_2629 = arith.maximumf %get3A_1075, %get3A_2616 : vector<16xf32>
          %max3A_2630 = arith.maximumf %get3A_1078, %get3A_2619 : vector<16xf32>
          %min3A_2631 = arith.minimumf %get3A_1081, %get3A_2622 : vector<16xf32>
          %min3A_2632 = arith.minimumf %get3A_1084, %get3A_2625 : vector<16xf32>
          %sub3A_2633 = arith.subf %min3A_2631, %max3A_2629 : vector<16xf32>
          %max3A_2634 = arith.constant 0.000000e+00 : f32
          %max3A_2635 = vector.broadcast %max3A_2634 : f32 to vector<16xf32>
          %max3A_2636 = arith.maximumf %sub3A_2633, %max3A_2635 : vector<16xf32>
          %sub3A_2637 = arith.subf %min3A_2632, %max3A_2630 : vector<16xf32>
          %max3A_2638 = arith.constant 0.000000e+00 : f32
          %max3A_2639 = vector.broadcast %max3A_2638 : f32 to vector<16xf32>
          %max3A_2640 = arith.maximumf %sub3A_2637, %max3A_2639 : vector<16xf32>
          %mul3A_2641 = arith.mulf %max3A_2636, %max3A_2640 : vector<16xf32>
          %add3A_2642 = arith.addf %mul3A_1094, %get3A_2628 : vector<16xf32>
          %sub3A_2643 = arith.subf %add3A_2642, %mul3A_2641 : vector<16xf32>
          %mul3A_2644 = arith.constant 5.000000e-01 : f32
          %mul3A_2645 = vector.broadcast %mul3A_2644 : f32 to vector<16xf32>
          %mul3A_2646 = arith.mulf %mul3A_2645, %sub3A_2643 : vector<16xf32>
          %gt3A_2647 = arith.cmpf ogt, %mul3A_2641, %mul3A_2646 : vector<16xf32>
          %jit3A_2648 = arith.constant 1.000000e+00 : f32
          %jit3A_2649 = arith.constant 0.000000e+00 : f32
          %broadcast_in_dim3A_2650 = vector.broadcast %jit3A_2648 : f32 to vector<16xf32>
          %broadcast_in_dim3A_2651 = vector.broadcast %jit3A_2649 : f32 to vector<16xf32>
          %select_n3A_2652 = arith.select %gt3A_2647, %broadcast_in_dim3A_2650, %broadcast_in_dim3A_2651 : vector<16xi1>, vector<16xf32>
          %add3A_2653 = arith.addf %add3A_2607, %select_n3A_2652 : vector<16xf32>
          %mul3A_2654 = arith.constant 4 : i32
          %mul3A_2655 = arith.muli %mul3A_2654, %while3A_2560 : i32
          %add3A_2656 = arith.constant 2 : i32
          %add3A_2657 = arith.addi %mul3A_2655, %add3A_2656 : i32
          %mul3A_2658 = arith.constant 16 : i32
          %mul3A_2659 = arith.muli %mul3A_2658, %add3A_2657 : i32
          %get3A_2660 = arith.index_cast %mul3A_2659 : i32 to index
          %get3A_2661 = tpu.vector_load %arg17[%get3A_2660] {strides = array<i32>} : memref<5248xf32, #tpu.memory_space<vmem>>, vector<16xf32>,
          %get3A_2662 = vector.shape_cast %get3A_2661 : vector<16xf32> to vector<16xf32>
          %get3A_2663 = arith.index_cast %mul3A_2659 : i32 to index
          %get3A_2664 = tpu.vector_load %arg18[%get3A_2663] {strides = array<i32>} : memref<5248xf32, #tpu.memory_space<vmem>>, vector<16xf32>,
          %get3A_2665 = vector.shape_cast %get3A_2664 : vector<16xf32> to vector<16xf32>
          %get3A_2666 = arith.index_cast %mul3A_2659 : i32 to index
          %get3A_2667 = tpu.vector_load %arg19[%get3A_2666] {strides = array<i32>} : memref<5248xf32, #tpu.memory_space<vmem>>, vector<16xf32>,
          %get3A_2668 = vector.shape_cast %get3A_2667 : vector<16xf32> to vector<16xf32>
          %get3A_2669 = arith.index_cast %mul3A_2659 : i32 to index
          %get3A_2670 = tpu.vector_load %arg20[%get3A_2669] {strides = array<i32>} : memref<5248xf32, #tpu.memory_space<vmem>>, vector<16xf32>,
          %get3A_2671 = vector.shape_cast %get3A_2670 : vector<16xf32> to vector<16xf32>
          %get3A_2672 = arith.index_cast %mul3A_2659 : i32 to index
          %get3A_2673 = tpu.vector_load %arg21[%get3A_2672] {strides = array<i32>} : memref<5248xf32, #tpu.memory_space<vmem>>, vector<16xf32>,
          %get3A_2674 = vector.shape_cast %get3A_2673 : vector<16xf32> to vector<16xf32>
          %max3A_2675 = arith.maximumf %get3A_1075, %get3A_2662 : vector<16xf32>
          %max3A_2676 = arith.maximumf %get3A_1078, %get3A_2665 : vector<16xf32>
          %min3A_2677 = arith.minimumf %get3A_1081, %get3A_2668 : vector<16xf32>
          %min3A_2678 = arith.minimumf %get3A_1084, %get3A_2671 : vector<16xf32>
          %sub3A_2679 = arith.subf %min3A_2677, %max3A_2675 : vector<16xf32>
          %max3A_2680 = arith.constant 0.000000e+00 : f32
          %max3A_2681 = vector.broadcast %max3A_2680 : f32 to vector<16xf32>
          %max3A_2682 = arith.maximumf %sub3A_2679, %max3A_2681 : vector<16xf32>
          %sub3A_2683 = arith.subf %min3A_2678, %max3A_2676 : vector<16xf32>
          %max3A_2684 = arith.constant 0.000000e+00 : f32
          %max3A_2685 = vector.broadcast %max3A_2684 : f32 to vector<16xf32>
          %max3A_2686 = arith.maximumf %sub3A_2683, %max3A_2685 : vector<16xf32>
          %mul3A_2687 = arith.mulf %max3A_2682, %max3A_2686 : vector<16xf32>
          %add3A_2688 = arith.addf %mul3A_1094, %get3A_2674 : vector<16xf32>
          %sub3A_2689 = arith.subf %add3A_2688, %mul3A_2687 : vector<16xf32>
          %mul3A_2690 = arith.constant 5.000000e-01 : f32
          %mul3A_2691 = vector.broadcast %mul3A_2690 : f32 to vector<16xf32>
          %mul3A_2692 = arith.mulf %mul3A_2691, %sub3A_2689 : vector<16xf32>
          %gt3A_2693 = arith.cmpf ogt, %mul3A_2687, %mul3A_2692 : vector<16xf32>
          %jit3A_2694 = arith.constant 1.000000e+00 : f32
          %jit3A_2695 = arith.constant 0.000000e+00 : f32
          %broadcast_in_dim3A_2696 = vector.broadcast %jit3A_2694 : f32 to vector<16xf32>
          %broadcast_in_dim3A_2697 = vector.broadcast %jit3A_2695 : f32 to vector<16xf32>
          %select_n3A_2698 = arith.select %gt3A_2693, %broadcast_in_dim3A_2696, %broadcast_in_dim3A_2697 : vector<16xi1>, vector<16xf32>
          %add3A_2699 = arith.addf %add3A_2653, %select_n3A_2698 : vector<16xf32>
          %mul3A_2700 = arith.constant 4 : i32
          %mul3A_2701 = arith.muli %mul3A_2700, %while3A_2560 : i32
          %add3A_2702 = arith.constant 3 : i32
          %add3A_2703 = arith.addi %mul3A_2701, %add3A_2702 : i32
          %mul3A_2704 = arith.constant 16 : i32
          %mul3A_2705 = arith.muli %mul3A_2704, %add3A_2703 : i32
          %get3A_2706 = arith.index_cast %mul3A_2705 : i32 to index
          %get3A_2707 = tpu.vector_load %arg17[%get3A_2706] {strides = array<i32>} : memref<5248xf32, #tpu.memory_space<vmem>>, vector<16xf32>,
          %get3A_2708 = vector.shape_cast %get3A_2707 : vector<16xf32> to vector<16xf32>
          %get3A_2709 = arith.index_cast %mul3A_2705 : i32 to index
          %get3A_2710 = tpu.vector_load %arg18[%get3A_2709] {strides = array<i32>} : memref<5248xf32, #tpu.memory_space<vmem>>, vector<16xf32>,
          %get3A_2711 = vector.shape_cast %get3A_2710 : vector<16xf32> to vector<16xf32>
          %get3A_2712 = arith.index_cast %mul3A_2705 : i32 to index
          %get3A_2713 = tpu.vector_load %arg19[%get3A_2712] {strides = array<i32>} : memref<5248xf32, #tpu.memory_space<vmem>>, vector<16xf32>,
          %get3A_2714 = vector.shape_cast %get3A_2713 : vector<16xf32> to vector<16xf32>
          %get3A_2715 = arith.index_cast %mul3A_2705 : i32 to index
          %get3A_2716 = tpu.vector_load %arg20[%get3A_2715] {strides = array<i32>} : memref<5248xf32, #tpu.memory_space<vmem>>, vector<16xf32>,
          %get3A_2717 = vector.shape_cast %get3A_2716 : vector<16xf32> to vector<16xf32>
          %get3A_2718 = arith.index_cast %mul3A_2705 : i32 to index
          %get3A_2719 = tpu.vector_load %arg21[%get3A_2718] {strides = array<i32>} : memref<5248xf32, #tpu.memory_space<vmem>>, vector<16xf32>,
          %get3A_2720 = vector.shape_cast %get3A_2719 : vector<16xf32> to vector<16xf32>
          %max3A_2721 = arith.maximumf %get3A_1075, %get3A_2708 : vector<16xf32>
          %max3A_2722 = arith.maximumf %get3A_1078, %get3A_2711 : vector<16xf32>
          %min3A_2723 = arith.minimumf %get3A_1081, %get3A_2714 : vector<16xf32>
          %min3A_2724 = arith.minimumf %get3A_1084, %get3A_2717 : vector<16xf32>
          %sub3A_2725 = arith.subf %min3A_2723, %max3A_2721 : vector<16xf32>
          %max3A_2726 = arith.constant 0.000000e+00 : f32
          %max3A_2727 = vector.broadcast %max3A_2726 : f32 to vector<16xf32>
          %max3A_2728 = arith.maximumf %sub3A_2725, %max3A_2727 : vector<16xf32>
          %sub3A_2729 = arith.subf %min3A_2724, %max3A_2722 : vector<16xf32>
          %max3A_2730 = arith.constant 0.000000e+00 : f32
          %max3A_2731 = vector.broadcast %max3A_2730 : f32 to vector<16xf32>
          %max3A_2732 = arith.maximumf %sub3A_2729, %max3A_2731 : vector<16xf32>
          %mul3A_2733 = arith.mulf %max3A_2728, %max3A_2732 : vector<16xf32>
          %add3A_2734 = arith.addf %mul3A_1094, %get3A_2720 : vector<16xf32>
          %sub3A_2735 = arith.subf %add3A_2734, %mul3A_2733 : vector<16xf32>
          %mul3A_2736 = arith.constant 5.000000e-01 : f32
          %mul3A_2737 = vector.broadcast %mul3A_2736 : f32 to vector<16xf32>
          %mul3A_2738 = arith.mulf %mul3A_2737, %sub3A_2735 : vector<16xf32>
          %gt3A_2739 = arith.cmpf ogt, %mul3A_2733, %mul3A_2738 : vector<16xf32>
          %jit3A_2740 = arith.constant 1.000000e+00 : f32
          %jit3A_2741 = arith.constant 0.000000e+00 : f32
          %broadcast_in_dim3A_2742 = vector.broadcast %jit3A_2740 : f32 to vector<16xf32>
          %broadcast_in_dim3A_2743 = vector.broadcast %jit3A_2741 : f32 to vector<16xf32>
          %select_n3A_2744 = arith.select %gt3A_2739, %broadcast_in_dim3A_2742, %broadcast_in_dim3A_2743 : vector<16xi1>, vector<16xf32>
          %add3A_2745 = arith.addf %add3A_2699, %select_n3A_2744 : vector<16xf32>
          scf.yield %add3A_2745 : vector<16xf32>
        }
        %while3A_1191 = arith.constant 1 : i32
        %while3A_1192 = scf.for %while3A_2560 = %while3A_1188 to %while3A_1184 step %while3A_1191 iter_args(%while3A_2561 = %while3A_1190) -> (vector<16xf32>)  : i32 {
          %mul3A_2562 = arith.constant 4 : i32
          %mul3A_2563 = arith.muli %mul3A_2562, %while3A_2560 : i32
          %add3A_2564 = arith.constant 0 : i32
          %add3A_2565 = arith.addi %mul3A_2563, %add3A_2564 : i32
          %mul3A_2566 = arith.constant 16 : i32
          %mul3A_2567 = arith.muli %mul3A_2566, %add3A_2565 : i32
          %get3A_2568 = arith.index_cast %mul3A_2567 : i32 to index
          %get3A_2569 = tpu.vector_load %arg17[%get3A_2568] {strides = array<i32>} : memref<5248xf32, #tpu.memory_space<vmem>>, vector<16xf32>,
          %get3A_2570 = vector.shape_cast %get3A_2569 : vector<16xf32> to vector<16xf32>
          %get3A_2571 = arith.index_cast %mul3A_2567 : i32 to index
          %get3A_2572 = tpu.vector_load %arg18[%get3A_2571] {strides = array<i32>} : memref<5248xf32, #tpu.memory_space<vmem>>, vector<16xf32>,
          %get3A_2573 = vector.shape_cast %get3A_2572 : vector<16xf32> to vector<16xf32>
          %get3A_2574 = arith.index_cast %mul3A_2567 : i32 to index
          %get3A_2575 = tpu.vector_load %arg19[%get3A_2574] {strides = array<i32>} : memref<5248xf32, #tpu.memory_space<vmem>>, vector<16xf32>,
          %get3A_2576 = vector.shape_cast %get3A_2575 : vector<16xf32> to vector<16xf32>
          %get3A_2577 = arith.index_cast %mul3A_2567 : i32 to index
          %get3A_2578 = tpu.vector_load %arg20[%get3A_2577] {strides = array<i32>} : memref<5248xf32, #tpu.memory_space<vmem>>, vector<16xf32>,
          %get3A_2579 = vector.shape_cast %get3A_2578 : vector<16xf32> to vector<16xf32>
          %get3A_2580 = arith.index_cast %mul3A_2567 : i32 to index
          %get3A_2581 = tpu.vector_load %arg21[%get3A_2580] {strides = array<i32>} : memref<5248xf32, #tpu.memory_space<vmem>>, vector<16xf32>,
          %get3A_2582 = vector.shape_cast %get3A_2581 : vector<16xf32> to vector<16xf32>
          %max3A_2583 = arith.maximumf %get3A_1075, %get3A_2570 : vector<16xf32>
          %max3A_2584 = arith.maximumf %get3A_1078, %get3A_2573 : vector<16xf32>
          %min3A_2585 = arith.minimumf %get3A_1081, %get3A_2576 : vector<16xf32>
          %min3A_2586 = arith.minimumf %get3A_1084, %get3A_2579 : vector<16xf32>
          %sub3A_2587 = arith.subf %min3A_2585, %max3A_2583 : vector<16xf32>
          %max3A_2588 = arith.constant 0.000000e+00 : f32
          %max3A_2589 = vector.broadcast %max3A_2588 : f32 to vector<16xf32>
          %max3A_2590 = arith.maximumf %sub3A_2587, %max3A_2589 : vector<16xf32>
          %sub3A_2591 = arith.subf %min3A_2586, %max3A_2584 : vector<16xf32>
          %max3A_2592 = arith.constant 0.000000e+00 : f32
          %max3A_2593 = vector.broadcast %max3A_2592 : f32 to vector<16xf32>
          %max3A_2594 = arith.maximumf %sub3A_2591, %max3A_2593 : vector<16xf32>
          %mul3A_2595 = arith.mulf %max3A_2590, %max3A_2594 : vector<16xf32>
          %add3A_2596 = arith.addf %mul3A_1094, %get3A_2582 : vector<16xf32>
          %sub3A_2597 = arith.subf %add3A_2596, %mul3A_2595 : vector<16xf32>
          %mul3A_2598 = arith.constant 5.000000e-01 : f32
          %mul3A_2599 = vector.broadcast %mul3A_2598 : f32 to vector<16xf32>
          %mul3A_2600 = arith.mulf %mul3A_2599, %sub3A_2597 : vector<16xf32>
          %gt3A_2601 = arith.cmpf ogt, %mul3A_2595, %mul3A_2600 : vector<16xf32>
          %jit3A_2602 = arith.constant 1.000000e+00 : f32
          %jit3A_2603 = arith.constant 0.000000e+00 : f32
          %broadcast_in_dim3A_2604 = vector.broadcast %jit3A_2602 : f32 to vector<16xf32>
          %broadcast_in_dim3A_2605 = vector.broadcast %jit3A_2603 : f32 to vector<16xf32>
          %select_n3A_2606 = arith.select %gt3A_2601, %broadcast_in_dim3A_2604, %broadcast_in_dim3A_2605 : vector<16xi1>, vector<16xf32>
          %add3A_2607 = arith.addf %while3A_2561, %select_n3A_2606 : vector<16xf32>
          %mul3A_2608 = arith.constant 4 : i32
          %mul3A_2609 = arith.muli %mul3A_2608, %while3A_2560 : i32
          %add3A_2610 = arith.constant 1 : i32
          %add3A_2611 = arith.addi %mul3A_2609, %add3A_2610 : i32
          %mul3A_2612 = arith.constant 16 : i32
          %mul3A_2613 = arith.muli %mul3A_2612, %add3A_2611 : i32
          %get3A_2614 = arith.index_cast %mul3A_2613 : i32 to index
          %get3A_2615 = tpu.vector_load %arg17[%get3A_2614] {strides = array<i32>} : memref<5248xf32, #tpu.memory_space<vmem>>, vector<16xf32>,
          %get3A_2616 = vector.shape_cast %get3A_2615 : vector<16xf32> to vector<16xf32>
          %get3A_2617 = arith.index_cast %mul3A_2613 : i32 to index
          %get3A_2618 = tpu.vector_load %arg18[%get3A_2617] {strides = array<i32>} : memref<5248xf32, #tpu.memory_space<vmem>>, vector<16xf32>,
          %get3A_2619 = vector.shape_cast %get3A_2618 : vector<16xf32> to vector<16xf32>
          %get3A_2620 = arith.index_cast %mul3A_2613 : i32 to index
          %get3A_2621 = tpu.vector_load %arg19[%get3A_2620] {strides = array<i32>} : memref<5248xf32, #tpu.memory_space<vmem>>, vector<16xf32>,
          %get3A_2622 = vector.shape_cast %get3A_2621 : vector<16xf32> to vector<16xf32>
          %get3A_2623 = arith.index_cast %mul3A_2613 : i32 to index
          %get3A_2624 = tpu.vector_load %arg20[%get3A_2623] {strides = array<i32>} : memref<5248xf32, #tpu.memory_space<vmem>>, vector<16xf32>,
          %get3A_2625 = vector.shape_cast %get3A_2624 : vector<16xf32> to vector<16xf32>
          %get3A_2626 = arith.index_cast %mul3A_2613 : i32 to index
          %get3A_2627 = tpu.vector_load %arg21[%get3A_2626] {strides = array<i32>} : memref<5248xf32, #tpu.memory_space<vmem>>, vector<16xf32>,
          %get3A_2628 = vector.shape_cast %get3A_2627 : vector<16xf32> to vector<16xf32>
          %max3A_2629 = arith.maximumf %get3A_1075, %get3A_2616 : vector<16xf32>
          %max3A_2630 = arith.maximumf %get3A_1078, %get3A_2619 : vector<16xf32>
          %min3A_2631 = arith.minimumf %get3A_1081, %get3A_2622 : vector<16xf32>
          %min3A_2632 = arith.minimumf %get3A_1084, %get3A_2625 : vector<16xf32>
          %sub3A_2633 = arith.subf %min3A_2631, %max3A_2629 : vector<16xf32>
          %max3A_2634 = arith.constant 0.000000e+00 : f32
          %max3A_2635 = vector.broadcast %max3A_2634 : f32 to vector<16xf32>
          %max3A_2636 = arith.maximumf %sub3A_2633, %max3A_2635 : vector<16xf32>
          %sub3A_2637 = arith.subf %min3A_2632, %max3A_2630 : vector<16xf32>
          %max3A_2638 = arith.constant 0.000000e+00 : f32
          %max3A_2639 = vector.broadcast %max3A_2638 : f32 to vector<16xf32>
          %max3A_2640 = arith.maximumf %sub3A_2637, %max3A_2639 : vector<16xf32>
          %mul3A_2641 = arith.mulf %max3A_2636, %max3A_2640 : vector<16xf32>
          %add3A_2642 = arith.addf %mul3A_1094, %get3A_2628 : vector<16xf32>
          %sub3A_2643 = arith.subf %add3A_2642, %mul3A_2641 : vector<16xf32>
          %mul3A_2644 = arith.constant 5.000000e-01 : f32
          %mul3A_2645 = vector.broadcast %mul3A_2644 : f32 to vector<16xf32>
          %mul3A_2646 = arith.mulf %mul3A_2645, %sub3A_2643 : vector<16xf32>
          %gt3A_2647 = arith.cmpf ogt, %mul3A_2641, %mul3A_2646 : vector<16xf32>
          %jit3A_2648 = arith.constant 1.000000e+00 : f32
          %jit3A_2649 = arith.constant 0.000000e+00 : f32
          %broadcast_in_dim3A_2650 = vector.broadcast %jit3A_2648 : f32 to vector<16xf32>
          %broadcast_in_dim3A_2651 = vector.broadcast %jit3A_2649 : f32 to vector<16xf32>
          %select_n3A_2652 = arith.select %gt3A_2647, %broadcast_in_dim3A_2650, %broadcast_in_dim3A_2651 : vector<16xi1>, vector<16xf32>
          %add3A_2653 = arith.addf %add3A_2607, %select_n3A_2652 : vector<16xf32>
          %mul3A_2654 = arith.constant 4 : i32
          %mul3A_2655 = arith.muli %mul3A_2654, %while3A_2560 : i32
          %add3A_2656 = arith.constant 2 : i32
          %add3A_2657 = arith.addi %mul3A_2655, %add3A_2656 : i32
          %mul3A_2658 = arith.constant 16 : i32
          %mul3A_2659 = arith.muli %mul3A_2658, %add3A_2657 : i32
          %get3A_2660 = arith.index_cast %mul3A_2659 : i32 to index
          %get3A_2661 = tpu.vector_load %arg17[%get3A_2660] {strides = array<i32>} : memref<5248xf32, #tpu.memory_space<vmem>>, vector<16xf32>,
          %get3A_2662 = vector.shape_cast %get3A_2661 : vector<16xf32> to vector<16xf32>
          %get3A_2663 = arith.index_cast %mul3A_2659 : i32 to index
          %get3A_2664 = tpu.vector_load %arg18[%get3A_2663] {strides = array<i32>} : memref<5248xf32, #tpu.memory_space<vmem>>, vector<16xf32>,
          %get3A_2665 = vector.shape_cast %get3A_2664 : vector<16xf32> to vector<16xf32>
          %get3A_2666 = arith.index_cast %mul3A_2659 : i32 to index
          %get3A_2667 = tpu.vector_load %arg19[%get3A_2666] {strides = array<i32>} : memref<5248xf32, #tpu.memory_space<vmem>>, vector<16xf32>,
          %get3A_2668 = vector.shape_cast %get3A_2667 : vector<16xf32> to vector<16xf32>
          %get3A_2669 = arith.index_cast %mul3A_2659 : i32 to index
          %get3A_2670 = tpu.vector_load %arg20[%get3A_2669] {strides = array<i32>} : memref<5248xf32, #tpu.memory_space<vmem>>, vector<16xf32>,
          %get3A_2671 = vector.shape_cast %get3A_2670 : vector<16xf32> to vector<16xf32>
          %get3A_2672 = arith.index_cast %mul3A_2659 : i32 to index
          %get3A_2673 = tpu.vector_load %arg21[%get3A_2672] {strides = array<i32>} : memref<5248xf32, #tpu.memory_space<vmem>>, vector<16xf32>,
          %get3A_2674 = vector.shape_cast %get3A_2673 : vector<16xf32> to vector<16xf32>
          %max3A_2675 = arith.maximumf %get3A_1075, %get3A_2662 : vector<16xf32>
          %max3A_2676 = arith.maximumf %get3A_1078, %get3A_2665 : vector<16xf32>
          %min3A_2677 = arith.minimumf %get3A_1081, %get3A_2668 : vector<16xf32>
          %min3A_2678 = arith.minimumf %get3A_1084, %get3A_2671 : vector<16xf32>
          %sub3A_2679 = arith.subf %min3A_2677, %max3A_2675 : vector<16xf32>
          %max3A_2680 = arith.constant 0.000000e+00 : f32
          %max3A_2681 = vector.broadcast %max3A_2680 : f32 to vector<16xf32>
          %max3A_2682 = arith.maximumf %sub3A_2679, %max3A_2681 : vector<16xf32>
          %sub3A_2683 = arith.subf %min3A_2678, %max3A_2676 : vector<16xf32>
          %max3A_2684 = arith.constant 0.000000e+00 : f32
          %max3A_2685 = vector.broadcast %max3A_2684 : f32 to vector<16xf32>
          %max3A_2686 = arith.maximumf %sub3A_2683, %max3A_2685 : vector<16xf32>
          %mul3A_2687 = arith.mulf %max3A_2682, %max3A_2686 : vector<16xf32>
          %add3A_2688 = arith.addf %mul3A_1094, %get3A_2674 : vector<16xf32>
          %sub3A_2689 = arith.subf %add3A_2688, %mul3A_2687 : vector<16xf32>
          %mul3A_2690 = arith.constant 5.000000e-01 : f32
          %mul3A_2691 = vector.broadcast %mul3A_2690 : f32 to vector<16xf32>
          %mul3A_2692 = arith.mulf %mul3A_2691, %sub3A_2689 : vector<16xf32>
          %gt3A_2693 = arith.cmpf ogt, %mul3A_2687, %mul3A_2692 : vector<16xf32>
          %jit3A_2694 = arith.constant 1.000000e+00 : f32
          %jit3A_2695 = arith.constant 0.000000e+00 : f32
          %broadcast_in_dim3A_2696 = vector.broadcast %jit3A_2694 : f32 to vector<16xf32>
          %broadcast_in_dim3A_2697 = vector.broadcast %jit3A_2695 : f32 to vector<16xf32>
          %select_n3A_2698 = arith.select %gt3A_2693, %broadcast_in_dim3A_2696, %broadcast_in_dim3A_2697 : vector<16xi1>, vector<16xf32>
          %add3A_2699 = arith.addf %add3A_2653, %select_n3A_2698 : vector<16xf32>
          %mul3A_2700 = arith.constant 4 : i32
          %mul3A_2701 = arith.muli %mul3A_2700, %while3A_2560 : i32
          %add3A_2702 = arith.constant 3 : i32
          %add3A_2703 = arith.addi %mul3A_2701, %add3A_2702 : i32
          %mul3A_2704 = arith.constant 16 : i32
          %mul3A_2705 = arith.muli %mul3A_2704, %add3A_2703 : i32
          %get3A_2706 = arith.index_cast %mul3A_2705 : i32 to index
          %get3A_2707 = tpu.vector_load %arg17[%get3A_2706] {strides = array<i32>} : memref<5248xf32, #tpu.memory_space<vmem>>, vector<16xf32>,
          %get3A_2708 = vector.shape_cast %get3A_2707 : vector<16xf32> to vector<16xf32>
          %get3A_2709 = arith.index_cast %mul3A_2705 : i32 to index
          %get3A_2710 = tpu.vector_load %arg18[%get3A_2709] {strides = array<i32>} : memref<5248xf32, #tpu.memory_space<vmem>>, vector<16xf32>,
          %get3A_2711 = vector.shape_cast %get3A_2710 : vector<16xf32> to vector<16xf32>
          %get3A_2712 = arith.index_cast %mul3A_2705 : i32 to index
          %get3A_2713 = tpu.vector_load %arg19[%get3A_2712] {strides = array<i32>} : memref<5248xf32, #tpu.memory_space<vmem>>, vector<16xf32>,
          %get3A_2714 = vector.shape_cast %get3A_2713 : vector<16xf32> to vector<16xf32>
          %get3A_2715 = arith.index_cast %mul3A_2705 : i32 to index
          %get3A_2716 = tpu.vector_load %arg20[%get3A_2715] {strides = array<i32>} : memref<5248xf32, #tpu.memory_space<vmem>>, vector<16xf32>,
          %get3A_2717 = vector.shape_cast %get3A_2716 : vector<16xf32> to vector<16xf32>
          %get3A_2718 = arith.index_cast %mul3A_2705 : i32 to index
          %get3A_2719 = tpu.vector_load %arg21[%get3A_2718] {strides = array<i32>} : memref<5248xf32, #tpu.memory_space<vmem>>, vector<16xf32>,
          %get3A_2720 = vector.shape_cast %get3A_2719 : vector<16xf32> to vector<16xf32>
          %max3A_2721 = arith.maximumf %get3A_1075, %get3A_2708 : vector<16xf32>
          %max3A_2722 = arith.maximumf %get3A_1078, %get3A_2711 : vector<16xf32>
          %min3A_2723 = arith.minimumf %get3A_1081, %get3A_2714 : vector<16xf32>
          %min3A_2724 = arith.minimumf %get3A_1084, %get3A_2717 : vector<16xf32>
          %sub3A_2725 = arith.subf %min3A_2723, %max3A_2721 : vector<16xf32>
          %max3A_2726 = arith.constant 0.000000e+00 : f32
          %max3A_2727 = vector.broadcast %max3A_2726 : f32 to vector<16xf32>
          %max3A_2728 = arith.maximumf %sub3A_2725, %max3A_2727 : vector<16xf32>
          %sub3A_2729 = arith.subf %min3A_2724, %max3A_2722 : vector<16xf32>
          %max3A_2730 = arith.constant 0.000000e+00 : f32
          %max3A_2731 = vector.broadcast %max3A_2730 : f32 to vector<16xf32>
          %max3A_2732 = arith.maximumf %sub3A_2729, %max3A_2731 : vector<16xf32>
          %mul3A_2733 = arith.mulf %max3A_2728, %max3A_2732 : vector<16xf32>
          %add3A_2734 = arith.addf %mul3A_1094, %get3A_2720 : vector<16xf32>
          %sub3A_2735 = arith.subf %add3A_2734, %mul3A_2733 : vector<16xf32>
          %mul3A_2736 = arith.constant 5.000000e-01 : f32
          %mul3A_2737 = vector.broadcast %mul3A_2736 : f32 to vector<16xf32>
          %mul3A_2738 = arith.mulf %mul3A_2737, %sub3A_2735 : vector<16xf32>
          %gt3A_2739 = arith.cmpf ogt, %mul3A_2733, %mul3A_2738 : vector<16xf32>
          %jit3A_2740 = arith.constant 1.000000e+00 : f32
          %jit3A_2741 = arith.constant 0.000000e+00 : f32
          %broadcast_in_dim3A_2742 = vector.broadcast %jit3A_2740 : f32 to vector<16xf32>
          %broadcast_in_dim3A_2743 = vector.broadcast %jit3A_2741 : f32 to vector<16xf32>
          %select_n3A_2744 = arith.select %gt3A_2739, %broadcast_in_dim3A_2742, %broadcast_in_dim3A_2743 : vector<16xi1>, vector<16xf32>
          %add3A_2745 = arith.addf %add3A_2699, %select_n3A_2744 : vector<16xf32>
          scf.yield %add3A_2745 : vector<16xf32>
        }
        %max3A_1193 = arith.maximumf %get3A_1075, %broadcast_in_dim3A_1099 : vector<16xf32>
        %max3A_1194 = arith.maximumf %get3A_1078, %broadcast_in_dim3A_1106 : vector<16xf32>
        %min3A = arith.minimumf %get3A_1081, %broadcast_in_dim3A_1113 : vector<16xf32>
        %min3A_1195 = arith.minimumf %get3A_1084, %broadcast_in_dim3A_1120 : vector<16xf32>
        %sub3A_1196 = arith.subf %min3A, %max3A_1193 : vector<16xf32>
        %max3A_1197 = arith.constant 0.000000e+00 : f32
        %max3A_1198 = vector.broadcast %max3A_1197 : f32 to vector<16xf32>
        %max3A_1199 = arith.maximumf %sub3A_1196, %max3A_1198 : vector<16xf32>
        %sub3A_1200 = arith.subf %min3A_1195, %max3A_1194 : vector<16xf32>
        %max3A_1201 = arith.constant 0.000000e+00 : f32
        %max3A_1202 = vector.broadcast %max3A_1201 : f32 to vector<16xf32>
        %max3A_1203 = arith.maximumf %sub3A_1200, %max3A_1202 : vector<16xf32>
        %mul3A_1204 = arith.mulf %max3A_1199, %max3A_1203 : vector<16xf32>
        %add3A_1205 = arith.addf %mul3A_1094, %mul3A_1129 : vector<16xf32>
        %sub3A_1206 = arith.subf %add3A_1205, %mul3A_1204 : vector<16xf32>
        %broadcast_in_dim3A_1207 = vector.broadcast %arg1 : i32 to vector<16xi32>
        %mul3A_1208 = arith.constant 5.000000e-01 : f32
        %mul3A_1209 = vector.broadcast %mul3A_1208 : f32 to vector<16xf32>
        %mul3A_1210 = arith.mulf %mul3A_1209, %sub3A_1206 : vector<16xf32>
        %gt3A = arith.cmpf ogt, %mul3A_1204, %mul3A_1210 : vector<16xf32>
        %jit3A_1211 = arith.constant 1.000000e+00 : f32
        %jit3A_1212 = arith.constant 0.000000e+00 : f32
        %broadcast_in_dim3A_1213 = vector.broadcast %jit3A_1211 : f32 to vector<16xf32>
        %broadcast_in_dim3A_1214 = vector.broadcast %jit3A_1212 : f32 to vector<16xf32>
        %select_n3A_1215 = arith.select %gt3A, %broadcast_in_dim3A_1213, %broadcast_in_dim3A_1214 : vector<16xi1>, vector<16xf32>
        %gt3A_1216 = arith.cmpi sgt, %iota3A, %broadcast_in_dim3A_1207 : vector<16xi32>
        %jit3A_1217 = arith.constant 1.000000e+00 : f32
        %jit3A_1218 = arith.constant 0.000000e+00 : f32
        %broadcast_in_dim3A_1219 = vector.broadcast %jit3A_1217 : f32 to vector<16xf32>
        %broadcast_in_dim3A_1220 = vector.broadcast %jit3A_1218 : f32 to vector<16xf32>
        %select_n3A_1221 = arith.select %gt3A_1216, %broadcast_in_dim3A_1219, %broadcast_in_dim3A_1220 : vector<16xi1>, vector<16xf32>
        %mul3A_1222 = arith.mulf %select_n3A_1215, %select_n3A_1221 : vector<16xf32>
        %swap3A_1223 = arith.constant 0 : index
        %swap3A_1224 = tpu.vector_load %arg23[%swap3A_1223] {strides = array<i32>} : memref<96xf32, #tpu.memory_space<vmem>>, vector<16xf32>,
        %swap3A_1225 = vector.shape_cast %swap3A_1224 : vector<16xf32> to vector<16xf32>
        %swap3A_1226 = vector.shape_cast %while3A_1192 : vector<16xf32> to vector<16xf32>
        tpu.vector_store %arg23[%swap3A_1223], %swap3A_1226 {strides = array<i32>} : memref<96xf32, #tpu.memory_space<vmem>>, vector<16xf32>,
        %swap3A_1227 = arith.constant 16 : index
        %swap3A_1228 = tpu.vector_load %arg23[%swap3A_1227] {strides = array<i32>} : memref<96xf32, #tpu.memory_space<vmem>>, vector<16xf32>,
        %swap3A_1229 = vector.shape_cast %swap3A_1228 : vector<16xf32> to vector<16xf32>
        %swap3A_1230 = vector.shape_cast %mul3A_1222 : vector<16xf32> to vector<16xf32>
        tpu.vector_store %arg23[%swap3A_1227], %swap3A_1230 {strides = array<i32>} : memref<96xf32, #tpu.memory_space<vmem>>, vector<16xf32>,
        %mul3A_1231 = arith.constant 32 : i32
        %mul3A_1232 = arith.muli %mul3A_1231, %arg1 : i32
        "tpu.region"() ({
          %run_scoped3A = tpu.sem_alloc : memref<!tpu.dma_semaphore, #tpu.memory_space<semaphore_mem>>
          %dma_start3A = arith.constant 0 : i32
          %dma_start3A_2560 = tpu.memref_slice %arg23[%dma_start3A] : memref<96xf32, #tpu.memory_space<vmem>> -> memref<32xf32, #tpu.memory_space<vmem>>
          %dma_start3A_2561 = tpu.memref_slice %arg31[%mul3A_1232] : memref<512xf32, #tpu.memory_space<vmem_shared>> -> memref<32xf32, #tpu.memory_space<vmem_shared>>
          %dma_start3A_2562 = tpu.memref_slice %arg31[%mul3A_1232] : memref<512xf32, #tpu.memory_space<vmem_shared>> -> memref<32xf32, #tpu.memory_space<vmem_shared>>
          %dma_start3A_2563 = arith.constant 0 : i32
          %dma_start3A_2564 = tpu.memref_slice %arg23[%dma_start3A_2563] : memref<96xf32, #tpu.memory_space<vmem>> -> memref<32xf32, #tpu.memory_space<vmem>>
          tpu.enqueue_dma source(%dma_start3A_2564 : memref<32xf32, #tpu.memory_space<vmem>>) target(%dma_start3A_2562 : memref<32xf32, #tpu.memory_space<vmem_shared>>) target_semaphore(%run_scoped3A : memref<!tpu.dma_semaphore, #tpu.memory_space<semaphore_mem>>)
          %dma_wait3A = arith.constant 0 : i32
          %dma_wait3A_2565 = tpu.memref_slice %arg23[%dma_wait3A] : memref<96xf32, #tpu.memory_space<vmem>> -> memref<32xf32, #tpu.memory_space<vmem>>
          %dma_wait3A_2566 = tpu.memref_slice %arg31[%mul3A_1232] : memref<512xf32, #tpu.memory_space<vmem_shared>> -> memref<32xf32, #tpu.memory_space<vmem_shared>>
          %dma_wait3A_2567 = tpu.memref_slice %arg31[%mul3A_1232] : memref<512xf32, #tpu.memory_space<vmem_shared>> -> memref<32xf32, #tpu.memory_space<vmem_shared>>
          %dma_wait3A_2568 = arith.constant 0 : i32
          %dma_wait3A_2569 = tpu.memref_slice %arg23[%dma_wait3A_2568] : memref<96xf32, #tpu.memory_space<vmem>> -> memref<32xf32, #tpu.memory_space<vmem>>
          tpu.wait_dma2 semaphore(%run_scoped3A : memref<!tpu.dma_semaphore, #tpu.memory_space<semaphore_mem>>) src(%dma_wait3A_2569 : memref<32xf32, #tpu.memory_space<vmem>>) dst(%dma_wait3A_2567 : memref<32xf32, #tpu.memory_space<vmem_shared>>)
          tpu.yield
        }) : () -> ()
        %barrier3A = arith.constant 0 : index
        tpu.barrier barrier_id(%barrier3A)
        "tpu.region"() ({
          %run_scoped3A = tpu.sem_alloc : memref<!tpu.dma_semaphore, #tpu.memory_space<semaphore_mem>>
          tpu.enqueue_dma source(%arg31 : memref<512xf32, #tpu.memory_space<vmem_shared>>) target(%arg24 : memref<512xf32, #tpu.memory_space<vmem>>) target_semaphore(%run_scoped3A : memref<!tpu.dma_semaphore, #tpu.memory_space<semaphore_mem>>)
          tpu.wait_dma2 semaphore(%run_scoped3A : memref<!tpu.dma_semaphore, #tpu.memory_space<semaphore_mem>>) src(%arg31 : memref<512xf32, #tpu.memory_space<vmem_shared>>) dst(%arg24 : memref<512xf32, #tpu.memory_space<vmem>>)
          tpu.yield
        }) : () -> ()
        %get3A_1233 = arith.constant 0 : index
        %get3A_1234 = tpu.vector_load %arg24[%get3A_1233] {strides = array<i32>} : memref<512xf32, #tpu.memory_space<vmem>>, vector<16xf32>,
        %get3A_1235 = vector.shape_cast %get3A_1234 : vector<16xf32> to vector<16xf32>
        %get3A_1236 = arith.constant 32 : index
        %get3A_1237 = tpu.vector_load %arg24[%get3A_1236] {strides = array<i32>} : memref<512xf32, #tpu.memory_space<vmem>>, vector<16xf32>,
        %get3A_1238 = vector.shape_cast %get3A_1237 : vector<16xf32> to vector<16xf32>
        %add3A_1239 = arith.addf %get3A_1235, %get3A_1238 : vector<16xf32>
        %get3A_1240 = arith.constant 64 : index
        %get3A_1241 = tpu.vector_load %arg24[%get3A_1240] {strides = array<i32>} : memref<512xf32, #tpu.memory_space<vmem>>, vector<16xf32>,
        %get3A_1242 = vector.shape_cast %get3A_1241 : vector<16xf32> to vector<16xf32>
        %add3A_1243 = arith.addf %add3A_1239, %get3A_1242 : vector<16xf32>
        %get3A_1244 = arith.constant 96 : index
        %get3A_1245 = tpu.vector_load %arg24[%get3A_1244] {strides = array<i32>} : memref<512xf32, #tpu.memory_space<vmem>>, vector<16xf32>,
        %get3A_1246 = vector.shape_cast %get3A_1245 : vector<16xf32> to vector<16xf32>
        %add3A_1247 = arith.addf %add3A_1243, %get3A_1246 : vector<16xf32>
        %get3A_1248 = arith.constant 128 : index
        %get3A_1249 = tpu.vector_load %arg24[%get3A_1248] {strides = array<i32>} : memref<512xf32, #tpu.memory_space<vmem>>, vector<16xf32>,
        %get3A_1250 = vector.shape_cast %get3A_1249 : vector<16xf32> to vector<16xf32>
        %add3A_1251 = arith.addf %add3A_1247, %get3A_1250 : vector<16xf32>
        %get3A_1252 = arith.constant 160 : index
        %get3A_1253 = tpu.vector_load %arg24[%get3A_1252] {strides = array<i32>} : memref<512xf32, #tpu.memory_space<vmem>>, vector<16xf32>,
        %get3A_1254 = vector.shape_cast %get3A_1253 : vector<16xf32> to vector<16xf32>
        %add3A_1255 = arith.addf %add3A_1251, %get3A_1254 : vector<16xf32>
        %get3A_1256 = arith.constant 192 : index
        %get3A_1257 = tpu.vector_load %arg24[%get3A_1256] {strides = array<i32>} : memref<512xf32, #tpu.memory_space<vmem>>, vector<16xf32>,
        %get3A_1258 = vector.shape_cast %get3A_1257 : vector<16xf32> to vector<16xf32>
        %add3A_1259 = arith.addf %add3A_1255, %get3A_1258 : vector<16xf32>
        %get3A_1260 = arith.constant 224 : index
        %get3A_1261 = tpu.vector_load %arg24[%get3A_1260] {strides = array<i32>} : memref<512xf32, #tpu.memory_space<vmem>>, vector<16xf32>,
        %get3A_1262 = vector.shape_cast %get3A_1261 : vector<16xf32> to vector<16xf32>
        %add3A_1263 = arith.addf %add3A_1259, %get3A_1262 : vector<16xf32>
        %get3A_1264 = arith.constant 256 : index
        %get3A_1265 = tpu.vector_load %arg24[%get3A_1264] {strides = array<i32>} : memref<512xf32, #tpu.memory_space<vmem>>, vector<16xf32>,
        %get3A_1266 = vector.shape_cast %get3A_1265 : vector<16xf32> to vector<16xf32>
        %add3A_1267 = arith.addf %add3A_1263, %get3A_1266 : vector<16xf32>
        %get3A_1268 = arith.constant 288 : index
        %get3A_1269 = tpu.vector_load %arg24[%get3A_1268] {strides = array<i32>} : memref<512xf32, #tpu.memory_space<vmem>>, vector<16xf32>,
        %get3A_1270 = vector.shape_cast %get3A_1269 : vector<16xf32> to vector<16xf32>
        %add3A_1271 = arith.addf %add3A_1267, %get3A_1270 : vector<16xf32>
        %get3A_1272 = arith.constant 320 : index
        %get3A_1273 = tpu.vector_load %arg24[%get3A_1272] {strides = array<i32>} : memref<512xf32, #tpu.memory_space<vmem>>, vector<16xf32>,
        %get3A_1274 = vector.shape_cast %get3A_1273 : vector<16xf32> to vector<16xf32>
        %add3A_1275 = arith.addf %add3A_1271, %get3A_1274 : vector<16xf32>
        %get3A_1276 = arith.constant 352 : index
        %get3A_1277 = tpu.vector_load %arg24[%get3A_1276] {strides = array<i32>} : memref<512xf32, #tpu.memory_space<vmem>>, vector<16xf32>,
        %get3A_1278 = vector.shape_cast %get3A_1277 : vector<16xf32> to vector<16xf32>
        %add3A_1279 = arith.addf %add3A_1275, %get3A_1278 : vector<16xf32>
        %get3A_1280 = arith.constant 384 : index
        %get3A_1281 = tpu.vector_load %arg24[%get3A_1280] {strides = array<i32>} : memref<512xf32, #tpu.memory_space<vmem>>, vector<16xf32>,
        %get3A_1282 = vector.shape_cast %get3A_1281 : vector<16xf32> to vector<16xf32>
        %add3A_1283 = arith.addf %add3A_1279, %get3A_1282 : vector<16xf32>
        %get3A_1284 = arith.constant 416 : index
        %get3A_1285 = tpu.vector_load %arg24[%get3A_1284] {strides = array<i32>} : memref<512xf32, #tpu.memory_space<vmem>>, vector<16xf32>,
        %get3A_1286 = vector.shape_cast %get3A_1285 : vector<16xf32> to vector<16xf32>
        %add3A_1287 = arith.addf %add3A_1283, %get3A_1286 : vector<16xf32>
        %get3A_1288 = arith.constant 448 : index
        %get3A_1289 = tpu.vector_load %arg24[%get3A_1288] {strides = array<i32>} : memref<512xf32, #tpu.memory_space<vmem>>, vector<16xf32>,
        %get3A_1290 = vector.shape_cast %get3A_1289 : vector<16xf32> to vector<16xf32>
        %add3A_1291 = arith.addf %add3A_1287, %get3A_1290 : vector<16xf32>
        %get3A_1292 = arith.constant 480 : index
        %get3A_1293 = tpu.vector_load %arg24[%get3A_1292] {strides = array<i32>} : memref<512xf32, #tpu.memory_space<vmem>>, vector<16xf32>,
        %get3A_1294 = vector.shape_cast %get3A_1293 : vector<16xf32> to vector<16xf32>
        %add3A_1295 = arith.addf %add3A_1291, %get3A_1294 : vector<16xf32>
        %ge3A = arith.constant 5.000000e-02 : f32
        %ge3A_1296 = vector.broadcast %ge3A : f32 to vector<16xf32>
        %ge3A_1297 = arith.cmpf oge, %get3A_1087, %ge3A_1296 : vector<16xf32>
        %eq3A_1298 = arith.constant 0.000000e+00 : f32
        %eq3A_1299 = vector.broadcast %eq3A_1298 : f32 to vector<16xf32>
        %eq3A_1300 = arith.cmpf oeq, %add3A_1295, %eq3A_1299 : vector<16xf32>
        %and3A_1301 = arith.andi %ge3A_1297, %eq3A_1300 : vector<16xi1>
        %jit3A_1302 = arith.constant 1.000000e+00 : f32
        %jit3A_1303 = arith.constant 0.000000e+00 : f32
        %broadcast_in_dim3A_1304 = vector.broadcast %jit3A_1302 : f32 to vector<16xf32>
        %broadcast_in_dim3A_1305 = vector.broadcast %jit3A_1303 : f32 to vector<16xf32>
        %select_n3A_1306 = arith.select %and3A_1301, %broadcast_in_dim3A_1304, %broadcast_in_dim3A_1305 : vector<16xi1>, vector<16xf32>
        %mul3A_1307 = arith.constant 0 : i32
        %mul3A_1308 = arith.muli %arg1, %mul3A_1307 : i32
        %broadcast_in_dim3A_1309 = arith.constant 0.000000e+00 : f32
        %broadcast_in_dim3A_1310 = vector.broadcast %broadcast_in_dim3A_1309 : f32 to vector<16xf32>
        %broadcast_in_dim3A_1311 = arith.constant 0.000000e+00 : f32
        %broadcast_in_dim3A_1312 = vector.broadcast %broadcast_in_dim3A_1311 : f32 to vector<16xf32>
        %broadcast_in_dim3A_1313 = arith.constant 0.000000e+00 : f32
        %broadcast_in_dim3A_1314 = vector.broadcast %broadcast_in_dim3A_1313 : f32 to vector<16xf32>
        %broadcast_in_dim3A_1315 = arith.constant 0.000000e+00 : f32
        %broadcast_in_dim3A_1316 = vector.broadcast %broadcast_in_dim3A_1315 : f32 to vector<16xf32>
        %broadcast_in_dim3A_1317 = arith.constant 0.000000e+00 : f32
        %broadcast_in_dim3A_1318 = vector.broadcast %broadcast_in_dim3A_1317 : f32 to vector<16xf32>
        %get3A_1319 = arith.constant 16 : index
        %get3A_1320 = tpu.vector_load %arg24[%get3A_1319] {strides = array<i32>} : memref<512xf32, #tpu.memory_space<vmem>>, vector<16xf32>,
        %get3A_1321 = vector.shape_cast %get3A_1320 : vector<16xf32> to vector<16xf32>
        %slice3A_1322 = vector.extract_strided_slice %select_n3A_1306 {offsets = [0], sizes = [1], strides = [1]} : vector<16xf32> to vector<1xf32>
        %squeeze3A_1323 = vector.extract %slice3A_1322[0] : f32 from vector<1xf32>
        %broadcast_in_dim3A_1324 = vector.broadcast %squeeze3A_1323 : f32 to vector<16xf32>
        %mul3A_1325 = arith.mulf %get3A_1321, %broadcast_in_dim3A_1324 : vector<16xf32>
        %sub3A_1326 = arith.constant 1.000000e+00 : f32
        %sub3A_1327 = vector.broadcast %sub3A_1326 : f32 to vector<16xf32>
        %sub3A_1328 = arith.subf %sub3A_1327, %mul3A_1325 : vector<16xf32>
        %mul3A_1329 = arith.mulf %select_n3A_1306, %sub3A_1328 : vector<16xf32>
        %add3A_1330 = arith.constant 0 : i32
        %add3A_1331 = arith.addi %mul3A_1072, %add3A_1330 : i32
        %get3A_1332 = arith.index_cast %add3A_1331 : i32 to index
        %get3A_1333 = tpu.vector_load %arg12[%get3A_1332] {strides = array<i32>} : memref<5136xf32, #tpu.memory_space<vmem>>, vector<16xf32>,
        %get3A_1334 = vector.shape_cast %get3A_1333 : vector<16xf32> to vector<16xf32>
        %slice3A_1335 = vector.extract_strided_slice %get3A_1334 {offsets = [0], sizes = [1], strides = [1]} : vector<16xf32> to vector<1xf32>
        %squeeze3A_1336 = vector.extract %slice3A_1335[0] : f32 from vector<1xf32>
        %broadcast_in_dim3A_1337 = vector.broadcast %squeeze3A_1336 : f32 to vector<16xf32>
        %add3A_1338 = arith.constant 0 : i32
        %add3A_1339 = arith.addi %mul3A_1072, %add3A_1338 : i32
        %get3A_1340 = arith.index_cast %add3A_1339 : i32 to index
        %get3A_1341 = tpu.vector_load %arg13[%get3A_1340] {strides = array<i32>} : memref<5136xf32, #tpu.memory_space<vmem>>, vector<16xf32>,
        %get3A_1342 = vector.shape_cast %get3A_1341 : vector<16xf32> to vector<16xf32>
        %slice3A_1343 = vector.extract_strided_slice %get3A_1342 {offsets = [0], sizes = [1], strides = [1]} : vector<16xf32> to vector<1xf32>
        %squeeze3A_1344 = vector.extract %slice3A_1343[0] : f32 from vector<1xf32>
        %broadcast_in_dim3A_1345 = vector.broadcast %squeeze3A_1344 : f32 to vector<16xf32>
        %add3A_1346 = arith.constant 0 : i32
        %add3A_1347 = arith.addi %mul3A_1072, %add3A_1346 : i32
        %get3A_1348 = arith.index_cast %add3A_1347 : i32 to index
        %get3A_1349 = tpu.vector_load %arg14[%get3A_1348] {strides = array<i32>} : memref<5136xf32, #tpu.memory_space<vmem>>, vector<16xf32>,
        %get3A_1350 = vector.shape_cast %get3A_1349 : vector<16xf32> to vector<16xf32>
        %slice3A_1351 = vector.extract_strided_slice %get3A_1350 {offsets = [0], sizes = [1], strides = [1]} : vector<16xf32> to vector<1xf32>
        %squeeze3A_1352 = vector.extract %slice3A_1351[0] : f32 from vector<1xf32>
        %broadcast_in_dim3A_1353 = vector.broadcast %squeeze3A_1352 : f32 to vector<16xf32>
        %add3A_1354 = arith.constant 0 : i32
        %add3A_1355 = arith.addi %mul3A_1072, %add3A_1354 : i32
        %get3A_1356 = arith.index_cast %add3A_1355 : i32 to index
        %get3A_1357 = tpu.vector_load %arg15[%get3A_1356] {strides = array<i32>} : memref<5136xf32, #tpu.memory_space<vmem>>, vector<16xf32>,
        %get3A_1358 = vector.shape_cast %get3A_1357 : vector<16xf32> to vector<16xf32>
        %slice3A_1359 = vector.extract_strided_slice %get3A_1358 {offsets = [0], sizes = [1], strides = [1]} : vector<16xf32> to vector<1xf32>
        %squeeze3A_1360 = vector.extract %slice3A_1359[0] : f32 from vector<1xf32>
        %broadcast_in_dim3A_1361 = vector.broadcast %squeeze3A_1360 : f32 to vector<16xf32>
        %sub3A_1362 = arith.subf %broadcast_in_dim3A_1353, %broadcast_in_dim3A_1337 : vector<16xf32>
        %max3A_1363 = arith.constant 0.000000e+00 : f32
        %max3A_1364 = vector.broadcast %max3A_1363 : f32 to vector<16xf32>
        %max3A_1365 = arith.maximumf %sub3A_1362, %max3A_1364 : vector<16xf32>
        %sub3A_1366 = arith.subf %broadcast_in_dim3A_1361, %broadcast_in_dim3A_1345 : vector<16xf32>
        %max3A_1367 = arith.constant 0.000000e+00 : f32
        %max3A_1368 = vector.broadcast %max3A_1367 : f32 to vector<16xf32>
        %max3A_1369 = arith.maximumf %sub3A_1366, %max3A_1368 : vector<16xf32>
        %mul3A_1370 = arith.mulf %max3A_1365, %max3A_1369 : vector<16xf32>
        %broadcast_in_dim3A_1371 = vector.broadcast %mul3A_1308 : i32 to vector<16xi32>
        %eq3A_1372 = arith.cmpi eq, %iota3A, %broadcast_in_dim3A_1371 : vector<16xi32>
        %jit3A_1373 = arith.constant 0.000000e+00 : f32
        %broadcast_in_dim3A_1374 = vector.broadcast %squeeze3A_1323 : f32 to vector<16xf32>
        %broadcast_in_dim3A_1375 = vector.broadcast %jit3A_1373 : f32 to vector<16xf32>
        %select_n3A_1376 = arith.select %eq3A_1372, %broadcast_in_dim3A_1374, %broadcast_in_dim3A_1375 : vector<16xi1>, vector<16xf32>
        %sub3A_1377 = arith.subf %broadcast_in_dim3A_1337, %broadcast_in_dim3A_1310 : vector<16xf32>
        %mul3A_1378 = arith.mulf %select_n3A_1376, %sub3A_1377 : vector<16xf32>
        %add3A_1379 = arith.addf %broadcast_in_dim3A_1310, %mul3A_1378 : vector<16xf32>
        %sub3A_1380 = arith.subf %broadcast_in_dim3A_1345, %broadcast_in_dim3A_1312 : vector<16xf32>
        %mul3A_1381 = arith.mulf %select_n3A_1376, %sub3A_1380 : vector<16xf32>
        %add3A_1382 = arith.addf %broadcast_in_dim3A_1312, %mul3A_1381 : vector<16xf32>
        %sub3A_1383 = arith.subf %broadcast_in_dim3A_1353, %broadcast_in_dim3A_1314 : vector<16xf32>
        %mul3A_1384 = arith.mulf %select_n3A_1376, %sub3A_1383 : vector<16xf32>
        %add3A_1385 = arith.addf %broadcast_in_dim3A_1314, %mul3A_1384 : vector<16xf32>
        %sub3A_1386 = arith.subf %broadcast_in_dim3A_1361, %broadcast_in_dim3A_1316 : vector<16xf32>
        %mul3A_1387 = arith.mulf %select_n3A_1376, %sub3A_1386 : vector<16xf32>
        %add3A_1388 = arith.addf %broadcast_in_dim3A_1316, %mul3A_1387 : vector<16xf32>
        %sub3A_1389 = arith.subf %mul3A_1370, %broadcast_in_dim3A_1318 : vector<16xf32>
        %mul3A_1390 = arith.mulf %select_n3A_1376, %sub3A_1389 : vector<16xf32>
        %add3A_1391 = arith.addf %broadcast_in_dim3A_1318, %mul3A_1390 : vector<16xf32>
        %convert_element_type3A_1392 = arith.fptosi %squeeze3A_1323 : f32 to i32
        %add3A_1393 = arith.addi %mul3A_1308, %convert_element_type3A_1392 : i32
        %get3A_1394 = arith.constant 48 : index
        %get3A_1395 = tpu.vector_load %arg24[%get3A_1394] {strides = array<i32>} : memref<512xf32, #tpu.memory_space<vmem>>, vector<16xf32>,
        %get3A_1396 = vector.shape_cast %get3A_1395 : vector<16xf32> to vector<16xf32>
        %slice3A_1397 = vector.extract_strided_slice %mul3A_1329 {offsets = [1], sizes = [1], strides = [1]} : vector<16xf32> to vector<1xf32>
        %squeeze3A_1398 = vector.extract %slice3A_1397[0] : f32 from vector<1xf32>
        %broadcast_in_dim3A_1399 = vector.broadcast %squeeze3A_1398 : f32 to vector<16xf32>
        %mul3A_1400 = arith.mulf %get3A_1396, %broadcast_in_dim3A_1399 : vector<16xf32>
        %sub3A_1401 = arith.constant 1.000000e+00 : f32
        %sub3A_1402 = vector.broadcast %sub3A_1401 : f32 to vector<16xf32>
        %sub3A_1403 = arith.subf %sub3A_1402, %mul3A_1400 : vector<16xf32>
        %mul3A_1404 = arith.mulf %mul3A_1329, %sub3A_1403 : vector<16xf32>
        %add3A_1405 = arith.constant 1 : i32
        %add3A_1406 = arith.addi %mul3A_1072, %add3A_1405 : i32
        %get3A_1407 = arith.index_cast %add3A_1406 : i32 to index
        %get3A_1408 = tpu.vector_load %arg12[%get3A_1407] {strides = array<i32>} : memref<5136xf32, #tpu.memory_space<vmem>>, vector<16xf32>,
        %get3A_1409 = vector.shape_cast %get3A_1408 : vector<16xf32> to vector<16xf32>
        %slice3A_1410 = vector.extract_strided_slice %get3A_1409 {offsets = [0], sizes = [1], strides = [1]} : vector<16xf32> to vector<1xf32>
        %squeeze3A_1411 = vector.extract %slice3A_1410[0] : f32 from vector<1xf32>
        %broadcast_in_dim3A_1412 = vector.broadcast %squeeze3A_1411 : f32 to vector<16xf32>
        %add3A_1413 = arith.constant 1 : i32
        %add3A_1414 = arith.addi %mul3A_1072, %add3A_1413 : i32
        %get3A_1415 = arith.index_cast %add3A_1414 : i32 to index
        %get3A_1416 = tpu.vector_load %arg13[%get3A_1415] {strides = array<i32>} : memref<5136xf32, #tpu.memory_space<vmem>>, vector<16xf32>,
        %get3A_1417 = vector.shape_cast %get3A_1416 : vector<16xf32> to vector<16xf32>
        %slice3A_1418 = vector.extract_strided_slice %get3A_1417 {offsets = [0], sizes = [1], strides = [1]} : vector<16xf32> to vector<1xf32>
        %squeeze3A_1419 = vector.extract %slice3A_1418[0] : f32 from vector<1xf32>
        %broadcast_in_dim3A_1420 = vector.broadcast %squeeze3A_1419 : f32 to vector<16xf32>
        %add3A_1421 = arith.constant 1 : i32
        %add3A_1422 = arith.addi %mul3A_1072, %add3A_1421 : i32
        %get3A_1423 = arith.index_cast %add3A_1422 : i32 to index
        %get3A_1424 = tpu.vector_load %arg14[%get3A_1423] {strides = array<i32>} : memref<5136xf32, #tpu.memory_space<vmem>>, vector<16xf32>,
        %get3A_1425 = vector.shape_cast %get3A_1424 : vector<16xf32> to vector<16xf32>
        %slice3A_1426 = vector.extract_strided_slice %get3A_1425 {offsets = [0], sizes = [1], strides = [1]} : vector<16xf32> to vector<1xf32>
        %squeeze3A_1427 = vector.extract %slice3A_1426[0] : f32 from vector<1xf32>
        %broadcast_in_dim3A_1428 = vector.broadcast %squeeze3A_1427 : f32 to vector<16xf32>
        %add3A_1429 = arith.constant 1 : i32
        %add3A_1430 = arith.addi %mul3A_1072, %add3A_1429 : i32
        %get3A_1431 = arith.index_cast %add3A_1430 : i32 to index
        %get3A_1432 = tpu.vector_load %arg15[%get3A_1431] {strides = array<i32>} : memref<5136xf32, #tpu.memory_space<vmem>>, vector<16xf32>,
        %get3A_1433 = vector.shape_cast %get3A_1432 : vector<16xf32> to vector<16xf32>
        %slice3A_1434 = vector.extract_strided_slice %get3A_1433 {offsets = [0], sizes = [1], strides = [1]} : vector<16xf32> to vector<1xf32>
        %squeeze3A_1435 = vector.extract %slice3A_1434[0] : f32 from vector<1xf32>
        %broadcast_in_dim3A_1436 = vector.broadcast %squeeze3A_1435 : f32 to vector<16xf32>
        %sub3A_1437 = arith.subf %broadcast_in_dim3A_1428, %broadcast_in_dim3A_1412 : vector<16xf32>
        %max3A_1438 = arith.constant 0.000000e+00 : f32
        %max3A_1439 = vector.broadcast %max3A_1438 : f32 to vector<16xf32>
        %max3A_1440 = arith.maximumf %sub3A_1437, %max3A_1439 : vector<16xf32>
        %sub3A_1441 = arith.subf %broadcast_in_dim3A_1436, %broadcast_in_dim3A_1420 : vector<16xf32>
        %max3A_1442 = arith.constant 0.000000e+00 : f32
        %max3A_1443 = vector.broadcast %max3A_1442 : f32 to vector<16xf32>
        %max3A_1444 = arith.maximumf %sub3A_1441, %max3A_1443 : vector<16xf32>
        %mul3A_1445 = arith.mulf %max3A_1440, %max3A_1444 : vector<16xf32>
        %broadcast_in_dim3A_1446 = vector.broadcast %add3A_1393 : i32 to vector<16xi32>
        %eq3A_1447 = arith.cmpi eq, %iota3A, %broadcast_in_dim3A_1446 : vector<16xi32>
        %jit3A_1448 = arith.constant 0.000000e+00 : f32
        %broadcast_in_dim3A_1449 = vector.broadcast %squeeze3A_1398 : f32 to vector<16xf32>
        %broadcast_in_dim3A_1450 = vector.broadcast %jit3A_1448 : f32 to vector<16xf32>
        %select_n3A_1451 = arith.select %eq3A_1447, %broadcast_in_dim3A_1449, %broadcast_in_dim3A_1450 : vector<16xi1>, vector<16xf32>
        %sub3A_1452 = arith.subf %broadcast_in_dim3A_1412, %add3A_1379 : vector<16xf32>
        %mul3A_1453 = arith.mulf %select_n3A_1451, %sub3A_1452 : vector<16xf32>
        %add3A_1454 = arith.addf %add3A_1379, %mul3A_1453 : vector<16xf32>
        %sub3A_1455 = arith.subf %broadcast_in_dim3A_1420, %add3A_1382 : vector<16xf32>
        %mul3A_1456 = arith.mulf %select_n3A_1451, %sub3A_1455 : vector<16xf32>
        %add3A_1457 = arith.addf %add3A_1382, %mul3A_1456 : vector<16xf32>
        %sub3A_1458 = arith.subf %broadcast_in_dim3A_1428, %add3A_1385 : vector<16xf32>
        %mul3A_1459 = arith.mulf %select_n3A_1451, %sub3A_1458 : vector<16xf32>
        %add3A_1460 = arith.addf %add3A_1385, %mul3A_1459 : vector<16xf32>
        %sub3A_1461 = arith.subf %broadcast_in_dim3A_1436, %add3A_1388 : vector<16xf32>
        %mul3A_1462 = arith.mulf %select_n3A_1451, %sub3A_1461 : vector<16xf32>
        %add3A_1463 = arith.addf %add3A_1388, %mul3A_1462 : vector<16xf32>
        %sub3A_1464 = arith.subf %mul3A_1445, %add3A_1391 : vector<16xf32>
        %mul3A_1465 = arith.mulf %select_n3A_1451, %sub3A_1464 : vector<16xf32>
        %add3A_1466 = arith.addf %add3A_1391, %mul3A_1465 : vector<16xf32>
        %convert_element_type3A_1467 = arith.fptosi %squeeze3A_1398 : f32 to i32
        %add3A_1468 = arith.addi %add3A_1393, %convert_element_type3A_1467 : i32
        %get3A_1469 = arith.constant 80 : index
        %get3A_1470 = tpu.vector_load %arg24[%get3A_1469] {strides = array<i32>} : memref<512xf32, #tpu.memory_space<vmem>>, vector<16xf32>,
        %get3A_1471 = vector.shape_cast %get3A_1470 : vector<16xf32> to vector<16xf32>
        %slice3A_1472 = vector.extract_strided_slice %mul3A_1404 {offsets = [2], sizes = [1], strides = [1]} : vector<16xf32> to vector<1xf32>
        %squeeze3A_1473 = vector.extract %slice3A_1472[0] : f32 from vector<1xf32>
        %broadcast_in_dim3A_1474 = vector.broadcast %squeeze3A_1473 : f32 to vector<16xf32>
        %mul3A_1475 = arith.mulf %get3A_1471, %broadcast_in_dim3A_1474 : vector<16xf32>
        %sub3A_1476 = arith.constant 1.000000e+00 : f32
        %sub3A_1477 = vector.broadcast %sub3A_1476 : f32 to vector<16xf32>
        %sub3A_1478 = arith.subf %sub3A_1477, %mul3A_1475 : vector<16xf32>
        %mul3A_1479 = arith.mulf %mul3A_1404, %sub3A_1478 : vector<16xf32>
        %add3A_1480 = arith.constant 2 : i32
        %add3A_1481 = arith.addi %mul3A_1072, %add3A_1480 : i32
        %get3A_1482 = arith.index_cast %add3A_1481 : i32 to index
        %get3A_1483 = tpu.vector_load %arg12[%get3A_1482] {strides = array<i32>} : memref<5136xf32, #tpu.memory_space<vmem>>, vector<16xf32>,
        %get3A_1484 = vector.shape_cast %get3A_1483 : vector<16xf32> to vector<16xf32>
        %slice3A_1485 = vector.extract_strided_slice %get3A_1484 {offsets = [0], sizes = [1], strides = [1]} : vector<16xf32> to vector<1xf32>
        %squeeze3A_1486 = vector.extract %slice3A_1485[0] : f32 from vector<1xf32>
        %broadcast_in_dim3A_1487 = vector.broadcast %squeeze3A_1486 : f32 to vector<16xf32>
        %add3A_1488 = arith.constant 2 : i32
        %add3A_1489 = arith.addi %mul3A_1072, %add3A_1488 : i32
        %get3A_1490 = arith.index_cast %add3A_1489 : i32 to index
        %get3A_1491 = tpu.vector_load %arg13[%get3A_1490] {strides = array<i32>} : memref<5136xf32, #tpu.memory_space<vmem>>, vector<16xf32>,
        %get3A_1492 = vector.shape_cast %get3A_1491 : vector<16xf32> to vector<16xf32>
        %slice3A_1493 = vector.extract_strided_slice %get3A_1492 {offsets = [0], sizes = [1], strides = [1]} : vector<16xf32> to vector<1xf32>
        %squeeze3A_1494 = vector.extract %slice3A_1493[0] : f32 from vector<1xf32>
        %broadcast_in_dim3A_1495 = vector.broadcast %squeeze3A_1494 : f32 to vector<16xf32>
        %add3A_1496 = arith.constant 2 : i32
        %add3A_1497 = arith.addi %mul3A_1072, %add3A_1496 : i32
        %get3A_1498 = arith.index_cast %add3A_1497 : i32 to index
        %get3A_1499 = tpu.vector_load %arg14[%get3A_1498] {strides = array<i32>} : memref<5136xf32, #tpu.memory_space<vmem>>, vector<16xf32>,
        %get3A_1500 = vector.shape_cast %get3A_1499 : vector<16xf32> to vector<16xf32>
        %slice3A_1501 = vector.extract_strided_slice %get3A_1500 {offsets = [0], sizes = [1], strides = [1]} : vector<16xf32> to vector<1xf32>
        %squeeze3A_1502 = vector.extract %slice3A_1501[0] : f32 from vector<1xf32>
        %broadcast_in_dim3A_1503 = vector.broadcast %squeeze3A_1502 : f32 to vector<16xf32>
        %add3A_1504 = arith.constant 2 : i32
        %add3A_1505 = arith.addi %mul3A_1072, %add3A_1504 : i32
        %get3A_1506 = arith.index_cast %add3A_1505 : i32 to index
        %get3A_1507 = tpu.vector_load %arg15[%get3A_1506] {strides = array<i32>} : memref<5136xf32, #tpu.memory_space<vmem>>, vector<16xf32>,
        %get3A_1508 = vector.shape_cast %get3A_1507 : vector<16xf32> to vector<16xf32>
        %slice3A_1509 = vector.extract_strided_slice %get3A_1508 {offsets = [0], sizes = [1], strides = [1]} : vector<16xf32> to vector<1xf32>
        %squeeze3A_1510 = vector.extract %slice3A_1509[0] : f32 from vector<1xf32>
        %broadcast_in_dim3A_1511 = vector.broadcast %squeeze3A_1510 : f32 to vector<16xf32>
        %sub3A_1512 = arith.subf %broadcast_in_dim3A_1503, %broadcast_in_dim3A_1487 : vector<16xf32>
        %max3A_1513 = arith.constant 0.000000e+00 : f32
        %max3A_1514 = vector.broadcast %max3A_1513 : f32 to vector<16xf32>
        %max3A_1515 = arith.maximumf %sub3A_1512, %max3A_1514 : vector<16xf32>
        %sub3A_1516 = arith.subf %broadcast_in_dim3A_1511, %broadcast_in_dim3A_1495 : vector<16xf32>
        %max3A_1517 = arith.constant 0.000000e+00 : f32
        %max3A_1518 = vector.broadcast %max3A_1517 : f32 to vector<16xf32>
        %max3A_1519 = arith.maximumf %sub3A_1516, %max3A_1518 : vector<16xf32>
        %mul3A_1520 = arith.mulf %max3A_1515, %max3A_1519 : vector<16xf32>
        %broadcast_in_dim3A_1521 = vector.broadcast %add3A_1468 : i32 to vector<16xi32>
        %eq3A_1522 = arith.cmpi eq, %iota3A, %broadcast_in_dim3A_1521 : vector<16xi32>
        %jit3A_1523 = arith.constant 0.000000e+00 : f32
        %broadcast_in_dim3A_1524 = vector.broadcast %squeeze3A_1473 : f32 to vector<16xf32>
        %broadcast_in_dim3A_1525 = vector.broadcast %jit3A_1523 : f32 to vector<16xf32>
        %select_n3A_1526 = arith.select %eq3A_1522, %broadcast_in_dim3A_1524, %broadcast_in_dim3A_1525 : vector<16xi1>, vector<16xf32>
        %sub3A_1527 = arith.subf %broadcast_in_dim3A_1487, %add3A_1454 : vector<16xf32>
        %mul3A_1528 = arith.mulf %select_n3A_1526, %sub3A_1527 : vector<16xf32>
        %add3A_1529 = arith.addf %add3A_1454, %mul3A_1528 : vector<16xf32>
        %sub3A_1530 = arith.subf %broadcast_in_dim3A_1495, %add3A_1457 : vector<16xf32>
        %mul3A_1531 = arith.mulf %select_n3A_1526, %sub3A_1530 : vector<16xf32>
        %add3A_1532 = arith.addf %add3A_1457, %mul3A_1531 : vector<16xf32>
        %sub3A_1533 = arith.subf %broadcast_in_dim3A_1503, %add3A_1460 : vector<16xf32>
        %mul3A_1534 = arith.mulf %select_n3A_1526, %sub3A_1533 : vector<16xf32>
        %add3A_1535 = arith.addf %add3A_1460, %mul3A_1534 : vector<16xf32>
        %sub3A_1536 = arith.subf %broadcast_in_dim3A_1511, %add3A_1463 : vector<16xf32>
        %mul3A_1537 = arith.mulf %select_n3A_1526, %sub3A_1536 : vector<16xf32>
        %add3A_1538 = arith.addf %add3A_1463, %mul3A_1537 : vector<16xf32>
        %sub3A_1539 = arith.subf %mul3A_1520, %add3A_1466 : vector<16xf32>
        %mul3A_1540 = arith.mulf %select_n3A_1526, %sub3A_1539 : vector<16xf32>
        %add3A_1541 = arith.addf %add3A_1466, %mul3A_1540 : vector<16xf32>
        %convert_element_type3A_1542 = arith.fptosi %squeeze3A_1473 : f32 to i32
        %add3A_1543 = arith.addi %add3A_1468, %convert_element_type3A_1542 : i32
        %get3A_1544 = arith.constant 112 : index
        %get3A_1545 = tpu.vector_load %arg24[%get3A_1544] {strides = array<i32>} : memref<512xf32, #tpu.memory_space<vmem>>, vector<16xf32>,
        %get3A_1546 = vector.shape_cast %get3A_1545 : vector<16xf32> to vector<16xf32>
        %slice3A_1547 = vector.extract_strided_slice %mul3A_1479 {offsets = [3], sizes = [1], strides = [1]} : vector<16xf32> to vector<1xf32>
        %squeeze3A_1548 = vector.extract %slice3A_1547[0] : f32 from vector<1xf32>
        %broadcast_in_dim3A_1549 = vector.broadcast %squeeze3A_1548 : f32 to vector<16xf32>
        %mul3A_1550 = arith.mulf %get3A_1546, %broadcast_in_dim3A_1549 : vector<16xf32>
        %sub3A_1551 = arith.constant 1.000000e+00 : f32
        %sub3A_1552 = vector.broadcast %sub3A_1551 : f32 to vector<16xf32>
        %sub3A_1553 = arith.subf %sub3A_1552, %mul3A_1550 : vector<16xf32>
        %mul3A_1554 = arith.mulf %mul3A_1479, %sub3A_1553 : vector<16xf32>
        %add3A_1555 = arith.constant 3 : i32
        %add3A_1556 = arith.addi %mul3A_1072, %add3A_1555 : i32
        %get3A_1557 = arith.index_cast %add3A_1556 : i32 to index
        %get3A_1558 = tpu.vector_load %arg12[%get3A_1557] {strides = array<i32>} : memref<5136xf32, #tpu.memory_space<vmem>>, vector<16xf32>,
        %get3A_1559 = vector.shape_cast %get3A_1558 : vector<16xf32> to vector<16xf32>
        %slice3A_1560 = vector.extract_strided_slice %get3A_1559 {offsets = [0], sizes = [1], strides = [1]} : vector<16xf32> to vector<1xf32>
        %squeeze3A_1561 = vector.extract %slice3A_1560[0] : f32 from vector<1xf32>
        %broadcast_in_dim3A_1562 = vector.broadcast %squeeze3A_1561 : f32 to vector<16xf32>
        %add3A_1563 = arith.constant 3 : i32
        %add3A_1564 = arith.addi %mul3A_1072, %add3A_1563 : i32
        %get3A_1565 = arith.index_cast %add3A_1564 : i32 to index
        %get3A_1566 = tpu.vector_load %arg13[%get3A_1565] {strides = array<i32>} : memref<5136xf32, #tpu.memory_space<vmem>>, vector<16xf32>,
        %get3A_1567 = vector.shape_cast %get3A_1566 : vector<16xf32> to vector<16xf32>
        %slice3A_1568 = vector.extract_strided_slice %get3A_1567 {offsets = [0], sizes = [1], strides = [1]} : vector<16xf32> to vector<1xf32>
        %squeeze3A_1569 = vector.extract %slice3A_1568[0] : f32 from vector<1xf32>
        %broadcast_in_dim3A_1570 = vector.broadcast %squeeze3A_1569 : f32 to vector<16xf32>
        %add3A_1571 = arith.constant 3 : i32
        %add3A_1572 = arith.addi %mul3A_1072, %add3A_1571 : i32
        %get3A_1573 = arith.index_cast %add3A_1572 : i32 to index
        %get3A_1574 = tpu.vector_load %arg14[%get3A_1573] {strides = array<i32>} : memref<5136xf32, #tpu.memory_space<vmem>>, vector<16xf32>,
        %get3A_1575 = vector.shape_cast %get3A_1574 : vector<16xf32> to vector<16xf32>
        %slice3A_1576 = vector.extract_strided_slice %get3A_1575 {offsets = [0], sizes = [1], strides = [1]} : vector<16xf32> to vector<1xf32>
        %squeeze3A_1577 = vector.extract %slice3A_1576[0] : f32 from vector<1xf32>
        %broadcast_in_dim3A_1578 = vector.broadcast %squeeze3A_1577 : f32 to vector<16xf32>
        %add3A_1579 = arith.constant 3 : i32
        %add3A_1580 = arith.addi %mul3A_1072, %add3A_1579 : i32
        %get3A_1581 = arith.index_cast %add3A_1580 : i32 to index
        %get3A_1582 = tpu.vector_load %arg15[%get3A_1581] {strides = array<i32>} : memref<5136xf32, #tpu.memory_space<vmem>>, vector<16xf32>,
        %get3A_1583 = vector.shape_cast %get3A_1582 : vector<16xf32> to vector<16xf32>
        %slice3A_1584 = vector.extract_strided_slice %get3A_1583 {offsets = [0], sizes = [1], strides = [1]} : vector<16xf32> to vector<1xf32>
        %squeeze3A_1585 = vector.extract %slice3A_1584[0] : f32 from vector<1xf32>
        %broadcast_in_dim3A_1586 = vector.broadcast %squeeze3A_1585 : f32 to vector<16xf32>
        %sub3A_1587 = arith.subf %broadcast_in_dim3A_1578, %broadcast_in_dim3A_1562 : vector<16xf32>
        %max3A_1588 = arith.constant 0.000000e+00 : f32
        %max3A_1589 = vector.broadcast %max3A_1588 : f32 to vector<16xf32>
        %max3A_1590 = arith.maximumf %sub3A_1587, %max3A_1589 : vector<16xf32>
        %sub3A_1591 = arith.subf %broadcast_in_dim3A_1586, %broadcast_in_dim3A_1570 : vector<16xf32>
        %max3A_1592 = arith.constant 0.000000e+00 : f32
        %max3A_1593 = vector.broadcast %max3A_1592 : f32 to vector<16xf32>
        %max3A_1594 = arith.maximumf %sub3A_1591, %max3A_1593 : vector<16xf32>
        %mul3A_1595 = arith.mulf %max3A_1590, %max3A_1594 : vector<16xf32>
        %broadcast_in_dim3A_1596 = vector.broadcast %add3A_1543 : i32 to vector<16xi32>
        %eq3A_1597 = arith.cmpi eq, %iota3A, %broadcast_in_dim3A_1596 : vector<16xi32>
        %jit3A_1598 = arith.constant 0.000000e+00 : f32
        %broadcast_in_dim3A_1599 = vector.broadcast %squeeze3A_1548 : f32 to vector<16xf32>
        %broadcast_in_dim3A_1600 = vector.broadcast %jit3A_1598 : f32 to vector<16xf32>
        %select_n3A_1601 = arith.select %eq3A_1597, %broadcast_in_dim3A_1599, %broadcast_in_dim3A_1600 : vector<16xi1>, vector<16xf32>
        %sub3A_1602 = arith.subf %broadcast_in_dim3A_1562, %add3A_1529 : vector<16xf32>
        %mul3A_1603 = arith.mulf %select_n3A_1601, %sub3A_1602 : vector<16xf32>
        %add3A_1604 = arith.addf %add3A_1529, %mul3A_1603 : vector<16xf32>
        %sub3A_1605 = arith.subf %broadcast_in_dim3A_1570, %add3A_1532 : vector<16xf32>
        %mul3A_1606 = arith.mulf %select_n3A_1601, %sub3A_1605 : vector<16xf32>
        %add3A_1607 = arith.addf %add3A_1532, %mul3A_1606 : vector<16xf32>
        %sub3A_1608 = arith.subf %broadcast_in_dim3A_1578, %add3A_1535 : vector<16xf32>
        %mul3A_1609 = arith.mulf %select_n3A_1601, %sub3A_1608 : vector<16xf32>
        %add3A_1610 = arith.addf %add3A_1535, %mul3A_1609 : vector<16xf32>
        %sub3A_1611 = arith.subf %broadcast_in_dim3A_1586, %add3A_1538 : vector<16xf32>
        %mul3A_1612 = arith.mulf %select_n3A_1601, %sub3A_1611 : vector<16xf32>
        %add3A_1613 = arith.addf %add3A_1538, %mul3A_1612 : vector<16xf32>
        %sub3A_1614 = arith.subf %mul3A_1595, %add3A_1541 : vector<16xf32>
        %mul3A_1615 = arith.mulf %select_n3A_1601, %sub3A_1614 : vector<16xf32>
        %add3A_1616 = arith.addf %add3A_1541, %mul3A_1615 : vector<16xf32>
        %convert_element_type3A_1617 = arith.fptosi %squeeze3A_1548 : f32 to i32
        %add3A_1618 = arith.addi %add3A_1543, %convert_element_type3A_1617 : i32
        %get3A_1619 = arith.constant 144 : index
        %get3A_1620 = tpu.vector_load %arg24[%get3A_1619] {strides = array<i32>} : memref<512xf32, #tpu.memory_space<vmem>>, vector<16xf32>,
        %get3A_1621 = vector.shape_cast %get3A_1620 : vector<16xf32> to vector<16xf32>
        %slice3A_1622 = vector.extract_strided_slice %mul3A_1554 {offsets = [4], sizes = [1], strides = [1]} : vector<16xf32> to vector<1xf32>
        %squeeze3A_1623 = vector.extract %slice3A_1622[0] : f32 from vector<1xf32>
        %broadcast_in_dim3A_1624 = vector.broadcast %squeeze3A_1623 : f32 to vector<16xf32>
        %mul3A_1625 = arith.mulf %get3A_1621, %broadcast_in_dim3A_1624 : vector<16xf32>
        %sub3A_1626 = arith.constant 1.000000e+00 : f32
        %sub3A_1627 = vector.broadcast %sub3A_1626 : f32 to vector<16xf32>
        %sub3A_1628 = arith.subf %sub3A_1627, %mul3A_1625 : vector<16xf32>
        %mul3A_1629 = arith.mulf %mul3A_1554, %sub3A_1628 : vector<16xf32>
        %add3A_1630 = arith.constant 4 : i32
        %add3A_1631 = arith.addi %mul3A_1072, %add3A_1630 : i32
        %get3A_1632 = arith.index_cast %add3A_1631 : i32 to index
        %get3A_1633 = tpu.vector_load %arg12[%get3A_1632] {strides = array<i32>} : memref<5136xf32, #tpu.memory_space<vmem>>, vector<16xf32>,
        %get3A_1634 = vector.shape_cast %get3A_1633 : vector<16xf32> to vector<16xf32>
        %slice3A_1635 = vector.extract_strided_slice %get3A_1634 {offsets = [0], sizes = [1], strides = [1]} : vector<16xf32> to vector<1xf32>
        %squeeze3A_1636 = vector.extract %slice3A_1635[0] : f32 from vector<1xf32>
        %broadcast_in_dim3A_1637 = vector.broadcast %squeeze3A_1636 : f32 to vector<16xf32>
        %add3A_1638 = arith.constant 4 : i32
        %add3A_1639 = arith.addi %mul3A_1072, %add3A_1638 : i32
        %get3A_1640 = arith.index_cast %add3A_1639 : i32 to index
        %get3A_1641 = tpu.vector_load %arg13[%get3A_1640] {strides = array<i32>} : memref<5136xf32, #tpu.memory_space<vmem>>, vector<16xf32>,
        %get3A_1642 = vector.shape_cast %get3A_1641 : vector<16xf32> to vector<16xf32>
        %slice3A_1643 = vector.extract_strided_slice %get3A_1642 {offsets = [0], sizes = [1], strides = [1]} : vector<16xf32> to vector<1xf32>
        %squeeze3A_1644 = vector.extract %slice3A_1643[0] : f32 from vector<1xf32>
        %broadcast_in_dim3A_1645 = vector.broadcast %squeeze3A_1644 : f32 to vector<16xf32>
        %add3A_1646 = arith.constant 4 : i32
        %add3A_1647 = arith.addi %mul3A_1072, %add3A_1646 : i32
        %get3A_1648 = arith.index_cast %add3A_1647 : i32 to index
        %get3A_1649 = tpu.vector_load %arg14[%get3A_1648] {strides = array<i32>} : memref<5136xf32, #tpu.memory_space<vmem>>, vector<16xf32>,
        %get3A_1650 = vector.shape_cast %get3A_1649 : vector<16xf32> to vector<16xf32>
        %slice3A_1651 = vector.extract_strided_slice %get3A_1650 {offsets = [0], sizes = [1], strides = [1]} : vector<16xf32> to vector<1xf32>
        %squeeze3A_1652 = vector.extract %slice3A_1651[0] : f32 from vector<1xf32>
        %broadcast_in_dim3A_1653 = vector.broadcast %squeeze3A_1652 : f32 to vector<16xf32>
        %add3A_1654 = arith.constant 4 : i32
        %add3A_1655 = arith.addi %mul3A_1072, %add3A_1654 : i32
        %get3A_1656 = arith.index_cast %add3A_1655 : i32 to index
        %get3A_1657 = tpu.vector_load %arg15[%get3A_1656] {strides = array<i32>} : memref<5136xf32, #tpu.memory_space<vmem>>, vector<16xf32>,
        %get3A_1658 = vector.shape_cast %get3A_1657 : vector<16xf32> to vector<16xf32>
        %slice3A_1659 = vector.extract_strided_slice %get3A_1658 {offsets = [0], sizes = [1], strides = [1]} : vector<16xf32> to vector<1xf32>
        %squeeze3A_1660 = vector.extract %slice3A_1659[0] : f32 from vector<1xf32>
        %broadcast_in_dim3A_1661 = vector.broadcast %squeeze3A_1660 : f32 to vector<16xf32>
        %sub3A_1662 = arith.subf %broadcast_in_dim3A_1653, %broadcast_in_dim3A_1637 : vector<16xf32>
        %max3A_1663 = arith.constant 0.000000e+00 : f32
        %max3A_1664 = vector.broadcast %max3A_1663 : f32 to vector<16xf32>
        %max3A_1665 = arith.maximumf %sub3A_1662, %max3A_1664 : vector<16xf32>
        %sub3A_1666 = arith.subf %broadcast_in_dim3A_1661, %broadcast_in_dim3A_1645 : vector<16xf32>
        %max3A_1667 = arith.constant 0.000000e+00 : f32
        %max3A_1668 = vector.broadcast %max3A_1667 : f32 to vector<16xf32>
        %max3A_1669 = arith.maximumf %sub3A_1666, %max3A_1668 : vector<16xf32>
        %mul3A_1670 = arith.mulf %max3A_1665, %max3A_1669 : vector<16xf32>
        %broadcast_in_dim3A_1671 = vector.broadcast %add3A_1618 : i32 to vector<16xi32>
        %eq3A_1672 = arith.cmpi eq, %iota3A, %broadcast_in_dim3A_1671 : vector<16xi32>
        %jit3A_1673 = arith.constant 0.000000e+00 : f32
        %broadcast_in_dim3A_1674 = vector.broadcast %squeeze3A_1623 : f32 to vector<16xf32>
        %broadcast_in_dim3A_1675 = vector.broadcast %jit3A_1673 : f32 to vector<16xf32>
        %select_n3A_1676 = arith.select %eq3A_1672, %broadcast_in_dim3A_1674, %broadcast_in_dim3A_1675 : vector<16xi1>, vector<16xf32>
        %sub3A_1677 = arith.subf %broadcast_in_dim3A_1637, %add3A_1604 : vector<16xf32>
        %mul3A_1678 = arith.mulf %select_n3A_1676, %sub3A_1677 : vector<16xf32>
        %add3A_1679 = arith.addf %add3A_1604, %mul3A_1678 : vector<16xf32>
        %sub3A_1680 = arith.subf %broadcast_in_dim3A_1645, %add3A_1607 : vector<16xf32>
        %mul3A_1681 = arith.mulf %select_n3A_1676, %sub3A_1680 : vector<16xf32>
        %add3A_1682 = arith.addf %add3A_1607, %mul3A_1681 : vector<16xf32>
        %sub3A_1683 = arith.subf %broadcast_in_dim3A_1653, %add3A_1610 : vector<16xf32>
        %mul3A_1684 = arith.mulf %select_n3A_1676, %sub3A_1683 : vector<16xf32>
        %add3A_1685 = arith.addf %add3A_1610, %mul3A_1684 : vector<16xf32>
        %sub3A_1686 = arith.subf %broadcast_in_dim3A_1661, %add3A_1613 : vector<16xf32>
        %mul3A_1687 = arith.mulf %select_n3A_1676, %sub3A_1686 : vector<16xf32>
        %add3A_1688 = arith.addf %add3A_1613, %mul3A_1687 : vector<16xf32>
        %sub3A_1689 = arith.subf %mul3A_1670, %add3A_1616 : vector<16xf32>
        %mul3A_1690 = arith.mulf %select_n3A_1676, %sub3A_1689 : vector<16xf32>
        %add3A_1691 = arith.addf %add3A_1616, %mul3A_1690 : vector<16xf32>
        %convert_element_type3A_1692 = arith.fptosi %squeeze3A_1623 : f32 to i32
        %add3A_1693 = arith.addi %add3A_1618, %convert_element_type3A_1692 : i32
        %get3A_1694 = arith.constant 176 : index
        %get3A_1695 = tpu.vector_load %arg24[%get3A_1694] {strides = array<i32>} : memref<512xf32, #tpu.memory_space<vmem>>, vector<16xf32>,
        %get3A_1696 = vector.shape_cast %get3A_1695 : vector<16xf32> to vector<16xf32>
        %slice3A_1697 = vector.extract_strided_slice %mul3A_1629 {offsets = [5], sizes = [1], strides = [1]} : vector<16xf32> to vector<1xf32>
        %squeeze3A_1698 = vector.extract %slice3A_1697[0] : f32 from vector<1xf32>
        %broadcast_in_dim3A_1699 = vector.broadcast %squeeze3A_1698 : f32 to vector<16xf32>
        %mul3A_1700 = arith.mulf %get3A_1696, %broadcast_in_dim3A_1699 : vector<16xf32>
        %sub3A_1701 = arith.constant 1.000000e+00 : f32
        %sub3A_1702 = vector.broadcast %sub3A_1701 : f32 to vector<16xf32>
        %sub3A_1703 = arith.subf %sub3A_1702, %mul3A_1700 : vector<16xf32>
        %mul3A_1704 = arith.mulf %mul3A_1629, %sub3A_1703 : vector<16xf32>
        %add3A_1705 = arith.constant 5 : i32
        %add3A_1706 = arith.addi %mul3A_1072, %add3A_1705 : i32
        %get3A_1707 = arith.index_cast %add3A_1706 : i32 to index
        %get3A_1708 = tpu.vector_load %arg12[%get3A_1707] {strides = array<i32>} : memref<5136xf32, #tpu.memory_space<vmem>>, vector<16xf32>,
        %get3A_1709 = vector.shape_cast %get3A_1708 : vector<16xf32> to vector<16xf32>
        %slice3A_1710 = vector.extract_strided_slice %get3A_1709 {offsets = [0], sizes = [1], strides = [1]} : vector<16xf32> to vector<1xf32>
        %squeeze3A_1711 = vector.extract %slice3A_1710[0] : f32 from vector<1xf32>
        %broadcast_in_dim3A_1712 = vector.broadcast %squeeze3A_1711 : f32 to vector<16xf32>
        %add3A_1713 = arith.constant 5 : i32
        %add3A_1714 = arith.addi %mul3A_1072, %add3A_1713 : i32
        %get3A_1715 = arith.index_cast %add3A_1714 : i32 to index
        %get3A_1716 = tpu.vector_load %arg13[%get3A_1715] {strides = array<i32>} : memref<5136xf32, #tpu.memory_space<vmem>>, vector<16xf32>,
        %get3A_1717 = vector.shape_cast %get3A_1716 : vector<16xf32> to vector<16xf32>
        %slice3A_1718 = vector.extract_strided_slice %get3A_1717 {offsets = [0], sizes = [1], strides = [1]} : vector<16xf32> to vector<1xf32>
        %squeeze3A_1719 = vector.extract %slice3A_1718[0] : f32 from vector<1xf32>
        %broadcast_in_dim3A_1720 = vector.broadcast %squeeze3A_1719 : f32 to vector<16xf32>
        %add3A_1721 = arith.constant 5 : i32
        %add3A_1722 = arith.addi %mul3A_1072, %add3A_1721 : i32
        %get3A_1723 = arith.index_cast %add3A_1722 : i32 to index
        %get3A_1724 = tpu.vector_load %arg14[%get3A_1723] {strides = array<i32>} : memref<5136xf32, #tpu.memory_space<vmem>>, vector<16xf32>,
        %get3A_1725 = vector.shape_cast %get3A_1724 : vector<16xf32> to vector<16xf32>
        %slice3A_1726 = vector.extract_strided_slice %get3A_1725 {offsets = [0], sizes = [1], strides = [1]} : vector<16xf32> to vector<1xf32>
        %squeeze3A_1727 = vector.extract %slice3A_1726[0] : f32 from vector<1xf32>
        %broadcast_in_dim3A_1728 = vector.broadcast %squeeze3A_1727 : f32 to vector<16xf32>
        %add3A_1729 = arith.constant 5 : i32
        %add3A_1730 = arith.addi %mul3A_1072, %add3A_1729 : i32
        %get3A_1731 = arith.index_cast %add3A_1730 : i32 to index
        %get3A_1732 = tpu.vector_load %arg15[%get3A_1731] {strides = array<i32>} : memref<5136xf32, #tpu.memory_space<vmem>>, vector<16xf32>,
        %get3A_1733 = vector.shape_cast %get3A_1732 : vector<16xf32> to vector<16xf32>
        %slice3A_1734 = vector.extract_strided_slice %get3A_1733 {offsets = [0], sizes = [1], strides = [1]} : vector<16xf32> to vector<1xf32>
        %squeeze3A_1735 = vector.extract %slice3A_1734[0] : f32 from vector<1xf32>
        %broadcast_in_dim3A_1736 = vector.broadcast %squeeze3A_1735 : f32 to vector<16xf32>
        %sub3A_1737 = arith.subf %broadcast_in_dim3A_1728, %broadcast_in_dim3A_1712 : vector<16xf32>
        %max3A_1738 = arith.constant 0.000000e+00 : f32
        %max3A_1739 = vector.broadcast %max3A_1738 : f32 to vector<16xf32>
        %max3A_1740 = arith.maximumf %sub3A_1737, %max3A_1739 : vector<16xf32>
        %sub3A_1741 = arith.subf %broadcast_in_dim3A_1736, %broadcast_in_dim3A_1720 : vector<16xf32>
        %max3A_1742 = arith.constant 0.000000e+00 : f32
        %max3A_1743 = vector.broadcast %max3A_1742 : f32 to vector<16xf32>
        %max3A_1744 = arith.maximumf %sub3A_1741, %max3A_1743 : vector<16xf32>
        %mul3A_1745 = arith.mulf %max3A_1740, %max3A_1744 : vector<16xf32>
        %broadcast_in_dim3A_1746 = vector.broadcast %add3A_1693 : i32 to vector<16xi32>
        %eq3A_1747 = arith.cmpi eq, %iota3A, %broadcast_in_dim3A_1746 : vector<16xi32>
        %jit3A_1748 = arith.constant 0.000000e+00 : f32
        %broadcast_in_dim3A_1749 = vector.broadcast %squeeze3A_1698 : f32 to vector<16xf32>
        %broadcast_in_dim3A_1750 = vector.broadcast %jit3A_1748 : f32 to vector<16xf32>
        %select_n3A_1751 = arith.select %eq3A_1747, %broadcast_in_dim3A_1749, %broadcast_in_dim3A_1750 : vector<16xi1>, vector<16xf32>
        %sub3A_1752 = arith.subf %broadcast_in_dim3A_1712, %add3A_1679 : vector<16xf32>
        %mul3A_1753 = arith.mulf %select_n3A_1751, %sub3A_1752 : vector<16xf32>
        %add3A_1754 = arith.addf %add3A_1679, %mul3A_1753 : vector<16xf32>
        %sub3A_1755 = arith.subf %broadcast_in_dim3A_1720, %add3A_1682 : vector<16xf32>
        %mul3A_1756 = arith.mulf %select_n3A_1751, %sub3A_1755 : vector<16xf32>
        %add3A_1757 = arith.addf %add3A_1682, %mul3A_1756 : vector<16xf32>
        %sub3A_1758 = arith.subf %broadcast_in_dim3A_1728, %add3A_1685 : vector<16xf32>
        %mul3A_1759 = arith.mulf %select_n3A_1751, %sub3A_1758 : vector<16xf32>
        %add3A_1760 = arith.addf %add3A_1685, %mul3A_1759 : vector<16xf32>
        %sub3A_1761 = arith.subf %broadcast_in_dim3A_1736, %add3A_1688 : vector<16xf32>
        %mul3A_1762 = arith.mulf %select_n3A_1751, %sub3A_1761 : vector<16xf32>
        %add3A_1763 = arith.addf %add3A_1688, %mul3A_1762 : vector<16xf32>
        %sub3A_1764 = arith.subf %mul3A_1745, %add3A_1691 : vector<16xf32>
        %mul3A_1765 = arith.mulf %select_n3A_1751, %sub3A_1764 : vector<16xf32>
        %add3A_1766 = arith.addf %add3A_1691, %mul3A_1765 : vector<16xf32>
        %convert_element_type3A_1767 = arith.fptosi %squeeze3A_1698 : f32 to i32
        %add3A_1768 = arith.addi %add3A_1693, %convert_element_type3A_1767 : i32
        %get3A_1769 = arith.constant 208 : index
        %get3A_1770 = tpu.vector_load %arg24[%get3A_1769] {strides = array<i32>} : memref<512xf32, #tpu.memory_space<vmem>>, vector<16xf32>,
        %get3A_1771 = vector.shape_cast %get3A_1770 : vector<16xf32> to vector<16xf32>
        %slice3A_1772 = vector.extract_strided_slice %mul3A_1704 {offsets = [6], sizes = [1], strides = [1]} : vector<16xf32> to vector<1xf32>
        %squeeze3A_1773 = vector.extract %slice3A_1772[0] : f32 from vector<1xf32>
        %broadcast_in_dim3A_1774 = vector.broadcast %squeeze3A_1773 : f32 to vector<16xf32>
        %mul3A_1775 = arith.mulf %get3A_1771, %broadcast_in_dim3A_1774 : vector<16xf32>
        %sub3A_1776 = arith.constant 1.000000e+00 : f32
        %sub3A_1777 = vector.broadcast %sub3A_1776 : f32 to vector<16xf32>
        %sub3A_1778 = arith.subf %sub3A_1777, %mul3A_1775 : vector<16xf32>
        %mul3A_1779 = arith.mulf %mul3A_1704, %sub3A_1778 : vector<16xf32>
        %add3A_1780 = arith.constant 6 : i32
        %add3A_1781 = arith.addi %mul3A_1072, %add3A_1780 : i32
        %get3A_1782 = arith.index_cast %add3A_1781 : i32 to index
        %get3A_1783 = tpu.vector_load %arg12[%get3A_1782] {strides = array<i32>} : memref<5136xf32, #tpu.memory_space<vmem>>, vector<16xf32>,
        %get3A_1784 = vector.shape_cast %get3A_1783 : vector<16xf32> to vector<16xf32>
        %slice3A_1785 = vector.extract_strided_slice %get3A_1784 {offsets = [0], sizes = [1], strides = [1]} : vector<16xf32> to vector<1xf32>
        %squeeze3A_1786 = vector.extract %slice3A_1785[0] : f32 from vector<1xf32>
        %broadcast_in_dim3A_1787 = vector.broadcast %squeeze3A_1786 : f32 to vector<16xf32>
        %add3A_1788 = arith.constant 6 : i32
        %add3A_1789 = arith.addi %mul3A_1072, %add3A_1788 : i32
        %get3A_1790 = arith.index_cast %add3A_1789 : i32 to index
        %get3A_1791 = tpu.vector_load %arg13[%get3A_1790] {strides = array<i32>} : memref<5136xf32, #tpu.memory_space<vmem>>, vector<16xf32>,
        %get3A_1792 = vector.shape_cast %get3A_1791 : vector<16xf32> to vector<16xf32>
        %slice3A_1793 = vector.extract_strided_slice %get3A_1792 {offsets = [0], sizes = [1], strides = [1]} : vector<16xf32> to vector<1xf32>
        %squeeze3A_1794 = vector.extract %slice3A_1793[0] : f32 from vector<1xf32>
        %broadcast_in_dim3A_1795 = vector.broadcast %squeeze3A_1794 : f32 to vector<16xf32>
        %add3A_1796 = arith.constant 6 : i32
        %add3A_1797 = arith.addi %mul3A_1072, %add3A_1796 : i32
        %get3A_1798 = arith.index_cast %add3A_1797 : i32 to index
        %get3A_1799 = tpu.vector_load %arg14[%get3A_1798] {strides = array<i32>} : memref<5136xf32, #tpu.memory_space<vmem>>, vector<16xf32>,
        %get3A_1800 = vector.shape_cast %get3A_1799 : vector<16xf32> to vector<16xf32>
        %slice3A_1801 = vector.extract_strided_slice %get3A_1800 {offsets = [0], sizes = [1], strides = [1]} : vector<16xf32> to vector<1xf32>
        %squeeze3A_1802 = vector.extract %slice3A_1801[0] : f32 from vector<1xf32>
        %broadcast_in_dim3A_1803 = vector.broadcast %squeeze3A_1802 : f32 to vector<16xf32>
        %add3A_1804 = arith.constant 6 : i32
        %add3A_1805 = arith.addi %mul3A_1072, %add3A_1804 : i32
        %get3A_1806 = arith.index_cast %add3A_1805 : i32 to index
        %get3A_1807 = tpu.vector_load %arg15[%get3A_1806] {strides = array<i32>} : memref<5136xf32, #tpu.memory_space<vmem>>, vector<16xf32>,
        %get3A_1808 = vector.shape_cast %get3A_1807 : vector<16xf32> to vector<16xf32>
        %slice3A_1809 = vector.extract_strided_slice %get3A_1808 {offsets = [0], sizes = [1], strides = [1]} : vector<16xf32> to vector<1xf32>
        %squeeze3A_1810 = vector.extract %slice3A_1809[0] : f32 from vector<1xf32>
        %broadcast_in_dim3A_1811 = vector.broadcast %squeeze3A_1810 : f32 to vector<16xf32>
        %sub3A_1812 = arith.subf %broadcast_in_dim3A_1803, %broadcast_in_dim3A_1787 : vector<16xf32>
        %max3A_1813 = arith.constant 0.000000e+00 : f32
        %max3A_1814 = vector.broadcast %max3A_1813 : f32 to vector<16xf32>
        %max3A_1815 = arith.maximumf %sub3A_1812, %max3A_1814 : vector<16xf32>
        %sub3A_1816 = arith.subf %broadcast_in_dim3A_1811, %broadcast_in_dim3A_1795 : vector<16xf32>
        %max3A_1817 = arith.constant 0.000000e+00 : f32
        %max3A_1818 = vector.broadcast %max3A_1817 : f32 to vector<16xf32>
        %max3A_1819 = arith.maximumf %sub3A_1816, %max3A_1818 : vector<16xf32>
        %mul3A_1820 = arith.mulf %max3A_1815, %max3A_1819 : vector<16xf32>
        %broadcast_in_dim3A_1821 = vector.broadcast %add3A_1768 : i32 to vector<16xi32>
        %eq3A_1822 = arith.cmpi eq, %iota3A, %broadcast_in_dim3A_1821 : vector<16xi32>
        %jit3A_1823 = arith.constant 0.000000e+00 : f32
        %broadcast_in_dim3A_1824 = vector.broadcast %squeeze3A_1773 : f32 to vector<16xf32>
        %broadcast_in_dim3A_1825 = vector.broadcast %jit3A_1823 : f32 to vector<16xf32>
        %select_n3A_1826 = arith.select %eq3A_1822, %broadcast_in_dim3A_1824, %broadcast_in_dim3A_1825 : vector<16xi1>, vector<16xf32>
        %sub3A_1827 = arith.subf %broadcast_in_dim3A_1787, %add3A_1754 : vector<16xf32>
        %mul3A_1828 = arith.mulf %select_n3A_1826, %sub3A_1827 : vector<16xf32>
        %add3A_1829 = arith.addf %add3A_1754, %mul3A_1828 : vector<16xf32>
        %sub3A_1830 = arith.subf %broadcast_in_dim3A_1795, %add3A_1757 : vector<16xf32>
        %mul3A_1831 = arith.mulf %select_n3A_1826, %sub3A_1830 : vector<16xf32>
        %add3A_1832 = arith.addf %add3A_1757, %mul3A_1831 : vector<16xf32>
        %sub3A_1833 = arith.subf %broadcast_in_dim3A_1803, %add3A_1760 : vector<16xf32>
        %mul3A_1834 = arith.mulf %select_n3A_1826, %sub3A_1833 : vector<16xf32>
        %add3A_1835 = arith.addf %add3A_1760, %mul3A_1834 : vector<16xf32>
        %sub3A_1836 = arith.subf %broadcast_in_dim3A_1811, %add3A_1763 : vector<16xf32>
        %mul3A_1837 = arith.mulf %select_n3A_1826, %sub3A_1836 : vector<16xf32>
        %add3A_1838 = arith.addf %add3A_1763, %mul3A_1837 : vector<16xf32>
        %sub3A_1839 = arith.subf %mul3A_1820, %add3A_1766 : vector<16xf32>
        %mul3A_1840 = arith.mulf %select_n3A_1826, %sub3A_1839 : vector<16xf32>
        %add3A_1841 = arith.addf %add3A_1766, %mul3A_1840 : vector<16xf32>
        %convert_element_type3A_1842 = arith.fptosi %squeeze3A_1773 : f32 to i32
        %add3A_1843 = arith.addi %add3A_1768, %convert_element_type3A_1842 : i32
        %get3A_1844 = arith.constant 240 : index
        %get3A_1845 = tpu.vector_load %arg24[%get3A_1844] {strides = array<i32>} : memref<512xf32, #tpu.memory_space<vmem>>, vector<16xf32>,
        %get3A_1846 = vector.shape_cast %get3A_1845 : vector<16xf32> to vector<16xf32>
        %slice3A_1847 = vector.extract_strided_slice %mul3A_1779 {offsets = [7], sizes = [1], strides = [1]} : vector<16xf32> to vector<1xf32>
        %squeeze3A_1848 = vector.extract %slice3A_1847[0] : f32 from vector<1xf32>
        %broadcast_in_dim3A_1849 = vector.broadcast %squeeze3A_1848 : f32 to vector<16xf32>
        %mul3A_1850 = arith.mulf %get3A_1846, %broadcast_in_dim3A_1849 : vector<16xf32>
        %sub3A_1851 = arith.constant 1.000000e+00 : f32
        %sub3A_1852 = vector.broadcast %sub3A_1851 : f32 to vector<16xf32>
        %sub3A_1853 = arith.subf %sub3A_1852, %mul3A_1850 : vector<16xf32>
        %mul3A_1854 = arith.mulf %mul3A_1779, %sub3A_1853 : vector<16xf32>
        %add3A_1855 = arith.constant 7 : i32
        %add3A_1856 = arith.addi %mul3A_1072, %add3A_1855 : i32
        %get3A_1857 = arith.index_cast %add3A_1856 : i32 to index
        %get3A_1858 = tpu.vector_load %arg12[%get3A_1857] {strides = array<i32>} : memref<5136xf32, #tpu.memory_space<vmem>>, vector<16xf32>,
        %get3A_1859 = vector.shape_cast %get3A_1858 : vector<16xf32> to vector<16xf32>
        %slice3A_1860 = vector.extract_strided_slice %get3A_1859 {offsets = [0], sizes = [1], strides = [1]} : vector<16xf32> to vector<1xf32>
        %squeeze3A_1861 = vector.extract %slice3A_1860[0] : f32 from vector<1xf32>
        %broadcast_in_dim3A_1862 = vector.broadcast %squeeze3A_1861 : f32 to vector<16xf32>
        %add3A_1863 = arith.constant 7 : i32
        %add3A_1864 = arith.addi %mul3A_1072, %add3A_1863 : i32
        %get3A_1865 = arith.index_cast %add3A_1864 : i32 to index
        %get3A_1866 = tpu.vector_load %arg13[%get3A_1865] {strides = array<i32>} : memref<5136xf32, #tpu.memory_space<vmem>>, vector<16xf32>,
        %get3A_1867 = vector.shape_cast %get3A_1866 : vector<16xf32> to vector<16xf32>
        %slice3A_1868 = vector.extract_strided_slice %get3A_1867 {offsets = [0], sizes = [1], strides = [1]} : vector<16xf32> to vector<1xf32>
        %squeeze3A_1869 = vector.extract %slice3A_1868[0] : f32 from vector<1xf32>
        %broadcast_in_dim3A_1870 = vector.broadcast %squeeze3A_1869 : f32 to vector<16xf32>
        %add3A_1871 = arith.constant 7 : i32
        %add3A_1872 = arith.addi %mul3A_1072, %add3A_1871 : i32
        %get3A_1873 = arith.index_cast %add3A_1872 : i32 to index
        %get3A_1874 = tpu.vector_load %arg14[%get3A_1873] {strides = array<i32>} : memref<5136xf32, #tpu.memory_space<vmem>>, vector<16xf32>,
        %get3A_1875 = vector.shape_cast %get3A_1874 : vector<16xf32> to vector<16xf32>
        %slice3A_1876 = vector.extract_strided_slice %get3A_1875 {offsets = [0], sizes = [1], strides = [1]} : vector<16xf32> to vector<1xf32>
        %squeeze3A_1877 = vector.extract %slice3A_1876[0] : f32 from vector<1xf32>
        %broadcast_in_dim3A_1878 = vector.broadcast %squeeze3A_1877 : f32 to vector<16xf32>
        %add3A_1879 = arith.constant 7 : i32
        %add3A_1880 = arith.addi %mul3A_1072, %add3A_1879 : i32
        %get3A_1881 = arith.index_cast %add3A_1880 : i32 to index
        %get3A_1882 = tpu.vector_load %arg15[%get3A_1881] {strides = array<i32>} : memref<5136xf32, #tpu.memory_space<vmem>>, vector<16xf32>,
        %get3A_1883 = vector.shape_cast %get3A_1882 : vector<16xf32> to vector<16xf32>
        %slice3A_1884 = vector.extract_strided_slice %get3A_1883 {offsets = [0], sizes = [1], strides = [1]} : vector<16xf32> to vector<1xf32>
        %squeeze3A_1885 = vector.extract %slice3A_1884[0] : f32 from vector<1xf32>
        %broadcast_in_dim3A_1886 = vector.broadcast %squeeze3A_1885 : f32 to vector<16xf32>
        %sub3A_1887 = arith.subf %broadcast_in_dim3A_1878, %broadcast_in_dim3A_1862 : vector<16xf32>
        %max3A_1888 = arith.constant 0.000000e+00 : f32
        %max3A_1889 = vector.broadcast %max3A_1888 : f32 to vector<16xf32>
        %max3A_1890 = arith.maximumf %sub3A_1887, %max3A_1889 : vector<16xf32>
        %sub3A_1891 = arith.subf %broadcast_in_dim3A_1886, %broadcast_in_dim3A_1870 : vector<16xf32>
        %max3A_1892 = arith.constant 0.000000e+00 : f32
        %max3A_1893 = vector.broadcast %max3A_1892 : f32 to vector<16xf32>
        %max3A_1894 = arith.maximumf %sub3A_1891, %max3A_1893 : vector<16xf32>
        %mul3A_1895 = arith.mulf %max3A_1890, %max3A_1894 : vector<16xf32>
        %broadcast_in_dim3A_1896 = vector.broadcast %add3A_1843 : i32 to vector<16xi32>
        %eq3A_1897 = arith.cmpi eq, %iota3A, %broadcast_in_dim3A_1896 : vector<16xi32>
        %jit3A_1898 = arith.constant 0.000000e+00 : f32
        %broadcast_in_dim3A_1899 = vector.broadcast %squeeze3A_1848 : f32 to vector<16xf32>
        %broadcast_in_dim3A_1900 = vector.broadcast %jit3A_1898 : f32 to vector<16xf32>
        %select_n3A_1901 = arith.select %eq3A_1897, %broadcast_in_dim3A_1899, %broadcast_in_dim3A_1900 : vector<16xi1>, vector<16xf32>
        %sub3A_1902 = arith.subf %broadcast_in_dim3A_1862, %add3A_1829 : vector<16xf32>
        %mul3A_1903 = arith.mulf %select_n3A_1901, %sub3A_1902 : vector<16xf32>
        %add3A_1904 = arith.addf %add3A_1829, %mul3A_1903 : vector<16xf32>
        %sub3A_1905 = arith.subf %broadcast_in_dim3A_1870, %add3A_1832 : vector<16xf32>
        %mul3A_1906 = arith.mulf %select_n3A_1901, %sub3A_1905 : vector<16xf32>
        %add3A_1907 = arith.addf %add3A_1832, %mul3A_1906 : vector<16xf32>
        %sub3A_1908 = arith.subf %broadcast_in_dim3A_1878, %add3A_1835 : vector<16xf32>
        %mul3A_1909 = arith.mulf %select_n3A_1901, %sub3A_1908 : vector<16xf32>
        %add3A_1910 = arith.addf %add3A_1835, %mul3A_1909 : vector<16xf32>
        %sub3A_1911 = arith.subf %broadcast_in_dim3A_1886, %add3A_1838 : vector<16xf32>
        %mul3A_1912 = arith.mulf %select_n3A_1901, %sub3A_1911 : vector<16xf32>
        %add3A_1913 = arith.addf %add3A_1838, %mul3A_1912 : vector<16xf32>
        %sub3A_1914 = arith.subf %mul3A_1895, %add3A_1841 : vector<16xf32>
        %mul3A_1915 = arith.mulf %select_n3A_1901, %sub3A_1914 : vector<16xf32>
        %add3A_1916 = arith.addf %add3A_1841, %mul3A_1915 : vector<16xf32>
        %convert_element_type3A_1917 = arith.fptosi %squeeze3A_1848 : f32 to i32
        %add3A_1918 = arith.addi %add3A_1843, %convert_element_type3A_1917 : i32
        %get3A_1919 = arith.constant 272 : index
        %get3A_1920 = tpu.vector_load %arg24[%get3A_1919] {strides = array<i32>} : memref<512xf32, #tpu.memory_space<vmem>>, vector<16xf32>,
        %get3A_1921 = vector.shape_cast %get3A_1920 : vector<16xf32> to vector<16xf32>
        %slice3A_1922 = vector.extract_strided_slice %mul3A_1854 {offsets = [8], sizes = [1], strides = [1]} : vector<16xf32> to vector<1xf32>
        %squeeze3A_1923 = vector.extract %slice3A_1922[0] : f32 from vector<1xf32>
        %broadcast_in_dim3A_1924 = vector.broadcast %squeeze3A_1923 : f32 to vector<16xf32>
        %mul3A_1925 = arith.mulf %get3A_1921, %broadcast_in_dim3A_1924 : vector<16xf32>
        %sub3A_1926 = arith.constant 1.000000e+00 : f32
        %sub3A_1927 = vector.broadcast %sub3A_1926 : f32 to vector<16xf32>
        %sub3A_1928 = arith.subf %sub3A_1927, %mul3A_1925 : vector<16xf32>
        %mul3A_1929 = arith.mulf %mul3A_1854, %sub3A_1928 : vector<16xf32>
        %add3A_1930 = arith.constant 8 : i32
        %add3A_1931 = arith.addi %mul3A_1072, %add3A_1930 : i32
        %get3A_1932 = arith.index_cast %add3A_1931 : i32 to index
        %get3A_1933 = tpu.vector_load %arg12[%get3A_1932] {strides = array<i32>} : memref<5136xf32, #tpu.memory_space<vmem>>, vector<16xf32>,
        %get3A_1934 = vector.shape_cast %get3A_1933 : vector<16xf32> to vector<16xf32>
        %slice3A_1935 = vector.extract_strided_slice %get3A_1934 {offsets = [0], sizes = [1], strides = [1]} : vector<16xf32> to vector<1xf32>
        %squeeze3A_1936 = vector.extract %slice3A_1935[0] : f32 from vector<1xf32>
        %broadcast_in_dim3A_1937 = vector.broadcast %squeeze3A_1936 : f32 to vector<16xf32>
        %add3A_1938 = arith.constant 8 : i32
        %add3A_1939 = arith.addi %mul3A_1072, %add3A_1938 : i32
        %get3A_1940 = arith.index_cast %add3A_1939 : i32 to index
        %get3A_1941 = tpu.vector_load %arg13[%get3A_1940] {strides = array<i32>} : memref<5136xf32, #tpu.memory_space<vmem>>, vector<16xf32>,
        %get3A_1942 = vector.shape_cast %get3A_1941 : vector<16xf32> to vector<16xf32>
        %slice3A_1943 = vector.extract_strided_slice %get3A_1942 {offsets = [0], sizes = [1], strides = [1]} : vector<16xf32> to vector<1xf32>
        %squeeze3A_1944 = vector.extract %slice3A_1943[0] : f32 from vector<1xf32>
        %broadcast_in_dim3A_1945 = vector.broadcast %squeeze3A_1944 : f32 to vector<16xf32>
        %add3A_1946 = arith.constant 8 : i32
        %add3A_1947 = arith.addi %mul3A_1072, %add3A_1946 : i32
        %get3A_1948 = arith.index_cast %add3A_1947 : i32 to index
        %get3A_1949 = tpu.vector_load %arg14[%get3A_1948] {strides = array<i32>} : memref<5136xf32, #tpu.memory_space<vmem>>, vector<16xf32>,
        %get3A_1950 = vector.shape_cast %get3A_1949 : vector<16xf32> to vector<16xf32>
        %slice3A_1951 = vector.extract_strided_slice %get3A_1950 {offsets = [0], sizes = [1], strides = [1]} : vector<16xf32> to vector<1xf32>
        %squeeze3A_1952 = vector.extract %slice3A_1951[0] : f32 from vector<1xf32>
        %broadcast_in_dim3A_1953 = vector.broadcast %squeeze3A_1952 : f32 to vector<16xf32>
        %add3A_1954 = arith.constant 8 : i32
        %add3A_1955 = arith.addi %mul3A_1072, %add3A_1954 : i32
        %get3A_1956 = arith.index_cast %add3A_1955 : i32 to index
        %get3A_1957 = tpu.vector_load %arg15[%get3A_1956] {strides = array<i32>} : memref<5136xf32, #tpu.memory_space<vmem>>, vector<16xf32>,
        %get3A_1958 = vector.shape_cast %get3A_1957 : vector<16xf32> to vector<16xf32>
        %slice3A_1959 = vector.extract_strided_slice %get3A_1958 {offsets = [0], sizes = [1], strides = [1]} : vector<16xf32> to vector<1xf32>
        %squeeze3A_1960 = vector.extract %slice3A_1959[0] : f32 from vector<1xf32>
        %broadcast_in_dim3A_1961 = vector.broadcast %squeeze3A_1960 : f32 to vector<16xf32>
        %sub3A_1962 = arith.subf %broadcast_in_dim3A_1953, %broadcast_in_dim3A_1937 : vector<16xf32>
        %max3A_1963 = arith.constant 0.000000e+00 : f32
        %max3A_1964 = vector.broadcast %max3A_1963 : f32 to vector<16xf32>
        %max3A_1965 = arith.maximumf %sub3A_1962, %max3A_1964 : vector<16xf32>
        %sub3A_1966 = arith.subf %broadcast_in_dim3A_1961, %broadcast_in_dim3A_1945 : vector<16xf32>
        %max3A_1967 = arith.constant 0.000000e+00 : f32
        %max3A_1968 = vector.broadcast %max3A_1967 : f32 to vector<16xf32>
        %max3A_1969 = arith.maximumf %sub3A_1966, %max3A_1968 : vector<16xf32>
        %mul3A_1970 = arith.mulf %max3A_1965, %max3A_1969 : vector<16xf32>
        %broadcast_in_dim3A_1971 = vector.broadcast %add3A_1918 : i32 to vector<16xi32>
        %eq3A_1972 = arith.cmpi eq, %iota3A, %broadcast_in_dim3A_1971 : vector<16xi32>
        %jit3A_1973 = arith.constant 0.000000e+00 : f32
        %broadcast_in_dim3A_1974 = vector.broadcast %squeeze3A_1923 : f32 to vector<16xf32>
        %broadcast_in_dim3A_1975 = vector.broadcast %jit3A_1973 : f32 to vector<16xf32>
        %select_n3A_1976 = arith.select %eq3A_1972, %broadcast_in_dim3A_1974, %broadcast_in_dim3A_1975 : vector<16xi1>, vector<16xf32>
        %sub3A_1977 = arith.subf %broadcast_in_dim3A_1937, %add3A_1904 : vector<16xf32>
        %mul3A_1978 = arith.mulf %select_n3A_1976, %sub3A_1977 : vector<16xf32>
        %add3A_1979 = arith.addf %add3A_1904, %mul3A_1978 : vector<16xf32>
        %sub3A_1980 = arith.subf %broadcast_in_dim3A_1945, %add3A_1907 : vector<16xf32>
        %mul3A_1981 = arith.mulf %select_n3A_1976, %sub3A_1980 : vector<16xf32>
        %add3A_1982 = arith.addf %add3A_1907, %mul3A_1981 : vector<16xf32>
        %sub3A_1983 = arith.subf %broadcast_in_dim3A_1953, %add3A_1910 : vector<16xf32>
        %mul3A_1984 = arith.mulf %select_n3A_1976, %sub3A_1983 : vector<16xf32>
        %add3A_1985 = arith.addf %add3A_1910, %mul3A_1984 : vector<16xf32>
        %sub3A_1986 = arith.subf %broadcast_in_dim3A_1961, %add3A_1913 : vector<16xf32>
        %mul3A_1987 = arith.mulf %select_n3A_1976, %sub3A_1986 : vector<16xf32>
        %add3A_1988 = arith.addf %add3A_1913, %mul3A_1987 : vector<16xf32>
        %sub3A_1989 = arith.subf %mul3A_1970, %add3A_1916 : vector<16xf32>
        %mul3A_1990 = arith.mulf %select_n3A_1976, %sub3A_1989 : vector<16xf32>
        %add3A_1991 = arith.addf %add3A_1916, %mul3A_1990 : vector<16xf32>
        %convert_element_type3A_1992 = arith.fptosi %squeeze3A_1923 : f32 to i32
        %add3A_1993 = arith.addi %add3A_1918, %convert_element_type3A_1992 : i32
        %get3A_1994 = arith.constant 304 : index
        %get3A_1995 = tpu.vector_load %arg24[%get3A_1994] {strides = array<i32>} : memref<512xf32, #tpu.memory_space<vmem>>, vector<16xf32>,
        %get3A_1996 = vector.shape_cast %get3A_1995 : vector<16xf32> to vector<16xf32>
        %slice3A_1997 = vector.extract_strided_slice %mul3A_1929 {offsets = [9], sizes = [1], strides = [1]} : vector<16xf32> to vector<1xf32>
        %squeeze3A_1998 = vector.extract %slice3A_1997[0] : f32 from vector<1xf32>
        %broadcast_in_dim3A_1999 = vector.broadcast %squeeze3A_1998 : f32 to vector<16xf32>
        %mul3A_2000 = arith.mulf %get3A_1996, %broadcast_in_dim3A_1999 : vector<16xf32>
        %sub3A_2001 = arith.constant 1.000000e+00 : f32
        %sub3A_2002 = vector.broadcast %sub3A_2001 : f32 to vector<16xf32>
        %sub3A_2003 = arith.subf %sub3A_2002, %mul3A_2000 : vector<16xf32>
        %mul3A_2004 = arith.mulf %mul3A_1929, %sub3A_2003 : vector<16xf32>
        %add3A_2005 = arith.constant 9 : i32
        %add3A_2006 = arith.addi %mul3A_1072, %add3A_2005 : i32
        %get3A_2007 = arith.index_cast %add3A_2006 : i32 to index
        %get3A_2008 = tpu.vector_load %arg12[%get3A_2007] {strides = array<i32>} : memref<5136xf32, #tpu.memory_space<vmem>>, vector<16xf32>,
        %get3A_2009 = vector.shape_cast %get3A_2008 : vector<16xf32> to vector<16xf32>
        %slice3A_2010 = vector.extract_strided_slice %get3A_2009 {offsets = [0], sizes = [1], strides = [1]} : vector<16xf32> to vector<1xf32>
        %squeeze3A_2011 = vector.extract %slice3A_2010[0] : f32 from vector<1xf32>
        %broadcast_in_dim3A_2012 = vector.broadcast %squeeze3A_2011 : f32 to vector<16xf32>
        %add3A_2013 = arith.constant 9 : i32
        %add3A_2014 = arith.addi %mul3A_1072, %add3A_2013 : i32
        %get3A_2015 = arith.index_cast %add3A_2014 : i32 to index
        %get3A_2016 = tpu.vector_load %arg13[%get3A_2015] {strides = array<i32>} : memref<5136xf32, #tpu.memory_space<vmem>>, vector<16xf32>,
        %get3A_2017 = vector.shape_cast %get3A_2016 : vector<16xf32> to vector<16xf32>
        %slice3A_2018 = vector.extract_strided_slice %get3A_2017 {offsets = [0], sizes = [1], strides = [1]} : vector<16xf32> to vector<1xf32>
        %squeeze3A_2019 = vector.extract %slice3A_2018[0] : f32 from vector<1xf32>
        %broadcast_in_dim3A_2020 = vector.broadcast %squeeze3A_2019 : f32 to vector<16xf32>
        %add3A_2021 = arith.constant 9 : i32
        %add3A_2022 = arith.addi %mul3A_1072, %add3A_2021 : i32
        %get3A_2023 = arith.index_cast %add3A_2022 : i32 to index
        %get3A_2024 = tpu.vector_load %arg14[%get3A_2023] {strides = array<i32>} : memref<5136xf32, #tpu.memory_space<vmem>>, vector<16xf32>,
        %get3A_2025 = vector.shape_cast %get3A_2024 : vector<16xf32> to vector<16xf32>
        %slice3A_2026 = vector.extract_strided_slice %get3A_2025 {offsets = [0], sizes = [1], strides = [1]} : vector<16xf32> to vector<1xf32>
        %squeeze3A_2027 = vector.extract %slice3A_2026[0] : f32 from vector<1xf32>
        %broadcast_in_dim3A_2028 = vector.broadcast %squeeze3A_2027 : f32 to vector<16xf32>
        %add3A_2029 = arith.constant 9 : i32
        %add3A_2030 = arith.addi %mul3A_1072, %add3A_2029 : i32
        %get3A_2031 = arith.index_cast %add3A_2030 : i32 to index
        %get3A_2032 = tpu.vector_load %arg15[%get3A_2031] {strides = array<i32>} : memref<5136xf32, #tpu.memory_space<vmem>>, vector<16xf32>,
        %get3A_2033 = vector.shape_cast %get3A_2032 : vector<16xf32> to vector<16xf32>
        %slice3A_2034 = vector.extract_strided_slice %get3A_2033 {offsets = [0], sizes = [1], strides = [1]} : vector<16xf32> to vector<1xf32>
        %squeeze3A_2035 = vector.extract %slice3A_2034[0] : f32 from vector<1xf32>
        %broadcast_in_dim3A_2036 = vector.broadcast %squeeze3A_2035 : f32 to vector<16xf32>
        %sub3A_2037 = arith.subf %broadcast_in_dim3A_2028, %broadcast_in_dim3A_2012 : vector<16xf32>
        %max3A_2038 = arith.constant 0.000000e+00 : f32
        %max3A_2039 = vector.broadcast %max3A_2038 : f32 to vector<16xf32>
        %max3A_2040 = arith.maximumf %sub3A_2037, %max3A_2039 : vector<16xf32>
        %sub3A_2041 = arith.subf %broadcast_in_dim3A_2036, %broadcast_in_dim3A_2020 : vector<16xf32>
        %max3A_2042 = arith.constant 0.000000e+00 : f32
        %max3A_2043 = vector.broadcast %max3A_2042 : f32 to vector<16xf32>
        %max3A_2044 = arith.maximumf %sub3A_2041, %max3A_2043 : vector<16xf32>
        %mul3A_2045 = arith.mulf %max3A_2040, %max3A_2044 : vector<16xf32>
        %broadcast_in_dim3A_2046 = vector.broadcast %add3A_1993 : i32 to vector<16xi32>
        %eq3A_2047 = arith.cmpi eq, %iota3A, %broadcast_in_dim3A_2046 : vector<16xi32>
        %jit3A_2048 = arith.constant 0.000000e+00 : f32
        %broadcast_in_dim3A_2049 = vector.broadcast %squeeze3A_1998 : f32 to vector<16xf32>
        %broadcast_in_dim3A_2050 = vector.broadcast %jit3A_2048 : f32 to vector<16xf32>
        %select_n3A_2051 = arith.select %eq3A_2047, %broadcast_in_dim3A_2049, %broadcast_in_dim3A_2050 : vector<16xi1>, vector<16xf32>
        %sub3A_2052 = arith.subf %broadcast_in_dim3A_2012, %add3A_1979 : vector<16xf32>
        %mul3A_2053 = arith.mulf %select_n3A_2051, %sub3A_2052 : vector<16xf32>
        %add3A_2054 = arith.addf %add3A_1979, %mul3A_2053 : vector<16xf32>
        %sub3A_2055 = arith.subf %broadcast_in_dim3A_2020, %add3A_1982 : vector<16xf32>
        %mul3A_2056 = arith.mulf %select_n3A_2051, %sub3A_2055 : vector<16xf32>
        %add3A_2057 = arith.addf %add3A_1982, %mul3A_2056 : vector<16xf32>
        %sub3A_2058 = arith.subf %broadcast_in_dim3A_2028, %add3A_1985 : vector<16xf32>
        %mul3A_2059 = arith.mulf %select_n3A_2051, %sub3A_2058 : vector<16xf32>
        %add3A_2060 = arith.addf %add3A_1985, %mul3A_2059 : vector<16xf32>
        %sub3A_2061 = arith.subf %broadcast_in_dim3A_2036, %add3A_1988 : vector<16xf32>
        %mul3A_2062 = arith.mulf %select_n3A_2051, %sub3A_2061 : vector<16xf32>
        %add3A_2063 = arith.addf %add3A_1988, %mul3A_2062 : vector<16xf32>
        %sub3A_2064 = arith.subf %mul3A_2045, %add3A_1991 : vector<16xf32>
        %mul3A_2065 = arith.mulf %select_n3A_2051, %sub3A_2064 : vector<16xf32>
        %add3A_2066 = arith.addf %add3A_1991, %mul3A_2065 : vector<16xf32>
        %convert_element_type3A_2067 = arith.fptosi %squeeze3A_1998 : f32 to i32
        %add3A_2068 = arith.addi %add3A_1993, %convert_element_type3A_2067 : i32
        %get3A_2069 = arith.constant 336 : index
        %get3A_2070 = tpu.vector_load %arg24[%get3A_2069] {strides = array<i32>} : memref<512xf32, #tpu.memory_space<vmem>>, vector<16xf32>,
        %get3A_2071 = vector.shape_cast %get3A_2070 : vector<16xf32> to vector<16xf32>
        %slice3A_2072 = vector.extract_strided_slice %mul3A_2004 {offsets = [10], sizes = [1], strides = [1]} : vector<16xf32> to vector<1xf32>
        %squeeze3A_2073 = vector.extract %slice3A_2072[0] : f32 from vector<1xf32>
        %broadcast_in_dim3A_2074 = vector.broadcast %squeeze3A_2073 : f32 to vector<16xf32>
        %mul3A_2075 = arith.mulf %get3A_2071, %broadcast_in_dim3A_2074 : vector<16xf32>
        %sub3A_2076 = arith.constant 1.000000e+00 : f32
        %sub3A_2077 = vector.broadcast %sub3A_2076 : f32 to vector<16xf32>
        %sub3A_2078 = arith.subf %sub3A_2077, %mul3A_2075 : vector<16xf32>
        %mul3A_2079 = arith.mulf %mul3A_2004, %sub3A_2078 : vector<16xf32>
        %add3A_2080 = arith.constant 10 : i32
        %add3A_2081 = arith.addi %mul3A_1072, %add3A_2080 : i32
        %get3A_2082 = arith.index_cast %add3A_2081 : i32 to index
        %get3A_2083 = tpu.vector_load %arg12[%get3A_2082] {strides = array<i32>} : memref<5136xf32, #tpu.memory_space<vmem>>, vector<16xf32>,
        %get3A_2084 = vector.shape_cast %get3A_2083 : vector<16xf32> to vector<16xf32>
        %slice3A_2085 = vector.extract_strided_slice %get3A_2084 {offsets = [0], sizes = [1], strides = [1]} : vector<16xf32> to vector<1xf32>
        %squeeze3A_2086 = vector.extract %slice3A_2085[0] : f32 from vector<1xf32>
        %broadcast_in_dim3A_2087 = vector.broadcast %squeeze3A_2086 : f32 to vector<16xf32>
        %add3A_2088 = arith.constant 10 : i32
        %add3A_2089 = arith.addi %mul3A_1072, %add3A_2088 : i32
        %get3A_2090 = arith.index_cast %add3A_2089 : i32 to index
        %get3A_2091 = tpu.vector_load %arg13[%get3A_2090] {strides = array<i32>} : memref<5136xf32, #tpu.memory_space<vmem>>, vector<16xf32>,
        %get3A_2092 = vector.shape_cast %get3A_2091 : vector<16xf32> to vector<16xf32>
        %slice3A_2093 = vector.extract_strided_slice %get3A_2092 {offsets = [0], sizes = [1], strides = [1]} : vector<16xf32> to vector<1xf32>
        %squeeze3A_2094 = vector.extract %slice3A_2093[0] : f32 from vector<1xf32>
        %broadcast_in_dim3A_2095 = vector.broadcast %squeeze3A_2094 : f32 to vector<16xf32>
        %add3A_2096 = arith.constant 10 : i32
        %add3A_2097 = arith.addi %mul3A_1072, %add3A_2096 : i32
        %get3A_2098 = arith.index_cast %add3A_2097 : i32 to index
        %get3A_2099 = tpu.vector_load %arg14[%get3A_2098] {strides = array<i32>} : memref<5136xf32, #tpu.memory_space<vmem>>, vector<16xf32>,
        %get3A_2100 = vector.shape_cast %get3A_2099 : vector<16xf32> to vector<16xf32>
        %slice3A_2101 = vector.extract_strided_slice %get3A_2100 {offsets = [0], sizes = [1], strides = [1]} : vector<16xf32> to vector<1xf32>
        %squeeze3A_2102 = vector.extract %slice3A_2101[0] : f32 from vector<1xf32>
        %broadcast_in_dim3A_2103 = vector.broadcast %squeeze3A_2102 : f32 to vector<16xf32>
        %add3A_2104 = arith.constant 10 : i32
        %add3A_2105 = arith.addi %mul3A_1072, %add3A_2104 : i32
        %get3A_2106 = arith.index_cast %add3A_2105 : i32 to index
        %get3A_2107 = tpu.vector_load %arg15[%get3A_2106] {strides = array<i32>} : memref<5136xf32, #tpu.memory_space<vmem>>, vector<16xf32>,
        %get3A_2108 = vector.shape_cast %get3A_2107 : vector<16xf32> to vector<16xf32>
        %slice3A_2109 = vector.extract_strided_slice %get3A_2108 {offsets = [0], sizes = [1], strides = [1]} : vector<16xf32> to vector<1xf32>
        %squeeze3A_2110 = vector.extract %slice3A_2109[0] : f32 from vector<1xf32>
        %broadcast_in_dim3A_2111 = vector.broadcast %squeeze3A_2110 : f32 to vector<16xf32>
        %sub3A_2112 = arith.subf %broadcast_in_dim3A_2103, %broadcast_in_dim3A_2087 : vector<16xf32>
        %max3A_2113 = arith.constant 0.000000e+00 : f32
        %max3A_2114 = vector.broadcast %max3A_2113 : f32 to vector<16xf32>
        %max3A_2115 = arith.maximumf %sub3A_2112, %max3A_2114 : vector<16xf32>
        %sub3A_2116 = arith.subf %broadcast_in_dim3A_2111, %broadcast_in_dim3A_2095 : vector<16xf32>
        %max3A_2117 = arith.constant 0.000000e+00 : f32
        %max3A_2118 = vector.broadcast %max3A_2117 : f32 to vector<16xf32>
        %max3A_2119 = arith.maximumf %sub3A_2116, %max3A_2118 : vector<16xf32>
        %mul3A_2120 = arith.mulf %max3A_2115, %max3A_2119 : vector<16xf32>
        %broadcast_in_dim3A_2121 = vector.broadcast %add3A_2068 : i32 to vector<16xi32>
        %eq3A_2122 = arith.cmpi eq, %iota3A, %broadcast_in_dim3A_2121 : vector<16xi32>
        %jit3A_2123 = arith.constant 0.000000e+00 : f32
        %broadcast_in_dim3A_2124 = vector.broadcast %squeeze3A_2073 : f32 to vector<16xf32>
        %broadcast_in_dim3A_2125 = vector.broadcast %jit3A_2123 : f32 to vector<16xf32>
        %select_n3A_2126 = arith.select %eq3A_2122, %broadcast_in_dim3A_2124, %broadcast_in_dim3A_2125 : vector<16xi1>, vector<16xf32>
        %sub3A_2127 = arith.subf %broadcast_in_dim3A_2087, %add3A_2054 : vector<16xf32>
        %mul3A_2128 = arith.mulf %select_n3A_2126, %sub3A_2127 : vector<16xf32>
        %add3A_2129 = arith.addf %add3A_2054, %mul3A_2128 : vector<16xf32>
        %sub3A_2130 = arith.subf %broadcast_in_dim3A_2095, %add3A_2057 : vector<16xf32>
        %mul3A_2131 = arith.mulf %select_n3A_2126, %sub3A_2130 : vector<16xf32>
        %add3A_2132 = arith.addf %add3A_2057, %mul3A_2131 : vector<16xf32>
        %sub3A_2133 = arith.subf %broadcast_in_dim3A_2103, %add3A_2060 : vector<16xf32>
        %mul3A_2134 = arith.mulf %select_n3A_2126, %sub3A_2133 : vector<16xf32>
        %add3A_2135 = arith.addf %add3A_2060, %mul3A_2134 : vector<16xf32>
        %sub3A_2136 = arith.subf %broadcast_in_dim3A_2111, %add3A_2063 : vector<16xf32>
        %mul3A_2137 = arith.mulf %select_n3A_2126, %sub3A_2136 : vector<16xf32>
        %add3A_2138 = arith.addf %add3A_2063, %mul3A_2137 : vector<16xf32>
        %sub3A_2139 = arith.subf %mul3A_2120, %add3A_2066 : vector<16xf32>
        %mul3A_2140 = arith.mulf %select_n3A_2126, %sub3A_2139 : vector<16xf32>
        %add3A_2141 = arith.addf %add3A_2066, %mul3A_2140 : vector<16xf32>
        %convert_element_type3A_2142 = arith.fptosi %squeeze3A_2073 : f32 to i32
        %add3A_2143 = arith.addi %add3A_2068, %convert_element_type3A_2142 : i32
        %get3A_2144 = arith.constant 368 : index
        %get3A_2145 = tpu.vector_load %arg24[%get3A_2144] {strides = array<i32>} : memref<512xf32, #tpu.memory_space<vmem>>, vector<16xf32>,
        %get3A_2146 = vector.shape_cast %get3A_2145 : vector<16xf32> to vector<16xf32>
        %slice3A_2147 = vector.extract_strided_slice %mul3A_2079 {offsets = [11], sizes = [1], strides = [1]} : vector<16xf32> to vector<1xf32>
        %squeeze3A_2148 = vector.extract %slice3A_2147[0] : f32 from vector<1xf32>
        %broadcast_in_dim3A_2149 = vector.broadcast %squeeze3A_2148 : f32 to vector<16xf32>
        %mul3A_2150 = arith.mulf %get3A_2146, %broadcast_in_dim3A_2149 : vector<16xf32>
        %sub3A_2151 = arith.constant 1.000000e+00 : f32
        %sub3A_2152 = vector.broadcast %sub3A_2151 : f32 to vector<16xf32>
        %sub3A_2153 = arith.subf %sub3A_2152, %mul3A_2150 : vector<16xf32>
        %mul3A_2154 = arith.mulf %mul3A_2079, %sub3A_2153 : vector<16xf32>
        %add3A_2155 = arith.constant 11 : i32
        %add3A_2156 = arith.addi %mul3A_1072, %add3A_2155 : i32
        %get3A_2157 = arith.index_cast %add3A_2156 : i32 to index
        %get3A_2158 = tpu.vector_load %arg12[%get3A_2157] {strides = array<i32>} : memref<5136xf32, #tpu.memory_space<vmem>>, vector<16xf32>,
        %get3A_2159 = vector.shape_cast %get3A_2158 : vector<16xf32> to vector<16xf32>
        %slice3A_2160 = vector.extract_strided_slice %get3A_2159 {offsets = [0], sizes = [1], strides = [1]} : vector<16xf32> to vector<1xf32>
        %squeeze3A_2161 = vector.extract %slice3A_2160[0] : f32 from vector<1xf32>
        %broadcast_in_dim3A_2162 = vector.broadcast %squeeze3A_2161 : f32 to vector<16xf32>
        %add3A_2163 = arith.constant 11 : i32
        %add3A_2164 = arith.addi %mul3A_1072, %add3A_2163 : i32
        %get3A_2165 = arith.index_cast %add3A_2164 : i32 to index
        %get3A_2166 = tpu.vector_load %arg13[%get3A_2165] {strides = array<i32>} : memref<5136xf32, #tpu.memory_space<vmem>>, vector<16xf32>,
        %get3A_2167 = vector.shape_cast %get3A_2166 : vector<16xf32> to vector<16xf32>
        %slice3A_2168 = vector.extract_strided_slice %get3A_2167 {offsets = [0], sizes = [1], strides = [1]} : vector<16xf32> to vector<1xf32>
        %squeeze3A_2169 = vector.extract %slice3A_2168[0] : f32 from vector<1xf32>
        %broadcast_in_dim3A_2170 = vector.broadcast %squeeze3A_2169 : f32 to vector<16xf32>
        %add3A_2171 = arith.constant 11 : i32
        %add3A_2172 = arith.addi %mul3A_1072, %add3A_2171 : i32
        %get3A_2173 = arith.index_cast %add3A_2172 : i32 to index
        %get3A_2174 = tpu.vector_load %arg14[%get3A_2173] {strides = array<i32>} : memref<5136xf32, #tpu.memory_space<vmem>>, vector<16xf32>,
        %get3A_2175 = vector.shape_cast %get3A_2174 : vector<16xf32> to vector<16xf32>
        %slice3A_2176 = vector.extract_strided_slice %get3A_2175 {offsets = [0], sizes = [1], strides = [1]} : vector<16xf32> to vector<1xf32>
        %squeeze3A_2177 = vector.extract %slice3A_2176[0] : f32 from vector<1xf32>
        %broadcast_in_dim3A_2178 = vector.broadcast %squeeze3A_2177 : f32 to vector<16xf32>
        %add3A_2179 = arith.constant 11 : i32
        %add3A_2180 = arith.addi %mul3A_1072, %add3A_2179 : i32
        %get3A_2181 = arith.index_cast %add3A_2180 : i32 to index
        %get3A_2182 = tpu.vector_load %arg15[%get3A_2181] {strides = array<i32>} : memref<5136xf32, #tpu.memory_space<vmem>>, vector<16xf32>,
        %get3A_2183 = vector.shape_cast %get3A_2182 : vector<16xf32> to vector<16xf32>
        %slice3A_2184 = vector.extract_strided_slice %get3A_2183 {offsets = [0], sizes = [1], strides = [1]} : vector<16xf32> to vector<1xf32>
        %squeeze3A_2185 = vector.extract %slice3A_2184[0] : f32 from vector<1xf32>
        %broadcast_in_dim3A_2186 = vector.broadcast %squeeze3A_2185 : f32 to vector<16xf32>
        %sub3A_2187 = arith.subf %broadcast_in_dim3A_2178, %broadcast_in_dim3A_2162 : vector<16xf32>
        %max3A_2188 = arith.constant 0.000000e+00 : f32
        %max3A_2189 = vector.broadcast %max3A_2188 : f32 to vector<16xf32>
        %max3A_2190 = arith.maximumf %sub3A_2187, %max3A_2189 : vector<16xf32>
        %sub3A_2191 = arith.subf %broadcast_in_dim3A_2186, %broadcast_in_dim3A_2170 : vector<16xf32>
        %max3A_2192 = arith.constant 0.000000e+00 : f32
        %max3A_2193 = vector.broadcast %max3A_2192 : f32 to vector<16xf32>
        %max3A_2194 = arith.maximumf %sub3A_2191, %max3A_2193 : vector<16xf32>
        %mul3A_2195 = arith.mulf %max3A_2190, %max3A_2194 : vector<16xf32>
        %broadcast_in_dim3A_2196 = vector.broadcast %add3A_2143 : i32 to vector<16xi32>
        %eq3A_2197 = arith.cmpi eq, %iota3A, %broadcast_in_dim3A_2196 : vector<16xi32>
        %jit3A_2198 = arith.constant 0.000000e+00 : f32
        %broadcast_in_dim3A_2199 = vector.broadcast %squeeze3A_2148 : f32 to vector<16xf32>
        %broadcast_in_dim3A_2200 = vector.broadcast %jit3A_2198 : f32 to vector<16xf32>
        %select_n3A_2201 = arith.select %eq3A_2197, %broadcast_in_dim3A_2199, %broadcast_in_dim3A_2200 : vector<16xi1>, vector<16xf32>
        %sub3A_2202 = arith.subf %broadcast_in_dim3A_2162, %add3A_2129 : vector<16xf32>
        %mul3A_2203 = arith.mulf %select_n3A_2201, %sub3A_2202 : vector<16xf32>
        %add3A_2204 = arith.addf %add3A_2129, %mul3A_2203 : vector<16xf32>
        %sub3A_2205 = arith.subf %broadcast_in_dim3A_2170, %add3A_2132 : vector<16xf32>
        %mul3A_2206 = arith.mulf %select_n3A_2201, %sub3A_2205 : vector<16xf32>
        %add3A_2207 = arith.addf %add3A_2132, %mul3A_2206 : vector<16xf32>
        %sub3A_2208 = arith.subf %broadcast_in_dim3A_2178, %add3A_2135 : vector<16xf32>
        %mul3A_2209 = arith.mulf %select_n3A_2201, %sub3A_2208 : vector<16xf32>
        %add3A_2210 = arith.addf %add3A_2135, %mul3A_2209 : vector<16xf32>
        %sub3A_2211 = arith.subf %broadcast_in_dim3A_2186, %add3A_2138 : vector<16xf32>
        %mul3A_2212 = arith.mulf %select_n3A_2201, %sub3A_2211 : vector<16xf32>
        %add3A_2213 = arith.addf %add3A_2138, %mul3A_2212 : vector<16xf32>
        %sub3A_2214 = arith.subf %mul3A_2195, %add3A_2141 : vector<16xf32>
        %mul3A_2215 = arith.mulf %select_n3A_2201, %sub3A_2214 : vector<16xf32>
        %add3A_2216 = arith.addf %add3A_2141, %mul3A_2215 : vector<16xf32>
        %convert_element_type3A_2217 = arith.fptosi %squeeze3A_2148 : f32 to i32
        %add3A_2218 = arith.addi %add3A_2143, %convert_element_type3A_2217 : i32
        %get3A_2219 = arith.constant 400 : index
        %get3A_2220 = tpu.vector_load %arg24[%get3A_2219] {strides = array<i32>} : memref<512xf32, #tpu.memory_space<vmem>>, vector<16xf32>,
        %get3A_2221 = vector.shape_cast %get3A_2220 : vector<16xf32> to vector<16xf32>
        %slice3A_2222 = vector.extract_strided_slice %mul3A_2154 {offsets = [12], sizes = [1], strides = [1]} : vector<16xf32> to vector<1xf32>
        %squeeze3A_2223 = vector.extract %slice3A_2222[0] : f32 from vector<1xf32>
        %broadcast_in_dim3A_2224 = vector.broadcast %squeeze3A_2223 : f32 to vector<16xf32>
        %mul3A_2225 = arith.mulf %get3A_2221, %broadcast_in_dim3A_2224 : vector<16xf32>
        %sub3A_2226 = arith.constant 1.000000e+00 : f32
        %sub3A_2227 = vector.broadcast %sub3A_2226 : f32 to vector<16xf32>
        %sub3A_2228 = arith.subf %sub3A_2227, %mul3A_2225 : vector<16xf32>
        %mul3A_2229 = arith.mulf %mul3A_2154, %sub3A_2228 : vector<16xf32>
        %add3A_2230 = arith.constant 12 : i32
        %add3A_2231 = arith.addi %mul3A_1072, %add3A_2230 : i32
        %get3A_2232 = arith.index_cast %add3A_2231 : i32 to index
        %get3A_2233 = tpu.vector_load %arg12[%get3A_2232] {strides = array<i32>} : memref<5136xf32, #tpu.memory_space<vmem>>, vector<16xf32>,
        %get3A_2234 = vector.shape_cast %get3A_2233 : vector<16xf32> to vector<16xf32>
        %slice3A_2235 = vector.extract_strided_slice %get3A_2234 {offsets = [0], sizes = [1], strides = [1]} : vector<16xf32> to vector<1xf32>
        %squeeze3A_2236 = vector.extract %slice3A_2235[0] : f32 from vector<1xf32>
        %broadcast_in_dim3A_2237 = vector.broadcast %squeeze3A_2236 : f32 to vector<16xf32>
        %add3A_2238 = arith.constant 12 : i32
        %add3A_2239 = arith.addi %mul3A_1072, %add3A_2238 : i32
        %get3A_2240 = arith.index_cast %add3A_2239 : i32 to index
        %get3A_2241 = tpu.vector_load %arg13[%get3A_2240] {strides = array<i32>} : memref<5136xf32, #tpu.memory_space<vmem>>, vector<16xf32>,
        %get3A_2242 = vector.shape_cast %get3A_2241 : vector<16xf32> to vector<16xf32>
        %slice3A_2243 = vector.extract_strided_slice %get3A_2242 {offsets = [0], sizes = [1], strides = [1]} : vector<16xf32> to vector<1xf32>
        %squeeze3A_2244 = vector.extract %slice3A_2243[0] : f32 from vector<1xf32>
        %broadcast_in_dim3A_2245 = vector.broadcast %squeeze3A_2244 : f32 to vector<16xf32>
        %add3A_2246 = arith.constant 12 : i32
        %add3A_2247 = arith.addi %mul3A_1072, %add3A_2246 : i32
        %get3A_2248 = arith.index_cast %add3A_2247 : i32 to index
        %get3A_2249 = tpu.vector_load %arg14[%get3A_2248] {strides = array<i32>} : memref<5136xf32, #tpu.memory_space<vmem>>, vector<16xf32>,
        %get3A_2250 = vector.shape_cast %get3A_2249 : vector<16xf32> to vector<16xf32>
        %slice3A_2251 = vector.extract_strided_slice %get3A_2250 {offsets = [0], sizes = [1], strides = [1]} : vector<16xf32> to vector<1xf32>
        %squeeze3A_2252 = vector.extract %slice3A_2251[0] : f32 from vector<1xf32>
        %broadcast_in_dim3A_2253 = vector.broadcast %squeeze3A_2252 : f32 to vector<16xf32>
        %add3A_2254 = arith.constant 12 : i32
        %add3A_2255 = arith.addi %mul3A_1072, %add3A_2254 : i32
        %get3A_2256 = arith.index_cast %add3A_2255 : i32 to index
        %get3A_2257 = tpu.vector_load %arg15[%get3A_2256] {strides = array<i32>} : memref<5136xf32, #tpu.memory_space<vmem>>, vector<16xf32>,
        %get3A_2258 = vector.shape_cast %get3A_2257 : vector<16xf32> to vector<16xf32>
        %slice3A_2259 = vector.extract_strided_slice %get3A_2258 {offsets = [0], sizes = [1], strides = [1]} : vector<16xf32> to vector<1xf32>
        %squeeze3A_2260 = vector.extract %slice3A_2259[0] : f32 from vector<1xf32>
        %broadcast_in_dim3A_2261 = vector.broadcast %squeeze3A_2260 : f32 to vector<16xf32>
        %sub3A_2262 = arith.subf %broadcast_in_dim3A_2253, %broadcast_in_dim3A_2237 : vector<16xf32>
        %max3A_2263 = arith.constant 0.000000e+00 : f32
        %max3A_2264 = vector.broadcast %max3A_2263 : f32 to vector<16xf32>
        %max3A_2265 = arith.maximumf %sub3A_2262, %max3A_2264 : vector<16xf32>
        %sub3A_2266 = arith.subf %broadcast_in_dim3A_2261, %broadcast_in_dim3A_2245 : vector<16xf32>
        %max3A_2267 = arith.constant 0.000000e+00 : f32
        %max3A_2268 = vector.broadcast %max3A_2267 : f32 to vector<16xf32>
        %max3A_2269 = arith.maximumf %sub3A_2266, %max3A_2268 : vector<16xf32>
        %mul3A_2270 = arith.mulf %max3A_2265, %max3A_2269 : vector<16xf32>
        %broadcast_in_dim3A_2271 = vector.broadcast %add3A_2218 : i32 to vector<16xi32>
        %eq3A_2272 = arith.cmpi eq, %iota3A, %broadcast_in_dim3A_2271 : vector<16xi32>
        %jit3A_2273 = arith.constant 0.000000e+00 : f32
        %broadcast_in_dim3A_2274 = vector.broadcast %squeeze3A_2223 : f32 to vector<16xf32>
        %broadcast_in_dim3A_2275 = vector.broadcast %jit3A_2273 : f32 to vector<16xf32>
        %select_n3A_2276 = arith.select %eq3A_2272, %broadcast_in_dim3A_2274, %broadcast_in_dim3A_2275 : vector<16xi1>, vector<16xf32>
        %sub3A_2277 = arith.subf %broadcast_in_dim3A_2237, %add3A_2204 : vector<16xf32>
        %mul3A_2278 = arith.mulf %select_n3A_2276, %sub3A_2277 : vector<16xf32>
        %add3A_2279 = arith.addf %add3A_2204, %mul3A_2278 : vector<16xf32>
        %sub3A_2280 = arith.subf %broadcast_in_dim3A_2245, %add3A_2207 : vector<16xf32>
        %mul3A_2281 = arith.mulf %select_n3A_2276, %sub3A_2280 : vector<16xf32>
        %add3A_2282 = arith.addf %add3A_2207, %mul3A_2281 : vector<16xf32>
        %sub3A_2283 = arith.subf %broadcast_in_dim3A_2253, %add3A_2210 : vector<16xf32>
        %mul3A_2284 = arith.mulf %select_n3A_2276, %sub3A_2283 : vector<16xf32>
        %add3A_2285 = arith.addf %add3A_2210, %mul3A_2284 : vector<16xf32>
        %sub3A_2286 = arith.subf %broadcast_in_dim3A_2261, %add3A_2213 : vector<16xf32>
        %mul3A_2287 = arith.mulf %select_n3A_2276, %sub3A_2286 : vector<16xf32>
        %add3A_2288 = arith.addf %add3A_2213, %mul3A_2287 : vector<16xf32>
        %sub3A_2289 = arith.subf %mul3A_2270, %add3A_2216 : vector<16xf32>
        %mul3A_2290 = arith.mulf %select_n3A_2276, %sub3A_2289 : vector<16xf32>
        %add3A_2291 = arith.addf %add3A_2216, %mul3A_2290 : vector<16xf32>
        %convert_element_type3A_2292 = arith.fptosi %squeeze3A_2223 : f32 to i32
        %add3A_2293 = arith.addi %add3A_2218, %convert_element_type3A_2292 : i32
        %get3A_2294 = arith.constant 432 : index
        %get3A_2295 = tpu.vector_load %arg24[%get3A_2294] {strides = array<i32>} : memref<512xf32, #tpu.memory_space<vmem>>, vector<16xf32>,
        %get3A_2296 = vector.shape_cast %get3A_2295 : vector<16xf32> to vector<16xf32>
        %slice3A_2297 = vector.extract_strided_slice %mul3A_2229 {offsets = [13], sizes = [1], strides = [1]} : vector<16xf32> to vector<1xf32>
        %squeeze3A_2298 = vector.extract %slice3A_2297[0] : f32 from vector<1xf32>
        %broadcast_in_dim3A_2299 = vector.broadcast %squeeze3A_2298 : f32 to vector<16xf32>
        %mul3A_2300 = arith.mulf %get3A_2296, %broadcast_in_dim3A_2299 : vector<16xf32>
        %sub3A_2301 = arith.constant 1.000000e+00 : f32
        %sub3A_2302 = vector.broadcast %sub3A_2301 : f32 to vector<16xf32>
        %sub3A_2303 = arith.subf %sub3A_2302, %mul3A_2300 : vector<16xf32>
        %mul3A_2304 = arith.mulf %mul3A_2229, %sub3A_2303 : vector<16xf32>
        %add3A_2305 = arith.constant 13 : i32
        %add3A_2306 = arith.addi %mul3A_1072, %add3A_2305 : i32
        %get3A_2307 = arith.index_cast %add3A_2306 : i32 to index
        %get3A_2308 = tpu.vector_load %arg12[%get3A_2307] {strides = array<i32>} : memref<5136xf32, #tpu.memory_space<vmem>>, vector<16xf32>,
        %get3A_2309 = vector.shape_cast %get3A_2308 : vector<16xf32> to vector<16xf32>
        %slice3A_2310 = vector.extract_strided_slice %get3A_2309 {offsets = [0], sizes = [1], strides = [1]} : vector<16xf32> to vector<1xf32>
        %squeeze3A_2311 = vector.extract %slice3A_2310[0] : f32 from vector<1xf32>
        %broadcast_in_dim3A_2312 = vector.broadcast %squeeze3A_2311 : f32 to vector<16xf32>
        %add3A_2313 = arith.constant 13 : i32
        %add3A_2314 = arith.addi %mul3A_1072, %add3A_2313 : i32
        %get3A_2315 = arith.index_cast %add3A_2314 : i32 to index
        %get3A_2316 = tpu.vector_load %arg13[%get3A_2315] {strides = array<i32>} : memref<5136xf32, #tpu.memory_space<vmem>>, vector<16xf32>,
        %get3A_2317 = vector.shape_cast %get3A_2316 : vector<16xf32> to vector<16xf32>
        %slice3A_2318 = vector.extract_strided_slice %get3A_2317 {offsets = [0], sizes = [1], strides = [1]} : vector<16xf32> to vector<1xf32>
        %squeeze3A_2319 = vector.extract %slice3A_2318[0] : f32 from vector<1xf32>
        %broadcast_in_dim3A_2320 = vector.broadcast %squeeze3A_2319 : f32 to vector<16xf32>
        %add3A_2321 = arith.constant 13 : i32
        %add3A_2322 = arith.addi %mul3A_1072, %add3A_2321 : i32
        %get3A_2323 = arith.index_cast %add3A_2322 : i32 to index
        %get3A_2324 = tpu.vector_load %arg14[%get3A_2323] {strides = array<i32>} : memref<5136xf32, #tpu.memory_space<vmem>>, vector<16xf32>,
        %get3A_2325 = vector.shape_cast %get3A_2324 : vector<16xf32> to vector<16xf32>
        %slice3A_2326 = vector.extract_strided_slice %get3A_2325 {offsets = [0], sizes = [1], strides = [1]} : vector<16xf32> to vector<1xf32>
        %squeeze3A_2327 = vector.extract %slice3A_2326[0] : f32 from vector<1xf32>
        %broadcast_in_dim3A_2328 = vector.broadcast %squeeze3A_2327 : f32 to vector<16xf32>
        %add3A_2329 = arith.constant 13 : i32
        %add3A_2330 = arith.addi %mul3A_1072, %add3A_2329 : i32
        %get3A_2331 = arith.index_cast %add3A_2330 : i32 to index
        %get3A_2332 = tpu.vector_load %arg15[%get3A_2331] {strides = array<i32>} : memref<5136xf32, #tpu.memory_space<vmem>>, vector<16xf32>,
        %get3A_2333 = vector.shape_cast %get3A_2332 : vector<16xf32> to vector<16xf32>
        %slice3A_2334 = vector.extract_strided_slice %get3A_2333 {offsets = [0], sizes = [1], strides = [1]} : vector<16xf32> to vector<1xf32>
        %squeeze3A_2335 = vector.extract %slice3A_2334[0] : f32 from vector<1xf32>
        %broadcast_in_dim3A_2336 = vector.broadcast %squeeze3A_2335 : f32 to vector<16xf32>
        %sub3A_2337 = arith.subf %broadcast_in_dim3A_2328, %broadcast_in_dim3A_2312 : vector<16xf32>
        %max3A_2338 = arith.constant 0.000000e+00 : f32
        %max3A_2339 = vector.broadcast %max3A_2338 : f32 to vector<16xf32>
        %max3A_2340 = arith.maximumf %sub3A_2337, %max3A_2339 : vector<16xf32>
        %sub3A_2341 = arith.subf %broadcast_in_dim3A_2336, %broadcast_in_dim3A_2320 : vector<16xf32>
        %max3A_2342 = arith.constant 0.000000e+00 : f32
        %max3A_2343 = vector.broadcast %max3A_2342 : f32 to vector<16xf32>
        %max3A_2344 = arith.maximumf %sub3A_2341, %max3A_2343 : vector<16xf32>
        %mul3A_2345 = arith.mulf %max3A_2340, %max3A_2344 : vector<16xf32>
        %broadcast_in_dim3A_2346 = vector.broadcast %add3A_2293 : i32 to vector<16xi32>
        %eq3A_2347 = arith.cmpi eq, %iota3A, %broadcast_in_dim3A_2346 : vector<16xi32>
        %jit3A_2348 = arith.constant 0.000000e+00 : f32
        %broadcast_in_dim3A_2349 = vector.broadcast %squeeze3A_2298 : f32 to vector<16xf32>
        %broadcast_in_dim3A_2350 = vector.broadcast %jit3A_2348 : f32 to vector<16xf32>
        %select_n3A_2351 = arith.select %eq3A_2347, %broadcast_in_dim3A_2349, %broadcast_in_dim3A_2350 : vector<16xi1>, vector<16xf32>
        %sub3A_2352 = arith.subf %broadcast_in_dim3A_2312, %add3A_2279 : vector<16xf32>
        %mul3A_2353 = arith.mulf %select_n3A_2351, %sub3A_2352 : vector<16xf32>
        %add3A_2354 = arith.addf %add3A_2279, %mul3A_2353 : vector<16xf32>
        %sub3A_2355 = arith.subf %broadcast_in_dim3A_2320, %add3A_2282 : vector<16xf32>
        %mul3A_2356 = arith.mulf %select_n3A_2351, %sub3A_2355 : vector<16xf32>
        %add3A_2357 = arith.addf %add3A_2282, %mul3A_2356 : vector<16xf32>
        %sub3A_2358 = arith.subf %broadcast_in_dim3A_2328, %add3A_2285 : vector<16xf32>
        %mul3A_2359 = arith.mulf %select_n3A_2351, %sub3A_2358 : vector<16xf32>
        %add3A_2360 = arith.addf %add3A_2285, %mul3A_2359 : vector<16xf32>
        %sub3A_2361 = arith.subf %broadcast_in_dim3A_2336, %add3A_2288 : vector<16xf32>
        %mul3A_2362 = arith.mulf %select_n3A_2351, %sub3A_2361 : vector<16xf32>
        %add3A_2363 = arith.addf %add3A_2288, %mul3A_2362 : vector<16xf32>
        %sub3A_2364 = arith.subf %mul3A_2345, %add3A_2291 : vector<16xf32>
        %mul3A_2365 = arith.mulf %select_n3A_2351, %sub3A_2364 : vector<16xf32>
        %add3A_2366 = arith.addf %add3A_2291, %mul3A_2365 : vector<16xf32>
        %convert_element_type3A_2367 = arith.fptosi %squeeze3A_2298 : f32 to i32
        %add3A_2368 = arith.addi %add3A_2293, %convert_element_type3A_2367 : i32
        %get3A_2369 = arith.constant 464 : index
        %get3A_2370 = tpu.vector_load %arg24[%get3A_2369] {strides = array<i32>} : memref<512xf32, #tpu.memory_space<vmem>>, vector<16xf32>,
        %get3A_2371 = vector.shape_cast %get3A_2370 : vector<16xf32> to vector<16xf32>
        %slice3A_2372 = vector.extract_strided_slice %mul3A_2304 {offsets = [14], sizes = [1], strides = [1]} : vector<16xf32> to vector<1xf32>
        %squeeze3A_2373 = vector.extract %slice3A_2372[0] : f32 from vector<1xf32>
        %broadcast_in_dim3A_2374 = vector.broadcast %squeeze3A_2373 : f32 to vector<16xf32>
        %mul3A_2375 = arith.mulf %get3A_2371, %broadcast_in_dim3A_2374 : vector<16xf32>
        %sub3A_2376 = arith.constant 1.000000e+00 : f32
        %sub3A_2377 = vector.broadcast %sub3A_2376 : f32 to vector<16xf32>
        %sub3A_2378 = arith.subf %sub3A_2377, %mul3A_2375 : vector<16xf32>
        %mul3A_2379 = arith.mulf %mul3A_2304, %sub3A_2378 : vector<16xf32>
        %add3A_2380 = arith.constant 14 : i32
        %add3A_2381 = arith.addi %mul3A_1072, %add3A_2380 : i32
        %get3A_2382 = arith.index_cast %add3A_2381 : i32 to index
        %get3A_2383 = tpu.vector_load %arg12[%get3A_2382] {strides = array<i32>} : memref<5136xf32, #tpu.memory_space<vmem>>, vector<16xf32>,
        %get3A_2384 = vector.shape_cast %get3A_2383 : vector<16xf32> to vector<16xf32>
        %slice3A_2385 = vector.extract_strided_slice %get3A_2384 {offsets = [0], sizes = [1], strides = [1]} : vector<16xf32> to vector<1xf32>
        %squeeze3A_2386 = vector.extract %slice3A_2385[0] : f32 from vector<1xf32>
        %broadcast_in_dim3A_2387 = vector.broadcast %squeeze3A_2386 : f32 to vector<16xf32>
        %add3A_2388 = arith.constant 14 : i32
        %add3A_2389 = arith.addi %mul3A_1072, %add3A_2388 : i32
        %get3A_2390 = arith.index_cast %add3A_2389 : i32 to index
        %get3A_2391 = tpu.vector_load %arg13[%get3A_2390] {strides = array<i32>} : memref<5136xf32, #tpu.memory_space<vmem>>, vector<16xf32>,
        %get3A_2392 = vector.shape_cast %get3A_2391 : vector<16xf32> to vector<16xf32>
        %slice3A_2393 = vector.extract_strided_slice %get3A_2392 {offsets = [0], sizes = [1], strides = [1]} : vector<16xf32> to vector<1xf32>
        %squeeze3A_2394 = vector.extract %slice3A_2393[0] : f32 from vector<1xf32>
        %broadcast_in_dim3A_2395 = vector.broadcast %squeeze3A_2394 : f32 to vector<16xf32>
        %add3A_2396 = arith.constant 14 : i32
        %add3A_2397 = arith.addi %mul3A_1072, %add3A_2396 : i32
        %get3A_2398 = arith.index_cast %add3A_2397 : i32 to index
        %get3A_2399 = tpu.vector_load %arg14[%get3A_2398] {strides = array<i32>} : memref<5136xf32, #tpu.memory_space<vmem>>, vector<16xf32>,
        %get3A_2400 = vector.shape_cast %get3A_2399 : vector<16xf32> to vector<16xf32>
        %slice3A_2401 = vector.extract_strided_slice %get3A_2400 {offsets = [0], sizes = [1], strides = [1]} : vector<16xf32> to vector<1xf32>
        %squeeze3A_2402 = vector.extract %slice3A_2401[0] : f32 from vector<1xf32>
        %broadcast_in_dim3A_2403 = vector.broadcast %squeeze3A_2402 : f32 to vector<16xf32>
        %add3A_2404 = arith.constant 14 : i32
        %add3A_2405 = arith.addi %mul3A_1072, %add3A_2404 : i32
        %get3A_2406 = arith.index_cast %add3A_2405 : i32 to index
        %get3A_2407 = tpu.vector_load %arg15[%get3A_2406] {strides = array<i32>} : memref<5136xf32, #tpu.memory_space<vmem>>, vector<16xf32>,
        %get3A_2408 = vector.shape_cast %get3A_2407 : vector<16xf32> to vector<16xf32>
        %slice3A_2409 = vector.extract_strided_slice %get3A_2408 {offsets = [0], sizes = [1], strides = [1]} : vector<16xf32> to vector<1xf32>
        %squeeze3A_2410 = vector.extract %slice3A_2409[0] : f32 from vector<1xf32>
        %broadcast_in_dim3A_2411 = vector.broadcast %squeeze3A_2410 : f32 to vector<16xf32>
        %sub3A_2412 = arith.subf %broadcast_in_dim3A_2403, %broadcast_in_dim3A_2387 : vector<16xf32>
        %max3A_2413 = arith.constant 0.000000e+00 : f32
        %max3A_2414 = vector.broadcast %max3A_2413 : f32 to vector<16xf32>
        %max3A_2415 = arith.maximumf %sub3A_2412, %max3A_2414 : vector<16xf32>
        %sub3A_2416 = arith.subf %broadcast_in_dim3A_2411, %broadcast_in_dim3A_2395 : vector<16xf32>
        %max3A_2417 = arith.constant 0.000000e+00 : f32
        %max3A_2418 = vector.broadcast %max3A_2417 : f32 to vector<16xf32>
        %max3A_2419 = arith.maximumf %sub3A_2416, %max3A_2418 : vector<16xf32>
        %mul3A_2420 = arith.mulf %max3A_2415, %max3A_2419 : vector<16xf32>
        %broadcast_in_dim3A_2421 = vector.broadcast %add3A_2368 : i32 to vector<16xi32>
        %eq3A_2422 = arith.cmpi eq, %iota3A, %broadcast_in_dim3A_2421 : vector<16xi32>
        %jit3A_2423 = arith.constant 0.000000e+00 : f32
        %broadcast_in_dim3A_2424 = vector.broadcast %squeeze3A_2373 : f32 to vector<16xf32>
        %broadcast_in_dim3A_2425 = vector.broadcast %jit3A_2423 : f32 to vector<16xf32>
        %select_n3A_2426 = arith.select %eq3A_2422, %broadcast_in_dim3A_2424, %broadcast_in_dim3A_2425 : vector<16xi1>, vector<16xf32>
        %sub3A_2427 = arith.subf %broadcast_in_dim3A_2387, %add3A_2354 : vector<16xf32>
        %mul3A_2428 = arith.mulf %select_n3A_2426, %sub3A_2427 : vector<16xf32>
        %add3A_2429 = arith.addf %add3A_2354, %mul3A_2428 : vector<16xf32>
        %sub3A_2430 = arith.subf %broadcast_in_dim3A_2395, %add3A_2357 : vector<16xf32>
        %mul3A_2431 = arith.mulf %select_n3A_2426, %sub3A_2430 : vector<16xf32>
        %add3A_2432 = arith.addf %add3A_2357, %mul3A_2431 : vector<16xf32>
        %sub3A_2433 = arith.subf %broadcast_in_dim3A_2403, %add3A_2360 : vector<16xf32>
        %mul3A_2434 = arith.mulf %select_n3A_2426, %sub3A_2433 : vector<16xf32>
        %add3A_2435 = arith.addf %add3A_2360, %mul3A_2434 : vector<16xf32>
        %sub3A_2436 = arith.subf %broadcast_in_dim3A_2411, %add3A_2363 : vector<16xf32>
        %mul3A_2437 = arith.mulf %select_n3A_2426, %sub3A_2436 : vector<16xf32>
        %add3A_2438 = arith.addf %add3A_2363, %mul3A_2437 : vector<16xf32>
        %sub3A_2439 = arith.subf %mul3A_2420, %add3A_2366 : vector<16xf32>
        %mul3A_2440 = arith.mulf %select_n3A_2426, %sub3A_2439 : vector<16xf32>
        %add3A_2441 = arith.addf %add3A_2366, %mul3A_2440 : vector<16xf32>
        %convert_element_type3A_2442 = arith.fptosi %squeeze3A_2373 : f32 to i32
        %add3A_2443 = arith.addi %add3A_2368, %convert_element_type3A_2442 : i32
        %get3A_2444 = arith.constant 496 : index
        %get3A_2445 = tpu.vector_load %arg24[%get3A_2444] {strides = array<i32>} : memref<512xf32, #tpu.memory_space<vmem>>, vector<16xf32>,
        %get3A_2446 = vector.shape_cast %get3A_2445 : vector<16xf32> to vector<16xf32>
        %slice3A_2447 = vector.extract_strided_slice %mul3A_2379 {offsets = [15], sizes = [1], strides = [1]} : vector<16xf32> to vector<1xf32>
        %squeeze3A_2448 = vector.extract %slice3A_2447[0] : f32 from vector<1xf32>
        %broadcast_in_dim3A_2449 = vector.broadcast %squeeze3A_2448 : f32 to vector<16xf32>
        %mul3A_2450 = arith.mulf %get3A_2446, %broadcast_in_dim3A_2449 : vector<16xf32>
        %sub3A_2451 = arith.constant 1.000000e+00 : f32
        %sub3A_2452 = vector.broadcast %sub3A_2451 : f32 to vector<16xf32>
        %sub3A_2453 = arith.subf %sub3A_2452, %mul3A_2450 : vector<16xf32>
        %mul3A_2454 = arith.mulf %mul3A_2379, %sub3A_2453 : vector<16xf32>
        %add3A_2455 = arith.constant 15 : i32
        %add3A_2456 = arith.addi %mul3A_1072, %add3A_2455 : i32
        %get3A_2457 = arith.index_cast %add3A_2456 : i32 to index
        %get3A_2458 = tpu.vector_load %arg12[%get3A_2457] {strides = array<i32>} : memref<5136xf32, #tpu.memory_space<vmem>>, vector<16xf32>,
        %get3A_2459 = vector.shape_cast %get3A_2458 : vector<16xf32> to vector<16xf32>
        %slice3A_2460 = vector.extract_strided_slice %get3A_2459 {offsets = [0], sizes = [1], strides = [1]} : vector<16xf32> to vector<1xf32>
        %squeeze3A_2461 = vector.extract %slice3A_2460[0] : f32 from vector<1xf32>
        %broadcast_in_dim3A_2462 = vector.broadcast %squeeze3A_2461 : f32 to vector<16xf32>
        %add3A_2463 = arith.constant 15 : i32
        %add3A_2464 = arith.addi %mul3A_1072, %add3A_2463 : i32
        %get3A_2465 = arith.index_cast %add3A_2464 : i32 to index
        %get3A_2466 = tpu.vector_load %arg13[%get3A_2465] {strides = array<i32>} : memref<5136xf32, #tpu.memory_space<vmem>>, vector<16xf32>,
        %get3A_2467 = vector.shape_cast %get3A_2466 : vector<16xf32> to vector<16xf32>
        %slice3A_2468 = vector.extract_strided_slice %get3A_2467 {offsets = [0], sizes = [1], strides = [1]} : vector<16xf32> to vector<1xf32>
        %squeeze3A_2469 = vector.extract %slice3A_2468[0] : f32 from vector<1xf32>
        %broadcast_in_dim3A_2470 = vector.broadcast %squeeze3A_2469 : f32 to vector<16xf32>
        %add3A_2471 = arith.constant 15 : i32
        %add3A_2472 = arith.addi %mul3A_1072, %add3A_2471 : i32
        %get3A_2473 = arith.index_cast %add3A_2472 : i32 to index
        %get3A_2474 = tpu.vector_load %arg14[%get3A_2473] {strides = array<i32>} : memref<5136xf32, #tpu.memory_space<vmem>>, vector<16xf32>,
        %get3A_2475 = vector.shape_cast %get3A_2474 : vector<16xf32> to vector<16xf32>
        %slice3A_2476 = vector.extract_strided_slice %get3A_2475 {offsets = [0], sizes = [1], strides = [1]} : vector<16xf32> to vector<1xf32>
        %squeeze3A_2477 = vector.extract %slice3A_2476[0] : f32 from vector<1xf32>
        %broadcast_in_dim3A_2478 = vector.broadcast %squeeze3A_2477 : f32 to vector<16xf32>
        %add3A_2479 = arith.constant 15 : i32
        %add3A_2480 = arith.addi %mul3A_1072, %add3A_2479 : i32
        %get3A_2481 = arith.index_cast %add3A_2480 : i32 to index
        %get3A_2482 = tpu.vector_load %arg15[%get3A_2481] {strides = array<i32>} : memref<5136xf32, #tpu.memory_space<vmem>>, vector<16xf32>,
        %get3A_2483 = vector.shape_cast %get3A_2482 : vector<16xf32> to vector<16xf32>
        %slice3A_2484 = vector.extract_strided_slice %get3A_2483 {offsets = [0], sizes = [1], strides = [1]} : vector<16xf32> to vector<1xf32>
        %squeeze3A_2485 = vector.extract %slice3A_2484[0] : f32 from vector<1xf32>
        %broadcast_in_dim3A_2486 = vector.broadcast %squeeze3A_2485 : f32 to vector<16xf32>
        %sub3A_2487 = arith.subf %broadcast_in_dim3A_2478, %broadcast_in_dim3A_2462 : vector<16xf32>
        %max3A_2488 = arith.constant 0.000000e+00 : f32
        %max3A_2489 = vector.broadcast %max3A_2488 : f32 to vector<16xf32>
        %max3A_2490 = arith.maximumf %sub3A_2487, %max3A_2489 : vector<16xf32>
        %sub3A_2491 = arith.subf %broadcast_in_dim3A_2486, %broadcast_in_dim3A_2470 : vector<16xf32>
        %max3A_2492 = arith.constant 0.000000e+00 : f32
        %max3A_2493 = vector.broadcast %max3A_2492 : f32 to vector<16xf32>
        %max3A_2494 = arith.maximumf %sub3A_2491, %max3A_2493 : vector<16xf32>
        %mul3A_2495 = arith.mulf %max3A_2490, %max3A_2494 : vector<16xf32>
        %broadcast_in_dim3A_2496 = vector.broadcast %add3A_2443 : i32 to vector<16xi32>
        %eq3A_2497 = arith.cmpi eq, %iota3A, %broadcast_in_dim3A_2496 : vector<16xi32>
        %jit3A_2498 = arith.constant 0.000000e+00 : f32
        %broadcast_in_dim3A_2499 = vector.broadcast %squeeze3A_2448 : f32 to vector<16xf32>
        %broadcast_in_dim3A_2500 = vector.broadcast %jit3A_2498 : f32 to vector<16xf32>
        %select_n3A_2501 = arith.select %eq3A_2497, %broadcast_in_dim3A_2499, %broadcast_in_dim3A_2500 : vector<16xi1>, vector<16xf32>
        %sub3A_2502 = arith.subf %broadcast_in_dim3A_2462, %add3A_2429 : vector<16xf32>
        %mul3A_2503 = arith.mulf %select_n3A_2501, %sub3A_2502 : vector<16xf32>
        %add3A_2504 = arith.addf %add3A_2429, %mul3A_2503 : vector<16xf32>
        %sub3A_2505 = arith.subf %broadcast_in_dim3A_2470, %add3A_2432 : vector<16xf32>
        %mul3A_2506 = arith.mulf %select_n3A_2501, %sub3A_2505 : vector<16xf32>
        %add3A_2507 = arith.addf %add3A_2432, %mul3A_2506 : vector<16xf32>
        %sub3A_2508 = arith.subf %broadcast_in_dim3A_2478, %add3A_2435 : vector<16xf32>
        %mul3A_2509 = arith.mulf %select_n3A_2501, %sub3A_2508 : vector<16xf32>
        %add3A_2510 = arith.addf %add3A_2435, %mul3A_2509 : vector<16xf32>
        %sub3A_2511 = arith.subf %broadcast_in_dim3A_2486, %add3A_2438 : vector<16xf32>
        %mul3A_2512 = arith.mulf %select_n3A_2501, %sub3A_2511 : vector<16xf32>
        %add3A_2513 = arith.addf %add3A_2438, %mul3A_2512 : vector<16xf32>
        %sub3A_2514 = arith.subf %mul3A_2495, %add3A_2441 : vector<16xf32>
        %mul3A_2515 = arith.mulf %select_n3A_2501, %sub3A_2514 : vector<16xf32>
        %add3A_2516 = arith.addf %add3A_2441, %mul3A_2515 : vector<16xf32>
        %convert_element_type3A_2517 = arith.fptosi %squeeze3A_2448 : f32 to i32
        %add3A_2518 = arith.addi %add3A_2443, %convert_element_type3A_2517 : i32
        %ne3A_2519 = arith.constant 0.000000e+00 : f32
        %ne3A_2520 = vector.broadcast %ne3A_2519 : f32 to vector<16xf32>
        %ne3A_2521 = arith.cmpf one, %mul3A_2454, %ne3A_2520 : vector<16xf32>
        %jit3A_2522 = arith.constant 1 : i32
        %jit3A_2523 = arith.constant 0 : i32
        %broadcast_in_dim3A_2524 = vector.broadcast %jit3A_2522 : i32 to vector<16xi32>
        %broadcast_in_dim3A_2525 = vector.broadcast %jit3A_2523 : i32 to vector<16xi32>
        %select_n3A_2526 = arith.select %ne3A_2521, %broadcast_in_dim3A_2524, %broadcast_in_dim3A_2525 : vector<16xi1>, vector<16xi32>
        %swap3A_2527 = arith.index_cast %mul3A_1072 : i32 to index
        %swap3A_2528 = tpu.vector_load %arg22[%swap3A_2527] {strides = array<i32>} : memref<5120xi32, #tpu.memory_space<vmem>>, vector<16xi32>,
        %swap3A_2529 = vector.shape_cast %swap3A_2528 : vector<16xi32> to vector<16xi32>
        %swap3A_2530 = vector.shape_cast %select_n3A_2526 : vector<16xi32> to vector<16xi32>
        tpu.vector_store %arg22[%swap3A_2527], %swap3A_2530 {strides = array<i32>} : memref<5120xi32, #tpu.memory_space<vmem>>, vector<16xi32>,
        %swap3A_2531 = arith.constant 0 : index
        %swap3A_2532 = tpu.vector_load %arg25[%swap3A_2531] {strides = array<i32>} : memref<160xf32, #tpu.memory_space<vmem>>, vector<16xf32>,
        %swap3A_2533 = vector.shape_cast %swap3A_2532 : vector<16xf32> to vector<16xf32>
        %swap3A_2534 = vector.shape_cast %add3A_2504 : vector<16xf32> to vector<16xf32>
        tpu.vector_store %arg25[%swap3A_2531], %swap3A_2534 {strides = array<i32>} : memref<160xf32, #tpu.memory_space<vmem>>, vector<16xf32>,
        %swap3A_2535 = arith.constant 32 : index
        %swap3A_2536 = tpu.vector_load %arg25[%swap3A_2535] {strides = array<i32>} : memref<160xf32, #tpu.memory_space<vmem>>, vector<16xf32>,
        %swap3A_2537 = vector.shape_cast %swap3A_2536 : vector<16xf32> to vector<16xf32>
        %swap3A_2538 = vector.shape_cast %add3A_2507 : vector<16xf32> to vector<16xf32>
        tpu.vector_store %arg25[%swap3A_2535], %swap3A_2538 {strides = array<i32>} : memref<160xf32, #tpu.memory_space<vmem>>, vector<16xf32>,
        %swap3A_2539 = arith.constant 64 : index
        %swap3A_2540 = tpu.vector_load %arg25[%swap3A_2539] {strides = array<i32>} : memref<160xf32, #tpu.memory_space<vmem>>, vector<16xf32>,
        %swap3A_2541 = vector.shape_cast %swap3A_2540 : vector<16xf32> to vector<16xf32>
        %swap3A_2542 = vector.shape_cast %add3A_2510 : vector<16xf32> to vector<16xf32>
        tpu.vector_store %arg25[%swap3A_2539], %swap3A_2542 {strides = array<i32>} : memref<160xf32, #tpu.memory_space<vmem>>, vector<16xf32>,
        %swap3A_2543 = arith.constant 96 : index
        %swap3A_2544 = tpu.vector_load %arg25[%swap3A_2543] {strides = array<i32>} : memref<160xf32, #tpu.memory_space<vmem>>, vector<16xf32>,
        %swap3A_2545 = vector.shape_cast %swap3A_2544 : vector<16xf32> to vector<16xf32>
        %swap3A_2546 = vector.shape_cast %add3A_2513 : vector<16xf32> to vector<16xf32>
        tpu.vector_store %arg25[%swap3A_2543], %swap3A_2546 {strides = array<i32>} : memref<160xf32, #tpu.memory_space<vmem>>, vector<16xf32>,
        %swap3A_2547 = arith.constant 128 : index
        %swap3A_2548 = tpu.vector_load %arg25[%swap3A_2547] {strides = array<i32>} : memref<160xf32, #tpu.memory_space<vmem>>, vector<16xf32>,
        %swap3A_2549 = vector.shape_cast %swap3A_2548 : vector<16xf32> to vector<16xf32>
        %swap3A_2550 = vector.shape_cast %add3A_2516 : vector<16xf32> to vector<16xf32>
        tpu.vector_store %arg25[%swap3A_2547], %swap3A_2550 {strides = array<i32>} : memref<160xf32, #tpu.memory_space<vmem>>, vector<16xf32>,
        %and3A_2551 = arith.constant 15 : i32
        %and3A_2552 = arith.andi %scan3A_1070, %and3A_2551 : i32
        %sub3A_2553 = arith.subi %arg1, %and3A_2552 : i32
        %and3A_2554 = arith.constant 15 : i32
        %and3A_2555 = arith.andi %sub3A_2553, %and3A_2554 : i32
        %lt3A = arith.cmpi slt, %and3A_2555, %add3A_2518 : i32
        %convert_element_type3A_2556 = arith.extui %lt3A : i1 to i32
        %cond3A_2557 = arith.constant 0 : i32
        %cond3A_2558 = arith.cmpi ne, %convert_element_type3A_2556, %cond3A_2557 : i32
        scf.if %cond3A_2558 {
          %add3A_2560 = arith.addi %scan3A_1070, %and3A_2555 : i32
          %sub3A_2561 = arith.subi %add3A_2560, %arg1 : i32
          %jit3A_2562 = arith.constant 16 : i32
          %div3A_2563 = arith.divsi %sub3A_2561, %jit3A_2562 : i32
          %sign3A_2564 = arith.constant 0 : i32
          %sign3A_2565 = arith.cmpi sgt, %sub3A_2561, %sign3A_2564 : i32
          %sign3A_2566 = arith.extui %sign3A_2565 : i1 to i32
          %sign3A_2567 = arith.constant 0 : i32
          %sign3A_2568 = arith.cmpi slt, %sub3A_2561, %sign3A_2567 : i32
          %sign3A_2569 = arith.extui %sign3A_2568 : i1 to i32
          %sign3A_2570 = arith.subi %sign3A_2566, %sign3A_2569 : i32
          %sign3A_2571 = arith.constant 0 : i32
          %sign3A_2572 = arith.cmpi sgt, %jit3A_2562, %sign3A_2571 : i32
          %sign3A_2573 = arith.extui %sign3A_2572 : i1 to i32
          %sign3A_2574 = arith.constant 0 : i32
          %sign3A_2575 = arith.cmpi slt, %jit3A_2562, %sign3A_2574 : i32
          %sign3A_2576 = arith.extui %sign3A_2575 : i1 to i32
          %sign3A_2577 = arith.subi %sign3A_2573, %sign3A_2576 : i32
          %ne3A_2578 = arith.cmpi ne, %sign3A_2570, %sign3A_2577 : i32
          %rem3A_2579 = arith.remsi %sub3A_2561, %jit3A_2562 : i32
          %ne3A_2580 = arith.constant 0 : i32
          %ne3A_2581 = arith.cmpi ne, %rem3A_2579, %ne3A_2580 : i32
          %and3A_2582 = arith.andi %ne3A_2578, %ne3A_2581 : i1
          %sub3A_2583 = arith.constant 1 : i32
          %sub3A_2584 = arith.subi %div3A_2563, %sub3A_2583 : i32
          %select_n3A_2585 = arith.select %and3A_2582, %sub3A_2584, %div3A_2563 : i32
          %mul3A_2586 = arith.constant 16 : i32
          %mul3A_2587 = arith.muli %mul3A_2586, %select_n3A_2585 : i32
          %get3A_2588 = arith.index_cast %and3A_2555 : i32 to index
          %get3A_2589 = tpu.vector_load %arg25[%get3A_2588] {strides = array<i32>} : memref<160xf32, #tpu.memory_space<vmem>>, vector<16xf32>,
          %get3A_2590 = vector.shape_cast %get3A_2589 : vector<16xf32> to vector<16xf32>
          %slice3A_2591 = vector.extract_strided_slice %get3A_2590 {offsets = [0], sizes = [1], strides = [1]} : vector<16xf32> to vector<1xf32>
          %squeeze3A_2592 = vector.extract %slice3A_2591[0] : f32 from vector<1xf32>
          %broadcast_in_dim3A_2593 = vector.broadcast %squeeze3A_2592 : f32 to vector<16xf32>
          %swap3A_2594 = arith.index_cast %mul3A_2587 : i32 to index
          %swap3A_2595 = tpu.vector_load %arg17[%swap3A_2594] {strides = array<i32>} : memref<5248xf32, #tpu.memory_space<vmem>>, vector<16xf32>,
          %swap3A_2596 = vector.shape_cast %swap3A_2595 : vector<16xf32> to vector<16xf32>
          %swap3A_2597 = vector.shape_cast %broadcast_in_dim3A_2593 : vector<16xf32> to vector<16xf32>
          tpu.vector_store %arg17[%swap3A_2594], %swap3A_2597 {strides = array<i32>} : memref<5248xf32, #tpu.memory_space<vmem>>, vector<16xf32>,
          %add3A_2598 = arith.constant 32 : i32
          %add3A_2599 = arith.addi %add3A_2598, %and3A_2555 : i32
          %get3A_2600 = arith.index_cast %add3A_2599 : i32 to index
          %get3A_2601 = tpu.vector_load %arg25[%get3A_2600] {strides = array<i32>} : memref<160xf32, #tpu.memory_space<vmem>>, vector<16xf32>,
          %get3A_2602 = vector.shape_cast %get3A_2601 : vector<16xf32> to vector<16xf32>
          %slice3A_2603 = vector.extract_strided_slice %get3A_2602 {offsets = [0], sizes = [1], strides = [1]} : vector<16xf32> to vector<1xf32>
          %squeeze3A_2604 = vector.extract %slice3A_2603[0] : f32 from vector<1xf32>
          %broadcast_in_dim3A_2605 = vector.broadcast %squeeze3A_2604 : f32 to vector<16xf32>
          %swap3A_2606 = arith.index_cast %mul3A_2587 : i32 to index
          %swap3A_2607 = tpu.vector_load %arg18[%swap3A_2606] {strides = array<i32>} : memref<5248xf32, #tpu.memory_space<vmem>>, vector<16xf32>,
          %swap3A_2608 = vector.shape_cast %swap3A_2607 : vector<16xf32> to vector<16xf32>
          %swap3A_2609 = vector.shape_cast %broadcast_in_dim3A_2605 : vector<16xf32> to vector<16xf32>
          tpu.vector_store %arg18[%swap3A_2606], %swap3A_2609 {strides = array<i32>} : memref<5248xf32, #tpu.memory_space<vmem>>, vector<16xf32>,
          %add3A_2610 = arith.constant 64 : i32
          %add3A_2611 = arith.addi %add3A_2610, %and3A_2555 : i32
          %get3A_2612 = arith.index_cast %add3A_2611 : i32 to index
          %get3A_2613 = tpu.vector_load %arg25[%get3A_2612] {strides = array<i32>} : memref<160xf32, #tpu.memory_space<vmem>>, vector<16xf32>,
          %get3A_2614 = vector.shape_cast %get3A_2613 : vector<16xf32> to vector<16xf32>
          %slice3A_2615 = vector.extract_strided_slice %get3A_2614 {offsets = [0], sizes = [1], strides = [1]} : vector<16xf32> to vector<1xf32>
          %squeeze3A_2616 = vector.extract %slice3A_2615[0] : f32 from vector<1xf32>
          %broadcast_in_dim3A_2617 = vector.broadcast %squeeze3A_2616 : f32 to vector<16xf32>
          %swap3A_2618 = arith.index_cast %mul3A_2587 : i32 to index
          %swap3A_2619 = tpu.vector_load %arg19[%swap3A_2618] {strides = array<i32>} : memref<5248xf32, #tpu.memory_space<vmem>>, vector<16xf32>,
          %swap3A_2620 = vector.shape_cast %swap3A_2619 : vector<16xf32> to vector<16xf32>
          %swap3A_2621 = vector.shape_cast %broadcast_in_dim3A_2617 : vector<16xf32> to vector<16xf32>
          tpu.vector_store %arg19[%swap3A_2618], %swap3A_2621 {strides = array<i32>} : memref<5248xf32, #tpu.memory_space<vmem>>, vector<16xf32>,
          %add3A_2622 = arith.constant 96 : i32
          %add3A_2623 = arith.addi %add3A_2622, %and3A_2555 : i32
          %get3A_2624 = arith.index_cast %add3A_2623 : i32 to index
          %get3A_2625 = tpu.vector_load %arg25[%get3A_2624] {strides = array<i32>} : memref<160xf32, #tpu.memory_space<vmem>>, vector<16xf32>,
          %get3A_2626 = vector.shape_cast %get3A_2625 : vector<16xf32> to vector<16xf32>
          %slice3A_2627 = vector.extract_strided_slice %get3A_2626 {offsets = [0], sizes = [1], strides = [1]} : vector<16xf32> to vector<1xf32>
          %squeeze3A_2628 = vector.extract %slice3A_2627[0] : f32 from vector<1xf32>
          %broadcast_in_dim3A_2629 = vector.broadcast %squeeze3A_2628 : f32 to vector<16xf32>
          %swap3A_2630 = arith.index_cast %mul3A_2587 : i32 to index
          %swap3A_2631 = tpu.vector_load %arg20[%swap3A_2630] {strides = array<i32>} : memref<5248xf32, #tpu.memory_space<vmem>>, vector<16xf32>,
          %swap3A_2632 = vector.shape_cast %swap3A_2631 : vector<16xf32> to vector<16xf32>
          %swap3A_2633 = vector.shape_cast %broadcast_in_dim3A_2629 : vector<16xf32> to vector<16xf32>
          tpu.vector_store %arg20[%swap3A_2630], %swap3A_2633 {strides = array<i32>} : memref<5248xf32, #tpu.memory_space<vmem>>, vector<16xf32>,
          %add3A_2634 = arith.constant 128 : i32
          %add3A_2635 = arith.addi %add3A_2634, %and3A_2555 : i32
          %get3A_2636 = arith.index_cast %add3A_2635 : i32 to index
          %get3A_2637 = tpu.vector_load %arg25[%get3A_2636] {strides = array<i32>} : memref<160xf32, #tpu.memory_space<vmem>>, vector<16xf32>,
          %get3A_2638 = vector.shape_cast %get3A_2637 : vector<16xf32> to vector<16xf32>
          %slice3A_2639 = vector.extract_strided_slice %get3A_2638 {offsets = [0], sizes = [1], strides = [1]} : vector<16xf32> to vector<1xf32>
          %squeeze3A_2640 = vector.extract %slice3A_2639[0] : f32 from vector<1xf32>
          %broadcast_in_dim3A_2641 = vector.broadcast %squeeze3A_2640 : f32 to vector<16xf32>
          %swap3A_2642 = arith.index_cast %mul3A_2587 : i32 to index
          %swap3A_2643 = tpu.vector_load %arg21[%swap3A_2642] {strides = array<i32>} : memref<5248xf32, #tpu.memory_space<vmem>>, vector<16xf32>,
          %swap3A_2644 = vector.shape_cast %swap3A_2643 : vector<16xf32> to vector<16xf32>
          %swap3A_2645 = vector.shape_cast %broadcast_in_dim3A_2641 : vector<16xf32> to vector<16xf32>
          tpu.vector_store %arg21[%swap3A_2642], %swap3A_2645 {strides = array<i32>} : memref<5248xf32, #tpu.memory_space<vmem>>, vector<16xf32>,
        } else {
        }
        %add3A_2559 = arith.addi %scan3A_1070, %add3A_2518 : i32
        scf.yield %add3A_2559 : i32
      }
      %scan3A_13 = arith.constant 320 : i32
      %mul3A = arith.constant 320 : i32
      %mul3A_14 = arith.muli %mul3A, %arg1 : i32
      %add3A = arith.constant 0 : i32
      %add3A_15 = arith.addi %mul3A_14, %add3A : i32
      %get3A = arith.index_cast %add3A_15 : i32 to index
      %get3A_16 = tpu.vector_load %arg22[%get3A] {strides = array<i32>} : memref<5120xi32, #tpu.memory_space<vmem>>, vector<16xi32>,
      %get3A_17 = vector.shape_cast %get3A_16 : vector<16xi32> to vector<16xi32>
      %ne3A = arith.constant 0 : i32
      %ne3A_18 = vector.broadcast %ne3A : i32 to vector<16xi32>
      %ne3A_19 = arith.cmpi ne, %get3A_17, %ne3A_18 : vector<16xi32>
      %jit3A = arith.constant 1.000000e+00 : f32
      %jit3A_20 = arith.constant 0.000000e+00 : f32
      %broadcast_in_dim3A_21 = vector.broadcast %jit3A : f32 to vector<16xf32>
      %broadcast_in_dim3A_22 = vector.broadcast %jit3A_20 : f32 to vector<16xf32>
      %select_n3A = arith.select %ne3A_19, %broadcast_in_dim3A_21, %broadcast_in_dim3A_22 : vector<16xi1>, vector<16xf32>
      %get3A_23 = arith.index_cast %add3A_15 : i32 to index
      %get3A_24 = tpu.vector_load %arg12[%get3A_23] {strides = array<i32>} : memref<5136xf32, #tpu.memory_space<vmem>>, vector<16xf32>,
      %get3A_25 = vector.shape_cast %get3A_24 : vector<16xf32> to vector<16xf32>
      %mul3A_26 = arith.mulf %get3A_25, %select_n3A : vector<16xf32>
      %swap3A = arith.constant 0 : index
      %swap3A_27 = tpu.vector_load %arg26[%swap3A] {strides = array<i32>} : memref<320xf32, #tpu.memory_space<vmem>>, vector<16xf32>,
      %swap3A_28 = vector.shape_cast %swap3A_27 : vector<16xf32> to vector<16xf32>
      %swap3A_29 = vector.shape_cast %mul3A_26 : vector<16xf32> to vector<16xf32>
      tpu.vector_store %arg26[%swap3A], %swap3A_29 {strides = array<i32>} : memref<320xf32, #tpu.memory_space<vmem>>, vector<16xf32>,
      %get3A_30 = arith.index_cast %add3A_15 : i32 to index
      %get3A_31 = tpu.vector_load %arg13[%get3A_30] {strides = array<i32>} : memref<5136xf32, #tpu.memory_space<vmem>>, vector<16xf32>,
      %get3A_32 = vector.shape_cast %get3A_31 : vector<16xf32> to vector<16xf32>
      %mul3A_33 = arith.mulf %get3A_32, %select_n3A : vector<16xf32>
      %swap3A_34 = arith.constant 0 : index
      %swap3A_35 = tpu.vector_load %arg27[%swap3A_34] {strides = array<i32>} : memref<320xf32, #tpu.memory_space<vmem>>, vector<16xf32>,
      %swap3A_36 = vector.shape_cast %swap3A_35 : vector<16xf32> to vector<16xf32>
      %swap3A_37 = vector.shape_cast %mul3A_33 : vector<16xf32> to vector<16xf32>
      tpu.vector_store %arg27[%swap3A_34], %swap3A_37 {strides = array<i32>} : memref<320xf32, #tpu.memory_space<vmem>>, vector<16xf32>,
      %get3A_38 = arith.index_cast %add3A_15 : i32 to index
      %get3A_39 = tpu.vector_load %arg14[%get3A_38] {strides = array<i32>} : memref<5136xf32, #tpu.memory_space<vmem>>, vector<16xf32>,
      %get3A_40 = vector.shape_cast %get3A_39 : vector<16xf32> to vector<16xf32>
      %mul3A_41 = arith.mulf %get3A_40, %select_n3A : vector<16xf32>
      %swap3A_42 = arith.constant 0 : index
      %swap3A_43 = tpu.vector_load %arg28[%swap3A_42] {strides = array<i32>} : memref<320xf32, #tpu.memory_space<vmem>>, vector<16xf32>,
      %swap3A_44 = vector.shape_cast %swap3A_43 : vector<16xf32> to vector<16xf32>
      %swap3A_45 = vector.shape_cast %mul3A_41 : vector<16xf32> to vector<16xf32>
      tpu.vector_store %arg28[%swap3A_42], %swap3A_45 {strides = array<i32>} : memref<320xf32, #tpu.memory_space<vmem>>, vector<16xf32>,
      %get3A_46 = arith.index_cast %add3A_15 : i32 to index
      %get3A_47 = tpu.vector_load %arg15[%get3A_46] {strides = array<i32>} : memref<5136xf32, #tpu.memory_space<vmem>>, vector<16xf32>,
      %get3A_48 = vector.shape_cast %get3A_47 : vector<16xf32> to vector<16xf32>
      %mul3A_49 = arith.mulf %get3A_48, %select_n3A : vector<16xf32>
      %swap3A_50 = arith.constant 0 : index
      %swap3A_51 = tpu.vector_load %arg29[%swap3A_50] {strides = array<i32>} : memref<320xf32, #tpu.memory_space<vmem>>, vector<16xf32>,
      %swap3A_52 = vector.shape_cast %swap3A_51 : vector<16xf32> to vector<16xf32>
      %swap3A_53 = vector.shape_cast %mul3A_49 : vector<16xf32> to vector<16xf32>
      tpu.vector_store %arg29[%swap3A_50], %swap3A_53 {strides = array<i32>} : memref<320xf32, #tpu.memory_space<vmem>>, vector<16xf32>,
      %get3A_54 = arith.index_cast %add3A_15 : i32 to index
      %get3A_55 = tpu.vector_load %arg16[%get3A_54] {strides = array<i32>} : memref<5120xf32, #tpu.memory_space<vmem>>, vector<16xf32>,
      %get3A_56 = vector.shape_cast %get3A_55 : vector<16xf32> to vector<16xf32>
      %mul3A_57 = arith.mulf %get3A_56, %select_n3A : vector<16xf32>
      %swap3A_58 = arith.constant 0 : index
      %swap3A_59 = tpu.vector_load %arg30[%swap3A_58] {strides = array<i32>} : memref<320xf32, #tpu.memory_space<vmem>>, vector<16xf32>,
      %swap3A_60 = vector.shape_cast %swap3A_59 : vector<16xf32> to vector<16xf32>
      %swap3A_61 = vector.shape_cast %mul3A_57 : vector<16xf32> to vector<16xf32>
      tpu.vector_store %arg30[%swap3A_58], %swap3A_61 {strides = array<i32>} : memref<320xf32, #tpu.memory_space<vmem>>, vector<16xf32>,
      %add3A_62 = arith.constant 16 : i32
      %add3A_63 = arith.addi %mul3A_14, %add3A_62 : i32
      %get3A_64 = arith.index_cast %add3A_63 : i32 to index
      %get3A_65 = tpu.vector_load %arg22[%get3A_64] {strides = array<i32>} : memref<5120xi32, #tpu.memory_space<vmem>>, vector<16xi32>,
      %get3A_66 = vector.shape_cast %get3A_65 : vector<16xi32> to vector<16xi32>
      %ne3A_67 = arith.constant 0 : i32
      %ne3A_68 = vector.broadcast %ne3A_67 : i32 to vector<16xi32>
      %ne3A_69 = arith.cmpi ne, %get3A_66, %ne3A_68 : vector<16xi32>
      %jit3A_70 = arith.constant 1.000000e+00 : f32
      %jit3A_71 = arith.constant 0.000000e+00 : f32
      %broadcast_in_dim3A_72 = vector.broadcast %jit3A_70 : f32 to vector<16xf32>
      %broadcast_in_dim3A_73 = vector.broadcast %jit3A_71 : f32 to vector<16xf32>
      %select_n3A_74 = arith.select %ne3A_69, %broadcast_in_dim3A_72, %broadcast_in_dim3A_73 : vector<16xi1>, vector<16xf32>
      %get3A_75 = arith.index_cast %add3A_63 : i32 to index
      %get3A_76 = tpu.vector_load %arg12[%get3A_75] {strides = array<i32>} : memref<5136xf32, #tpu.memory_space<vmem>>, vector<16xf32>,
      %get3A_77 = vector.shape_cast %get3A_76 : vector<16xf32> to vector<16xf32>
      %mul3A_78 = arith.mulf %get3A_77, %select_n3A_74 : vector<16xf32>
      %swap3A_79 = arith.constant 16 : index
      %swap3A_80 = tpu.vector_load %arg26[%swap3A_79] {strides = array<i32>} : memref<320xf32, #tpu.memory_space<vmem>>, vector<16xf32>,
      %swap3A_81 = vector.shape_cast %swap3A_80 : vector<16xf32> to vector<16xf32>
      %swap3A_82 = vector.shape_cast %mul3A_78 : vector<16xf32> to vector<16xf32>
      tpu.vector_store %arg26[%swap3A_79], %swap3A_82 {strides = array<i32>} : memref<320xf32, #tpu.memory_space<vmem>>, vector<16xf32>,
      %get3A_83 = arith.index_cast %add3A_63 : i32 to index
      %get3A_84 = tpu.vector_load %arg13[%get3A_83] {strides = array<i32>} : memref<5136xf32, #tpu.memory_space<vmem>>, vector<16xf32>,
      %get3A_85 = vector.shape_cast %get3A_84 : vector<16xf32> to vector<16xf32>
      %mul3A_86 = arith.mulf %get3A_85, %select_n3A_74 : vector<16xf32>
      %swap3A_87 = arith.constant 16 : index
      %swap3A_88 = tpu.vector_load %arg27[%swap3A_87] {strides = array<i32>} : memref<320xf32, #tpu.memory_space<vmem>>, vector<16xf32>,
      %swap3A_89 = vector.shape_cast %swap3A_88 : vector<16xf32> to vector<16xf32>
      %swap3A_90 = vector.shape_cast %mul3A_86 : vector<16xf32> to vector<16xf32>
      tpu.vector_store %arg27[%swap3A_87], %swap3A_90 {strides = array<i32>} : memref<320xf32, #tpu.memory_space<vmem>>, vector<16xf32>,
      %get3A_91 = arith.index_cast %add3A_63 : i32 to index
      %get3A_92 = tpu.vector_load %arg14[%get3A_91] {strides = array<i32>} : memref<5136xf32, #tpu.memory_space<vmem>>, vector<16xf32>,
      %get3A_93 = vector.shape_cast %get3A_92 : vector<16xf32> to vector<16xf32>
      %mul3A_94 = arith.mulf %get3A_93, %select_n3A_74 : vector<16xf32>
      %swap3A_95 = arith.constant 16 : index
      %swap3A_96 = tpu.vector_load %arg28[%swap3A_95] {strides = array<i32>} : memref<320xf32, #tpu.memory_space<vmem>>, vector<16xf32>,
      %swap3A_97 = vector.shape_cast %swap3A_96 : vector<16xf32> to vector<16xf32>
      %swap3A_98 = vector.shape_cast %mul3A_94 : vector<16xf32> to vector<16xf32>
      tpu.vector_store %arg28[%swap3A_95], %swap3A_98 {strides = array<i32>} : memref<320xf32, #tpu.memory_space<vmem>>, vector<16xf32>,
      %get3A_99 = arith.index_cast %add3A_63 : i32 to index
      %get3A_100 = tpu.vector_load %arg15[%get3A_99] {strides = array<i32>} : memref<5136xf32, #tpu.memory_space<vmem>>, vector<16xf32>,
      %get3A_101 = vector.shape_cast %get3A_100 : vector<16xf32> to vector<16xf32>
      %mul3A_102 = arith.mulf %get3A_101, %select_n3A_74 : vector<16xf32>
      %swap3A_103 = arith.constant 16 : index
      %swap3A_104 = tpu.vector_load %arg29[%swap3A_103] {strides = array<i32>} : memref<320xf32, #tpu.memory_space<vmem>>, vector<16xf32>,
      %swap3A_105 = vector.shape_cast %swap3A_104 : vector<16xf32> to vector<16xf32>
      %swap3A_106 = vector.shape_cast %mul3A_102 : vector<16xf32> to vector<16xf32>
      tpu.vector_store %arg29[%swap3A_103], %swap3A_106 {strides = array<i32>} : memref<320xf32, #tpu.memory_space<vmem>>, vector<16xf32>,
      %get3A_107 = arith.index_cast %add3A_63 : i32 to index
      %get3A_108 = tpu.vector_load %arg16[%get3A_107] {strides = array<i32>} : memref<5120xf32, #tpu.memory_space<vmem>>, vector<16xf32>,
      %get3A_109 = vector.shape_cast %get3A_108 : vector<16xf32> to vector<16xf32>
      %mul3A_110 = arith.mulf %get3A_109, %select_n3A_74 : vector<16xf32>
      %swap3A_111 = arith.constant 16 : index
      %swap3A_112 = tpu.vector_load %arg30[%swap3A_111] {strides = array<i32>} : memref<320xf32, #tpu.memory_space<vmem>>, vector<16xf32>,
      %swap3A_113 = vector.shape_cast %swap3A_112 : vector<16xf32> to vector<16xf32>
      %swap3A_114 = vector.shape_cast %mul3A_110 : vector<16xf32> to vector<16xf32>
      tpu.vector_store %arg30[%swap3A_111], %swap3A_114 {strides = array<i32>} : memref<320xf32, #tpu.memory_space<vmem>>, vector<16xf32>,
      %add3A_115 = arith.constant 32 : i32
      %add3A_116 = arith.addi %mul3A_14, %add3A_115 : i32
      %get3A_117 = arith.index_cast %add3A_116 : i32 to index
      %get3A_118 = tpu.vector_load %arg22[%get3A_117] {strides = array<i32>} : memref<5120xi32, #tpu.memory_space<vmem>>, vector<16xi32>,
      %get3A_119 = vector.shape_cast %get3A_118 : vector<16xi32> to vector<16xi32>
      %ne3A_120 = arith.constant 0 : i32
      %ne3A_121 = vector.broadcast %ne3A_120 : i32 to vector<16xi32>
      %ne3A_122 = arith.cmpi ne, %get3A_119, %ne3A_121 : vector<16xi32>
      %jit3A_123 = arith.constant 1.000000e+00 : f32
      %jit3A_124 = arith.constant 0.000000e+00 : f32
      %broadcast_in_dim3A_125 = vector.broadcast %jit3A_123 : f32 to vector<16xf32>
      %broadcast_in_dim3A_126 = vector.broadcast %jit3A_124 : f32 to vector<16xf32>
      %select_n3A_127 = arith.select %ne3A_122, %broadcast_in_dim3A_125, %broadcast_in_dim3A_126 : vector<16xi1>, vector<16xf32>
      %get3A_128 = arith.index_cast %add3A_116 : i32 to index
      %get3A_129 = tpu.vector_load %arg12[%get3A_128] {strides = array<i32>} : memref<5136xf32, #tpu.memory_space<vmem>>, vector<16xf32>,
      %get3A_130 = vector.shape_cast %get3A_129 : vector<16xf32> to vector<16xf32>
      %mul3A_131 = arith.mulf %get3A_130, %select_n3A_127 : vector<16xf32>
      %swap3A_132 = arith.constant 32 : index
      %swap3A_133 = tpu.vector_load %arg26[%swap3A_132] {strides = array<i32>} : memref<320xf32, #tpu.memory_space<vmem>>, vector<16xf32>,
      %swap3A_134 = vector.shape_cast %swap3A_133 : vector<16xf32> to vector<16xf32>
      %swap3A_135 = vector.shape_cast %mul3A_131 : vector<16xf32> to vector<16xf32>
      tpu.vector_store %arg26[%swap3A_132], %swap3A_135 {strides = array<i32>} : memref<320xf32, #tpu.memory_space<vmem>>, vector<16xf32>,
      %get3A_136 = arith.index_cast %add3A_116 : i32 to index
      %get3A_137 = tpu.vector_load %arg13[%get3A_136] {strides = array<i32>} : memref<5136xf32, #tpu.memory_space<vmem>>, vector<16xf32>,
      %get3A_138 = vector.shape_cast %get3A_137 : vector<16xf32> to vector<16xf32>
      %mul3A_139 = arith.mulf %get3A_138, %select_n3A_127 : vector<16xf32>
      %swap3A_140 = arith.constant 32 : index
      %swap3A_141 = tpu.vector_load %arg27[%swap3A_140] {strides = array<i32>} : memref<320xf32, #tpu.memory_space<vmem>>, vector<16xf32>,
      %swap3A_142 = vector.shape_cast %swap3A_141 : vector<16xf32> to vector<16xf32>
      %swap3A_143 = vector.shape_cast %mul3A_139 : vector<16xf32> to vector<16xf32>
      tpu.vector_store %arg27[%swap3A_140], %swap3A_143 {strides = array<i32>} : memref<320xf32, #tpu.memory_space<vmem>>, vector<16xf32>,
      %get3A_144 = arith.index_cast %add3A_116 : i32 to index
      %get3A_145 = tpu.vector_load %arg14[%get3A_144] {strides = array<i32>} : memref<5136xf32, #tpu.memory_space<vmem>>, vector<16xf32>,
      %get3A_146 = vector.shape_cast %get3A_145 : vector<16xf32> to vector<16xf32>
      %mul3A_147 = arith.mulf %get3A_146, %select_n3A_127 : vector<16xf32>
      %swap3A_148 = arith.constant 32 : index
      %swap3A_149 = tpu.vector_load %arg28[%swap3A_148] {strides = array<i32>} : memref<320xf32, #tpu.memory_space<vmem>>, vector<16xf32>,
      %swap3A_150 = vector.shape_cast %swap3A_149 : vector<16xf32> to vector<16xf32>
      %swap3A_151 = vector.shape_cast %mul3A_147 : vector<16xf32> to vector<16xf32>
      tpu.vector_store %arg28[%swap3A_148], %swap3A_151 {strides = array<i32>} : memref<320xf32, #tpu.memory_space<vmem>>, vector<16xf32>,
      %get3A_152 = arith.index_cast %add3A_116 : i32 to index
      %get3A_153 = tpu.vector_load %arg15[%get3A_152] {strides = array<i32>} : memref<5136xf32, #tpu.memory_space<vmem>>, vector<16xf32>,
      %get3A_154 = vector.shape_cast %get3A_153 : vector<16xf32> to vector<16xf32>
      %mul3A_155 = arith.mulf %get3A_154, %select_n3A_127 : vector<16xf32>
      %swap3A_156 = arith.constant 32 : index
      %swap3A_157 = tpu.vector_load %arg29[%swap3A_156] {strides = array<i32>} : memref<320xf32, #tpu.memory_space<vmem>>, vector<16xf32>,
      %swap3A_158 = vector.shape_cast %swap3A_157 : vector<16xf32> to vector<16xf32>
      %swap3A_159 = vector.shape_cast %mul3A_155 : vector<16xf32> to vector<16xf32>
      tpu.vector_store %arg29[%swap3A_156], %swap3A_159 {strides = array<i32>} : memref<320xf32, #tpu.memory_space<vmem>>, vector<16xf32>,
      %get3A_160 = arith.index_cast %add3A_116 : i32 to index
      %get3A_161 = tpu.vector_load %arg16[%get3A_160] {strides = array<i32>} : memref<5120xf32, #tpu.memory_space<vmem>>, vector<16xf32>,
      %get3A_162 = vector.shape_cast %get3A_161 : vector<16xf32> to vector<16xf32>
      %mul3A_163 = arith.mulf %get3A_162, %select_n3A_127 : vector<16xf32>
      %swap3A_164 = arith.constant 32 : index
      %swap3A_165 = tpu.vector_load %arg30[%swap3A_164] {strides = array<i32>} : memref<320xf32, #tpu.memory_space<vmem>>, vector<16xf32>,
      %swap3A_166 = vector.shape_cast %swap3A_165 : vector<16xf32> to vector<16xf32>
      %swap3A_167 = vector.shape_cast %mul3A_163 : vector<16xf32> to vector<16xf32>
      tpu.vector_store %arg30[%swap3A_164], %swap3A_167 {strides = array<i32>} : memref<320xf32, #tpu.memory_space<vmem>>, vector<16xf32>,
      %add3A_168 = arith.constant 48 : i32
      %add3A_169 = arith.addi %mul3A_14, %add3A_168 : i32
      %get3A_170 = arith.index_cast %add3A_169 : i32 to index
      %get3A_171 = tpu.vector_load %arg22[%get3A_170] {strides = array<i32>} : memref<5120xi32, #tpu.memory_space<vmem>>, vector<16xi32>,
      %get3A_172 = vector.shape_cast %get3A_171 : vector<16xi32> to vector<16xi32>
      %ne3A_173 = arith.constant 0 : i32
      %ne3A_174 = vector.broadcast %ne3A_173 : i32 to vector<16xi32>
      %ne3A_175 = arith.cmpi ne, %get3A_172, %ne3A_174 : vector<16xi32>
      %jit3A_176 = arith.constant 1.000000e+00 : f32
      %jit3A_177 = arith.constant 0.000000e+00 : f32
      %broadcast_in_dim3A_178 = vector.broadcast %jit3A_176 : f32 to vector<16xf32>
      %broadcast_in_dim3A_179 = vector.broadcast %jit3A_177 : f32 to vector<16xf32>
      %select_n3A_180 = arith.select %ne3A_175, %broadcast_in_dim3A_178, %broadcast_in_dim3A_179 : vector<16xi1>, vector<16xf32>
      %get3A_181 = arith.index_cast %add3A_169 : i32 to index
      %get3A_182 = tpu.vector_load %arg12[%get3A_181] {strides = array<i32>} : memref<5136xf32, #tpu.memory_space<vmem>>, vector<16xf32>,
      %get3A_183 = vector.shape_cast %get3A_182 : vector<16xf32> to vector<16xf32>
      %mul3A_184 = arith.mulf %get3A_183, %select_n3A_180 : vector<16xf32>
      %swap3A_185 = arith.constant 48 : index
      %swap3A_186 = tpu.vector_load %arg26[%swap3A_185] {strides = array<i32>} : memref<320xf32, #tpu.memory_space<vmem>>, vector<16xf32>,
      %swap3A_187 = vector.shape_cast %swap3A_186 : vector<16xf32> to vector<16xf32>
      %swap3A_188 = vector.shape_cast %mul3A_184 : vector<16xf32> to vector<16xf32>
      tpu.vector_store %arg26[%swap3A_185], %swap3A_188 {strides = array<i32>} : memref<320xf32, #tpu.memory_space<vmem>>, vector<16xf32>,
      %get3A_189 = arith.index_cast %add3A_169 : i32 to index
      %get3A_190 = tpu.vector_load %arg13[%get3A_189] {strides = array<i32>} : memref<5136xf32, #tpu.memory_space<vmem>>, vector<16xf32>,
      %get3A_191 = vector.shape_cast %get3A_190 : vector<16xf32> to vector<16xf32>
      %mul3A_192 = arith.mulf %get3A_191, %select_n3A_180 : vector<16xf32>
      %swap3A_193 = arith.constant 48 : index
      %swap3A_194 = tpu.vector_load %arg27[%swap3A_193] {strides = array<i32>} : memref<320xf32, #tpu.memory_space<vmem>>, vector<16xf32>,
      %swap3A_195 = vector.shape_cast %swap3A_194 : vector<16xf32> to vector<16xf32>
      %swap3A_196 = vector.shape_cast %mul3A_192 : vector<16xf32> to vector<16xf32>
      tpu.vector_store %arg27[%swap3A_193], %swap3A_196 {strides = array<i32>} : memref<320xf32, #tpu.memory_space<vmem>>, vector<16xf32>,
      %get3A_197 = arith.index_cast %add3A_169 : i32 to index
      %get3A_198 = tpu.vector_load %arg14[%get3A_197] {strides = array<i32>} : memref<5136xf32, #tpu.memory_space<vmem>>, vector<16xf32>,
      %get3A_199 = vector.shape_cast %get3A_198 : vector<16xf32> to vector<16xf32>
      %mul3A_200 = arith.mulf %get3A_199, %select_n3A_180 : vector<16xf32>
      %swap3A_201 = arith.constant 48 : index
      %swap3A_202 = tpu.vector_load %arg28[%swap3A_201] {strides = array<i32>} : memref<320xf32, #tpu.memory_space<vmem>>, vector<16xf32>,
      %swap3A_203 = vector.shape_cast %swap3A_202 : vector<16xf32> to vector<16xf32>
      %swap3A_204 = vector.shape_cast %mul3A_200 : vector<16xf32> to vector<16xf32>
      tpu.vector_store %arg28[%swap3A_201], %swap3A_204 {strides = array<i32>} : memref<320xf32, #tpu.memory_space<vmem>>, vector<16xf32>,
      %get3A_205 = arith.index_cast %add3A_169 : i32 to index
      %get3A_206 = tpu.vector_load %arg15[%get3A_205] {strides = array<i32>} : memref<5136xf32, #tpu.memory_space<vmem>>, vector<16xf32>,
      %get3A_207 = vector.shape_cast %get3A_206 : vector<16xf32> to vector<16xf32>
      %mul3A_208 = arith.mulf %get3A_207, %select_n3A_180 : vector<16xf32>
      %swap3A_209 = arith.constant 48 : index
      %swap3A_210 = tpu.vector_load %arg29[%swap3A_209] {strides = array<i32>} : memref<320xf32, #tpu.memory_space<vmem>>, vector<16xf32>,
      %swap3A_211 = vector.shape_cast %swap3A_210 : vector<16xf32> to vector<16xf32>
      %swap3A_212 = vector.shape_cast %mul3A_208 : vector<16xf32> to vector<16xf32>
      tpu.vector_store %arg29[%swap3A_209], %swap3A_212 {strides = array<i32>} : memref<320xf32, #tpu.memory_space<vmem>>, vector<16xf32>,
      %get3A_213 = arith.index_cast %add3A_169 : i32 to index
      %get3A_214 = tpu.vector_load %arg16[%get3A_213] {strides = array<i32>} : memref<5120xf32, #tpu.memory_space<vmem>>, vector<16xf32>,
      %get3A_215 = vector.shape_cast %get3A_214 : vector<16xf32> to vector<16xf32>
      %mul3A_216 = arith.mulf %get3A_215, %select_n3A_180 : vector<16xf32>
      %swap3A_217 = arith.constant 48 : index
      %swap3A_218 = tpu.vector_load %arg30[%swap3A_217] {strides = array<i32>} : memref<320xf32, #tpu.memory_space<vmem>>, vector<16xf32>,
      %swap3A_219 = vector.shape_cast %swap3A_218 : vector<16xf32> to vector<16xf32>
      %swap3A_220 = vector.shape_cast %mul3A_216 : vector<16xf32> to vector<16xf32>
      tpu.vector_store %arg30[%swap3A_217], %swap3A_220 {strides = array<i32>} : memref<320xf32, #tpu.memory_space<vmem>>, vector<16xf32>,
      %add3A_221 = arith.constant 64 : i32
      %add3A_222 = arith.addi %mul3A_14, %add3A_221 : i32
      %get3A_223 = arith.index_cast %add3A_222 : i32 to index
      %get3A_224 = tpu.vector_load %arg22[%get3A_223] {strides = array<i32>} : memref<5120xi32, #tpu.memory_space<vmem>>, vector<16xi32>,
      %get3A_225 = vector.shape_cast %get3A_224 : vector<16xi32> to vector<16xi32>
      %ne3A_226 = arith.constant 0 : i32
      %ne3A_227 = vector.broadcast %ne3A_226 : i32 to vector<16xi32>
      %ne3A_228 = arith.cmpi ne, %get3A_225, %ne3A_227 : vector<16xi32>
      %jit3A_229 = arith.constant 1.000000e+00 : f32
      %jit3A_230 = arith.constant 0.000000e+00 : f32
      %broadcast_in_dim3A_231 = vector.broadcast %jit3A_229 : f32 to vector<16xf32>
      %broadcast_in_dim3A_232 = vector.broadcast %jit3A_230 : f32 to vector<16xf32>
      %select_n3A_233 = arith.select %ne3A_228, %broadcast_in_dim3A_231, %broadcast_in_dim3A_232 : vector<16xi1>, vector<16xf32>
      %get3A_234 = arith.index_cast %add3A_222 : i32 to index
      %get3A_235 = tpu.vector_load %arg12[%get3A_234] {strides = array<i32>} : memref<5136xf32, #tpu.memory_space<vmem>>, vector<16xf32>,
      %get3A_236 = vector.shape_cast %get3A_235 : vector<16xf32> to vector<16xf32>
      %mul3A_237 = arith.mulf %get3A_236, %select_n3A_233 : vector<16xf32>
      %swap3A_238 = arith.constant 64 : index
      %swap3A_239 = tpu.vector_load %arg26[%swap3A_238] {strides = array<i32>} : memref<320xf32, #tpu.memory_space<vmem>>, vector<16xf32>,
      %swap3A_240 = vector.shape_cast %swap3A_239 : vector<16xf32> to vector<16xf32>
      %swap3A_241 = vector.shape_cast %mul3A_237 : vector<16xf32> to vector<16xf32>
      tpu.vector_store %arg26[%swap3A_238], %swap3A_241 {strides = array<i32>} : memref<320xf32, #tpu.memory_space<vmem>>, vector<16xf32>,
      %get3A_242 = arith.index_cast %add3A_222 : i32 to index
      %get3A_243 = tpu.vector_load %arg13[%get3A_242] {strides = array<i32>} : memref<5136xf32, #tpu.memory_space<vmem>>, vector<16xf32>,
      %get3A_244 = vector.shape_cast %get3A_243 : vector<16xf32> to vector<16xf32>
      %mul3A_245 = arith.mulf %get3A_244, %select_n3A_233 : vector<16xf32>
      %swap3A_246 = arith.constant 64 : index
      %swap3A_247 = tpu.vector_load %arg27[%swap3A_246] {strides = array<i32>} : memref<320xf32, #tpu.memory_space<vmem>>, vector<16xf32>,
      %swap3A_248 = vector.shape_cast %swap3A_247 : vector<16xf32> to vector<16xf32>
      %swap3A_249 = vector.shape_cast %mul3A_245 : vector<16xf32> to vector<16xf32>
      tpu.vector_store %arg27[%swap3A_246], %swap3A_249 {strides = array<i32>} : memref<320xf32, #tpu.memory_space<vmem>>, vector<16xf32>,
      %get3A_250 = arith.index_cast %add3A_222 : i32 to index
      %get3A_251 = tpu.vector_load %arg14[%get3A_250] {strides = array<i32>} : memref<5136xf32, #tpu.memory_space<vmem>>, vector<16xf32>,
      %get3A_252 = vector.shape_cast %get3A_251 : vector<16xf32> to vector<16xf32>
      %mul3A_253 = arith.mulf %get3A_252, %select_n3A_233 : vector<16xf32>
      %swap3A_254 = arith.constant 64 : index
      %swap3A_255 = tpu.vector_load %arg28[%swap3A_254] {strides = array<i32>} : memref<320xf32, #tpu.memory_space<vmem>>, vector<16xf32>,
      %swap3A_256 = vector.shape_cast %swap3A_255 : vector<16xf32> to vector<16xf32>
      %swap3A_257 = vector.shape_cast %mul3A_253 : vector<16xf32> to vector<16xf32>
      tpu.vector_store %arg28[%swap3A_254], %swap3A_257 {strides = array<i32>} : memref<320xf32, #tpu.memory_space<vmem>>, vector<16xf32>,
      %get3A_258 = arith.index_cast %add3A_222 : i32 to index
      %get3A_259 = tpu.vector_load %arg15[%get3A_258] {strides = array<i32>} : memref<5136xf32, #tpu.memory_space<vmem>>, vector<16xf32>,
      %get3A_260 = vector.shape_cast %get3A_259 : vector<16xf32> to vector<16xf32>
      %mul3A_261 = arith.mulf %get3A_260, %select_n3A_233 : vector<16xf32>
      %swap3A_262 = arith.constant 64 : index
      %swap3A_263 = tpu.vector_load %arg29[%swap3A_262] {strides = array<i32>} : memref<320xf32, #tpu.memory_space<vmem>>, vector<16xf32>,
      %swap3A_264 = vector.shape_cast %swap3A_263 : vector<16xf32> to vector<16xf32>
      %swap3A_265 = vector.shape_cast %mul3A_261 : vector<16xf32> to vector<16xf32>
      tpu.vector_store %arg29[%swap3A_262], %swap3A_265 {strides = array<i32>} : memref<320xf32, #tpu.memory_space<vmem>>, vector<16xf32>,
      %get3A_266 = arith.index_cast %add3A_222 : i32 to index
      %get3A_267 = tpu.vector_load %arg16[%get3A_266] {strides = array<i32>} : memref<5120xf32, #tpu.memory_space<vmem>>, vector<16xf32>,
      %get3A_268 = vector.shape_cast %get3A_267 : vector<16xf32> to vector<16xf32>
      %mul3A_269 = arith.mulf %get3A_268, %select_n3A_233 : vector<16xf32>
      %swap3A_270 = arith.constant 64 : index
      %swap3A_271 = tpu.vector_load %arg30[%swap3A_270] {strides = array<i32>} : memref<320xf32, #tpu.memory_space<vmem>>, vector<16xf32>,
      %swap3A_272 = vector.shape_cast %swap3A_271 : vector<16xf32> to vector<16xf32>
      %swap3A_273 = vector.shape_cast %mul3A_269 : vector<16xf32> to vector<16xf32>
      tpu.vector_store %arg30[%swap3A_270], %swap3A_273 {strides = array<i32>} : memref<320xf32, #tpu.memory_space<vmem>>, vector<16xf32>,
      %add3A_274 = arith.constant 80 : i32
      %add3A_275 = arith.addi %mul3A_14, %add3A_274 : i32
      %get3A_276 = arith.index_cast %add3A_275 : i32 to index
      %get3A_277 = tpu.vector_load %arg22[%get3A_276] {strides = array<i32>} : memref<5120xi32, #tpu.memory_space<vmem>>, vector<16xi32>,
      %get3A_278 = vector.shape_cast %get3A_277 : vector<16xi32> to vector<16xi32>
      %ne3A_279 = arith.constant 0 : i32
      %ne3A_280 = vector.broadcast %ne3A_279 : i32 to vector<16xi32>
      %ne3A_281 = arith.cmpi ne, %get3A_278, %ne3A_280 : vector<16xi32>
      %jit3A_282 = arith.constant 1.000000e+00 : f32
      %jit3A_283 = arith.constant 0.000000e+00 : f32
      %broadcast_in_dim3A_284 = vector.broadcast %jit3A_282 : f32 to vector<16xf32>
      %broadcast_in_dim3A_285 = vector.broadcast %jit3A_283 : f32 to vector<16xf32>
      %select_n3A_286 = arith.select %ne3A_281, %broadcast_in_dim3A_284, %broadcast_in_dim3A_285 : vector<16xi1>, vector<16xf32>
      %get3A_287 = arith.index_cast %add3A_275 : i32 to index
      %get3A_288 = tpu.vector_load %arg12[%get3A_287] {strides = array<i32>} : memref<5136xf32, #tpu.memory_space<vmem>>, vector<16xf32>,
      %get3A_289 = vector.shape_cast %get3A_288 : vector<16xf32> to vector<16xf32>
      %mul3A_290 = arith.mulf %get3A_289, %select_n3A_286 : vector<16xf32>
      %swap3A_291 = arith.constant 80 : index
      %swap3A_292 = tpu.vector_load %arg26[%swap3A_291] {strides = array<i32>} : memref<320xf32, #tpu.memory_space<vmem>>, vector<16xf32>,
      %swap3A_293 = vector.shape_cast %swap3A_292 : vector<16xf32> to vector<16xf32>
      %swap3A_294 = vector.shape_cast %mul3A_290 : vector<16xf32> to vector<16xf32>
      tpu.vector_store %arg26[%swap3A_291], %swap3A_294 {strides = array<i32>} : memref<320xf32, #tpu.memory_space<vmem>>, vector<16xf32>,
      %get3A_295 = arith.index_cast %add3A_275 : i32 to index
      %get3A_296 = tpu.vector_load %arg13[%get3A_295] {strides = array<i32>} : memref<5136xf32, #tpu.memory_space<vmem>>, vector<16xf32>,
      %get3A_297 = vector.shape_cast %get3A_296 : vector<16xf32> to vector<16xf32>
      %mul3A_298 = arith.mulf %get3A_297, %select_n3A_286 : vector<16xf32>
      %swap3A_299 = arith.constant 80 : index
      %swap3A_300 = tpu.vector_load %arg27[%swap3A_299] {strides = array<i32>} : memref<320xf32, #tpu.memory_space<vmem>>, vector<16xf32>,
      %swap3A_301 = vector.shape_cast %swap3A_300 : vector<16xf32> to vector<16xf32>
      %swap3A_302 = vector.shape_cast %mul3A_298 : vector<16xf32> to vector<16xf32>
      tpu.vector_store %arg27[%swap3A_299], %swap3A_302 {strides = array<i32>} : memref<320xf32, #tpu.memory_space<vmem>>, vector<16xf32>,
      %get3A_303 = arith.index_cast %add3A_275 : i32 to index
      %get3A_304 = tpu.vector_load %arg14[%get3A_303] {strides = array<i32>} : memref<5136xf32, #tpu.memory_space<vmem>>, vector<16xf32>,
      %get3A_305 = vector.shape_cast %get3A_304 : vector<16xf32> to vector<16xf32>
      %mul3A_306 = arith.mulf %get3A_305, %select_n3A_286 : vector<16xf32>
      %swap3A_307 = arith.constant 80 : index
      %swap3A_308 = tpu.vector_load %arg28[%swap3A_307] {strides = array<i32>} : memref<320xf32, #tpu.memory_space<vmem>>, vector<16xf32>,
      %swap3A_309 = vector.shape_cast %swap3A_308 : vector<16xf32> to vector<16xf32>
      %swap3A_310 = vector.shape_cast %mul3A_306 : vector<16xf32> to vector<16xf32>
      tpu.vector_store %arg28[%swap3A_307], %swap3A_310 {strides = array<i32>} : memref<320xf32, #tpu.memory_space<vmem>>, vector<16xf32>,
      %get3A_311 = arith.index_cast %add3A_275 : i32 to index
      %get3A_312 = tpu.vector_load %arg15[%get3A_311] {strides = array<i32>} : memref<5136xf32, #tpu.memory_space<vmem>>, vector<16xf32>,
      %get3A_313 = vector.shape_cast %get3A_312 : vector<16xf32> to vector<16xf32>
      %mul3A_314 = arith.mulf %get3A_313, %select_n3A_286 : vector<16xf32>
      %swap3A_315 = arith.constant 80 : index
      %swap3A_316 = tpu.vector_load %arg29[%swap3A_315] {strides = array<i32>} : memref<320xf32, #tpu.memory_space<vmem>>, vector<16xf32>,
      %swap3A_317 = vector.shape_cast %swap3A_316 : vector<16xf32> to vector<16xf32>
      %swap3A_318 = vector.shape_cast %mul3A_314 : vector<16xf32> to vector<16xf32>
      tpu.vector_store %arg29[%swap3A_315], %swap3A_318 {strides = array<i32>} : memref<320xf32, #tpu.memory_space<vmem>>, vector<16xf32>,
      %get3A_319 = arith.index_cast %add3A_275 : i32 to index
      %get3A_320 = tpu.vector_load %arg16[%get3A_319] {strides = array<i32>} : memref<5120xf32, #tpu.memory_space<vmem>>, vector<16xf32>,
      %get3A_321 = vector.shape_cast %get3A_320 : vector<16xf32> to vector<16xf32>
      %mul3A_322 = arith.mulf %get3A_321, %select_n3A_286 : vector<16xf32>
      %swap3A_323 = arith.constant 80 : index
      %swap3A_324 = tpu.vector_load %arg30[%swap3A_323] {strides = array<i32>} : memref<320xf32, #tpu.memory_space<vmem>>, vector<16xf32>,
      %swap3A_325 = vector.shape_cast %swap3A_324 : vector<16xf32> to vector<16xf32>
      %swap3A_326 = vector.shape_cast %mul3A_322 : vector<16xf32> to vector<16xf32>
      tpu.vector_store %arg30[%swap3A_323], %swap3A_326 {strides = array<i32>} : memref<320xf32, #tpu.memory_space<vmem>>, vector<16xf32>,
      %add3A_327 = arith.constant 96 : i32
      %add3A_328 = arith.addi %mul3A_14, %add3A_327 : i32
      %get3A_329 = arith.index_cast %add3A_328 : i32 to index
      %get3A_330 = tpu.vector_load %arg22[%get3A_329] {strides = array<i32>} : memref<5120xi32, #tpu.memory_space<vmem>>, vector<16xi32>,
      %get3A_331 = vector.shape_cast %get3A_330 : vector<16xi32> to vector<16xi32>
      %ne3A_332 = arith.constant 0 : i32
      %ne3A_333 = vector.broadcast %ne3A_332 : i32 to vector<16xi32>
      %ne3A_334 = arith.cmpi ne, %get3A_331, %ne3A_333 : vector<16xi32>
      %jit3A_335 = arith.constant 1.000000e+00 : f32
      %jit3A_336 = arith.constant 0.000000e+00 : f32
      %broadcast_in_dim3A_337 = vector.broadcast %jit3A_335 : f32 to vector<16xf32>
      %broadcast_in_dim3A_338 = vector.broadcast %jit3A_336 : f32 to vector<16xf32>
      %select_n3A_339 = arith.select %ne3A_334, %broadcast_in_dim3A_337, %broadcast_in_dim3A_338 : vector<16xi1>, vector<16xf32>
      %get3A_340 = arith.index_cast %add3A_328 : i32 to index
      %get3A_341 = tpu.vector_load %arg12[%get3A_340] {strides = array<i32>} : memref<5136xf32, #tpu.memory_space<vmem>>, vector<16xf32>,
      %get3A_342 = vector.shape_cast %get3A_341 : vector<16xf32> to vector<16xf32>
      %mul3A_343 = arith.mulf %get3A_342, %select_n3A_339 : vector<16xf32>
      %swap3A_344 = arith.constant 96 : index
      %swap3A_345 = tpu.vector_load %arg26[%swap3A_344] {strides = array<i32>} : memref<320xf32, #tpu.memory_space<vmem>>, vector<16xf32>,
      %swap3A_346 = vector.shape_cast %swap3A_345 : vector<16xf32> to vector<16xf32>
      %swap3A_347 = vector.shape_cast %mul3A_343 : vector<16xf32> to vector<16xf32>
      tpu.vector_store %arg26[%swap3A_344], %swap3A_347 {strides = array<i32>} : memref<320xf32, #tpu.memory_space<vmem>>, vector<16xf32>,
      %get3A_348 = arith.index_cast %add3A_328 : i32 to index
      %get3A_349 = tpu.vector_load %arg13[%get3A_348] {strides = array<i32>} : memref<5136xf32, #tpu.memory_space<vmem>>, vector<16xf32>,
      %get3A_350 = vector.shape_cast %get3A_349 : vector<16xf32> to vector<16xf32>
      %mul3A_351 = arith.mulf %get3A_350, %select_n3A_339 : vector<16xf32>
      %swap3A_352 = arith.constant 96 : index
      %swap3A_353 = tpu.vector_load %arg27[%swap3A_352] {strides = array<i32>} : memref<320xf32, #tpu.memory_space<vmem>>, vector<16xf32>,
      %swap3A_354 = vector.shape_cast %swap3A_353 : vector<16xf32> to vector<16xf32>
      %swap3A_355 = vector.shape_cast %mul3A_351 : vector<16xf32> to vector<16xf32>
      tpu.vector_store %arg27[%swap3A_352], %swap3A_355 {strides = array<i32>} : memref<320xf32, #tpu.memory_space<vmem>>, vector<16xf32>,
      %get3A_356 = arith.index_cast %add3A_328 : i32 to index
      %get3A_357 = tpu.vector_load %arg14[%get3A_356] {strides = array<i32>} : memref<5136xf32, #tpu.memory_space<vmem>>, vector<16xf32>,
      %get3A_358 = vector.shape_cast %get3A_357 : vector<16xf32> to vector<16xf32>
      %mul3A_359 = arith.mulf %get3A_358, %select_n3A_339 : vector<16xf32>
      %swap3A_360 = arith.constant 96 : index
      %swap3A_361 = tpu.vector_load %arg28[%swap3A_360] {strides = array<i32>} : memref<320xf32, #tpu.memory_space<vmem>>, vector<16xf32>,
      %swap3A_362 = vector.shape_cast %swap3A_361 : vector<16xf32> to vector<16xf32>
      %swap3A_363 = vector.shape_cast %mul3A_359 : vector<16xf32> to vector<16xf32>
      tpu.vector_store %arg28[%swap3A_360], %swap3A_363 {strides = array<i32>} : memref<320xf32, #tpu.memory_space<vmem>>, vector<16xf32>,
      %get3A_364 = arith.index_cast %add3A_328 : i32 to index
      %get3A_365 = tpu.vector_load %arg15[%get3A_364] {strides = array<i32>} : memref<5136xf32, #tpu.memory_space<vmem>>, vector<16xf32>,
      %get3A_366 = vector.shape_cast %get3A_365 : vector<16xf32> to vector<16xf32>
      %mul3A_367 = arith.mulf %get3A_366, %select_n3A_339 : vector<16xf32>
      %swap3A_368 = arith.constant 96 : index
      %swap3A_369 = tpu.vector_load %arg29[%swap3A_368] {strides = array<i32>} : memref<320xf32, #tpu.memory_space<vmem>>, vector<16xf32>,
      %swap3A_370 = vector.shape_cast %swap3A_369 : vector<16xf32> to vector<16xf32>
      %swap3A_371 = vector.shape_cast %mul3A_367 : vector<16xf32> to vector<16xf32>
      tpu.vector_store %arg29[%swap3A_368], %swap3A_371 {strides = array<i32>} : memref<320xf32, #tpu.memory_space<vmem>>, vector<16xf32>,
      %get3A_372 = arith.index_cast %add3A_328 : i32 to index
      %get3A_373 = tpu.vector_load %arg16[%get3A_372] {strides = array<i32>} : memref<5120xf32, #tpu.memory_space<vmem>>, vector<16xf32>,
      %get3A_374 = vector.shape_cast %get3A_373 : vector<16xf32> to vector<16xf32>
      %mul3A_375 = arith.mulf %get3A_374, %select_n3A_339 : vector<16xf32>
      %swap3A_376 = arith.constant 96 : index
      %swap3A_377 = tpu.vector_load %arg30[%swap3A_376] {strides = array<i32>} : memref<320xf32, #tpu.memory_space<vmem>>, vector<16xf32>,
      %swap3A_378 = vector.shape_cast %swap3A_377 : vector<16xf32> to vector<16xf32>
      %swap3A_379 = vector.shape_cast %mul3A_375 : vector<16xf32> to vector<16xf32>
      tpu.vector_store %arg30[%swap3A_376], %swap3A_379 {strides = array<i32>} : memref<320xf32, #tpu.memory_space<vmem>>, vector<16xf32>,
      %add3A_380 = arith.constant 112 : i32
      %add3A_381 = arith.addi %mul3A_14, %add3A_380 : i32
      %get3A_382 = arith.index_cast %add3A_381 : i32 to index
      %get3A_383 = tpu.vector_load %arg22[%get3A_382] {strides = array<i32>} : memref<5120xi32, #tpu.memory_space<vmem>>, vector<16xi32>,
      %get3A_384 = vector.shape_cast %get3A_383 : vector<16xi32> to vector<16xi32>
      %ne3A_385 = arith.constant 0 : i32
      %ne3A_386 = vector.broadcast %ne3A_385 : i32 to vector<16xi32>
      %ne3A_387 = arith.cmpi ne, %get3A_384, %ne3A_386 : vector<16xi32>
      %jit3A_388 = arith.constant 1.000000e+00 : f32
      %jit3A_389 = arith.constant 0.000000e+00 : f32
      %broadcast_in_dim3A_390 = vector.broadcast %jit3A_388 : f32 to vector<16xf32>
      %broadcast_in_dim3A_391 = vector.broadcast %jit3A_389 : f32 to vector<16xf32>
      %select_n3A_392 = arith.select %ne3A_387, %broadcast_in_dim3A_390, %broadcast_in_dim3A_391 : vector<16xi1>, vector<16xf32>
      %get3A_393 = arith.index_cast %add3A_381 : i32 to index
      %get3A_394 = tpu.vector_load %arg12[%get3A_393] {strides = array<i32>} : memref<5136xf32, #tpu.memory_space<vmem>>, vector<16xf32>,
      %get3A_395 = vector.shape_cast %get3A_394 : vector<16xf32> to vector<16xf32>
      %mul3A_396 = arith.mulf %get3A_395, %select_n3A_392 : vector<16xf32>
      %swap3A_397 = arith.constant 112 : index
      %swap3A_398 = tpu.vector_load %arg26[%swap3A_397] {strides = array<i32>} : memref<320xf32, #tpu.memory_space<vmem>>, vector<16xf32>,
      %swap3A_399 = vector.shape_cast %swap3A_398 : vector<16xf32> to vector<16xf32>
      %swap3A_400 = vector.shape_cast %mul3A_396 : vector<16xf32> to vector<16xf32>
      tpu.vector_store %arg26[%swap3A_397], %swap3A_400 {strides = array<i32>} : memref<320xf32, #tpu.memory_space<vmem>>, vector<16xf32>,
      %get3A_401 = arith.index_cast %add3A_381 : i32 to index
      %get3A_402 = tpu.vector_load %arg13[%get3A_401] {strides = array<i32>} : memref<5136xf32, #tpu.memory_space<vmem>>, vector<16xf32>,
      %get3A_403 = vector.shape_cast %get3A_402 : vector<16xf32> to vector<16xf32>
      %mul3A_404 = arith.mulf %get3A_403, %select_n3A_392 : vector<16xf32>
      %swap3A_405 = arith.constant 112 : index
      %swap3A_406 = tpu.vector_load %arg27[%swap3A_405] {strides = array<i32>} : memref<320xf32, #tpu.memory_space<vmem>>, vector<16xf32>,
      %swap3A_407 = vector.shape_cast %swap3A_406 : vector<16xf32> to vector<16xf32>
      %swap3A_408 = vector.shape_cast %mul3A_404 : vector<16xf32> to vector<16xf32>
      tpu.vector_store %arg27[%swap3A_405], %swap3A_408 {strides = array<i32>} : memref<320xf32, #tpu.memory_space<vmem>>, vector<16xf32>,
      %get3A_409 = arith.index_cast %add3A_381 : i32 to index
      %get3A_410 = tpu.vector_load %arg14[%get3A_409] {strides = array<i32>} : memref<5136xf32, #tpu.memory_space<vmem>>, vector<16xf32>,
      %get3A_411 = vector.shape_cast %get3A_410 : vector<16xf32> to vector<16xf32>
      %mul3A_412 = arith.mulf %get3A_411, %select_n3A_392 : vector<16xf32>
      %swap3A_413 = arith.constant 112 : index
      %swap3A_414 = tpu.vector_load %arg28[%swap3A_413] {strides = array<i32>} : memref<320xf32, #tpu.memory_space<vmem>>, vector<16xf32>,
      %swap3A_415 = vector.shape_cast %swap3A_414 : vector<16xf32> to vector<16xf32>
      %swap3A_416 = vector.shape_cast %mul3A_412 : vector<16xf32> to vector<16xf32>
      tpu.vector_store %arg28[%swap3A_413], %swap3A_416 {strides = array<i32>} : memref<320xf32, #tpu.memory_space<vmem>>, vector<16xf32>,
      %get3A_417 = arith.index_cast %add3A_381 : i32 to index
      %get3A_418 = tpu.vector_load %arg15[%get3A_417] {strides = array<i32>} : memref<5136xf32, #tpu.memory_space<vmem>>, vector<16xf32>,
      %get3A_419 = vector.shape_cast %get3A_418 : vector<16xf32> to vector<16xf32>
      %mul3A_420 = arith.mulf %get3A_419, %select_n3A_392 : vector<16xf32>
      %swap3A_421 = arith.constant 112 : index
      %swap3A_422 = tpu.vector_load %arg29[%swap3A_421] {strides = array<i32>} : memref<320xf32, #tpu.memory_space<vmem>>, vector<16xf32>,
      %swap3A_423 = vector.shape_cast %swap3A_422 : vector<16xf32> to vector<16xf32>
      %swap3A_424 = vector.shape_cast %mul3A_420 : vector<16xf32> to vector<16xf32>
      tpu.vector_store %arg29[%swap3A_421], %swap3A_424 {strides = array<i32>} : memref<320xf32, #tpu.memory_space<vmem>>, vector<16xf32>,
      %get3A_425 = arith.index_cast %add3A_381 : i32 to index
      %get3A_426 = tpu.vector_load %arg16[%get3A_425] {strides = array<i32>} : memref<5120xf32, #tpu.memory_space<vmem>>, vector<16xf32>,
      %get3A_427 = vector.shape_cast %get3A_426 : vector<16xf32> to vector<16xf32>
      %mul3A_428 = arith.mulf %get3A_427, %select_n3A_392 : vector<16xf32>
      %swap3A_429 = arith.constant 112 : index
      %swap3A_430 = tpu.vector_load %arg30[%swap3A_429] {strides = array<i32>} : memref<320xf32, #tpu.memory_space<vmem>>, vector<16xf32>,
      %swap3A_431 = vector.shape_cast %swap3A_430 : vector<16xf32> to vector<16xf32>
      %swap3A_432 = vector.shape_cast %mul3A_428 : vector<16xf32> to vector<16xf32>
      tpu.vector_store %arg30[%swap3A_429], %swap3A_432 {strides = array<i32>} : memref<320xf32, #tpu.memory_space<vmem>>, vector<16xf32>,
      %add3A_433 = arith.constant 128 : i32
      %add3A_434 = arith.addi %mul3A_14, %add3A_433 : i32
      %get3A_435 = arith.index_cast %add3A_434 : i32 to index
      %get3A_436 = tpu.vector_load %arg22[%get3A_435] {strides = array<i32>} : memref<5120xi32, #tpu.memory_space<vmem>>, vector<16xi32>,
      %get3A_437 = vector.shape_cast %get3A_436 : vector<16xi32> to vector<16xi32>
      %ne3A_438 = arith.constant 0 : i32
      %ne3A_439 = vector.broadcast %ne3A_438 : i32 to vector<16xi32>
      %ne3A_440 = arith.cmpi ne, %get3A_437, %ne3A_439 : vector<16xi32>
      %jit3A_441 = arith.constant 1.000000e+00 : f32
      %jit3A_442 = arith.constant 0.000000e+00 : f32
      %broadcast_in_dim3A_443 = vector.broadcast %jit3A_441 : f32 to vector<16xf32>
      %broadcast_in_dim3A_444 = vector.broadcast %jit3A_442 : f32 to vector<16xf32>
      %select_n3A_445 = arith.select %ne3A_440, %broadcast_in_dim3A_443, %broadcast_in_dim3A_444 : vector<16xi1>, vector<16xf32>
      %get3A_446 = arith.index_cast %add3A_434 : i32 to index
      %get3A_447 = tpu.vector_load %arg12[%get3A_446] {strides = array<i32>} : memref<5136xf32, #tpu.memory_space<vmem>>, vector<16xf32>,
      %get3A_448 = vector.shape_cast %get3A_447 : vector<16xf32> to vector<16xf32>
      %mul3A_449 = arith.mulf %get3A_448, %select_n3A_445 : vector<16xf32>
      %swap3A_450 = arith.constant 128 : index
      %swap3A_451 = tpu.vector_load %arg26[%swap3A_450] {strides = array<i32>} : memref<320xf32, #tpu.memory_space<vmem>>, vector<16xf32>,
      %swap3A_452 = vector.shape_cast %swap3A_451 : vector<16xf32> to vector<16xf32>
      %swap3A_453 = vector.shape_cast %mul3A_449 : vector<16xf32> to vector<16xf32>
      tpu.vector_store %arg26[%swap3A_450], %swap3A_453 {strides = array<i32>} : memref<320xf32, #tpu.memory_space<vmem>>, vector<16xf32>,
      %get3A_454 = arith.index_cast %add3A_434 : i32 to index
      %get3A_455 = tpu.vector_load %arg13[%get3A_454] {strides = array<i32>} : memref<5136xf32, #tpu.memory_space<vmem>>, vector<16xf32>,
      %get3A_456 = vector.shape_cast %get3A_455 : vector<16xf32> to vector<16xf32>
      %mul3A_457 = arith.mulf %get3A_456, %select_n3A_445 : vector<16xf32>
      %swap3A_458 = arith.constant 128 : index
      %swap3A_459 = tpu.vector_load %arg27[%swap3A_458] {strides = array<i32>} : memref<320xf32, #tpu.memory_space<vmem>>, vector<16xf32>,
      %swap3A_460 = vector.shape_cast %swap3A_459 : vector<16xf32> to vector<16xf32>
      %swap3A_461 = vector.shape_cast %mul3A_457 : vector<16xf32> to vector<16xf32>
      tpu.vector_store %arg27[%swap3A_458], %swap3A_461 {strides = array<i32>} : memref<320xf32, #tpu.memory_space<vmem>>, vector<16xf32>,
      %get3A_462 = arith.index_cast %add3A_434 : i32 to index
      %get3A_463 = tpu.vector_load %arg14[%get3A_462] {strides = array<i32>} : memref<5136xf32, #tpu.memory_space<vmem>>, vector<16xf32>,
      %get3A_464 = vector.shape_cast %get3A_463 : vector<16xf32> to vector<16xf32>
      %mul3A_465 = arith.mulf %get3A_464, %select_n3A_445 : vector<16xf32>
      %swap3A_466 = arith.constant 128 : index
      %swap3A_467 = tpu.vector_load %arg28[%swap3A_466] {strides = array<i32>} : memref<320xf32, #tpu.memory_space<vmem>>, vector<16xf32>,
      %swap3A_468 = vector.shape_cast %swap3A_467 : vector<16xf32> to vector<16xf32>
      %swap3A_469 = vector.shape_cast %mul3A_465 : vector<16xf32> to vector<16xf32>
      tpu.vector_store %arg28[%swap3A_466], %swap3A_469 {strides = array<i32>} : memref<320xf32, #tpu.memory_space<vmem>>, vector<16xf32>,
      %get3A_470 = arith.index_cast %add3A_434 : i32 to index
      %get3A_471 = tpu.vector_load %arg15[%get3A_470] {strides = array<i32>} : memref<5136xf32, #tpu.memory_space<vmem>>, vector<16xf32>,
      %get3A_472 = vector.shape_cast %get3A_471 : vector<16xf32> to vector<16xf32>
      %mul3A_473 = arith.mulf %get3A_472, %select_n3A_445 : vector<16xf32>
      %swap3A_474 = arith.constant 128 : index
      %swap3A_475 = tpu.vector_load %arg29[%swap3A_474] {strides = array<i32>} : memref<320xf32, #tpu.memory_space<vmem>>, vector<16xf32>,
      %swap3A_476 = vector.shape_cast %swap3A_475 : vector<16xf32> to vector<16xf32>
      %swap3A_477 = vector.shape_cast %mul3A_473 : vector<16xf32> to vector<16xf32>
      tpu.vector_store %arg29[%swap3A_474], %swap3A_477 {strides = array<i32>} : memref<320xf32, #tpu.memory_space<vmem>>, vector<16xf32>,
      %get3A_478 = arith.index_cast %add3A_434 : i32 to index
      %get3A_479 = tpu.vector_load %arg16[%get3A_478] {strides = array<i32>} : memref<5120xf32, #tpu.memory_space<vmem>>, vector<16xf32>,
      %get3A_480 = vector.shape_cast %get3A_479 : vector<16xf32> to vector<16xf32>
      %mul3A_481 = arith.mulf %get3A_480, %select_n3A_445 : vector<16xf32>
      %swap3A_482 = arith.constant 128 : index
      %swap3A_483 = tpu.vector_load %arg30[%swap3A_482] {strides = array<i32>} : memref<320xf32, #tpu.memory_space<vmem>>, vector<16xf32>,
      %swap3A_484 = vector.shape_cast %swap3A_483 : vector<16xf32> to vector<16xf32>
      %swap3A_485 = vector.shape_cast %mul3A_481 : vector<16xf32> to vector<16xf32>
      tpu.vector_store %arg30[%swap3A_482], %swap3A_485 {strides = array<i32>} : memref<320xf32, #tpu.memory_space<vmem>>, vector<16xf32>,
      %add3A_486 = arith.constant 144 : i32
      %add3A_487 = arith.addi %mul3A_14, %add3A_486 : i32
      %get3A_488 = arith.index_cast %add3A_487 : i32 to index
      %get3A_489 = tpu.vector_load %arg22[%get3A_488] {strides = array<i32>} : memref<5120xi32, #tpu.memory_space<vmem>>, vector<16xi32>,
      %get3A_490 = vector.shape_cast %get3A_489 : vector<16xi32> to vector<16xi32>
      %ne3A_491 = arith.constant 0 : i32
      %ne3A_492 = vector.broadcast %ne3A_491 : i32 to vector<16xi32>
      %ne3A_493 = arith.cmpi ne, %get3A_490, %ne3A_492 : vector<16xi32>
      %jit3A_494 = arith.constant 1.000000e+00 : f32
      %jit3A_495 = arith.constant 0.000000e+00 : f32
      %broadcast_in_dim3A_496 = vector.broadcast %jit3A_494 : f32 to vector<16xf32>
      %broadcast_in_dim3A_497 = vector.broadcast %jit3A_495 : f32 to vector<16xf32>
      %select_n3A_498 = arith.select %ne3A_493, %broadcast_in_dim3A_496, %broadcast_in_dim3A_497 : vector<16xi1>, vector<16xf32>
      %get3A_499 = arith.index_cast %add3A_487 : i32 to index
      %get3A_500 = tpu.vector_load %arg12[%get3A_499] {strides = array<i32>} : memref<5136xf32, #tpu.memory_space<vmem>>, vector<16xf32>,
      %get3A_501 = vector.shape_cast %get3A_500 : vector<16xf32> to vector<16xf32>
      %mul3A_502 = arith.mulf %get3A_501, %select_n3A_498 : vector<16xf32>
      %swap3A_503 = arith.constant 144 : index
      %swap3A_504 = tpu.vector_load %arg26[%swap3A_503] {strides = array<i32>} : memref<320xf32, #tpu.memory_space<vmem>>, vector<16xf32>,
      %swap3A_505 = vector.shape_cast %swap3A_504 : vector<16xf32> to vector<16xf32>
      %swap3A_506 = vector.shape_cast %mul3A_502 : vector<16xf32> to vector<16xf32>
      tpu.vector_store %arg26[%swap3A_503], %swap3A_506 {strides = array<i32>} : memref<320xf32, #tpu.memory_space<vmem>>, vector<16xf32>,
      %get3A_507 = arith.index_cast %add3A_487 : i32 to index
      %get3A_508 = tpu.vector_load %arg13[%get3A_507] {strides = array<i32>} : memref<5136xf32, #tpu.memory_space<vmem>>, vector<16xf32>,
      %get3A_509 = vector.shape_cast %get3A_508 : vector<16xf32> to vector<16xf32>
      %mul3A_510 = arith.mulf %get3A_509, %select_n3A_498 : vector<16xf32>
      %swap3A_511 = arith.constant 144 : index
      %swap3A_512 = tpu.vector_load %arg27[%swap3A_511] {strides = array<i32>} : memref<320xf32, #tpu.memory_space<vmem>>, vector<16xf32>,
      %swap3A_513 = vector.shape_cast %swap3A_512 : vector<16xf32> to vector<16xf32>
      %swap3A_514 = vector.shape_cast %mul3A_510 : vector<16xf32> to vector<16xf32>
      tpu.vector_store %arg27[%swap3A_511], %swap3A_514 {strides = array<i32>} : memref<320xf32, #tpu.memory_space<vmem>>, vector<16xf32>,
      %get3A_515 = arith.index_cast %add3A_487 : i32 to index
      %get3A_516 = tpu.vector_load %arg14[%get3A_515] {strides = array<i32>} : memref<5136xf32, #tpu.memory_space<vmem>>, vector<16xf32>,
      %get3A_517 = vector.shape_cast %get3A_516 : vector<16xf32> to vector<16xf32>
      %mul3A_518 = arith.mulf %get3A_517, %select_n3A_498 : vector<16xf32>
      %swap3A_519 = arith.constant 144 : index
      %swap3A_520 = tpu.vector_load %arg28[%swap3A_519] {strides = array<i32>} : memref<320xf32, #tpu.memory_space<vmem>>, vector<16xf32>,
      %swap3A_521 = vector.shape_cast %swap3A_520 : vector<16xf32> to vector<16xf32>
      %swap3A_522 = vector.shape_cast %mul3A_518 : vector<16xf32> to vector<16xf32>
      tpu.vector_store %arg28[%swap3A_519], %swap3A_522 {strides = array<i32>} : memref<320xf32, #tpu.memory_space<vmem>>, vector<16xf32>,
      %get3A_523 = arith.index_cast %add3A_487 : i32 to index
      %get3A_524 = tpu.vector_load %arg15[%get3A_523] {strides = array<i32>} : memref<5136xf32, #tpu.memory_space<vmem>>, vector<16xf32>,
      %get3A_525 = vector.shape_cast %get3A_524 : vector<16xf32> to vector<16xf32>
      %mul3A_526 = arith.mulf %get3A_525, %select_n3A_498 : vector<16xf32>
      %swap3A_527 = arith.constant 144 : index
      %swap3A_528 = tpu.vector_load %arg29[%swap3A_527] {strides = array<i32>} : memref<320xf32, #tpu.memory_space<vmem>>, vector<16xf32>,
      %swap3A_529 = vector.shape_cast %swap3A_528 : vector<16xf32> to vector<16xf32>
      %swap3A_530 = vector.shape_cast %mul3A_526 : vector<16xf32> to vector<16xf32>
      tpu.vector_store %arg29[%swap3A_527], %swap3A_530 {strides = array<i32>} : memref<320xf32, #tpu.memory_space<vmem>>, vector<16xf32>,
      %get3A_531 = arith.index_cast %add3A_487 : i32 to index
      %get3A_532 = tpu.vector_load %arg16[%get3A_531] {strides = array<i32>} : memref<5120xf32, #tpu.memory_space<vmem>>, vector<16xf32>,
      %get3A_533 = vector.shape_cast %get3A_532 : vector<16xf32> to vector<16xf32>
      %mul3A_534 = arith.mulf %get3A_533, %select_n3A_498 : vector<16xf32>
      %swap3A_535 = arith.constant 144 : index
      %swap3A_536 = tpu.vector_load %arg30[%swap3A_535] {strides = array<i32>} : memref<320xf32, #tpu.memory_space<vmem>>, vector<16xf32>,
      %swap3A_537 = vector.shape_cast %swap3A_536 : vector<16xf32> to vector<16xf32>
      %swap3A_538 = vector.shape_cast %mul3A_534 : vector<16xf32> to vector<16xf32>
      tpu.vector_store %arg30[%swap3A_535], %swap3A_538 {strides = array<i32>} : memref<320xf32, #tpu.memory_space<vmem>>, vector<16xf32>,
      %add3A_539 = arith.constant 160 : i32
      %add3A_540 = arith.addi %mul3A_14, %add3A_539 : i32
      %get3A_541 = arith.index_cast %add3A_540 : i32 to index
      %get3A_542 = tpu.vector_load %arg22[%get3A_541] {strides = array<i32>} : memref<5120xi32, #tpu.memory_space<vmem>>, vector<16xi32>,
      %get3A_543 = vector.shape_cast %get3A_542 : vector<16xi32> to vector<16xi32>
      %ne3A_544 = arith.constant 0 : i32
      %ne3A_545 = vector.broadcast %ne3A_544 : i32 to vector<16xi32>
      %ne3A_546 = arith.cmpi ne, %get3A_543, %ne3A_545 : vector<16xi32>
      %jit3A_547 = arith.constant 1.000000e+00 : f32
      %jit3A_548 = arith.constant 0.000000e+00 : f32
      %broadcast_in_dim3A_549 = vector.broadcast %jit3A_547 : f32 to vector<16xf32>
      %broadcast_in_dim3A_550 = vector.broadcast %jit3A_548 : f32 to vector<16xf32>
      %select_n3A_551 = arith.select %ne3A_546, %broadcast_in_dim3A_549, %broadcast_in_dim3A_550 : vector<16xi1>, vector<16xf32>
      %get3A_552 = arith.index_cast %add3A_540 : i32 to index
      %get3A_553 = tpu.vector_load %arg12[%get3A_552] {strides = array<i32>} : memref<5136xf32, #tpu.memory_space<vmem>>, vector<16xf32>,
      %get3A_554 = vector.shape_cast %get3A_553 : vector<16xf32> to vector<16xf32>
      %mul3A_555 = arith.mulf %get3A_554, %select_n3A_551 : vector<16xf32>
      %swap3A_556 = arith.constant 160 : index
      %swap3A_557 = tpu.vector_load %arg26[%swap3A_556] {strides = array<i32>} : memref<320xf32, #tpu.memory_space<vmem>>, vector<16xf32>,
      %swap3A_558 = vector.shape_cast %swap3A_557 : vector<16xf32> to vector<16xf32>
      %swap3A_559 = vector.shape_cast %mul3A_555 : vector<16xf32> to vector<16xf32>
      tpu.vector_store %arg26[%swap3A_556], %swap3A_559 {strides = array<i32>} : memref<320xf32, #tpu.memory_space<vmem>>, vector<16xf32>,
      %get3A_560 = arith.index_cast %add3A_540 : i32 to index
      %get3A_561 = tpu.vector_load %arg13[%get3A_560] {strides = array<i32>} : memref<5136xf32, #tpu.memory_space<vmem>>, vector<16xf32>,
      %get3A_562 = vector.shape_cast %get3A_561 : vector<16xf32> to vector<16xf32>
      %mul3A_563 = arith.mulf %get3A_562, %select_n3A_551 : vector<16xf32>
      %swap3A_564 = arith.constant 160 : index
      %swap3A_565 = tpu.vector_load %arg27[%swap3A_564] {strides = array<i32>} : memref<320xf32, #tpu.memory_space<vmem>>, vector<16xf32>,
      %swap3A_566 = vector.shape_cast %swap3A_565 : vector<16xf32> to vector<16xf32>
      %swap3A_567 = vector.shape_cast %mul3A_563 : vector<16xf32> to vector<16xf32>
      tpu.vector_store %arg27[%swap3A_564], %swap3A_567 {strides = array<i32>} : memref<320xf32, #tpu.memory_space<vmem>>, vector<16xf32>,
      %get3A_568 = arith.index_cast %add3A_540 : i32 to index
      %get3A_569 = tpu.vector_load %arg14[%get3A_568] {strides = array<i32>} : memref<5136xf32, #tpu.memory_space<vmem>>, vector<16xf32>,
      %get3A_570 = vector.shape_cast %get3A_569 : vector<16xf32> to vector<16xf32>
      %mul3A_571 = arith.mulf %get3A_570, %select_n3A_551 : vector<16xf32>
      %swap3A_572 = arith.constant 160 : index
      %swap3A_573 = tpu.vector_load %arg28[%swap3A_572] {strides = array<i32>} : memref<320xf32, #tpu.memory_space<vmem>>, vector<16xf32>,
      %swap3A_574 = vector.shape_cast %swap3A_573 : vector<16xf32> to vector<16xf32>
      %swap3A_575 = vector.shape_cast %mul3A_571 : vector<16xf32> to vector<16xf32>
      tpu.vector_store %arg28[%swap3A_572], %swap3A_575 {strides = array<i32>} : memref<320xf32, #tpu.memory_space<vmem>>, vector<16xf32>,
      %get3A_576 = arith.index_cast %add3A_540 : i32 to index
      %get3A_577 = tpu.vector_load %arg15[%get3A_576] {strides = array<i32>} : memref<5136xf32, #tpu.memory_space<vmem>>, vector<16xf32>,
      %get3A_578 = vector.shape_cast %get3A_577 : vector<16xf32> to vector<16xf32>
      %mul3A_579 = arith.mulf %get3A_578, %select_n3A_551 : vector<16xf32>
      %swap3A_580 = arith.constant 160 : index
      %swap3A_581 = tpu.vector_load %arg29[%swap3A_580] {strides = array<i32>} : memref<320xf32, #tpu.memory_space<vmem>>, vector<16xf32>,
      %swap3A_582 = vector.shape_cast %swap3A_581 : vector<16xf32> to vector<16xf32>
      %swap3A_583 = vector.shape_cast %mul3A_579 : vector<16xf32> to vector<16xf32>
      tpu.vector_store %arg29[%swap3A_580], %swap3A_583 {strides = array<i32>} : memref<320xf32, #tpu.memory_space<vmem>>, vector<16xf32>,
      %get3A_584 = arith.index_cast %add3A_540 : i32 to index
      %get3A_585 = tpu.vector_load %arg16[%get3A_584] {strides = array<i32>} : memref<5120xf32, #tpu.memory_space<vmem>>, vector<16xf32>,
      %get3A_586 = vector.shape_cast %get3A_585 : vector<16xf32> to vector<16xf32>
      %mul3A_587 = arith.mulf %get3A_586, %select_n3A_551 : vector<16xf32>
      %swap3A_588 = arith.constant 160 : index
      %swap3A_589 = tpu.vector_load %arg30[%swap3A_588] {strides = array<i32>} : memref<320xf32, #tpu.memory_space<vmem>>, vector<16xf32>,
      %swap3A_590 = vector.shape_cast %swap3A_589 : vector<16xf32> to vector<16xf32>
      %swap3A_591 = vector.shape_cast %mul3A_587 : vector<16xf32> to vector<16xf32>
      tpu.vector_store %arg30[%swap3A_588], %swap3A_591 {strides = array<i32>} : memref<320xf32, #tpu.memory_space<vmem>>, vector<16xf32>,
      %add3A_592 = arith.constant 176 : i32
      %add3A_593 = arith.addi %mul3A_14, %add3A_592 : i32
      %get3A_594 = arith.index_cast %add3A_593 : i32 to index
      %get3A_595 = tpu.vector_load %arg22[%get3A_594] {strides = array<i32>} : memref<5120xi32, #tpu.memory_space<vmem>>, vector<16xi32>,
      %get3A_596 = vector.shape_cast %get3A_595 : vector<16xi32> to vector<16xi32>
      %ne3A_597 = arith.constant 0 : i32
      %ne3A_598 = vector.broadcast %ne3A_597 : i32 to vector<16xi32>
      %ne3A_599 = arith.cmpi ne, %get3A_596, %ne3A_598 : vector<16xi32>
      %jit3A_600 = arith.constant 1.000000e+00 : f32
      %jit3A_601 = arith.constant 0.000000e+00 : f32
      %broadcast_in_dim3A_602 = vector.broadcast %jit3A_600 : f32 to vector<16xf32>
      %broadcast_in_dim3A_603 = vector.broadcast %jit3A_601 : f32 to vector<16xf32>
      %select_n3A_604 = arith.select %ne3A_599, %broadcast_in_dim3A_602, %broadcast_in_dim3A_603 : vector<16xi1>, vector<16xf32>
      %get3A_605 = arith.index_cast %add3A_593 : i32 to index
      %get3A_606 = tpu.vector_load %arg12[%get3A_605] {strides = array<i32>} : memref<5136xf32, #tpu.memory_space<vmem>>, vector<16xf32>,
      %get3A_607 = vector.shape_cast %get3A_606 : vector<16xf32> to vector<16xf32>
      %mul3A_608 = arith.mulf %get3A_607, %select_n3A_604 : vector<16xf32>
      %swap3A_609 = arith.constant 176 : index
      %swap3A_610 = tpu.vector_load %arg26[%swap3A_609] {strides = array<i32>} : memref<320xf32, #tpu.memory_space<vmem>>, vector<16xf32>,
      %swap3A_611 = vector.shape_cast %swap3A_610 : vector<16xf32> to vector<16xf32>
      %swap3A_612 = vector.shape_cast %mul3A_608 : vector<16xf32> to vector<16xf32>
      tpu.vector_store %arg26[%swap3A_609], %swap3A_612 {strides = array<i32>} : memref<320xf32, #tpu.memory_space<vmem>>, vector<16xf32>,
      %get3A_613 = arith.index_cast %add3A_593 : i32 to index
      %get3A_614 = tpu.vector_load %arg13[%get3A_613] {strides = array<i32>} : memref<5136xf32, #tpu.memory_space<vmem>>, vector<16xf32>,
      %get3A_615 = vector.shape_cast %get3A_614 : vector<16xf32> to vector<16xf32>
      %mul3A_616 = arith.mulf %get3A_615, %select_n3A_604 : vector<16xf32>
      %swap3A_617 = arith.constant 176 : index
      %swap3A_618 = tpu.vector_load %arg27[%swap3A_617] {strides = array<i32>} : memref<320xf32, #tpu.memory_space<vmem>>, vector<16xf32>,
      %swap3A_619 = vector.shape_cast %swap3A_618 : vector<16xf32> to vector<16xf32>
      %swap3A_620 = vector.shape_cast %mul3A_616 : vector<16xf32> to vector<16xf32>
      tpu.vector_store %arg27[%swap3A_617], %swap3A_620 {strides = array<i32>} : memref<320xf32, #tpu.memory_space<vmem>>, vector<16xf32>,
      %get3A_621 = arith.index_cast %add3A_593 : i32 to index
      %get3A_622 = tpu.vector_load %arg14[%get3A_621] {strides = array<i32>} : memref<5136xf32, #tpu.memory_space<vmem>>, vector<16xf32>,
      %get3A_623 = vector.shape_cast %get3A_622 : vector<16xf32> to vector<16xf32>
      %mul3A_624 = arith.mulf %get3A_623, %select_n3A_604 : vector<16xf32>
      %swap3A_625 = arith.constant 176 : index
      %swap3A_626 = tpu.vector_load %arg28[%swap3A_625] {strides = array<i32>} : memref<320xf32, #tpu.memory_space<vmem>>, vector<16xf32>,
      %swap3A_627 = vector.shape_cast %swap3A_626 : vector<16xf32> to vector<16xf32>
      %swap3A_628 = vector.shape_cast %mul3A_624 : vector<16xf32> to vector<16xf32>
      tpu.vector_store %arg28[%swap3A_625], %swap3A_628 {strides = array<i32>} : memref<320xf32, #tpu.memory_space<vmem>>, vector<16xf32>,
      %get3A_629 = arith.index_cast %add3A_593 : i32 to index
      %get3A_630 = tpu.vector_load %arg15[%get3A_629] {strides = array<i32>} : memref<5136xf32, #tpu.memory_space<vmem>>, vector<16xf32>,
      %get3A_631 = vector.shape_cast %get3A_630 : vector<16xf32> to vector<16xf32>
      %mul3A_632 = arith.mulf %get3A_631, %select_n3A_604 : vector<16xf32>
      %swap3A_633 = arith.constant 176 : index
      %swap3A_634 = tpu.vector_load %arg29[%swap3A_633] {strides = array<i32>} : memref<320xf32, #tpu.memory_space<vmem>>, vector<16xf32>,
      %swap3A_635 = vector.shape_cast %swap3A_634 : vector<16xf32> to vector<16xf32>
      %swap3A_636 = vector.shape_cast %mul3A_632 : vector<16xf32> to vector<16xf32>
      tpu.vector_store %arg29[%swap3A_633], %swap3A_636 {strides = array<i32>} : memref<320xf32, #tpu.memory_space<vmem>>, vector<16xf32>,
      %get3A_637 = arith.index_cast %add3A_593 : i32 to index
      %get3A_638 = tpu.vector_load %arg16[%get3A_637] {strides = array<i32>} : memref<5120xf32, #tpu.memory_space<vmem>>, vector<16xf32>,
      %get3A_639 = vector.shape_cast %get3A_638 : vector<16xf32> to vector<16xf32>
      %mul3A_640 = arith.mulf %get3A_639, %select_n3A_604 : vector<16xf32>
      %swap3A_641 = arith.constant 176 : index
      %swap3A_642 = tpu.vector_load %arg30[%swap3A_641] {strides = array<i32>} : memref<320xf32, #tpu.memory_space<vmem>>, vector<16xf32>,
      %swap3A_643 = vector.shape_cast %swap3A_642 : vector<16xf32> to vector<16xf32>
      %swap3A_644 = vector.shape_cast %mul3A_640 : vector<16xf32> to vector<16xf32>
      tpu.vector_store %arg30[%swap3A_641], %swap3A_644 {strides = array<i32>} : memref<320xf32, #tpu.memory_space<vmem>>, vector<16xf32>,
      %add3A_645 = arith.constant 192 : i32
      %add3A_646 = arith.addi %mul3A_14, %add3A_645 : i32
      %get3A_647 = arith.index_cast %add3A_646 : i32 to index
      %get3A_648 = tpu.vector_load %arg22[%get3A_647] {strides = array<i32>} : memref<5120xi32, #tpu.memory_space<vmem>>, vector<16xi32>,
      %get3A_649 = vector.shape_cast %get3A_648 : vector<16xi32> to vector<16xi32>
      %ne3A_650 = arith.constant 0 : i32
      %ne3A_651 = vector.broadcast %ne3A_650 : i32 to vector<16xi32>
      %ne3A_652 = arith.cmpi ne, %get3A_649, %ne3A_651 : vector<16xi32>
      %jit3A_653 = arith.constant 1.000000e+00 : f32
      %jit3A_654 = arith.constant 0.000000e+00 : f32
      %broadcast_in_dim3A_655 = vector.broadcast %jit3A_653 : f32 to vector<16xf32>
      %broadcast_in_dim3A_656 = vector.broadcast %jit3A_654 : f32 to vector<16xf32>
      %select_n3A_657 = arith.select %ne3A_652, %broadcast_in_dim3A_655, %broadcast_in_dim3A_656 : vector<16xi1>, vector<16xf32>
      %get3A_658 = arith.index_cast %add3A_646 : i32 to index
      %get3A_659 = tpu.vector_load %arg12[%get3A_658] {strides = array<i32>} : memref<5136xf32, #tpu.memory_space<vmem>>, vector<16xf32>,
      %get3A_660 = vector.shape_cast %get3A_659 : vector<16xf32> to vector<16xf32>
      %mul3A_661 = arith.mulf %get3A_660, %select_n3A_657 : vector<16xf32>
      %swap3A_662 = arith.constant 192 : index
      %swap3A_663 = tpu.vector_load %arg26[%swap3A_662] {strides = array<i32>} : memref<320xf32, #tpu.memory_space<vmem>>, vector<16xf32>,
      %swap3A_664 = vector.shape_cast %swap3A_663 : vector<16xf32> to vector<16xf32>
      %swap3A_665 = vector.shape_cast %mul3A_661 : vector<16xf32> to vector<16xf32>
      tpu.vector_store %arg26[%swap3A_662], %swap3A_665 {strides = array<i32>} : memref<320xf32, #tpu.memory_space<vmem>>, vector<16xf32>,
      %get3A_666 = arith.index_cast %add3A_646 : i32 to index
      %get3A_667 = tpu.vector_load %arg13[%get3A_666] {strides = array<i32>} : memref<5136xf32, #tpu.memory_space<vmem>>, vector<16xf32>,
      %get3A_668 = vector.shape_cast %get3A_667 : vector<16xf32> to vector<16xf32>
      %mul3A_669 = arith.mulf %get3A_668, %select_n3A_657 : vector<16xf32>
      %swap3A_670 = arith.constant 192 : index
      %swap3A_671 = tpu.vector_load %arg27[%swap3A_670] {strides = array<i32>} : memref<320xf32, #tpu.memory_space<vmem>>, vector<16xf32>,
      %swap3A_672 = vector.shape_cast %swap3A_671 : vector<16xf32> to vector<16xf32>
      %swap3A_673 = vector.shape_cast %mul3A_669 : vector<16xf32> to vector<16xf32>
      tpu.vector_store %arg27[%swap3A_670], %swap3A_673 {strides = array<i32>} : memref<320xf32, #tpu.memory_space<vmem>>, vector<16xf32>,
      %get3A_674 = arith.index_cast %add3A_646 : i32 to index
      %get3A_675 = tpu.vector_load %arg14[%get3A_674] {strides = array<i32>} : memref<5136xf32, #tpu.memory_space<vmem>>, vector<16xf32>,
      %get3A_676 = vector.shape_cast %get3A_675 : vector<16xf32> to vector<16xf32>
      %mul3A_677 = arith.mulf %get3A_676, %select_n3A_657 : vector<16xf32>
      %swap3A_678 = arith.constant 192 : index
      %swap3A_679 = tpu.vector_load %arg28[%swap3A_678] {strides = array<i32>} : memref<320xf32, #tpu.memory_space<vmem>>, vector<16xf32>,
      %swap3A_680 = vector.shape_cast %swap3A_679 : vector<16xf32> to vector<16xf32>
      %swap3A_681 = vector.shape_cast %mul3A_677 : vector<16xf32> to vector<16xf32>
      tpu.vector_store %arg28[%swap3A_678], %swap3A_681 {strides = array<i32>} : memref<320xf32, #tpu.memory_space<vmem>>, vector<16xf32>,
      %get3A_682 = arith.index_cast %add3A_646 : i32 to index
      %get3A_683 = tpu.vector_load %arg15[%get3A_682] {strides = array<i32>} : memref<5136xf32, #tpu.memory_space<vmem>>, vector<16xf32>,
      %get3A_684 = vector.shape_cast %get3A_683 : vector<16xf32> to vector<16xf32>
      %mul3A_685 = arith.mulf %get3A_684, %select_n3A_657 : vector<16xf32>
      %swap3A_686 = arith.constant 192 : index
      %swap3A_687 = tpu.vector_load %arg29[%swap3A_686] {strides = array<i32>} : memref<320xf32, #tpu.memory_space<vmem>>, vector<16xf32>,
      %swap3A_688 = vector.shape_cast %swap3A_687 : vector<16xf32> to vector<16xf32>
      %swap3A_689 = vector.shape_cast %mul3A_685 : vector<16xf32> to vector<16xf32>
      tpu.vector_store %arg29[%swap3A_686], %swap3A_689 {strides = array<i32>} : memref<320xf32, #tpu.memory_space<vmem>>, vector<16xf32>,
      %get3A_690 = arith.index_cast %add3A_646 : i32 to index
      %get3A_691 = tpu.vector_load %arg16[%get3A_690] {strides = array<i32>} : memref<5120xf32, #tpu.memory_space<vmem>>, vector<16xf32>,
      %get3A_692 = vector.shape_cast %get3A_691 : vector<16xf32> to vector<16xf32>
      %mul3A_693 = arith.mulf %get3A_692, %select_n3A_657 : vector<16xf32>
      %swap3A_694 = arith.constant 192 : index
      %swap3A_695 = tpu.vector_load %arg30[%swap3A_694] {strides = array<i32>} : memref<320xf32, #tpu.memory_space<vmem>>, vector<16xf32>,
      %swap3A_696 = vector.shape_cast %swap3A_695 : vector<16xf32> to vector<16xf32>
      %swap3A_697 = vector.shape_cast %mul3A_693 : vector<16xf32> to vector<16xf32>
      tpu.vector_store %arg30[%swap3A_694], %swap3A_697 {strides = array<i32>} : memref<320xf32, #tpu.memory_space<vmem>>, vector<16xf32>,
      %add3A_698 = arith.constant 208 : i32
      %add3A_699 = arith.addi %mul3A_14, %add3A_698 : i32
      %get3A_700 = arith.index_cast %add3A_699 : i32 to index
      %get3A_701 = tpu.vector_load %arg22[%get3A_700] {strides = array<i32>} : memref<5120xi32, #tpu.memory_space<vmem>>, vector<16xi32>,
      %get3A_702 = vector.shape_cast %get3A_701 : vector<16xi32> to vector<16xi32>
      %ne3A_703 = arith.constant 0 : i32
      %ne3A_704 = vector.broadcast %ne3A_703 : i32 to vector<16xi32>
      %ne3A_705 = arith.cmpi ne, %get3A_702, %ne3A_704 : vector<16xi32>
      %jit3A_706 = arith.constant 1.000000e+00 : f32
      %jit3A_707 = arith.constant 0.000000e+00 : f32
      %broadcast_in_dim3A_708 = vector.broadcast %jit3A_706 : f32 to vector<16xf32>
      %broadcast_in_dim3A_709 = vector.broadcast %jit3A_707 : f32 to vector<16xf32>
      %select_n3A_710 = arith.select %ne3A_705, %broadcast_in_dim3A_708, %broadcast_in_dim3A_709 : vector<16xi1>, vector<16xf32>
      %get3A_711 = arith.index_cast %add3A_699 : i32 to index
      %get3A_712 = tpu.vector_load %arg12[%get3A_711] {strides = array<i32>} : memref<5136xf32, #tpu.memory_space<vmem>>, vector<16xf32>,
      %get3A_713 = vector.shape_cast %get3A_712 : vector<16xf32> to vector<16xf32>
      %mul3A_714 = arith.mulf %get3A_713, %select_n3A_710 : vector<16xf32>
      %swap3A_715 = arith.constant 208 : index
      %swap3A_716 = tpu.vector_load %arg26[%swap3A_715] {strides = array<i32>} : memref<320xf32, #tpu.memory_space<vmem>>, vector<16xf32>,
      %swap3A_717 = vector.shape_cast %swap3A_716 : vector<16xf32> to vector<16xf32>
      %swap3A_718 = vector.shape_cast %mul3A_714 : vector<16xf32> to vector<16xf32>
      tpu.vector_store %arg26[%swap3A_715], %swap3A_718 {strides = array<i32>} : memref<320xf32, #tpu.memory_space<vmem>>, vector<16xf32>,
      %get3A_719 = arith.index_cast %add3A_699 : i32 to index
      %get3A_720 = tpu.vector_load %arg13[%get3A_719] {strides = array<i32>} : memref<5136xf32, #tpu.memory_space<vmem>>, vector<16xf32>,
      %get3A_721 = vector.shape_cast %get3A_720 : vector<16xf32> to vector<16xf32>
      %mul3A_722 = arith.mulf %get3A_721, %select_n3A_710 : vector<16xf32>
      %swap3A_723 = arith.constant 208 : index
      %swap3A_724 = tpu.vector_load %arg27[%swap3A_723] {strides = array<i32>} : memref<320xf32, #tpu.memory_space<vmem>>, vector<16xf32>,
      %swap3A_725 = vector.shape_cast %swap3A_724 : vector<16xf32> to vector<16xf32>
      %swap3A_726 = vector.shape_cast %mul3A_722 : vector<16xf32> to vector<16xf32>
      tpu.vector_store %arg27[%swap3A_723], %swap3A_726 {strides = array<i32>} : memref<320xf32, #tpu.memory_space<vmem>>, vector<16xf32>,
      %get3A_727 = arith.index_cast %add3A_699 : i32 to index
      %get3A_728 = tpu.vector_load %arg14[%get3A_727] {strides = array<i32>} : memref<5136xf32, #tpu.memory_space<vmem>>, vector<16xf32>,
      %get3A_729 = vector.shape_cast %get3A_728 : vector<16xf32> to vector<16xf32>
      %mul3A_730 = arith.mulf %get3A_729, %select_n3A_710 : vector<16xf32>
      %swap3A_731 = arith.constant 208 : index
      %swap3A_732 = tpu.vector_load %arg28[%swap3A_731] {strides = array<i32>} : memref<320xf32, #tpu.memory_space<vmem>>, vector<16xf32>,
      %swap3A_733 = vector.shape_cast %swap3A_732 : vector<16xf32> to vector<16xf32>
      %swap3A_734 = vector.shape_cast %mul3A_730 : vector<16xf32> to vector<16xf32>
      tpu.vector_store %arg28[%swap3A_731], %swap3A_734 {strides = array<i32>} : memref<320xf32, #tpu.memory_space<vmem>>, vector<16xf32>,
      %get3A_735 = arith.index_cast %add3A_699 : i32 to index
      %get3A_736 = tpu.vector_load %arg15[%get3A_735] {strides = array<i32>} : memref<5136xf32, #tpu.memory_space<vmem>>, vector<16xf32>,
      %get3A_737 = vector.shape_cast %get3A_736 : vector<16xf32> to vector<16xf32>
      %mul3A_738 = arith.mulf %get3A_737, %select_n3A_710 : vector<16xf32>
      %swap3A_739 = arith.constant 208 : index
      %swap3A_740 = tpu.vector_load %arg29[%swap3A_739] {strides = array<i32>} : memref<320xf32, #tpu.memory_space<vmem>>, vector<16xf32>,
      %swap3A_741 = vector.shape_cast %swap3A_740 : vector<16xf32> to vector<16xf32>
      %swap3A_742 = vector.shape_cast %mul3A_738 : vector<16xf32> to vector<16xf32>
      tpu.vector_store %arg29[%swap3A_739], %swap3A_742 {strides = array<i32>} : memref<320xf32, #tpu.memory_space<vmem>>, vector<16xf32>,
      %get3A_743 = arith.index_cast %add3A_699 : i32 to index
      %get3A_744 = tpu.vector_load %arg16[%get3A_743] {strides = array<i32>} : memref<5120xf32, #tpu.memory_space<vmem>>, vector<16xf32>,
      %get3A_745 = vector.shape_cast %get3A_744 : vector<16xf32> to vector<16xf32>
      %mul3A_746 = arith.mulf %get3A_745, %select_n3A_710 : vector<16xf32>
      %swap3A_747 = arith.constant 208 : index
      %swap3A_748 = tpu.vector_load %arg30[%swap3A_747] {strides = array<i32>} : memref<320xf32, #tpu.memory_space<vmem>>, vector<16xf32>,
      %swap3A_749 = vector.shape_cast %swap3A_748 : vector<16xf32> to vector<16xf32>
      %swap3A_750 = vector.shape_cast %mul3A_746 : vector<16xf32> to vector<16xf32>
      tpu.vector_store %arg30[%swap3A_747], %swap3A_750 {strides = array<i32>} : memref<320xf32, #tpu.memory_space<vmem>>, vector<16xf32>,
      %add3A_751 = arith.constant 224 : i32
      %add3A_752 = arith.addi %mul3A_14, %add3A_751 : i32
      %get3A_753 = arith.index_cast %add3A_752 : i32 to index
      %get3A_754 = tpu.vector_load %arg22[%get3A_753] {strides = array<i32>} : memref<5120xi32, #tpu.memory_space<vmem>>, vector<16xi32>,
      %get3A_755 = vector.shape_cast %get3A_754 : vector<16xi32> to vector<16xi32>
      %ne3A_756 = arith.constant 0 : i32
      %ne3A_757 = vector.broadcast %ne3A_756 : i32 to vector<16xi32>
      %ne3A_758 = arith.cmpi ne, %get3A_755, %ne3A_757 : vector<16xi32>
      %jit3A_759 = arith.constant 1.000000e+00 : f32
      %jit3A_760 = arith.constant 0.000000e+00 : f32
      %broadcast_in_dim3A_761 = vector.broadcast %jit3A_759 : f32 to vector<16xf32>
      %broadcast_in_dim3A_762 = vector.broadcast %jit3A_760 : f32 to vector<16xf32>
      %select_n3A_763 = arith.select %ne3A_758, %broadcast_in_dim3A_761, %broadcast_in_dim3A_762 : vector<16xi1>, vector<16xf32>
      %get3A_764 = arith.index_cast %add3A_752 : i32 to index
      %get3A_765 = tpu.vector_load %arg12[%get3A_764] {strides = array<i32>} : memref<5136xf32, #tpu.memory_space<vmem>>, vector<16xf32>,
      %get3A_766 = vector.shape_cast %get3A_765 : vector<16xf32> to vector<16xf32>
      %mul3A_767 = arith.mulf %get3A_766, %select_n3A_763 : vector<16xf32>
      %swap3A_768 = arith.constant 224 : index
      %swap3A_769 = tpu.vector_load %arg26[%swap3A_768] {strides = array<i32>} : memref<320xf32, #tpu.memory_space<vmem>>, vector<16xf32>,
      %swap3A_770 = vector.shape_cast %swap3A_769 : vector<16xf32> to vector<16xf32>
      %swap3A_771 = vector.shape_cast %mul3A_767 : vector<16xf32> to vector<16xf32>
      tpu.vector_store %arg26[%swap3A_768], %swap3A_771 {strides = array<i32>} : memref<320xf32, #tpu.memory_space<vmem>>, vector<16xf32>,
      %get3A_772 = arith.index_cast %add3A_752 : i32 to index
      %get3A_773 = tpu.vector_load %arg13[%get3A_772] {strides = array<i32>} : memref<5136xf32, #tpu.memory_space<vmem>>, vector<16xf32>,
      %get3A_774 = vector.shape_cast %get3A_773 : vector<16xf32> to vector<16xf32>
      %mul3A_775 = arith.mulf %get3A_774, %select_n3A_763 : vector<16xf32>
      %swap3A_776 = arith.constant 224 : index
      %swap3A_777 = tpu.vector_load %arg27[%swap3A_776] {strides = array<i32>} : memref<320xf32, #tpu.memory_space<vmem>>, vector<16xf32>,
      %swap3A_778 = vector.shape_cast %swap3A_777 : vector<16xf32> to vector<16xf32>
      %swap3A_779 = vector.shape_cast %mul3A_775 : vector<16xf32> to vector<16xf32>
      tpu.vector_store %arg27[%swap3A_776], %swap3A_779 {strides = array<i32>} : memref<320xf32, #tpu.memory_space<vmem>>, vector<16xf32>,
      %get3A_780 = arith.index_cast %add3A_752 : i32 to index
      %get3A_781 = tpu.vector_load %arg14[%get3A_780] {strides = array<i32>} : memref<5136xf32, #tpu.memory_space<vmem>>, vector<16xf32>,
      %get3A_782 = vector.shape_cast %get3A_781 : vector<16xf32> to vector<16xf32>
      %mul3A_783 = arith.mulf %get3A_782, %select_n3A_763 : vector<16xf32>
      %swap3A_784 = arith.constant 224 : index
      %swap3A_785 = tpu.vector_load %arg28[%swap3A_784] {strides = array<i32>} : memref<320xf32, #tpu.memory_space<vmem>>, vector<16xf32>,
      %swap3A_786 = vector.shape_cast %swap3A_785 : vector<16xf32> to vector<16xf32>
      %swap3A_787 = vector.shape_cast %mul3A_783 : vector<16xf32> to vector<16xf32>
      tpu.vector_store %arg28[%swap3A_784], %swap3A_787 {strides = array<i32>} : memref<320xf32, #tpu.memory_space<vmem>>, vector<16xf32>,
      %get3A_788 = arith.index_cast %add3A_752 : i32 to index
      %get3A_789 = tpu.vector_load %arg15[%get3A_788] {strides = array<i32>} : memref<5136xf32, #tpu.memory_space<vmem>>, vector<16xf32>,
      %get3A_790 = vector.shape_cast %get3A_789 : vector<16xf32> to vector<16xf32>
      %mul3A_791 = arith.mulf %get3A_790, %select_n3A_763 : vector<16xf32>
      %swap3A_792 = arith.constant 224 : index
      %swap3A_793 = tpu.vector_load %arg29[%swap3A_792] {strides = array<i32>} : memref<320xf32, #tpu.memory_space<vmem>>, vector<16xf32>,
      %swap3A_794 = vector.shape_cast %swap3A_793 : vector<16xf32> to vector<16xf32>
      %swap3A_795 = vector.shape_cast %mul3A_791 : vector<16xf32> to vector<16xf32>
      tpu.vector_store %arg29[%swap3A_792], %swap3A_795 {strides = array<i32>} : memref<320xf32, #tpu.memory_space<vmem>>, vector<16xf32>,
      %get3A_796 = arith.index_cast %add3A_752 : i32 to index
      %get3A_797 = tpu.vector_load %arg16[%get3A_796] {strides = array<i32>} : memref<5120xf32, #tpu.memory_space<vmem>>, vector<16xf32>,
      %get3A_798 = vector.shape_cast %get3A_797 : vector<16xf32> to vector<16xf32>
      %mul3A_799 = arith.mulf %get3A_798, %select_n3A_763 : vector<16xf32>
      %swap3A_800 = arith.constant 224 : index
      %swap3A_801 = tpu.vector_load %arg30[%swap3A_800] {strides = array<i32>} : memref<320xf32, #tpu.memory_space<vmem>>, vector<16xf32>,
      %swap3A_802 = vector.shape_cast %swap3A_801 : vector<16xf32> to vector<16xf32>
      %swap3A_803 = vector.shape_cast %mul3A_799 : vector<16xf32> to vector<16xf32>
      tpu.vector_store %arg30[%swap3A_800], %swap3A_803 {strides = array<i32>} : memref<320xf32, #tpu.memory_space<vmem>>, vector<16xf32>,
      %add3A_804 = arith.constant 240 : i32
      %add3A_805 = arith.addi %mul3A_14, %add3A_804 : i32
      %get3A_806 = arith.index_cast %add3A_805 : i32 to index
      %get3A_807 = tpu.vector_load %arg22[%get3A_806] {strides = array<i32>} : memref<5120xi32, #tpu.memory_space<vmem>>, vector<16xi32>,
      %get3A_808 = vector.shape_cast %get3A_807 : vector<16xi32> to vector<16xi32>
      %ne3A_809 = arith.constant 0 : i32
      %ne3A_810 = vector.broadcast %ne3A_809 : i32 to vector<16xi32>
      %ne3A_811 = arith.cmpi ne, %get3A_808, %ne3A_810 : vector<16xi32>
      %jit3A_812 = arith.constant 1.000000e+00 : f32
      %jit3A_813 = arith.constant 0.000000e+00 : f32
      %broadcast_in_dim3A_814 = vector.broadcast %jit3A_812 : f32 to vector<16xf32>
      %broadcast_in_dim3A_815 = vector.broadcast %jit3A_813 : f32 to vector<16xf32>
      %select_n3A_816 = arith.select %ne3A_811, %broadcast_in_dim3A_814, %broadcast_in_dim3A_815 : vector<16xi1>, vector<16xf32>
      %get3A_817 = arith.index_cast %add3A_805 : i32 to index
      %get3A_818 = tpu.vector_load %arg12[%get3A_817] {strides = array<i32>} : memref<5136xf32, #tpu.memory_space<vmem>>, vector<16xf32>,
      %get3A_819 = vector.shape_cast %get3A_818 : vector<16xf32> to vector<16xf32>
      %mul3A_820 = arith.mulf %get3A_819, %select_n3A_816 : vector<16xf32>
      %swap3A_821 = arith.constant 240 : index
      %swap3A_822 = tpu.vector_load %arg26[%swap3A_821] {strides = array<i32>} : memref<320xf32, #tpu.memory_space<vmem>>, vector<16xf32>,
      %swap3A_823 = vector.shape_cast %swap3A_822 : vector<16xf32> to vector<16xf32>
      %swap3A_824 = vector.shape_cast %mul3A_820 : vector<16xf32> to vector<16xf32>
      tpu.vector_store %arg26[%swap3A_821], %swap3A_824 {strides = array<i32>} : memref<320xf32, #tpu.memory_space<vmem>>, vector<16xf32>,
      %get3A_825 = arith.index_cast %add3A_805 : i32 to index
      %get3A_826 = tpu.vector_load %arg13[%get3A_825] {strides = array<i32>} : memref<5136xf32, #tpu.memory_space<vmem>>, vector<16xf32>,
      %get3A_827 = vector.shape_cast %get3A_826 : vector<16xf32> to vector<16xf32>
      %mul3A_828 = arith.mulf %get3A_827, %select_n3A_816 : vector<16xf32>
      %swap3A_829 = arith.constant 240 : index
      %swap3A_830 = tpu.vector_load %arg27[%swap3A_829] {strides = array<i32>} : memref<320xf32, #tpu.memory_space<vmem>>, vector<16xf32>,
      %swap3A_831 = vector.shape_cast %swap3A_830 : vector<16xf32> to vector<16xf32>
      %swap3A_832 = vector.shape_cast %mul3A_828 : vector<16xf32> to vector<16xf32>
      tpu.vector_store %arg27[%swap3A_829], %swap3A_832 {strides = array<i32>} : memref<320xf32, #tpu.memory_space<vmem>>, vector<16xf32>,
      %get3A_833 = arith.index_cast %add3A_805 : i32 to index
      %get3A_834 = tpu.vector_load %arg14[%get3A_833] {strides = array<i32>} : memref<5136xf32, #tpu.memory_space<vmem>>, vector<16xf32>,
      %get3A_835 = vector.shape_cast %get3A_834 : vector<16xf32> to vector<16xf32>
      %mul3A_836 = arith.mulf %get3A_835, %select_n3A_816 : vector<16xf32>
      %swap3A_837 = arith.constant 240 : index
      %swap3A_838 = tpu.vector_load %arg28[%swap3A_837] {strides = array<i32>} : memref<320xf32, #tpu.memory_space<vmem>>, vector<16xf32>,
      %swap3A_839 = vector.shape_cast %swap3A_838 : vector<16xf32> to vector<16xf32>
      %swap3A_840 = vector.shape_cast %mul3A_836 : vector<16xf32> to vector<16xf32>
      tpu.vector_store %arg28[%swap3A_837], %swap3A_840 {strides = array<i32>} : memref<320xf32, #tpu.memory_space<vmem>>, vector<16xf32>,
      %get3A_841 = arith.index_cast %add3A_805 : i32 to index
      %get3A_842 = tpu.vector_load %arg15[%get3A_841] {strides = array<i32>} : memref<5136xf32, #tpu.memory_space<vmem>>, vector<16xf32>,
      %get3A_843 = vector.shape_cast %get3A_842 : vector<16xf32> to vector<16xf32>
      %mul3A_844 = arith.mulf %get3A_843, %select_n3A_816 : vector<16xf32>
      %swap3A_845 = arith.constant 240 : index
      %swap3A_846 = tpu.vector_load %arg29[%swap3A_845] {strides = array<i32>} : memref<320xf32, #tpu.memory_space<vmem>>, vector<16xf32>,
      %swap3A_847 = vector.shape_cast %swap3A_846 : vector<16xf32> to vector<16xf32>
      %swap3A_848 = vector.shape_cast %mul3A_844 : vector<16xf32> to vector<16xf32>
      tpu.vector_store %arg29[%swap3A_845], %swap3A_848 {strides = array<i32>} : memref<320xf32, #tpu.memory_space<vmem>>, vector<16xf32>,
      %get3A_849 = arith.index_cast %add3A_805 : i32 to index
      %get3A_850 = tpu.vector_load %arg16[%get3A_849] {strides = array<i32>} : memref<5120xf32, #tpu.memory_space<vmem>>, vector<16xf32>,
      %get3A_851 = vector.shape_cast %get3A_850 : vector<16xf32> to vector<16xf32>
      %mul3A_852 = arith.mulf %get3A_851, %select_n3A_816 : vector<16xf32>
      %swap3A_853 = arith.constant 240 : index
      %swap3A_854 = tpu.vector_load %arg30[%swap3A_853] {strides = array<i32>} : memref<320xf32, #tpu.memory_space<vmem>>, vector<16xf32>,
      %swap3A_855 = vector.shape_cast %swap3A_854 : vector<16xf32> to vector<16xf32>
      %swap3A_856 = vector.shape_cast %mul3A_852 : vector<16xf32> to vector<16xf32>
      tpu.vector_store %arg30[%swap3A_853], %swap3A_856 {strides = array<i32>} : memref<320xf32, #tpu.memory_space<vmem>>, vector<16xf32>,
      %add3A_857 = arith.constant 256 : i32
      %add3A_858 = arith.addi %mul3A_14, %add3A_857 : i32
      %get3A_859 = arith.index_cast %add3A_858 : i32 to index
      %get3A_860 = tpu.vector_load %arg22[%get3A_859] {strides = array<i32>} : memref<5120xi32, #tpu.memory_space<vmem>>, vector<16xi32>,
      %get3A_861 = vector.shape_cast %get3A_860 : vector<16xi32> to vector<16xi32>
      %ne3A_862 = arith.constant 0 : i32
      %ne3A_863 = vector.broadcast %ne3A_862 : i32 to vector<16xi32>
      %ne3A_864 = arith.cmpi ne, %get3A_861, %ne3A_863 : vector<16xi32>
      %jit3A_865 = arith.constant 1.000000e+00 : f32
      %jit3A_866 = arith.constant 0.000000e+00 : f32
      %broadcast_in_dim3A_867 = vector.broadcast %jit3A_865 : f32 to vector<16xf32>
      %broadcast_in_dim3A_868 = vector.broadcast %jit3A_866 : f32 to vector<16xf32>
      %select_n3A_869 = arith.select %ne3A_864, %broadcast_in_dim3A_867, %broadcast_in_dim3A_868 : vector<16xi1>, vector<16xf32>
      %get3A_870 = arith.index_cast %add3A_858 : i32 to index
      %get3A_871 = tpu.vector_load %arg12[%get3A_870] {strides = array<i32>} : memref<5136xf32, #tpu.memory_space<vmem>>, vector<16xf32>,
      %get3A_872 = vector.shape_cast %get3A_871 : vector<16xf32> to vector<16xf32>
      %mul3A_873 = arith.mulf %get3A_872, %select_n3A_869 : vector<16xf32>
      %swap3A_874 = arith.constant 256 : index
      %swap3A_875 = tpu.vector_load %arg26[%swap3A_874] {strides = array<i32>} : memref<320xf32, #tpu.memory_space<vmem>>, vector<16xf32>,
      %swap3A_876 = vector.shape_cast %swap3A_875 : vector<16xf32> to vector<16xf32>
      %swap3A_877 = vector.shape_cast %mul3A_873 : vector<16xf32> to vector<16xf32>
      tpu.vector_store %arg26[%swap3A_874], %swap3A_877 {strides = array<i32>} : memref<320xf32, #tpu.memory_space<vmem>>, vector<16xf32>,
      %get3A_878 = arith.index_cast %add3A_858 : i32 to index
      %get3A_879 = tpu.vector_load %arg13[%get3A_878] {strides = array<i32>} : memref<5136xf32, #tpu.memory_space<vmem>>, vector<16xf32>,
      %get3A_880 = vector.shape_cast %get3A_879 : vector<16xf32> to vector<16xf32>
      %mul3A_881 = arith.mulf %get3A_880, %select_n3A_869 : vector<16xf32>
      %swap3A_882 = arith.constant 256 : index
      %swap3A_883 = tpu.vector_load %arg27[%swap3A_882] {strides = array<i32>} : memref<320xf32, #tpu.memory_space<vmem>>, vector<16xf32>,
      %swap3A_884 = vector.shape_cast %swap3A_883 : vector<16xf32> to vector<16xf32>
      %swap3A_885 = vector.shape_cast %mul3A_881 : vector<16xf32> to vector<16xf32>
      tpu.vector_store %arg27[%swap3A_882], %swap3A_885 {strides = array<i32>} : memref<320xf32, #tpu.memory_space<vmem>>, vector<16xf32>,
      %get3A_886 = arith.index_cast %add3A_858 : i32 to index
      %get3A_887 = tpu.vector_load %arg14[%get3A_886] {strides = array<i32>} : memref<5136xf32, #tpu.memory_space<vmem>>, vector<16xf32>,
      %get3A_888 = vector.shape_cast %get3A_887 : vector<16xf32> to vector<16xf32>
      %mul3A_889 = arith.mulf %get3A_888, %select_n3A_869 : vector<16xf32>
      %swap3A_890 = arith.constant 256 : index
      %swap3A_891 = tpu.vector_load %arg28[%swap3A_890] {strides = array<i32>} : memref<320xf32, #tpu.memory_space<vmem>>, vector<16xf32>,
      %swap3A_892 = vector.shape_cast %swap3A_891 : vector<16xf32> to vector<16xf32>
      %swap3A_893 = vector.shape_cast %mul3A_889 : vector<16xf32> to vector<16xf32>
      tpu.vector_store %arg28[%swap3A_890], %swap3A_893 {strides = array<i32>} : memref<320xf32, #tpu.memory_space<vmem>>, vector<16xf32>,
      %get3A_894 = arith.index_cast %add3A_858 : i32 to index
      %get3A_895 = tpu.vector_load %arg15[%get3A_894] {strides = array<i32>} : memref<5136xf32, #tpu.memory_space<vmem>>, vector<16xf32>,
      %get3A_896 = vector.shape_cast %get3A_895 : vector<16xf32> to vector<16xf32>
      %mul3A_897 = arith.mulf %get3A_896, %select_n3A_869 : vector<16xf32>
      %swap3A_898 = arith.constant 256 : index
      %swap3A_899 = tpu.vector_load %arg29[%swap3A_898] {strides = array<i32>} : memref<320xf32, #tpu.memory_space<vmem>>, vector<16xf32>,
      %swap3A_900 = vector.shape_cast %swap3A_899 : vector<16xf32> to vector<16xf32>
      %swap3A_901 = vector.shape_cast %mul3A_897 : vector<16xf32> to vector<16xf32>
      tpu.vector_store %arg29[%swap3A_898], %swap3A_901 {strides = array<i32>} : memref<320xf32, #tpu.memory_space<vmem>>, vector<16xf32>,
      %get3A_902 = arith.index_cast %add3A_858 : i32 to index
      %get3A_903 = tpu.vector_load %arg16[%get3A_902] {strides = array<i32>} : memref<5120xf32, #tpu.memory_space<vmem>>, vector<16xf32>,
      %get3A_904 = vector.shape_cast %get3A_903 : vector<16xf32> to vector<16xf32>
      %mul3A_905 = arith.mulf %get3A_904, %select_n3A_869 : vector<16xf32>
      %swap3A_906 = arith.constant 256 : index
      %swap3A_907 = tpu.vector_load %arg30[%swap3A_906] {strides = array<i32>} : memref<320xf32, #tpu.memory_space<vmem>>, vector<16xf32>,
      %swap3A_908 = vector.shape_cast %swap3A_907 : vector<16xf32> to vector<16xf32>
      %swap3A_909 = vector.shape_cast %mul3A_905 : vector<16xf32> to vector<16xf32>
      tpu.vector_store %arg30[%swap3A_906], %swap3A_909 {strides = array<i32>} : memref<320xf32, #tpu.memory_space<vmem>>, vector<16xf32>,
      %add3A_910 = arith.constant 272 : i32
      %add3A_911 = arith.addi %mul3A_14, %add3A_910 : i32
      %get3A_912 = arith.index_cast %add3A_911 : i32 to index
      %get3A_913 = tpu.vector_load %arg22[%get3A_912] {strides = array<i32>} : memref<5120xi32, #tpu.memory_space<vmem>>, vector<16xi32>,
      %get3A_914 = vector.shape_cast %get3A_913 : vector<16xi32> to vector<16xi32>
      %ne3A_915 = arith.constant 0 : i32
      %ne3A_916 = vector.broadcast %ne3A_915 : i32 to vector<16xi32>
      %ne3A_917 = arith.cmpi ne, %get3A_914, %ne3A_916 : vector<16xi32>
      %jit3A_918 = arith.constant 1.000000e+00 : f32
      %jit3A_919 = arith.constant 0.000000e+00 : f32
      %broadcast_in_dim3A_920 = vector.broadcast %jit3A_918 : f32 to vector<16xf32>
      %broadcast_in_dim3A_921 = vector.broadcast %jit3A_919 : f32 to vector<16xf32>
      %select_n3A_922 = arith.select %ne3A_917, %broadcast_in_dim3A_920, %broadcast_in_dim3A_921 : vector<16xi1>, vector<16xf32>
      %get3A_923 = arith.index_cast %add3A_911 : i32 to index
      %get3A_924 = tpu.vector_load %arg12[%get3A_923] {strides = array<i32>} : memref<5136xf32, #tpu.memory_space<vmem>>, vector<16xf32>,
      %get3A_925 = vector.shape_cast %get3A_924 : vector<16xf32> to vector<16xf32>
      %mul3A_926 = arith.mulf %get3A_925, %select_n3A_922 : vector<16xf32>
      %swap3A_927 = arith.constant 272 : index
      %swap3A_928 = tpu.vector_load %arg26[%swap3A_927] {strides = array<i32>} : memref<320xf32, #tpu.memory_space<vmem>>, vector<16xf32>,
      %swap3A_929 = vector.shape_cast %swap3A_928 : vector<16xf32> to vector<16xf32>
      %swap3A_930 = vector.shape_cast %mul3A_926 : vector<16xf32> to vector<16xf32>
      tpu.vector_store %arg26[%swap3A_927], %swap3A_930 {strides = array<i32>} : memref<320xf32, #tpu.memory_space<vmem>>, vector<16xf32>,
      %get3A_931 = arith.index_cast %add3A_911 : i32 to index
      %get3A_932 = tpu.vector_load %arg13[%get3A_931] {strides = array<i32>} : memref<5136xf32, #tpu.memory_space<vmem>>, vector<16xf32>,
      %get3A_933 = vector.shape_cast %get3A_932 : vector<16xf32> to vector<16xf32>
      %mul3A_934 = arith.mulf %get3A_933, %select_n3A_922 : vector<16xf32>
      %swap3A_935 = arith.constant 272 : index
      %swap3A_936 = tpu.vector_load %arg27[%swap3A_935] {strides = array<i32>} : memref<320xf32, #tpu.memory_space<vmem>>, vector<16xf32>,
      %swap3A_937 = vector.shape_cast %swap3A_936 : vector<16xf32> to vector<16xf32>
      %swap3A_938 = vector.shape_cast %mul3A_934 : vector<16xf32> to vector<16xf32>
      tpu.vector_store %arg27[%swap3A_935], %swap3A_938 {strides = array<i32>} : memref<320xf32, #tpu.memory_space<vmem>>, vector<16xf32>,
      %get3A_939 = arith.index_cast %add3A_911 : i32 to index
      %get3A_940 = tpu.vector_load %arg14[%get3A_939] {strides = array<i32>} : memref<5136xf32, #tpu.memory_space<vmem>>, vector<16xf32>,
      %get3A_941 = vector.shape_cast %get3A_940 : vector<16xf32> to vector<16xf32>
      %mul3A_942 = arith.mulf %get3A_941, %select_n3A_922 : vector<16xf32>
      %swap3A_943 = arith.constant 272 : index
      %swap3A_944 = tpu.vector_load %arg28[%swap3A_943] {strides = array<i32>} : memref<320xf32, #tpu.memory_space<vmem>>, vector<16xf32>,
      %swap3A_945 = vector.shape_cast %swap3A_944 : vector<16xf32> to vector<16xf32>
      %swap3A_946 = vector.shape_cast %mul3A_942 : vector<16xf32> to vector<16xf32>
      tpu.vector_store %arg28[%swap3A_943], %swap3A_946 {strides = array<i32>} : memref<320xf32, #tpu.memory_space<vmem>>, vector<16xf32>,
      %get3A_947 = arith.index_cast %add3A_911 : i32 to index
      %get3A_948 = tpu.vector_load %arg15[%get3A_947] {strides = array<i32>} : memref<5136xf32, #tpu.memory_space<vmem>>, vector<16xf32>,
      %get3A_949 = vector.shape_cast %get3A_948 : vector<16xf32> to vector<16xf32>
      %mul3A_950 = arith.mulf %get3A_949, %select_n3A_922 : vector<16xf32>
      %swap3A_951 = arith.constant 272 : index
      %swap3A_952 = tpu.vector_load %arg29[%swap3A_951] {strides = array<i32>} : memref<320xf32, #tpu.memory_space<vmem>>, vector<16xf32>,
      %swap3A_953 = vector.shape_cast %swap3A_952 : vector<16xf32> to vector<16xf32>
      %swap3A_954 = vector.shape_cast %mul3A_950 : vector<16xf32> to vector<16xf32>
      tpu.vector_store %arg29[%swap3A_951], %swap3A_954 {strides = array<i32>} : memref<320xf32, #tpu.memory_space<vmem>>, vector<16xf32>,
      %get3A_955 = arith.index_cast %add3A_911 : i32 to index
      %get3A_956 = tpu.vector_load %arg16[%get3A_955] {strides = array<i32>} : memref<5120xf32, #tpu.memory_space<vmem>>, vector<16xf32>,
      %get3A_957 = vector.shape_cast %get3A_956 : vector<16xf32> to vector<16xf32>
      %mul3A_958 = arith.mulf %get3A_957, %select_n3A_922 : vector<16xf32>
      %swap3A_959 = arith.constant 272 : index
      %swap3A_960 = tpu.vector_load %arg30[%swap3A_959] {strides = array<i32>} : memref<320xf32, #tpu.memory_space<vmem>>, vector<16xf32>,
      %swap3A_961 = vector.shape_cast %swap3A_960 : vector<16xf32> to vector<16xf32>
      %swap3A_962 = vector.shape_cast %mul3A_958 : vector<16xf32> to vector<16xf32>
      tpu.vector_store %arg30[%swap3A_959], %swap3A_962 {strides = array<i32>} : memref<320xf32, #tpu.memory_space<vmem>>, vector<16xf32>,
      %add3A_963 = arith.constant 288 : i32
      %add3A_964 = arith.addi %mul3A_14, %add3A_963 : i32
      %get3A_965 = arith.index_cast %add3A_964 : i32 to index
      %get3A_966 = tpu.vector_load %arg22[%get3A_965] {strides = array<i32>} : memref<5120xi32, #tpu.memory_space<vmem>>, vector<16xi32>,
      %get3A_967 = vector.shape_cast %get3A_966 : vector<16xi32> to vector<16xi32>
      %ne3A_968 = arith.constant 0 : i32
      %ne3A_969 = vector.broadcast %ne3A_968 : i32 to vector<16xi32>
      %ne3A_970 = arith.cmpi ne, %get3A_967, %ne3A_969 : vector<16xi32>
      %jit3A_971 = arith.constant 1.000000e+00 : f32
      %jit3A_972 = arith.constant 0.000000e+00 : f32
      %broadcast_in_dim3A_973 = vector.broadcast %jit3A_971 : f32 to vector<16xf32>
      %broadcast_in_dim3A_974 = vector.broadcast %jit3A_972 : f32 to vector<16xf32>
      %select_n3A_975 = arith.select %ne3A_970, %broadcast_in_dim3A_973, %broadcast_in_dim3A_974 : vector<16xi1>, vector<16xf32>
      %get3A_976 = arith.index_cast %add3A_964 : i32 to index
      %get3A_977 = tpu.vector_load %arg12[%get3A_976] {strides = array<i32>} : memref<5136xf32, #tpu.memory_space<vmem>>, vector<16xf32>,
      %get3A_978 = vector.shape_cast %get3A_977 : vector<16xf32> to vector<16xf32>
      %mul3A_979 = arith.mulf %get3A_978, %select_n3A_975 : vector<16xf32>
      %swap3A_980 = arith.constant 288 : index
      %swap3A_981 = tpu.vector_load %arg26[%swap3A_980] {strides = array<i32>} : memref<320xf32, #tpu.memory_space<vmem>>, vector<16xf32>,
      %swap3A_982 = vector.shape_cast %swap3A_981 : vector<16xf32> to vector<16xf32>
      %swap3A_983 = vector.shape_cast %mul3A_979 : vector<16xf32> to vector<16xf32>
      tpu.vector_store %arg26[%swap3A_980], %swap3A_983 {strides = array<i32>} : memref<320xf32, #tpu.memory_space<vmem>>, vector<16xf32>,
      %get3A_984 = arith.index_cast %add3A_964 : i32 to index
      %get3A_985 = tpu.vector_load %arg13[%get3A_984] {strides = array<i32>} : memref<5136xf32, #tpu.memory_space<vmem>>, vector<16xf32>,
      %get3A_986 = vector.shape_cast %get3A_985 : vector<16xf32> to vector<16xf32>
      %mul3A_987 = arith.mulf %get3A_986, %select_n3A_975 : vector<16xf32>
      %swap3A_988 = arith.constant 288 : index
      %swap3A_989 = tpu.vector_load %arg27[%swap3A_988] {strides = array<i32>} : memref<320xf32, #tpu.memory_space<vmem>>, vector<16xf32>,
      %swap3A_990 = vector.shape_cast %swap3A_989 : vector<16xf32> to vector<16xf32>
      %swap3A_991 = vector.shape_cast %mul3A_987 : vector<16xf32> to vector<16xf32>
      tpu.vector_store %arg27[%swap3A_988], %swap3A_991 {strides = array<i32>} : memref<320xf32, #tpu.memory_space<vmem>>, vector<16xf32>,
      %get3A_992 = arith.index_cast %add3A_964 : i32 to index
      %get3A_993 = tpu.vector_load %arg14[%get3A_992] {strides = array<i32>} : memref<5136xf32, #tpu.memory_space<vmem>>, vector<16xf32>,
      %get3A_994 = vector.shape_cast %get3A_993 : vector<16xf32> to vector<16xf32>
      %mul3A_995 = arith.mulf %get3A_994, %select_n3A_975 : vector<16xf32>
      %swap3A_996 = arith.constant 288 : index
      %swap3A_997 = tpu.vector_load %arg28[%swap3A_996] {strides = array<i32>} : memref<320xf32, #tpu.memory_space<vmem>>, vector<16xf32>,
      %swap3A_998 = vector.shape_cast %swap3A_997 : vector<16xf32> to vector<16xf32>
      %swap3A_999 = vector.shape_cast %mul3A_995 : vector<16xf32> to vector<16xf32>
      tpu.vector_store %arg28[%swap3A_996], %swap3A_999 {strides = array<i32>} : memref<320xf32, #tpu.memory_space<vmem>>, vector<16xf32>,
      %get3A_1000 = arith.index_cast %add3A_964 : i32 to index
      %get3A_1001 = tpu.vector_load %arg15[%get3A_1000] {strides = array<i32>} : memref<5136xf32, #tpu.memory_space<vmem>>, vector<16xf32>,
      %get3A_1002 = vector.shape_cast %get3A_1001 : vector<16xf32> to vector<16xf32>
      %mul3A_1003 = arith.mulf %get3A_1002, %select_n3A_975 : vector<16xf32>
      %swap3A_1004 = arith.constant 288 : index
      %swap3A_1005 = tpu.vector_load %arg29[%swap3A_1004] {strides = array<i32>} : memref<320xf32, #tpu.memory_space<vmem>>, vector<16xf32>,
      %swap3A_1006 = vector.shape_cast %swap3A_1005 : vector<16xf32> to vector<16xf32>
      %swap3A_1007 = vector.shape_cast %mul3A_1003 : vector<16xf32> to vector<16xf32>
      tpu.vector_store %arg29[%swap3A_1004], %swap3A_1007 {strides = array<i32>} : memref<320xf32, #tpu.memory_space<vmem>>, vector<16xf32>,
      %get3A_1008 = arith.index_cast %add3A_964 : i32 to index
      %get3A_1009 = tpu.vector_load %arg16[%get3A_1008] {strides = array<i32>} : memref<5120xf32, #tpu.memory_space<vmem>>, vector<16xf32>,
      %get3A_1010 = vector.shape_cast %get3A_1009 : vector<16xf32> to vector<16xf32>
      %mul3A_1011 = arith.mulf %get3A_1010, %select_n3A_975 : vector<16xf32>
      %swap3A_1012 = arith.constant 288 : index
      %swap3A_1013 = tpu.vector_load %arg30[%swap3A_1012] {strides = array<i32>} : memref<320xf32, #tpu.memory_space<vmem>>, vector<16xf32>,
      %swap3A_1014 = vector.shape_cast %swap3A_1013 : vector<16xf32> to vector<16xf32>
      %swap3A_1015 = vector.shape_cast %mul3A_1011 : vector<16xf32> to vector<16xf32>
      tpu.vector_store %arg30[%swap3A_1012], %swap3A_1015 {strides = array<i32>} : memref<320xf32, #tpu.memory_space<vmem>>, vector<16xf32>,
      %add3A_1016 = arith.constant 304 : i32
      %add3A_1017 = arith.addi %mul3A_14, %add3A_1016 : i32
      %get3A_1018 = arith.index_cast %add3A_1017 : i32 to index
      %get3A_1019 = tpu.vector_load %arg22[%get3A_1018] {strides = array<i32>} : memref<5120xi32, #tpu.memory_space<vmem>>, vector<16xi32>,
      %get3A_1020 = vector.shape_cast %get3A_1019 : vector<16xi32> to vector<16xi32>
      %ne3A_1021 = arith.constant 0 : i32
      %ne3A_1022 = vector.broadcast %ne3A_1021 : i32 to vector<16xi32>
      %ne3A_1023 = arith.cmpi ne, %get3A_1020, %ne3A_1022 : vector<16xi32>
      %jit3A_1024 = arith.constant 1.000000e+00 : f32
      %jit3A_1025 = arith.constant 0.000000e+00 : f32
      %broadcast_in_dim3A_1026 = vector.broadcast %jit3A_1024 : f32 to vector<16xf32>
      %broadcast_in_dim3A_1027 = vector.broadcast %jit3A_1025 : f32 to vector<16xf32>
      %select_n3A_1028 = arith.select %ne3A_1023, %broadcast_in_dim3A_1026, %broadcast_in_dim3A_1027 : vector<16xi1>, vector<16xf32>
      %get3A_1029 = arith.index_cast %add3A_1017 : i32 to index
      %get3A_1030 = tpu.vector_load %arg12[%get3A_1029] {strides = array<i32>} : memref<5136xf32, #tpu.memory_space<vmem>>, vector<16xf32>,
      %get3A_1031 = vector.shape_cast %get3A_1030 : vector<16xf32> to vector<16xf32>
      %mul3A_1032 = arith.mulf %get3A_1031, %select_n3A_1028 : vector<16xf32>
      %swap3A_1033 = arith.constant 304 : index
      %swap3A_1034 = tpu.vector_load %arg26[%swap3A_1033] {strides = array<i32>} : memref<320xf32, #tpu.memory_space<vmem>>, vector<16xf32>,
      %swap3A_1035 = vector.shape_cast %swap3A_1034 : vector<16xf32> to vector<16xf32>
      %swap3A_1036 = vector.shape_cast %mul3A_1032 : vector<16xf32> to vector<16xf32>
      tpu.vector_store %arg26[%swap3A_1033], %swap3A_1036 {strides = array<i32>} : memref<320xf32, #tpu.memory_space<vmem>>, vector<16xf32>,
      %get3A_1037 = arith.index_cast %add3A_1017 : i32 to index
      %get3A_1038 = tpu.vector_load %arg13[%get3A_1037] {strides = array<i32>} : memref<5136xf32, #tpu.memory_space<vmem>>, vector<16xf32>,
      %get3A_1039 = vector.shape_cast %get3A_1038 : vector<16xf32> to vector<16xf32>
      %mul3A_1040 = arith.mulf %get3A_1039, %select_n3A_1028 : vector<16xf32>
      %swap3A_1041 = arith.constant 304 : index
      %swap3A_1042 = tpu.vector_load %arg27[%swap3A_1041] {strides = array<i32>} : memref<320xf32, #tpu.memory_space<vmem>>, vector<16xf32>,
      %swap3A_1043 = vector.shape_cast %swap3A_1042 : vector<16xf32> to vector<16xf32>
      %swap3A_1044 = vector.shape_cast %mul3A_1040 : vector<16xf32> to vector<16xf32>
      tpu.vector_store %arg27[%swap3A_1041], %swap3A_1044 {strides = array<i32>} : memref<320xf32, #tpu.memory_space<vmem>>, vector<16xf32>,
      %get3A_1045 = arith.index_cast %add3A_1017 : i32 to index
      %get3A_1046 = tpu.vector_load %arg14[%get3A_1045] {strides = array<i32>} : memref<5136xf32, #tpu.memory_space<vmem>>, vector<16xf32>,
      %get3A_1047 = vector.shape_cast %get3A_1046 : vector<16xf32> to vector<16xf32>
      %mul3A_1048 = arith.mulf %get3A_1047, %select_n3A_1028 : vector<16xf32>
      %swap3A_1049 = arith.constant 304 : index
      %swap3A_1050 = tpu.vector_load %arg28[%swap3A_1049] {strides = array<i32>} : memref<320xf32, #tpu.memory_space<vmem>>, vector<16xf32>,
      %swap3A_1051 = vector.shape_cast %swap3A_1050 : vector<16xf32> to vector<16xf32>
      %swap3A_1052 = vector.shape_cast %mul3A_1048 : vector<16xf32> to vector<16xf32>
      tpu.vector_store %arg28[%swap3A_1049], %swap3A_1052 {strides = array<i32>} : memref<320xf32, #tpu.memory_space<vmem>>, vector<16xf32>,
      %get3A_1053 = arith.index_cast %add3A_1017 : i32 to index
      %get3A_1054 = tpu.vector_load %arg15[%get3A_1053] {strides = array<i32>} : memref<5136xf32, #tpu.memory_space<vmem>>, vector<16xf32>,
      %get3A_1055 = vector.shape_cast %get3A_1054 : vector<16xf32> to vector<16xf32>
      %mul3A_1056 = arith.mulf %get3A_1055, %select_n3A_1028 : vector<16xf32>
      %swap3A_1057 = arith.constant 304 : index
      %swap3A_1058 = tpu.vector_load %arg29[%swap3A_1057] {strides = array<i32>} : memref<320xf32, #tpu.memory_space<vmem>>, vector<16xf32>,
      %swap3A_1059 = vector.shape_cast %swap3A_1058 : vector<16xf32> to vector<16xf32>
      %swap3A_1060 = vector.shape_cast %mul3A_1056 : vector<16xf32> to vector<16xf32>
      tpu.vector_store %arg29[%swap3A_1057], %swap3A_1060 {strides = array<i32>} : memref<320xf32, #tpu.memory_space<vmem>>, vector<16xf32>,
      %get3A_1061 = arith.index_cast %add3A_1017 : i32 to index
      %get3A_1062 = tpu.vector_load %arg16[%get3A_1061] {strides = array<i32>} : memref<5120xf32, #tpu.memory_space<vmem>>, vector<16xf32>,
      %get3A_1063 = vector.shape_cast %get3A_1062 : vector<16xf32> to vector<16xf32>
      %mul3A_1064 = arith.mulf %get3A_1063, %select_n3A_1028 : vector<16xf32>
      %swap3A_1065 = arith.constant 304 : index
      %swap3A_1066 = tpu.vector_load %arg30[%swap3A_1065] {strides = array<i32>} : memref<320xf32, #tpu.memory_space<vmem>>, vector<16xf32>,
      %swap3A_1067 = vector.shape_cast %swap3A_1066 : vector<16xf32> to vector<16xf32>
      %swap3A_1068 = vector.shape_cast %mul3A_1064 : vector<16xf32> to vector<16xf32>
      tpu.vector_store %arg30[%swap3A_1065], %swap3A_1068 {strides = array<i32>} : memref<320xf32, #tpu.memory_space<vmem>>, vector<16xf32>,
      "tpu.region"() ({
        %run_scoped3A = tpu.sem_alloc : memref<!tpu.dma_semaphore, #tpu.memory_space<semaphore_mem>>
        %dma_start3A = tpu.memref_slice %arg7[%mul3A_14] : memref<5120xf32, #tpu.memory_space<hbm>> -> memref<320xf32, #tpu.memory_space<hbm>>
        %dma_start3A_1069 = tpu.memref_slice %arg7[%mul3A_14] : memref<5120xf32, #tpu.memory_space<hbm>> -> memref<320xf32, #tpu.memory_space<hbm>>
        tpu.enqueue_dma source(%arg26 : memref<320xf32, #tpu.memory_space<vmem>>) target(%dma_start3A_1069 : memref<320xf32, #tpu.memory_space<hbm>>) target_semaphore(%run_scoped3A : memref<!tpu.dma_semaphore, #tpu.memory_space<semaphore_mem>>)
        %dma_wait3A = tpu.memref_slice %arg7[%mul3A_14] : memref<5120xf32, #tpu.memory_space<hbm>> -> memref<320xf32, #tpu.memory_space<hbm>>
        %dma_wait3A_1070 = tpu.memref_slice %arg7[%mul3A_14] : memref<5120xf32, #tpu.memory_space<hbm>> -> memref<320xf32, #tpu.memory_space<hbm>>
        tpu.wait_dma2 semaphore(%run_scoped3A : memref<!tpu.dma_semaphore, #tpu.memory_space<semaphore_mem>>) src(%arg26 : memref<320xf32, #tpu.memory_space<vmem>>) dst(%dma_wait3A_1070 : memref<320xf32, #tpu.memory_space<hbm>>)
        tpu.yield
      }) : () -> ()
      "tpu.region"() ({
        %run_scoped3A = tpu.sem_alloc : memref<!tpu.dma_semaphore, #tpu.memory_space<semaphore_mem>>
        %dma_start3A = tpu.memref_slice %arg8[%mul3A_14] : memref<5120xf32, #tpu.memory_space<hbm>> -> memref<320xf32, #tpu.memory_space<hbm>>
        %dma_start3A_1069 = tpu.memref_slice %arg8[%mul3A_14] : memref<5120xf32, #tpu.memory_space<hbm>> -> memref<320xf32, #tpu.memory_space<hbm>>
        tpu.enqueue_dma source(%arg27 : memref<320xf32, #tpu.memory_space<vmem>>) target(%dma_start3A_1069 : memref<320xf32, #tpu.memory_space<hbm>>) target_semaphore(%run_scoped3A : memref<!tpu.dma_semaphore, #tpu.memory_space<semaphore_mem>>)
        %dma_wait3A = tpu.memref_slice %arg8[%mul3A_14] : memref<5120xf32, #tpu.memory_space<hbm>> -> memref<320xf32, #tpu.memory_space<hbm>>
        %dma_wait3A_1070 = tpu.memref_slice %arg8[%mul3A_14] : memref<5120xf32, #tpu.memory_space<hbm>> -> memref<320xf32, #tpu.memory_space<hbm>>
        tpu.wait_dma2 semaphore(%run_scoped3A : memref<!tpu.dma_semaphore, #tpu.memory_space<semaphore_mem>>) src(%arg27 : memref<320xf32, #tpu.memory_space<vmem>>) dst(%dma_wait3A_1070 : memref<320xf32, #tpu.memory_space<hbm>>)
        tpu.yield
      }) : () -> ()
      "tpu.region"() ({
        %run_scoped3A = tpu.sem_alloc : memref<!tpu.dma_semaphore, #tpu.memory_space<semaphore_mem>>
        %dma_start3A = tpu.memref_slice %arg9[%mul3A_14] : memref<5120xf32, #tpu.memory_space<hbm>> -> memref<320xf32, #tpu.memory_space<hbm>>
        %dma_start3A_1069 = tpu.memref_slice %arg9[%mul3A_14] : memref<5120xf32, #tpu.memory_space<hbm>> -> memref<320xf32, #tpu.memory_space<hbm>>
        tpu.enqueue_dma source(%arg28 : memref<320xf32, #tpu.memory_space<vmem>>) target(%dma_start3A_1069 : memref<320xf32, #tpu.memory_space<hbm>>) target_semaphore(%run_scoped3A : memref<!tpu.dma_semaphore, #tpu.memory_space<semaphore_mem>>)
        %dma_wait3A = tpu.memref_slice %arg9[%mul3A_14] : memref<5120xf32, #tpu.memory_space<hbm>> -> memref<320xf32, #tpu.memory_space<hbm>>
        %dma_wait3A_1070 = tpu.memref_slice %arg9[%mul3A_14] : memref<5120xf32, #tpu.memory_space<hbm>> -> memref<320xf32, #tpu.memory_space<hbm>>
        tpu.wait_dma2 semaphore(%run_scoped3A : memref<!tpu.dma_semaphore, #tpu.memory_space<semaphore_mem>>) src(%arg28 : memref<320xf32, #tpu.memory_space<vmem>>) dst(%dma_wait3A_1070 : memref<320xf32, #tpu.memory_space<hbm>>)
        tpu.yield
      }) : () -> ()
      "tpu.region"() ({
        %run_scoped3A = tpu.sem_alloc : memref<!tpu.dma_semaphore, #tpu.memory_space<semaphore_mem>>
        %dma_start3A = tpu.memref_slice %arg10[%mul3A_14] : memref<5120xf32, #tpu.memory_space<hbm>> -> memref<320xf32, #tpu.memory_space<hbm>>
        %dma_start3A_1069 = tpu.memref_slice %arg10[%mul3A_14] : memref<5120xf32, #tpu.memory_space<hbm>> -> memref<320xf32, #tpu.memory_space<hbm>>
        tpu.enqueue_dma source(%arg29 : memref<320xf32, #tpu.memory_space<vmem>>) target(%dma_start3A_1069 : memref<320xf32, #tpu.memory_space<hbm>>) target_semaphore(%run_scoped3A : memref<!tpu.dma_semaphore, #tpu.memory_space<semaphore_mem>>)
        %dma_wait3A = tpu.memref_slice %arg10[%mul3A_14] : memref<5120xf32, #tpu.memory_space<hbm>> -> memref<320xf32, #tpu.memory_space<hbm>>
        %dma_wait3A_1070 = tpu.memref_slice %arg10[%mul3A_14] : memref<5120xf32, #tpu.memory_space<hbm>> -> memref<320xf32, #tpu.memory_space<hbm>>
        tpu.wait_dma2 semaphore(%run_scoped3A : memref<!tpu.dma_semaphore, #tpu.memory_space<semaphore_mem>>) src(%arg29 : memref<320xf32, #tpu.memory_space<vmem>>) dst(%dma_wait3A_1070 : memref<320xf32, #tpu.memory_space<hbm>>)
        tpu.yield
      }) : () -> ()
      "tpu.region"() ({
        %run_scoped3A = tpu.sem_alloc : memref<!tpu.dma_semaphore, #tpu.memory_space<semaphore_mem>>
        %dma_start3A = tpu.memref_slice %arg11[%mul3A_14] : memref<5120xf32, #tpu.memory_space<hbm>> -> memref<320xf32, #tpu.memory_space<hbm>>
        %dma_start3A_1069 = tpu.memref_slice %arg11[%mul3A_14] : memref<5120xf32, #tpu.memory_space<hbm>> -> memref<320xf32, #tpu.memory_space<hbm>>
        tpu.enqueue_dma source(%arg30 : memref<320xf32, #tpu.memory_space<vmem>>) target(%dma_start3A_1069 : memref<320xf32, #tpu.memory_space<hbm>>) target_semaphore(%run_scoped3A : memref<!tpu.dma_semaphore, #tpu.memory_space<semaphore_mem>>)
        %dma_wait3A = tpu.memref_slice %arg11[%mul3A_14] : memref<5120xf32, #tpu.memory_space<hbm>> -> memref<320xf32, #tpu.memory_space<hbm>>
        %dma_wait3A_1070 = tpu.memref_slice %arg11[%mul3A_14] : memref<5120xf32, #tpu.memory_space<hbm>> -> memref<320xf32, #tpu.memory_space<hbm>>
        tpu.wait_dma2 semaphore(%run_scoped3A : memref<!tpu.dma_semaphore, #tpu.memory_space<semaphore_mem>>) src(%arg30 : memref<320xf32, #tpu.memory_space<vmem>>) dst(%dma_wait3A_1070 : memref<320xf32, #tpu.memory_space<hbm>>)
        tpu.yield
      }) : () -> ()
    } else {
    }
    return
  }
}

</mosaic_0001>

<sc_bundles>
// kernel: gather_offload_async_start.1
scs
__scs_entry_jumppad:
0x0: {  	(pc) =	sbr.rel $0x88, $3  }
0x1: {  	(tag) =	ssettag $0x0;
	lr =	simm.s32 $0x1  }
0x2: {  	[smem:$0x3F9F] =	sst lr;
	_ =	strace $0xD0000000  }
0x3: {  	_ = 	snop  }
0x4: {  	_ = 	snop  }
0x5: {  	_ = 	snop  }
0x6: {  	_ = 	snop  }
0x7: {  	_ = 	snop  }
__scs_overlays_trampoline_lowered:
0x8: {  	[smem:$0x3FAE] =	sst s0  }
0x9: {  	[smem:$0x3FAF] =	sst s1  }
0xa: {  	[smem:$0x3FB0] =	sst s2  }
0xb: {  	[smem:$0x3FB1] =	sst s3  }
0xc: {  	[smem:$0x3FB2] =	sst s4  }
0xd: {  	[smem:$0x3FB3] =	sst s5  }
0xe: {  	[smem:$0x3FB4] =	sst s6  }
0xf: {  	[smem:$0x3FB5] =	sst s7  }
0x10: {  	[smem:$0x3FB6] =	sst s8  }
0x11: {  	[smem:$0x3FB7] =	sst s9;
	s0 =	simm.s32 @!p0 $0x0  }
0x12: {  	s1 =	sld [smem:$0x3F9D];
	s0 =	simm.s32 @p0 $0x1  }
0x13: {  	[smem:$0x3FB8] =	sst s0;
	s0 =	simm.s32 @!p1 $0x0  }
0x14: {  	s2 =	sld [smem:$0x3F9C];
	s0 =	simm.s32 @p1 $0x1  }
0x15: {  	[smem:$0x3FB9] =	sst s0;
	s0 =	simm.s32 @!p2 $0x0  }
0x16: {  	s3 =	sld [smem:$0x3FDB];
	s0 =	simm.s32 @p2 $0x1  }
0x17: {  	s4 =	simm.s32 $0x1BF5;
	[smem:$0x3FBB] =	sst s0  }
0x18: {  	s0 =	sld [smem:$0x3F9E];
	_ =	swait.ge [sflag:s4], $0x0  }
0x19: {  	s7 =	sld [smem:$0x3F9F]  }
0x1a: {  	s8 =	sadd.s32 $0xFFFFE003, lr  }
0x1b: {  	s9 =	sadd.s32 $0xFFFFFEF7, lr;
	s5 =	simm.s32 $0xFFFFFFFF;
	p2 =	slt.u32 s8, $0xFFFFF086  }
0x1c: {  	p1 =	slt.u32 s9, $0xF7A;
	s5 =	simm.s32 @!p2 $0x0  }
0x1d: {  	s5 =	simm.s32 @p1 $0x1;
	p0 =	seq.s32 s7, s2  }
0x1e: {  	s7 =	smul.u32 @!p0 $0xF7A, s2;
	p2 =	seq.s32 @!p0 s5, $0x0  }
0x1f: {  	s9 =	smul.u32 $0xF7A, s1;
	s8 =	simm.s32 @!p0 $0x1BF5;
	p2 =	por !p2, p0  }
0x20: {  	[sflag:s8] =	ssyncset.s32 @!p0 $0xFFFFF086;
	s6 =	sadd.s32 @!p0 s3, s7;
	s7 =	simm.s32 @!p0 $0x108  }
0x21: {  	s3 =	sadd.s32 s3, s9;
	s6 =	sadd.s32 @!p0 $0x88, s6;
	s7 =	simm.s32 @p2 $0x1082  }
0x22: {  	[simem:s7], [sflag:s8] =	dma.local @!p0 [hbm:s6], $0xF7A  }
0x23: {  	s9 =	sor.u32 $0xD0000000, s2;
	s6 =	simm.s32 $0x108;
	_ =	swait.ge @!p0 [sflag:s8], $0x0  }
0x24: {  	s3 =	sadd.s32 $0x88, s3;
	s6 =	simm.s32 @!p1 $0x1082;
	[sflag:s4] =	ssyncset.s32 $0xFFFFF086  }
0x25: {  	[simem:s6], [sflag:s4] =	dma.local [hbm:s3], $0xF7A  }
0x26: {  	[smem:$0x3F9F] =	sst s1;
	(tag) =	ssettag s2;
	_ =	strace s9  }
0x27: {  	s1 =	sld [smem:$0x3FAF]  }
0x28: {  	s2 =	sld [smem:$0x3FB0]  }
0x29: {  	s4 =	sld [smem:$0x3FB2]  }
0x2a: {  	p0 =	seq.s32 s5, $0x0;
	s5 =	sld [smem:$0x3FB3]  }
0x2b: {  	s6 =	sld [smem:$0x3FB4]  }
0x2c: {  	s7 =	sld [smem:$0x3FB5]  }
0x2d: {  	s3 =	simm.s32 $0x108;
	s8 =	sld [smem:$0x3FB6]  }
0x2e: {  	s3 =	simm.s32 @!p0 $0x1082;
	s9 =	sld [smem:$0x3FB7]  }
0x2f: {  	lr =	sadd.s32 s0, s3;
	s0 =	sld [smem:$0x3FAE]  }
0x30: {  	s3 =	sld [smem:$0x3FB1]  }
0x31: {  	[smem:$0x3FBA] =	sst s10  }
0x32: {  	s10 =	sld [smem:$0x3FB8];
	_ =	sdelay $0x3  }
0x33: {  	p0 =	seq.s32 s10, $0x1;
	s10 =	sld [smem:$0x3FBA];
	_ =	sdelay $0x3  }
0x34: {  	[smem:$0x3FBA] =	sst s10  }
0x35: {  	s10 =	sld [smem:$0x3FB9];
	_ =	sdelay $0x3  }
0x36: {  	p1 =	seq.s32 s10, $0x1;
	s10 =	sld [smem:$0x3FBA];
	_ =	sdelay $0x3  }
0x37: {  	[smem:$0x3FBA] =	sst s10  }
0x38: {  	s10 =	sld [smem:$0x3FBB]  }
0x39: {  	_ = 	snop;
	(pc) =	sbr.ind lr, $3  }
0x3a: {  	_ = 	snop  }
0x3b: {  	_ = 	snop  }
0x3c: {  	p2 =	seq.s32 s10, $0x1;
	s10 =	sld [smem:$0x3FBA]  }
0x3d: {  	_ =	shalt  }
0x3e: {  	_ =	shalt  }
0x3f: {  	_ =	shalt  }
0x40: {  	_ =	shalt  }
0x41: {  	_ =	shalt  }
0x42: {  	_ =	shalt  }
0x43: {  	_ =	shalt  }
0x44: {  	_ =	shalt  }
0x45: {  	_ =	shalt  }
0x46: {  	_ =	shalt  }
0x47: {  	_ =	shalt  }
0x48: {  	_ =	shalt  }
0x49: {  	_ =	shalt  }
0x4a: {  	_ =	shalt  }
0x4b: {  	_ =	shalt  }
0x4c: {  	_ =	shalt  }
0x4d: {  	_ =	shalt  }
0x4e: {  	_ =	shalt  }
0x4f: {  	_ =	shalt  }
0x50: {  	_ =	shalt  }
0x51: {  	_ =	shalt  }
0x52: {  	_ =	shalt  }
0x53: {  	_ =	shalt  }
0x54: {  	_ =	shalt  }
0x55: {  	_ =	shalt  }
0x56: {  	_ =	shalt  }
0x57: {  	_ =	shalt  }
0x58: {  	_ =	shalt  }
0x59: {  	_ =	shalt  }
0x5a: {  	_ =	shalt  }
0x5b: {  	_ =	shalt  }
0x5c: {  	_ =	shalt  }
0x5d: {  	_ =	shalt  }
0x5e: {  	_ =	shalt  }
0x5f: {  	_ =	shalt  }
0x60: {  	_ =	shalt  }
0x61: {  	_ =	shalt  }
0x62: {  	_ =	shalt  }
0x63: {  	_ =	shalt  }
0x64: {  	_ =	shalt  }
0x65: {  	_ =	shalt  }
0x66: {  	_ =	shalt  }
0x67: {  	_ =	shalt  }
0x68: {  	_ =	shalt  }
0x69: {  	_ =	shalt  }
0x6a: {  	_ =	shalt  }
0x6b: {  	_ =	shalt  }
0x6c: {  	_ =	shalt  }
0x6d: {  	_ =	shalt  }
0x6e: {  	_ =	shalt  }
0x6f: {  	_ =	shalt  }
0x70: {  	_ =	shalt  }
0x71: {  	_ =	shalt  }
0x72: {  	_ =	shalt  }
0x73: {  	_ =	shalt  }
0x74: {  	_ =	shalt  }
0x75: {  	_ =	shalt  }
0x76: {  	_ =	shalt  }
0x77: {  	_ =	shalt  }
0x78: {  	_ =	shalt  }
0x79: {  	_ =	shalt  }
0x7a: {  	_ =	shalt  }
0x7b: {  	_ =	shalt  }
0x7c: {  	_ =	shalt  }
0x7d: {  	_ =	shalt  }
0x7e: {  	_ =	shalt  }
0x7f: {  	_ =	shalt  }
0x80: {  	_ =	shalt  }
0x81: {  	_ =	shalt  }
0x82: {  	_ =	shalt  }
0x83: {  	_ =	shalt  }
0x84: {  	_ =	shalt  }
0x85: {  	_ =	shalt  }
0x86: {  	_ =	shalt  }
0x87: {  	_ =	shalt  }
.Lfunc_end0:
.L_simem_size_0:
called_computation.1_lowered:
.L_overlay_start_0:
0x88: {  	s0 =	sld [smem:$0x3FD9]  }
0x89: {  	s1 =	sld [smem:$0x3FFE];
	_ =	sdelay $0x3  }
0x8a: {  	s0 =	sadd.s32 s1, s0  }
0x8b: {  	[smem:$0x3FC6] =	sst s0  }
0x8c: {  	_ = 	snop  }
0x8d: {  	s0 =	sld [smem:$0x3FD0];
	(tm) =	ssettm $0x1  }
0x8e: {  	s16 =	sld [smem:$0x3FFB];
	_ =	sdelay $0x3  }
0x8f: {  	_ =	strace s16  }
0x90: {  	s1 =	sld [smem:$0x3FFC];
	_ =	sdelay $0x3  }
0x91: {  	_ =	strace s1  }
0x92: {  	s1 =	sld [smem:$0x3FFD];
	_ =	sdelay $0x3  }
0x93: {  	_ =	strace s1  }
0x94: {  	_ =	strace $0x8FFFFFFF  }
0x95: {  	s17 =	sld [smem:$0x3FDB];
	_ =	sdelay $0x1  }
0x96: {  	s2 =	simm.s32 $_scs_section_size  }
0x97: {  	s3 =	simm.s32 $_size__tile_overlayer_lowered;
	s4 =	simm.s32 $_tile_overlayer_lowered  }
0x98: {  	s20 =	simm.s32 $0x1BFF;
	s19 =	sshll.u32 s4, $0x1;
	s1 =	sadd.s32 s2, s17  }
0x99: {  	s5 =	simm.s32 $0x0;
	s18 =	sshll.u32 s3, $0x1;
	s3 =	sadd.s32 s19, s1  }
0x9a: {  	[timem:s5], [sflag:s20] =	dma.local [hbm:s3], s18  }
0x9b: {  	_ =	swait.ge [sflag:s20], s18  }
0x9c: {  	s2 =	ssub.s32 $0x0, s18;
	[sflag:s20] =	ssyncset.done $0x0  }
0x9d: {  	[sflag:s20] =	ssyncadd.s32 s2;
	_ =	sdelay $0x1  }
0x9e: {  	s21 =	simm.s32 $0x1B8B  }
0x9f: {  	_ =	swait.ge [sflag:s21], $0x1  }
0xa0: {  	[sflag:s21] =	ssyncset.done $0x0  }
0xa1: {  	s23 =	simm.s32 $0x1B8E;
	s22 =	sld [smem:$0x3FFE];
	[sflag:s21] =	ssyncadd.s32 $0xFFFFFFFF  }
0xa2: {  	s24 =	simm.s32 $execute0_lowered;
	[smem:$0x3FD2] =	sst s23  }
0xa3: {  	s3 =	sshll.u32 s24, $0x1;
	_ =	strace $0x80000046;
	[dreg:$0x1] =	wrdreg $0xFFFFFFFF  }
0xa4: {  	s25 =	simm.s32 $_size_execute0_lowered;
	s1 =	sadd.s32 s1, s3;
	[dreg:$0x0] =	wrdreg $0x0  }
0xa5: {  	s3 =	sshll.u32 s25, $0x1;
	[dreg:$0x2] =	wrdreg s1  }
0xa6: {  	[dreg:$0x3] =	wrdreg s3  }
0xa7: {  	[dreg:$0x4] =	wrdreg $0xC0  }
0xa8: {  	_ =	task [dreg:s5], $0x5FFFF  }
0xa9: {  	[dreg:$0x1] =	wrdreg $0xFFFFFFFF  }
0xaa: {  	[dreg:$0x0] =	wrdreg $0x60  }
0xab: {  	[dreg:$0x2] =	wrdreg s0  }
0xac: {  	[dreg:$0x3] =	wrdreg s22  }
0xad: {  	[dreg:$0x4] =	wrdreg $0xA  }
0xae: {  	_ =	task.clear_ibuf [dreg:s5], $0x5FFFF;
	_ =	strace $0x90000046  }
0xaf: {  	s26 =	simm.s32 $0xA;
	_ =	strace $0x80000048  }
0xb0: {  	_ =	swait.ge [sflag:s26], $0x1  }
0xb1: {  	[sflag:s26] =	ssyncadd.s32 $0xFFFFFFFF  }
0xb2: {  	_ =	strace $0x90000048  }
0xb3: {  	_ =	sfence  }
0xb4: {  	s28 =	sld [smem:$0x0];
	_ =	sdelay $0x1  }
0xb5: {  	s29 =	srdreg.scid  }
0xb6: {  	s30 =	sshll.u32 s29, $0xD;
	s31 =	sshrl.u32 s29, $0x2  }
0xb7: {  	s2 =	sand.u32 $0x4000, s30;
	s1 =	sand.u32 $0x1, s29;
	s0 =	sadd.s32 s31, s28  }
0xb8: {  	s1 =	sor.u32 s2, s1;
	s0 =	sshll.u32 s0, $0x11  }
0xb9: {  	s0 =	sor.u32 s0, s1  }
0xba: {  	s0 =	sadd.s32 $0x8F2B, s0  }
0xbb: {  	[sflag:s0] =	ssyncadd.remote.s32 $0x1  }
0xbc: {  	_ =	sfence.sel $0xFFFF  }
0xbd: {  	[dreg:$0x0] =	wrdreg $0xFFFFFFFF;
	(pc) =	sbr.abs _section_cstart, $3  }
0xbe: {  	[dreg:$0x1] =	wrdreg $0xFFFFFFFF  }
0xbf: {  	_ =	task.clear_ibuf [dreg:s5], $0x2FFFF;
	_ =	strace $0x9FFFFFFF  }
0xc0: {  	(tm) =	ssettm $0x7FFFFFFF  }
0xc1: {  	_ =	shalt  }
tec
execute0_lowered:
.L_overlay_start_1:
0x0: {  	(tag) =	ssettag $0x1  }
0x1: {  	s2 =	rddreg [dreg:$0x0]  }
0x2: {  	s3 =	rddreg [dreg:$0x1]  }
0x3: {  	s0 =	rddreg [dreg:$0x2];
	s1 =	stileid.u32  }
0x4: {  	_ =	strace $0x80000047;
	s6 =	simm.s32 $0x1;
	s8 =	simm.s32 $0x2  }
0x5: {  	s30 =	simm.s32 $0x3;
	s12 =	simm.s32 $0x0;
	s4 =	sshll.u32 s1, $0x4  }
0x6: {  	s9 =	simm.s32 $0x0;
	s10 =	simm.s32 $0x0;
	s7 =	ssub.s32 $0x1380, s4  }
0x7: {  	s5 =	sadd.s32 $0x400, s3;
	[sflag:s6] =	ssyncpa.u1 $0x0;
	s6 =	sshrl.u32 s7, $0x8  }
0x8: {  	[sflag:s8] =	ssyncpa.u1 $0x0;
	s11 =	smov.u32 s4;
	s31 =	sshll.u32 s6, $0x4  }
0x9: {  	[sflag:s30] =	ssyncpa.u1 $0x0;
	s7 =	sadd.s32 $0x2, s6;
	s8 =	sadd.s32 $0x30, s31  }
.LBB2_1:
0xa: {  	p0 =	sgt.u32 s10, s6  }
0xb: {  	s13 =	sxor.u32 @!p0 $0xFFFFFFFF, s9;
	s14 =	sshrl.u32 @!p0 s11, $0x3  }
0xc: {  	s15 =	sand.u32 @!p0 $0x7, s11;
	s13 =	sand.u32 @!p0 $0x10, s13;
	s14 =	sadd.s32 @!p0 s3, s14  }
0xd: {  	[tilespmem:s13], [sflag:$0x2] =	stream.linear.gather @!p0 [hbm4b:s14+s15], $0x10, $0x38;
	[tilespmem:$0x40] =	vst v63  }
0xe: {  	p0 =	seq.s32 s9, $0x0  }
0xf: {  	p1 =	sge.u32 @!p0 s10, s7  }
0x10: {  	p0 =	por p1, p0  }
0x11: {  	s13 =	simm.s32 @!p0 $0x2  }
0x12: {  	_ =	swait.ge @!p0 [sflag:s13], $0x10  }
0x13: {  	[sflag:s13] =	ssyncset.done @!p0 $0x0  }
0x14: {  	[sflag:s13] =	ssyncadd.s32 @!p0 $0xFFFFFFF0;
	s13 =	sand.u32 @!p0 $0x10, s9  }
0x15: {  	(ifvalue) =	ssetifvalue @!p0 $0x7FFFFFFF;
	v0 =	vld.msk @!p0 [tilespmem:s13+$0x0 ss:$0x1], $0xffff;
	_ =	sdelay $0x4  }
0x16: {  	vm0 =	vgt.s32 @!p0 v0, $0x0  }
0x17: {  	v0 =	vnsel @!p0 vm0, $0x0, v0  }
0x18: {  	v0 =	vmin.u32 @!p0 v0, $0x1387;
	_ =	sdelay $0x3  }
0x19: {  	s14 =	simm.s32 @!p0 $0x0;
	s13 =	sor.u32 @!p0 $0x20, s13;
	(ifvalue) =	ssetifvalue @!p0 $0x7FFFFFFF;
	vm0 =	vmmov @!p0 $0xffff  }
0x1a: {  	[tilespmem:s13], [sflag:$0x1] =	stream.indirect_vreg.gather @!p0 [hbm4b:s2+s14], $0x1, v0, vm0, $0x4038;
	[tilespmem:$0x40] =	vst v63  }
0x1b: {  	s14 =	simm.s32 @!p0 $0x1  }
0x1c: {  	_ =	swait.ge @!p0 [sflag:s14], $0x10  }
0x1d: {  	s15 =	sshrl.u32 @!p0 s12, $0x3;
	[sflag:s14] =	ssyncset.done @!p0 $0x0  }
0x1e: {  	s12 =	sand.u32 @!p0 $0x7, s12;
	[sflag:s14] =	ssyncadd.s32 @!p0 $0xFFFFFFF0;
	s14 =	sadd.s32 @!p0 s5, s15  }
0x1f: {  	[hbm4b:s14+s12] =	stream.linear.scatter @!p0 [tilespmem:s13], [sflag:$0x3], $0x10, $0x38;
	[tilespmem:$0x40] =	vst v63  }
0x20: {  	s14 =	sadd.s32 $0x100, s11  }
0x21: {  	s9 =	sadd.s32 $0x10, s9;
	p1 =	sgt.s32 s14, $0x1387  }
0x22: {  	s14 =	smov.u32 @p1 s4;
	p1 =	sne.s32 s8, s9  }
.Ltmp0:
0x23: {  	p0 =	slt.u32 s10, $0x2;
	(pc) =	sbr.rel @p1 .LBB2_1-.Ltmp0, $4  }
0x24: {  	s13 =	simm.s32 @!p0 $0x3  }
0x25: {  	_ =	swait.ge @!p0 [sflag:s13], $0x10  }
0x26: {  	s12 =	smov.u32 s11;
	[sflag:s13] =	ssyncset.done @!p0 $0x0  }
0x27: {  	s10 =	sadd.s32 $0x1, s10;
	s11 =	smov.u32 s14;
	[sflag:s13] =	ssyncadd.s32 @!p0 $0xFFFFFFF0  }
0x28: {  	_ =	sfence.sel $0x180000  }
0x29: {  	s2 =	simm.s32 $0x2;
	[bflag:$0x0] =	sbarrier.arrive $0xFFFF  }
0x2a: {  	s30 =	simm.s32 $0x3;
	[sflag:s2] =	ssyncpa.u1 $0x1  }
0x2b: {  	s31 =	simm.s32 $0x1;
	[sflag:s30] =	ssyncpa.u1 $0x1  }
0x2c: {  	[sflag:s31] =	ssyncpa.u1 $0x1  }
0x2d: {  	p0 =	sne.s32 s1, $0x0;
	_ =	strace $0x90000047  }
0x2e: {  	s0 =	sadd.s32 @!p0 $0x100000, s0;
	[bflag:$0x2] =	sbarrier.arrive $0xFFFF  }
0x2f: {  	[sflag:s0] =	ssyncadd.tile.s32 @!p0 $0x1;
	_ =	shalt  }
.Lfunc_end2:
_tile_overlayer_lowered:
.L_overlay_start_2:
0x30: {  	(tag) =	ssettag $0x2  }
0x31: {  	s0 =	rddreg [dreg:$0x0];
	s2 =	stileid.u32  }
0x32: {  	s1 =	rddreg [dreg:$0x1];
	p0 =	sne.s32 s2, $0x0  }
0x33: {  	s3 =	rddreg [dreg:$0x2];
	[bflag:$0x3] =	sbarrier.arrive $0xFFFF;
	s2 =	simm.s32 @!p0 $0x1C01  }
0x34: {  	[timem:s3], [sflag:s2] =	dma.local @!p0 [hbm:s0], s1  }
0x35: {  	s0 =	simm.s32 @!p0 $0x1  }
0x36: {  	_ =	swait.ge @!p0 [sflag:s0], s1  }
0x37: {  	s1 =	ssub.s32 @!p0 $0x0, s1;
	[sflag:s0] =	ssyncset.done @!p0 $0x0  }
0x38: {  	[sflag:s0] =	ssyncadd.s32 @!p0 s1  }
0x39: {  	[bflag:$0x3] =	sbarrier.arrive $0xFFFF  }
0x3a: {  	_ =	shalt  }

// kernel: gather_offload_async_start
scs
__scs_entry_jumppad:
0x0: {  	(pc) =	sbr.rel $0x88, $3  }
0x1: {  	(tag) =	ssettag $0x0;
	lr =	simm.s32 $0x1  }
0x2: {  	[smem:$0x3F9F] =	sst lr;
	_ =	strace $0xD0000000  }
0x3: {  	_ = 	snop  }
0x4: {  	_ = 	snop  }
0x5: {  	_ = 	snop  }
0x6: {  	_ = 	snop  }
0x7: {  	_ = 	snop  }
__scs_overlays_trampoline_lowered:
0x8: {  	[smem:$0x3FAE] =	sst s0  }
0x9: {  	[smem:$0x3FAF] =	sst s1  }
0xa: {  	[smem:$0x3FB0] =	sst s2  }
0xb: {  	[smem:$0x3FB1] =	sst s3  }
0xc: {  	[smem:$0x3FB2] =	sst s4  }
0xd: {  	[smem:$0x3FB3] =	sst s5  }
0xe: {  	[smem:$0x3FB4] =	sst s6  }
0xf: {  	[smem:$0x3FB5] =	sst s7  }
0x10: {  	[smem:$0x3FB6] =	sst s8  }
0x11: {  	[smem:$0x3FB7] =	sst s9;
	s0 =	simm.s32 @!p0 $0x0  }
0x12: {  	s1 =	sld [smem:$0x3F9D];
	s0 =	simm.s32 @p0 $0x1  }
0x13: {  	[smem:$0x3FB8] =	sst s0;
	s0 =	simm.s32 @!p1 $0x0  }
0x14: {  	s2 =	sld [smem:$0x3F9C];
	s0 =	simm.s32 @p1 $0x1  }
0x15: {  	[smem:$0x3FB9] =	sst s0;
	s0 =	simm.s32 @!p2 $0x0  }
0x16: {  	s3 =	sld [smem:$0x3FDB];
	s0 =	simm.s32 @p2 $0x1  }
0x17: {  	s4 =	simm.s32 $0x1BF5;
	[smem:$0x3FBB] =	sst s0  }
0x18: {  	s0 =	sld [smem:$0x3F9E];
	_ =	swait.ge [sflag:s4], $0x0  }
0x19: {  	s7 =	sld [smem:$0x3F9F]  }
0x1a: {  	s8 =	sadd.s32 $0xFFFFE003, lr  }
0x1b: {  	s9 =	sadd.s32 $0xFFFFFEF7, lr;
	s5 =	simm.s32 $0xFFFFFFFF;
	p2 =	slt.u32 s8, $0xFFFFF086  }
0x1c: {  	p1 =	slt.u32 s9, $0xF7A;
	s5 =	simm.s32 @!p2 $0x0  }
0x1d: {  	s5 =	simm.s32 @p1 $0x1;
	p0 =	seq.s32 s7, s2  }
0x1e: {  	s7 =	smul.u32 @!p0 $0xF7A, s2;
	p2 =	seq.s32 @!p0 s5, $0x0  }
0x1f: {  	s9 =	smul.u32 $0xF7A, s1;
	s8 =	simm.s32 @!p0 $0x1BF5;
	p2 =	por !p2, p0  }
0x20: {  	[sflag:s8] =	ssyncset.s32 @!p0 $0xFFFFF086;
	s6 =	sadd.s32 @!p0 s3, s7;
	s7 =	simm.s32 @!p0 $0x108  }
0x21: {  	s3 =	sadd.s32 s3, s9;
	s6 =	sadd.s32 @!p0 $0x88, s6;
	s7 =	simm.s32 @p2 $0x1082  }
0x22: {  	[simem:s7], [sflag:s8] =	dma.local @!p0 [hbm:s6], $0xF7A  }
0x23: {  	s9 =	sor.u32 $0xD0000000, s2;
	s6 =	simm.s32 $0x108;
	_ =	swait.ge @!p0 [sflag:s8], $0x0  }
0x24: {  	s3 =	sadd.s32 $0x88, s3;
	s6 =	simm.s32 @!p1 $0x1082;
	[sflag:s4] =	ssyncset.s32 $0xFFFFF086  }
0x25: {  	[simem:s6], [sflag:s4] =	dma.local [hbm:s3], $0xF7A  }
0x26: {  	[smem:$0x3F9F] =	sst s1;
	(tag) =	ssettag s2;
	_ =	strace s9  }
0x27: {  	s1 =	sld [smem:$0x3FAF]  }
0x28: {  	s2 =	sld [smem:$0x3FB0]  }
0x29: {  	s4 =	sld [smem:$0x3FB2]  }
0x2a: {  	p0 =	seq.s32 s5, $0x0;
	s5 =	sld [smem:$0x3FB3]  }
0x2b: {  	s6 =	sld [smem:$0x3FB4]  }
0x2c: {  	s7 =	sld [smem:$0x3FB5]  }
0x2d: {  	s3 =	simm.s32 $0x108;
	s8 =	sld [smem:$0x3FB6]  }
0x2e: {  	s3 =	simm.s32 @!p0 $0x1082;
	s9 =	sld [smem:$0x3FB7]  }
0x2f: {  	lr =	sadd.s32 s0, s3;
	s0 =	sld [smem:$0x3FAE]  }
0x30: {  	s3 =	sld [smem:$0x3FB1]  }
0x31: {  	[smem:$0x3FBA] =	sst s10  }
0x32: {  	s10 =	sld [smem:$0x3FB8];
	_ =	sdelay $0x3  }
0x33: {  	p0 =	seq.s32 s10, $0x1;
	s10 =	sld [smem:$0x3FBA];
	_ =	sdelay $0x3  }
0x34: {  	[smem:$0x3FBA] =	sst s10  }
0x35: {  	s10 =	sld [smem:$0x3FB9];
	_ =	sdelay $0x3  }
0x36: {  	p1 =	seq.s32 s10, $0x1;
	s10 =	sld [smem:$0x3FBA];
	_ =	sdelay $0x3  }
0x37: {  	[smem:$0x3FBA] =	sst s10  }
0x38: {  	s10 =	sld [smem:$0x3FBB]  }
0x39: {  	_ = 	snop;
	(pc) =	sbr.ind lr, $3  }
0x3a: {  	_ = 	snop  }
0x3b: {  	_ = 	snop  }
0x3c: {  	p2 =	seq.s32 s10, $0x1;
	s10 =	sld [smem:$0x3FBA]  }
0x3d: {  	_ =	shalt  }
0x3e: {  	_ =	shalt  }
0x3f: {  	_ =	shalt  }
0x40: {  	_ =	shalt  }
0x41: {  	_ =	shalt  }
0x42: {  	_ =	shalt  }
0x43: {  	_ =	shalt  }
0x44: {  	_ =	shalt  }
0x45: {  	_ =	shalt  }
0x46: {  	_ =	shalt  }
0x47: {  	_ =	shalt  }
0x48: {  	_ =	shalt  }
0x49: {  	_ =	shalt  }
0x4a: {  	_ =	shalt  }
0x4b: {  	_ =	shalt  }
0x4c: {  	_ =	shalt  }
0x4d: {  	_ =	shalt  }
0x4e: {  	_ =	shalt  }
0x4f: {  	_ =	shalt  }
0x50: {  	_ =	shalt  }
0x51: {  	_ =	shalt  }
0x52: {  	_ =	shalt  }
0x53: {  	_ =	shalt  }
0x54: {  	_ =	shalt  }
0x55: {  	_ =	shalt  }
0x56: {  	_ =	shalt  }
0x57: {  	_ =	shalt  }
0x58: {  	_ =	shalt  }
0x59: {  	_ =	shalt  }
0x5a: {  	_ =	shalt  }
0x5b: {  	_ =	shalt  }
0x5c: {  	_ =	shalt  }
0x5d: {  	_ =	shalt  }
0x5e: {  	_ =	shalt  }
0x5f: {  	_ =	shalt  }
0x60: {  	_ =	shalt  }
0x61: {  	_ =	shalt  }
0x62: {  	_ =	shalt  }
0x63: {  	_ =	shalt  }
0x64: {  	_ =	shalt  }
0x65: {  	_ =	shalt  }
0x66: {  	_ =	shalt  }
0x67: {  	_ =	shalt  }
0x68: {  	_ =	shalt  }
0x69: {  	_ =	shalt  }
0x6a: {  	_ =	shalt  }
0x6b: {  	_ =	shalt  }
0x6c: {  	_ =	shalt  }
0x6d: {  	_ =	shalt  }
0x6e: {  	_ =	shalt  }
0x6f: {  	_ =	shalt  }
0x70: {  	_ =	shalt  }
0x71: {  	_ =	shalt  }
0x72: {  	_ =	shalt  }
0x73: {  	_ =	shalt  }
0x74: {  	_ =	shalt  }
0x75: {  	_ =	shalt  }
0x76: {  	_ =	shalt  }
0x77: {  	_ =	shalt  }
0x78: {  	_ =	shalt  }
0x79: {  	_ =	shalt  }
0x7a: {  	_ =	shalt  }
0x7b: {  	_ =	shalt  }
0x7c: {  	_ =	shalt  }
0x7d: {  	_ =	shalt  }
0x7e: {  	_ =	shalt  }
0x7f: {  	_ =	shalt  }
0x80: {  	_ =	shalt  }
0x81: {  	_ =	shalt  }
0x82: {  	_ =	shalt  }
0x83: {  	_ =	shalt  }
0x84: {  	_ =	shalt  }
0x85: {  	_ =	shalt  }
0x86: {  	_ =	shalt  }
0x87: {  	_ =	shalt  }
.Lfunc_end0:
.L_simem_size_0:
called_computation_lowered:
.L_overlay_start_0:
0x88: {  	s0 =	sld [smem:$0x3FD9]  }
0x89: {  	s1 =	sld [smem:$0x3FFE];
	_ =	sdelay $0x3  }
0x8a: {  	s0 =	sadd.s32 s1, s0  }
0x8b: {  	[smem:$0x3FC6] =	sst s0  }
0x8c: {  	_ = 	snop  }
0x8d: {  	(tm) =	ssettm $0x1  }
0x8e: {  	s15 =	sld [smem:$0x3FFB];
	_ =	sdelay $0x3  }
0x8f: {  	_ =	strace s15  }
0x90: {  	s0 =	sld [smem:$0x3FFC];
	_ =	sdelay $0x3  }
0x91: {  	_ =	strace s0  }
0x92: {  	s0 =	sld [smem:$0x3FFD];
	_ =	sdelay $0x3  }
0x93: {  	_ =	strace s0  }
0x94: {  	_ =	strace $0x8FFFFFFF  }
0x95: {  	s16 =	sld [smem:$0x3FDB];
	_ =	sdelay $0x1  }
0x96: {  	s17 =	simm.s32 $_scs_section_size  }
0x97: {  	s2 =	simm.s32 $_size__tile_overlayer_lowered;
	s3 =	simm.s32 $_tile_overlayer_lowered  }
0x98: {  	s20 =	simm.s32 $0x1BFF;
	s19 =	sshll.u32 s3, $0x1;
	s0 =	sadd.s32 s17, s16  }
0x99: {  	s4 =	simm.s32 $0x0;
	s18 =	sshll.u32 s2, $0x1;
	s2 =	sadd.s32 s19, s0  }
0x9a: {  	[timem:s4], [sflag:s20] =	dma.local [hbm:s2], s18  }
0x9b: {  	_ =	swait.ge [sflag:s20], s18  }
0x9c: {  	s1 =	ssub.s32 $0x0, s18;
	[sflag:s20] =	ssyncset.done $0x0  }
0x9d: {  	[sflag:s20] =	ssyncadd.s32 s1;
	_ =	sdelay $0x1  }
0x9e: {  	s21 =	simm.s32 $0x1B8B  }
0x9f: {  	_ =	swait.ge [sflag:s21], $0x1  }
0xa0: {  	[sflag:s21] =	ssyncset.done $0x0  }
0xa1: {  	s23 =	simm.s32 $0x1B8E;
	s22 =	sld [smem:$0x3FFE];
	[sflag:s21] =	ssyncadd.s32 $0xFFFFFFFF  }
0xa2: {  	s24 =	simm.s32 $execute0_lowered;
	[smem:$0x3FD2] =	sst s23  }
0xa3: {  	s2 =	sshll.u32 s24, $0x1;
	_ =	strace $0x80000049;
	[dreg:$0x1] =	wrdreg $0xFFFFFFFF  }
0xa4: {  	s25 =	simm.s32 $_size_execute0_lowered;
	s0 =	sadd.s32 s0, s2;
	[dreg:$0x0] =	wrdreg $0x0  }
0xa5: {  	s2 =	sshll.u32 s25, $0x1;
	[dreg:$0x2] =	wrdreg s0  }
0xa6: {  	[dreg:$0x3] =	wrdreg s2  }
0xa7: {  	[dreg:$0x4] =	wrdreg $0xC0  }
0xa8: {  	_ =	task [dreg:s4], $0x5FFFF  }
0xa9: {  	[dreg:$0x1] =	wrdreg $0xFFFFFFFF  }
0xaa: {  	[dreg:$0x0] =	wrdreg $0x60  }
0xab: {  	[dreg:$0x2] =	wrdreg s22  }
0xac: {  	[dreg:$0x3] =	wrdreg $0x9  }
0xad: {  	_ =	task.clear_ibuf [dreg:s4], $0x4FFFF;
	_ =	strace $0x90000049  }
0xae: {  	s26 =	simm.s32 $0x9;
	_ =	strace $0x8000004B  }
0xaf: {  	_ =	swait.ge [sflag:s26], $0x1  }
0xb0: {  	[sflag:s26] =	ssyncadd.s32 $0xFFFFFFFF  }
0xb1: {  	_ =	strace $0x9000004B  }
0xb2: {  	_ =	sfence  }
0xb3: {  	s28 =	sld [smem:$0x0];
	_ =	sdelay $0x1  }
0xb4: {  	s29 =	srdreg.scid  }
0xb5: {  	s30 =	sshll.u32 s29, $0xD;
	s31 =	sshrl.u32 s29, $0x2  }
0xb6: {  	s1 =	sand.u32 $0x1, s29;
	s2 =	sand.u32 $0x4000, s30;
	s0 =	sadd.s32 s31, s28  }
0xb7: {  	s1 =	sor.u32 s2, s1;
	s0 =	sshll.u32 s0, $0x11  }
0xb8: {  	s0 =	sor.u32 s0, s1  }
0xb9: {  	s0 =	sadd.s32 $0x8F2B, s0  }
0xba: {  	[sflag:s0] =	ssyncadd.remote.s32 $0x1  }
0xbb: {  	_ =	sfence.sel $0xFFFF  }
0xbc: {  	[dreg:$0x0] =	wrdreg $0xFFFFFFFF;
	(pc) =	sbr.abs _section_cstart, $3  }
0xbd: {  	[dreg:$0x1] =	wrdreg $0xFFFFFFFF  }
0xbe: {  	_ =	task.clear_ibuf [dreg:s4], $0x2FFFF;
	_ =	strace $0x9FFFFFFF  }
0xbf: {  	(tm) =	ssettm $0x7FFFFFFF  }
tec
execute0_lowered:
.L_overlay_start_1:
0x0: {  	(tag) =	ssettag $0x1  }
0x1: {  	s0 =	stileid.u32  }
0x2: {  	s1 =	smin.u32 s0, $0x9  }
0x3: {  	s1 =	sadd.s32 s0, s1  }
0x4: {  	s2 =	simm.s32 $0x190;
	p0 =	slt.u32 s0, $0x9;
	s1 =	smul.u32 $0xC8, s1  }
0x5: {  	s2 =	simm.s32 @!p0 $0xC8  }
0x6: {  	s2 =	sadd.s32 s2, s1  }
0x7: {  	s3 =	smin.u32 s2, $0x1388  }
0x8: {  	s7 =	ssub.s32 s3, s1  }
0x9: {  	p0 =	sgt.s32 s7, $0x0  }
0xa: {  	s7 =	simm.s32 @!p0 $0x0  }
0xb: {  	s31 =	sand.u32 $0xFFF8, s7  }
0xc: {  	s2 =	sshrl.u32 s31, $0x3  }
0xd: {  	s2 =	smul.u32 $0x147B, s2  }
0xe: {  	s4 =	rddreg [dreg:$0x0];
	s6 =	simm.s32 $0x1  }
0xf: {  	s10 =	simm.s32 $0x3;
	s13 =	simm.s32 $0x0;
	s8 =	sshrl.u32 s2, $0x11  }
0x10: {  	s12 =	simm.s32 $0x0;
	s5 =	sadd.s32 $0x800, s4;
	s9 =	smul.u32 $0xC8, s8  }
.Ltmp0:
0x11: {  	s11 =	smov.u32 s1;
	s2 =	rddreg [dreg:$0x1];
	(pc) =	sbr.rel .LBB2_1-.Ltmp0, $4  }
0x12: {  	_ =	strace $0x8000004A;
	p0 =	sne.s32 s7, s9;
	s9 =	simm.s32 $0x1  }
0x13: {  	[sflag:s6] =	ssyncpa.u1 $0x0;
	s7 =	simm.s32 $0x2;
	s9 =	simm.s32 @!p0 $0x0  }
0x14: {  	[sflag:s7] =	ssyncpa.u1 $0x0;
	p0 =	por $0x0, $0x0;
	s8 =	sadd.s32 s8, s9  }
0x15: {  	vm0 =	vmmov $0xff;
	vm1 =	vcmask $0x3F20;
	s9 =	sadd.s32 $0x14200, s4;
	[sflag:s10] =	ssyncpa.u1 $0x0;
	s10 =	sadd.s32 $0x1, s8  }
.LBB2_6:
0x16: {  	[hbm:s17] =	stream.linear.scatter [tilespmem:s14], [sflag:$0x3], $0x400, $0x38;
	[tilespmem:$0xC990] =	vst v63  }
.LBB2_7:
0x17: {  	s13 =	sadd.s32 $0xC8, s11  }
0x18: {  	s15 =	smov.u32 s1;
	p2 =	slt.s32 s13, s3  }
0x19: {  	s15 =	smov.u32 @p2 s13;
	p2 =	sne.s32 s12, s10  }
.Ltmp1:
0x1a: {  	p1 =	slt.u32 s12, $0x2;
	(pc) =	sbr.rel @!p2 .LBB2_8-.Ltmp1, $4  }
0x1b: {  	s14 =	simm.s32 @!p1 $0x3  }
0x1c: {  	s16 =	sadd.s32 $0x1, s12;
	_ =	swait.ge @!p1 [sflag:s14], $0x6400  }
0x1d: {  	p0 =	por !p0, !p0;
	s13 =	smov.u32 s11;
	[sflag:s14] =	ssyncset.done @!p1 $0x0  }
0x1e: {  	s12 =	smov.u32 s16;
	s11 =	smov.u32 s15;
	[sflag:s14] =	ssyncadd.s32 @!p1 $0xFFFF9C00  }
.LBB2_1:
0x1f: {  	p1 =	sge.u32 s12, s8  }
0x20: {  	s14 =	sxor.u32 @!p1 $0xFFFFFFFF, s12  }
0x21: {  	s14 =	sand.u32 @!p1 $0x1, s14  }
0x22: {  	s14 =	smul.u32 @!p1 $0x320, s14  }
0x23: {  	s31 =	sadd.s32 $0xFFFFFFFF, s12;
	s15 =	sshrl.u32 @!p1 s11, $0x3  }
0x24: {  	s16 =	sand.u32 @!p1 $0x7, s11;
	s15 =	sadd.s32 @!p1 s4, s15;
	s14 =	sshrl.u32 @!p1 s14, $0x2  }
0x25: {  	[tilespmem:s14], [sflag:$0x2] =	stream.linear.gather @!p1 [hbm4b:s15+s16], $0xC8, $0x38;
	[tilespmem:$0xC990] =	vst v63  }
0x26: {  	p1 =	sge.u32 s31, s8  }
.Ltmp2:
0x27: {  	_ = 	snop;
	(pc) =	sbr.rel @p1 .LBB2_7-.Ltmp2, $1  }
0x28: {  	_ =	sdelay $0x3  }
0x29: {  	s14 =	simm.s32 $0x1  }
0x2a: {  	s14 =	simm.s32 @!p0 $0x0  }
0x2b: {  	s15 =	smul.u32 $0x320, s14  }
0x2c: {  	_ =	swait.ge [sflag:s7], $0xC8  }
0x2d: {  	[sflag:s7] =	ssyncset.done $0x0;
	s16 =	sshrl.u32 s15, $0x2  }
0x2e: {  	[sflag:s7] =	ssyncadd.s32 $0xFFFFFF38;
	s15 =	sadd.s32 $0x0, s16  }
0x2f: {  	v0 =	vld.msk [tilespmem:s15+$0x0 ss:$0x1], $0xffff;
	_ =	sdelay $0x4  }
0x30: {  	vm2 =	vgt.s32 v0, $0x0  }
0x31: {  	v0 =	vnsel vm2, $0x0, v0  }
0x32: {  	v0 =	vmin.u32 v0, $0x1387  }
0x33: {  	v0 =	vshll.u32 v0, $0x4  }
0x34: {  	s14 =	smul.u32 $0x19000, s14  }
0x35: {  	s31 =	sand.u32 $0x1, s12  }
0x36: {  	s17 =	smul.u32 $0x320, s31;
	s14 =	sshrl.u32 s14, $0x2  }
0x37: {  	s19 =	smul.u32 $0x19000, s31;
	s14 =	sor.u32 $0x190, s14  }
0x38: {  	[tilespmem:s14], [sflag:$0x1] =	stream.indirect_vreg.gather [hbm:s5], $0x80, v0, vm0, $0x38;
	[tilespmem:$0xC990] =	vst v63  }
0x39: {  	s18 =	sshrl.u32 s17, $0x2;
	s20 =	sadd.s32 $0x10, s16;
	s15 =	sadd.s32 $0x400, s14  }
0x3a: {  	[tilespmem:s15], [sflag:$0x1] =	stream.indirect_vreg.gather [hbm:s5], $0x80, v0, vm1, $0x38;
	[tilespmem:$0xC990] =	vst v63  }
0x3b: {  	s17 =	sshrl.u32 s19, $0x2;
	s19 =	smov.u32 s14;
	v0 =	vld.msk [tilespmem:s20+$0x0 ss:$0x1], $0xffff;
	s20 =	simm.s32 $0x80  }
.LBB2_3:
0x3c: {  	p1 =	sne.s32 s20, $0x2C0;
	_ =	sdelay $0x4  }
0x3d: {  	vm2 =	vgt.s32 v0, $0x0  }
0x3e: {  	v0 =	vnsel vm2, $0x0, v0  }
0x3f: {  	v0 =	vmin.u32 v0, $0x1387  }
0x40: {  	v0 =	vshll.u32 v0, $0x4;
	_ =	sdelay $0x3  }
.Ltmp3:
0x41: {  	s21 =	sshra.s32 s20, $0x2;
	s19 =	sadd.s32 $0x800, s19;
	(pc) =	sbr.rel @p1 .LBB2_3-.Ltmp3, $4  }
0x42: {  	[tilespmem:s19], [sflag:$0x1] =	stream.indirect_vreg.gather [hbm:s5], $0x80, v0, vm0, $0x38;
	[tilespmem:$0xC990] =	vst v63  }
0x43: {  	s21 =	sadd.s32 s21, s16;
	s22 =	sadd.s32 $0x400, s19  }
0x44: {  	[tilespmem:s22], [sflag:$0x1] =	stream.indirect_vreg.gather [hbm:s5], $0x80, v0, vm1, $0x38;
	[tilespmem:$0xC990] =	vst v63  }
0x45: {  	s20 =	sadd.s32 $0x40, s20;
	v0 =	vld.msk [tilespmem:s21+$0x0 ss:$0x1], $0xffff  }
0x46: {  	_ =	sdelay $0x3  }
0x47: {  	vm2 =	vgt.s32 v0, $0x0  }
0x48: {  	v0 =	vnsel vm2, $0x0, v0  }
0x49: {  	v0 =	vmin.u32 v0, $0x1387  }
0x4a: {  	v0 =	vshll.u32 v0, $0x4;
	_ =	sdelay $0x3  }
0x4b: {  	s16 =	sadd.s32 $0x800, s19  }
0x4c: {  	[tilespmem:s16], [sflag:$0x1] =	stream.indirect_vreg.gather [hbm:s5], $0x80, v0, vm0, $0x38;
	[tilespmem:$0xC990] =	vst v63  }
0x4d: {  	s16 =	sadd.s32 $0x400, s16  }
0x4e: {  	[tilespmem:s16], [sflag:$0x1] =	stream.indirect_vreg.gather [hbm:s5], $0x80, v0, vm1, $0x38;
	[tilespmem:$0xC990] =	vst v63  }
0x4f: {  	v0 =	vld.msk [tilespmem:s18+$0xC0 ss:$0x1], $0xff;
	_ =	sdelay $0x4  }
0x50: {  	vm2 =	vgt.s32 v0, $0x0  }
0x51: {  	v0 =	vnsel vm2, $0x0, v0  }
0x52: {  	v0 =	vmin.u32 v0, $0x1387  }
0x53: {  	v0 =	vshll.u32 v0, $0x4;
	_ =	sdelay $0x3  }
0x54: {  	s31 =	sadd.s32 $0x6190, s17  }
0x55: {  	[tilespmem:s31], [sflag:$0x1] =	stream.indirect_vreg.gather [hbm:s5], $0x80, v0, vm0, $0x38;
	[tilespmem:$0xC990] =	vst v63  }
0x56: {  	s13 =	sshll.u32 s13, $0x4;
	_ =	swait.ge [sflag:s6], $0x6400  }
0x57: {  	s13 =	sadd.s32 s13, s9;
	[sflag:s6] =	ssyncset.done $0x0  }
0x58: {  	s17 =	sadd.s32 $0x0, s13;
	s16 =	simm.s32 $0x80;
	[sflag:s6] =	ssyncadd.s32 $0xFFFF9C00  }
.LBB2_5:
0x59: {  	[hbm:s17] =	stream.linear.scatter [tilespmem:s14], [sflag:$0x3], $0x400, $0x38;
	[tilespmem:$0xC990] =	vst v63  }
0x5a: {  	s17 =	smov.u32 s16;
	s14 =	smov.u32 s15;
	p1 =	sne.s32 s16, $0xC00  }
.Ltmp4:
0x5b: {  	s16 =	sadd.s32 $0x80, s16;
	(pc) =	sbr.rel @p1 .LBB2_5-.Ltmp4, $2  }
0x5c: {  	_ =	sdelay $0x2  }
0x5d: {  	s15 =	sadd.s32 $0x400, s15;
	s17 =	sadd.s32 s17, s13  }
.Ltmp5:
0x5e: {  	_ = 	snop;
	(pc) =	sbr.rel .LBB2_6-.Ltmp5, $1  }
0x5f: {  	_ =	sdelay $0x3  }
.LBB2_8:
0x60: {  	_ =	sfence.sel $0x180000  }
0x61: {  	s1 =	simm.s32 $0x2;
	[bflag:$0x0] =	sbarrier.arrive $0xFFFF  }
0x62: {  	s30 =	simm.s32 $0x3;
	[sflag:s1] =	ssyncpa.u1 $0x1  }
0x63: {  	s31 =	simm.s32 $0x1;
	[sflag:s30] =	ssyncpa.u1 $0x1  }
0x64: {  	[sflag:s31] =	ssyncpa.u1 $0x1  }
0x65: {  	p0 =	sne.s32 s0, $0x0;
	_ =	strace $0x9000004A  }
0x66: {  	s0 =	sadd.s32 @!p0 $0x100000, s2;
	[bflag:$0x2] =	sbarrier.arrive $0xFFFF  }
0x67: {  	[sflag:s0] =	ssyncadd.tile.s32 @!p0 $0x1;
	_ =	shalt  }
.Lfunc_end2:
_tile_overlayer_lowered:
.L_overlay_start_2:
0x68: {  	(tag) =	ssettag $0x2  }
0x69: {  	s0 =	rddreg [dreg:$0x0];
	s2 =	stileid.u32  }
0x6a: {  	s1 =	rddreg [dreg:$0x1];
	p0 =	sne.s32 s2, $0x0  }
0x6b: {  	s3 =	rddreg [dreg:$0x2];
	[bflag:$0x3] =	sbarrier.arrive $0xFFFF;
	s2 =	simm.s32 @!p0 $0x1C01  }
0x6c: {  	[timem:s3], [sflag:s2] =	dma.local @!p0 [hbm:s0], s1  }
0x6d: {  	s0 =	simm.s32 @!p0 $0x1  }
0x6e: {  	_ =	swait.ge @!p0 [sflag:s0], s1  }
0x6f: {  	s1 =	ssub.s32 @!p0 $0x0, s1;
	[sflag:s0] =	ssyncset.done @!p0 $0x0  }
0x70: {  	[sflag:s0] =	ssyncadd.s32 @!p0 s1  }
0x71: {  	[bflag:$0x3] =	sbarrier.arrive $0xFFFF  }
0x72: {  	_ =	shalt  }

// kernel: kernel.3.cloned.1.call-start
scs
__scs_entry_jumppad:
0x0: {  	(pc) =	sbr.rel $0x88, $3  }
0x1: {  	(tag) =	ssettag $0x0;
	lr =	simm.s32 $0x1  }
0x2: {  	[smem:$0x3F9F] =	sst lr;
	_ =	strace $0xD0000000  }
0x3: {  	_ = 	snop  }
0x4: {  	_ = 	snop  }
0x5: {  	_ = 	snop  }
0x6: {  	_ = 	snop  }
0x7: {  	_ = 	snop  }
__scs_overlays_trampoline_lowered:
0x8: {  	[smem:$0x3FAE] =	sst s0  }
0x9: {  	[smem:$0x3FAF] =	sst s1  }
0xa: {  	[smem:$0x3FB0] =	sst s2  }
0xb: {  	[smem:$0x3FB1] =	sst s3  }
0xc: {  	[smem:$0x3FB2] =	sst s4  }
0xd: {  	[smem:$0x3FB3] =	sst s5  }
0xe: {  	[smem:$0x3FB4] =	sst s6  }
0xf: {  	[smem:$0x3FB5] =	sst s7  }
0x10: {  	[smem:$0x3FB6] =	sst s8  }
0x11: {  	[smem:$0x3FB7] =	sst s9;
	s0 =	simm.s32 @!p0 $0x0  }
0x12: {  	s1 =	sld [smem:$0x3F9D];
	s0 =	simm.s32 @p0 $0x1  }
0x13: {  	[smem:$0x3FB8] =	sst s0;
	s0 =	simm.s32 @!p1 $0x0  }
0x14: {  	s2 =	sld [smem:$0x3F9C];
	s0 =	simm.s32 @p1 $0x1  }
0x15: {  	[smem:$0x3FB9] =	sst s0;
	s0 =	simm.s32 @!p2 $0x0  }
0x16: {  	s3 =	sld [smem:$0x3FDB];
	s0 =	simm.s32 @p2 $0x1  }
0x17: {  	s4 =	simm.s32 $0x1BF5;
	[smem:$0x3FBB] =	sst s0  }
0x18: {  	s0 =	sld [smem:$0x3F9E];
	_ =	swait.ge [sflag:s4], $0x0  }
0x19: {  	s7 =	sld [smem:$0x3F9F]  }
0x1a: {  	s8 =	sadd.s32 $0xFFFFE003, lr  }
0x1b: {  	s9 =	sadd.s32 $0xFFFFFEF7, lr;
	s5 =	simm.s32 $0xFFFFFFFF;
	p2 =	slt.u32 s8, $0xFFFFF086  }
0x1c: {  	p1 =	slt.u32 s9, $0xF7A;
	s5 =	simm.s32 @!p2 $0x0  }
0x1d: {  	s5 =	simm.s32 @p1 $0x1;
	p0 =	seq.s32 s7, s2  }
0x1e: {  	s7 =	smul.u32 @!p0 $0xF7A, s2;
	p2 =	seq.s32 @!p0 s5, $0x0  }
0x1f: {  	s9 =	smul.u32 $0xF7A, s1;
	s8 =	simm.s32 @!p0 $0x1BF5;
	p2 =	por !p2, p0  }
0x20: {  	[sflag:s8] =	ssyncset.s32 @!p0 $0xFFFFF086;
	s6 =	sadd.s32 @!p0 s3, s7;
	s7 =	simm.s32 @!p0 $0x108  }
0x21: {  	s3 =	sadd.s32 s3, s9;
	s6 =	sadd.s32 @!p0 $0x88, s6;
	s7 =	simm.s32 @p2 $0x1082  }
0x22: {  	[simem:s7], [sflag:s8] =	dma.local @!p0 [hbm:s6], $0xF7A  }
0x23: {  	s9 =	sor.u32 $0xD0000000, s2;
	s6 =	simm.s32 $0x108;
	_ =	swait.ge @!p0 [sflag:s8], $0x0  }
0x24: {  	s3 =	sadd.s32 $0x88, s3;
	s6 =	simm.s32 @!p1 $0x1082;
	[sflag:s4] =	ssyncset.s32 $0xFFFFF086  }
0x25: {  	[simem:s6], [sflag:s4] =	dma.local [hbm:s3], $0xF7A  }
0x26: {  	[smem:$0x3F9F] =	sst s1;
	(tag) =	ssettag s2;
	_ =	strace s9  }
0x27: {  	s1 =	sld [smem:$0x3FAF]  }
0x28: {  	s2 =	sld [smem:$0x3FB0]  }
0x29: {  	s4 =	sld [smem:$0x3FB2]  }
0x2a: {  	p0 =	seq.s32 s5, $0x0;
	s5 =	sld [smem:$0x3FB3]  }
0x2b: {  	s6 =	sld [smem:$0x3FB4]  }
0x2c: {  	s7 =	sld [smem:$0x3FB5]  }
0x2d: {  	s3 =	simm.s32 $0x108;
	s8 =	sld [smem:$0x3FB6]  }
0x2e: {  	s3 =	simm.s32 @!p0 $0x1082;
	s9 =	sld [smem:$0x3FB7]  }
0x2f: {  	lr =	sadd.s32 s0, s3;
	s0 =	sld [smem:$0x3FAE]  }
0x30: {  	s3 =	sld [smem:$0x3FB1]  }
0x31: {  	[smem:$0x3FBA] =	sst s10  }
0x32: {  	s10 =	sld [smem:$0x3FB8];
	_ =	sdelay $0x3  }
0x33: {  	p0 =	seq.s32 s10, $0x1;
	s10 =	sld [smem:$0x3FBA];
	_ =	sdelay $0x3  }
0x34: {  	[smem:$0x3FBA] =	sst s10  }
0x35: {  	s10 =	sld [smem:$0x3FB9];
	_ =	sdelay $0x3  }
0x36: {  	p1 =	seq.s32 s10, $0x1;
	s10 =	sld [smem:$0x3FBA];
	_ =	sdelay $0x3  }
0x37: {  	[smem:$0x3FBA] =	sst s10  }
0x38: {  	s10 =	sld [smem:$0x3FBB]  }
0x39: {  	_ = 	snop;
	(pc) =	sbr.ind lr, $3  }
0x3a: {  	_ = 	snop  }
0x3b: {  	_ = 	snop  }
0x3c: {  	p2 =	seq.s32 s10, $0x1;
	s10 =	sld [smem:$0x3FBA]  }
0x3d: {  	_ =	shalt  }
0x3e: {  	_ =	shalt  }
0x3f: {  	_ =	shalt  }
0x40: {  	_ =	shalt  }
0x41: {  	_ =	shalt  }
0x42: {  	_ =	shalt  }
0x43: {  	_ =	shalt  }
0x44: {  	_ =	shalt  }
0x45: {  	_ =	shalt  }
0x46: {  	_ =	shalt  }
0x47: {  	_ =	shalt  }
0x48: {  	_ =	shalt  }
0x49: {  	_ =	shalt  }
0x4a: {  	_ =	shalt  }
0x4b: {  	_ =	shalt  }
0x4c: {  	_ =	shalt  }
0x4d: {  	_ =	shalt  }
0x4e: {  	_ =	shalt  }
0x4f: {  	_ =	shalt  }
0x50: {  	_ =	shalt  }
0x51: {  	_ =	shalt  }
0x52: {  	_ =	shalt  }
0x53: {  	_ =	shalt  }
0x54: {  	_ =	shalt  }
0x55: {  	_ =	shalt  }
0x56: {  	_ =	shalt  }
0x57: {  	_ =	shalt  }
0x58: {  	_ =	shalt  }
0x59: {  	_ =	shalt  }
0x5a: {  	_ =	shalt  }
0x5b: {  	_ =	shalt  }
0x5c: {  	_ =	shalt  }
0x5d: {  	_ =	shalt  }
0x5e: {  	_ =	shalt  }
0x5f: {  	_ =	shalt  }
0x60: {  	_ =	shalt  }
0x61: {  	_ =	shalt  }
0x62: {  	_ =	shalt  }
0x63: {  	_ =	shalt  }
0x64: {  	_ =	shalt  }
0x65: {  	_ =	shalt  }
0x66: {  	_ =	shalt  }
0x67: {  	_ =	shalt  }
0x68: {  	_ =	shalt  }
0x69: {  	_ =	shalt  }
0x6a: {  	_ =	shalt  }
0x6b: {  	_ =	shalt  }
0x6c: {  	_ =	shalt  }
0x6d: {  	_ =	shalt  }
0x6e: {  	_ =	shalt  }
0x6f: {  	_ =	shalt  }
0x70: {  	_ =	shalt  }
0x71: {  	_ =	shalt  }
0x72: {  	_ =	shalt  }
0x73: {  	_ =	shalt  }
0x74: {  	_ =	shalt  }
0x75: {  	_ =	shalt  }
0x76: {  	_ =	shalt  }
0x77: {  	_ =	shalt  }
0x78: {  	_ =	shalt  }
0x79: {  	_ =	shalt  }
0x7a: {  	_ =	shalt  }
0x7b: {  	_ =	shalt  }
0x7c: {  	_ =	shalt  }
0x7d: {  	_ =	shalt  }
0x7e: {  	_ =	shalt  }
0x7f: {  	_ =	shalt  }
0x80: {  	_ =	shalt  }
0x81: {  	_ =	shalt  }
0x82: {  	_ =	shalt  }
0x83: {  	_ =	shalt  }
0x84: {  	_ =	shalt  }
0x85: {  	_ =	shalt  }
0x86: {  	_ =	shalt  }
0x87: {  	_ =	shalt  }
.Lfunc_end0:
.L_simem_size_0:
called_computation.2_lowered:
.L_overlay_start_0:
0x88: {  	s2 =	sld [smem:$0x3FD9]  }
0x89: {  	s3 =	sld [smem:$0x3FFE];
	_ =	sdelay $0x1  }
0x8a: {  	s1 =	srdreg.scid  }
0x8b: {  	s0 =	sand.u32 $0x1, s1  }
0x8c: {  	s17 =	sshll.u32 s0, $0xA;
	s2 =	sadd.s32 s3, s2  }
0x8d: {  	s2 =	sadd.s32 s2, s17  }
0x8e: {  	[smem:$0x3FC6] =	sst s2  }
0x8f: {  	_ = 	snop  }
0x90: {  	s2 =	sld [smem:$0x3FD0];
	(tm) =	ssettm $0x1  }
0x91: {  	s18 =	sld [smem:$0x3FFB];
	_ =	sdelay $0x3  }
0x92: {  	_ =	strace s18  }
0x93: {  	s3 =	sld [smem:$0x3FFC];
	_ =	sdelay $0x3  }
0x94: {  	_ =	strace s3  }
0x95: {  	s3 =	sld [smem:$0x3FFD];
	_ =	sdelay $0x3  }
0x96: {  	_ =	strace s3  }
0x97: {  	_ =	strace $0x8FFFFFFF  }
0x98: {  	s19 =	sld [smem:$0x3FDB];
	_ =	sdelay $0x1  }
0x99: {  	s4 =	simm.s32 $_scs_section_size  }
0x9a: {  	s5 =	simm.s32 $_size__tile_overlayer_lowered;
	s6 =	simm.s32 $_tile_overlayer_lowered  }
0x9b: {  	s22 =	simm.s32 $0x1BFF;
	s21 =	sshll.u32 s6, $0x1;
	s3 =	sadd.s32 s4, s19  }
0x9c: {  	s7 =	simm.s32 $0x0;
	s20 =	sshll.u32 s5, $0x1;
	s5 =	sadd.s32 s21, s3  }
0x9d: {  	[timem:s7], [sflag:s22] =	dma.local [hbm:s5], s20  }
0x9e: {  	_ =	swait.ge [sflag:s22], s20  }
0x9f: {  	s4 =	ssub.s32 $0x0, s20;
	[sflag:s22] =	ssyncset.done $0x0  }
0xa0: {  	[sflag:s22] =	ssyncadd.s32 s4;
	_ =	sdelay $0x1  }
0xa1: {  	s23 =	simm.s32 $0x1B8B  }
0xa2: {  	_ =	swait.ge [sflag:s23], $0x1  }
0xa3: {  	[sflag:s23] =	ssyncset.done $0x0  }
0xa4: {  	s25 =	simm.s32 $0x1B8E;
	s24 =	sld [smem:$0x3FFE];
	[sflag:s23] =	ssyncadd.s32 $0xFFFFFFFF  }
0xa5: {  	s26 =	simm.s32 $execute0_lowered;
	[smem:$0x3FD2] =	sst s25  }
0xa6: {  	s5 =	sshll.u32 s26, $0x1;
	_ =	strace $0x8000004C;
	[dreg:$0x1] =	wrdreg $0xFFFFFFFF  }
0xa7: {  	s28 =	simm.s32 $_size_execute0_lowered;
	s3 =	sadd.s32 s3, s5;
	[dreg:$0x0] =	wrdreg $0x0  }
0xa8: {  	s5 =	sshll.u32 s28, $0x1;
	[dreg:$0x2] =	wrdreg s3  }
0xa9: {  	[dreg:$0x3] =	wrdreg s5  }
0xaa: {  	[dreg:$0x4] =	wrdreg $0xC0  }
0xab: {  	_ =	task [dreg:s7], $0x5FFFF  }
0xac: {  	[dreg:$0x1] =	wrdreg $0xFFFFFFFF  }
0xad: {  	[dreg:$0x0] =	wrdreg $0x60  }
0xae: {  	[dreg:$0x2] =	wrdreg s2  }
0xaf: {  	[dreg:$0x3] =	wrdreg s24  }
0xb0: {  	[dreg:$0x4] =	wrdreg $0xEB800  }
0xb1: {  	[dreg:$0x5] =	wrdreg $0x9  }
0xb2: {  	_ =	task.clear_ibuf [dreg:s7], $0x6FFFF;
	_ =	strace $0x9000004C  }
0xb3: {  	s29 =	simm.s32 $0x9;
	_ =	strace $0x8000004E  }
0xb4: {  	_ =	swait.ge [sflag:s29], $0x1  }
0xb5: {  	[sflag:s29] =	ssyncadd.s32 $0xFFFFFFFF  }
0xb6: {  	_ =	strace $0x9000004E  }
0xb7: {  	_ =	sfence  }
0xb8: {  	s30 =	sld [smem:$0x0];
	_ =	sdelay $0x2  }
0xb9: {  	s31 =	sshll.u32 s1, $0xD;
	s1 =	sshrl.u32 s1, $0x2  }
0xba: {  	s3 =	sand.u32 $0x4000, s31;
	s1 =	sadd.s32 s1, s30  }
0xbb: {  	s0 =	sor.u32 s3, s0;
	s1 =	sshll.u32 s1, $0x11  }
0xbc: {  	s0 =	sor.u32 s1, s0  }
0xbd: {  	s0 =	sadd.s32 $0x8F2B, s0  }
0xbe: {  	[sflag:s0] =	ssyncadd.remote.s32 $0x1  }
0xbf: {  	_ =	sfence.sel $0xFFFF  }
0xc0: {  	[dreg:$0x0] =	wrdreg $0xFFFFFFFF;
	(pc) =	sbr.abs _section_cstart, $3  }
0xc1: {  	[dreg:$0x1] =	wrdreg $0xFFFFFFFF  }
0xc2: {  	_ =	task.clear_ibuf [dreg:s7], $0x2FFFF;
	_ =	strace $0x9FFFFFFF  }
0xc3: {  	(tm) =	ssettm $0x7FFFFFFF  }
tec
execute0_lowered:
.L_overlay_start_1:
0x0: {  	(tag) =	ssettag $0x1  }
0x1: {  	s1 =	srdreg.scid  }
0x2: {  	s1 =	sand.u32 $0x1, s1  }
0x3: {  	p0 =	seq.s32 s1, $0x1  }
.Ltmp0:
0x4: {  	s4 =	rddreg [dreg:$0x0];
	(pc) =	sbr.rel @p0 .LBB2_14-.Ltmp0, $4  }
0x5: {  	s3 =	rddreg [dreg:$0x1]  }
0x6: {  	s28 =	rddreg [dreg:$0x2];
	s0 =	simm.s32 $0x0  }
0x7: {  	[smem:$0x7FF] =	sst s0  }
0x8: {  	s2 =	rddreg [dreg:$0x3];
	_ =	strace $0x8000004D;
	s1 =	stileid.u32  }
0x9: {  	s2 =	smul.u32 $0x140, s1;
	s5 =	sadd.s32 $0xC00, s3  }
0xa: {  	[tilespmem:s0], [sflag:$0x1] =	stream.linear.gather [hbm4b:s4+s0], $0x1400, $0x38;
	[tilespmem:$0xEBA0] =	vst v63  }
0xb: {  	s6 =	sadd.s32 $0x800, s3;
	s4 =	sadd.s32 $0x400, s3;
	s8 =	simm.s32 $0x1  }
0xc: {  	s29 =	sxor.u32 $0xF, s1;
	s9 =	sshll.u32 s1, $0x5;
	s24 =	simm.s32 $0x1480  }
0xd: {  	s31 =	simm.s32 $0x2900;
	_ =	swait.ge [sflag:s8], $0x1400;
	s30 =	sadd.s32 s9, s28  }
0xe: {  	s9 =	simm.s32 $0x3D80;
	s7 =	sshrl.u32 s2, $0x3;
	[sflag:s8] =	ssyncset.done $0x0  }
0xf: {  	s26 =	sor.u32 $0x10, s2;
	s25 =	sor.u32 $0x20, s2;
	[sflag:s8] =	ssyncadd.s32 $0xFFFFEC00  }
0x10: {  	[tilespmem:s24], [sflag:$0x1] =	stream.linear.gather [hbm4b:s5+s0], $0x1400, $0x38;
	[tilespmem:$0xEBA0] =	vst v63  }
0x11: {  	s23 =	sadd.s32 $0x40, s2;
	s22 =	sadd.s32 $0x50, s2;
	_ =	swait.ge [sflag:s8], $0x1400  }
0x12: {  	s21 =	sadd.s32 $0x60, s2;
	s20 =	sadd.s32 $0x70, s2;
	[sflag:s8] =	ssyncset.done $0x0  }
0x13: {  	s19 =	sadd.s32 $0x80, s2;
	s18 =	sadd.s32 $0x90, s2;
	[sflag:s8] =	ssyncadd.s32 $0xFFFFEC00  }
0x14: {  	[tilespmem:s31], [sflag:$0x1] =	stream.linear.gather [hbm4b:s6+s0], $0x1400, $0x38;
	[tilespmem:$0xEBA0] =	vst v63  }
0x15: {  	s17 =	sadd.s32 $0xA0, s2;
	s16 =	sadd.s32 $0xB0, s2;
	_ =	swait.ge [sflag:s8], $0x1400  }
0x16: {  	s15 =	sadd.s32 $0xC0, s2;
	s14 =	sadd.s32 $0xD0, s2;
	[sflag:s8] =	ssyncset.done $0x0  }
0x17: {  	s13 =	sadd.s32 $0xE0, s2;
	s10 =	sadd.s32 $0xF0, s2;
	[sflag:s8] =	ssyncadd.s32 $0xFFFFEC00  }
0x18: {  	[tilespmem:s9], [sflag:$0x1] =	stream.linear.gather [hbm4b:s3+s0], $0x1400, $0x38;
	[tilespmem:$0xEBA0] =	vst v63  }
0x19: {  	s11 =	sadd.s32 $0x100, s2;
	_ =	swait.ge [sflag:s8], $0x1400;
	[dreg:$0xd] =	wrdreg s10  }
0x1a: {  	s12 =	sadd.s32 $0x110, s2;
	s7 =	sadd.s32 s7, s3;
	[dreg:$0xc] =	wrdreg s11  }
0x1b: {  	s5 =	sadd.s32 $0x120, s2;
	s31 =	simm.s32 $0x5200;
	[dreg:$0xb] =	wrdreg s12  }
0x1c: {  	s6 =	sadd.s32 $0x1000, s7;
	[dreg:$0xa] =	wrdreg s5;
	[sflag:s8] =	ssyncset.done $0x0  }
0x1d: {  	s9 =	sadd.s32 $0x1400, s7;
	[dreg:$0x8] =	wrdreg s6;
	[sflag:s8] =	ssyncadd.s32 $0xFFFFEC00  }
0x1e: {  	[tilespmem:s31], [sflag:$0x1] =	stream.linear.gather [hbm4b:s4+s0], $0x1400, $0x38;
	[tilespmem:$0xEBA0] =	vst v63  }
0x1f: {  	s10 =	sadd.s32 $0x1800, s7;
	_ =	swait.ge [sflag:s8], $0x1400;
	[dreg:$0x7] =	wrdreg s9  }
0x20: {  	s24 =	sor.u32 $0x30, s2;
	s11 =	sadd.s32 $0x1C00, s7;
	[dreg:$0x6] =	wrdreg s10  }
0x21: {  	s3 =	simm.s32 $0x0;
	s12 =	sadd.s32 $0x2000, s7;
	[dreg:$0x5] =	wrdreg s11  }
0x22: {  	s31 =	sadd.s32 $0x130, s2;
	[dreg:$0x4] =	wrdreg s12;
	[sflag:s8] =	ssyncset.done $0x0  }
0x23: {  	v1 =	vmov s1;
	v2 =	vimm.f32 $0.0e+00;
	s0 =	simm.s32 $0x40;
	[dreg:$0x9] =	wrdreg s31;
	[sflag:s8] =	ssyncadd.s32 $0xFFFFEC00  }
.LBB2_2:
0x24: {  	p0 =	sne.s32 s0, $0x51C0;
	[tilespmem:s3+$0xB800] =	vst v2;
	s4 =	smov.u32 s0;
	s0 =	sadd.s32 $0x40, s0  }
.Ltmp1:
0x25: {  	[tilespmem:s3+$0xA380] =	vst v2;
	(pc) =	sbr.rel @p0 .LBB2_2-.Ltmp1, $4  }
0x26: {  	[tilespmem:s3+$0x8F00] =	vst v2  }
0x27: {  	[tilespmem:s3+$0x6600] =	vst v2  }
0x28: {  	[tilespmem:s3+$0x7A80] =	vst v2  }
0x29: {  	s3 =	sshra.s32 s4, $0x2  }
.Ltmp2:
0x2a: {  	[tilespmem:s3+$0xB800] =	vst v2;
	(pc) =	sbr.rel .LBB2_4-.Ltmp2, $4  }
0x2b: {  	[tilespmem:s3+$0xA380] =	vst v2  }
0x2c: {  	[tilespmem:s3+$0x8F00] =	vst v2  }
0x2d: {  	v0 =	vlaneseq.u32;
	[tilespmem:s3+$0x6600] =	vst v2;
	s31 =	simm.s32 $0x0;
	s0 =	simm.s32 $0x1;
	vm1 =	vmmov $0x1  }
0x2e: {  	[tilespmem:s3+$0x7A80] =	vst v2;
	s3 =	simm.s32 $0xE080;
	s4 =	simm.s32 $0xE100;
	v2 =	vimm.s32 $0x0;
	s5 =	simm.s32 $0x0;
	vm0 =	vlt.u32 v1, v0;
	v1 =	vimm.f32 $0.0e+00  }
.LBB2_6:
0x2f: {  	_ = 	snop  }
.LBB2_11:
0x30: {  	v11 =	vadd.f32 v11, v7;
	v15 =	vld [tilespmem:s8+$0xFFFFFFF0];
	v27 =	vadd.f32 @p0 v29, v27  }
0x31: {  	vm2 =	vgt.f32 @p0 v26, v28;
	v55 =	vld [tilespmem:s9+$0xFFFFFFF0];
	v10 =	vmax.f32 v3, v10;
	v13 =	vmax.f32 v4, v13  }
0x32: {  	v16 =	vmin.f32 v5, v16;
	v18 =	vmin.f32 v6, v18;
	v23 =	vmax.f32 v3, v23  }
0x33: {  	v17 =	vmax.f32 v3, v17;
	v14 =	vsub.f32 v21, v14;
	v24 =	vmin.f32 v5, v24  }
0x34: {  	v22 =	vmax.f32 v4, v22;
	v25 =	vmin.f32 v6, v25;
	v23 =	vsub.f32 v24, v23  }
0x35: {  	v20 =	vmax.f32 v4, v20;
	v9 =	vsub.f32 v12, v9;
	v22 =	vsub.f32 v25, v22  }
0x36: {  	v15 =	vmin.f32 v5, v15;
	v56 =	vmin.f32 v6, v55;
	v57 =	vmax.f32 v23, $0.0e+00  }
0x37: {  	v15 =	vsub.f32 v15, v17;
	v58 =	vmax.f32 v22, $0.0e+00;
	v20 =	vsub.f32 v56, v20  }
0x38: {  	v59 =	vld [tilespmem:s7+$0x10];
	v28 =	vsel @p0 vm2, $0x3F800000, v1;
	v10 =	vsub.f32 v16, v10;
	v17 =	vmul.f32 v58, v57  }
0x39: {  	v13 =	vsub.f32 v18, v13;
	v60 =	vmax.f32 v15, $0.0e+00;
	v61 =	vmax.f32 v20, $0.0e+00  }
0x3a: {  	v14 =	vmax.f32 v14, $0.0e+00;
	v11 =	vsub.f32 v11, v17;
	v12 =	vmul.f32 v61, v60  }
0x3b: {  	v9 =	vmax.f32 v9, $0.0e+00;
	v10 =	vmax.f32 v10, $0.0e+00;
	v13 =	vmax.f32 v13, $0.0e+00  }
0x3c: {  	v10 =	vmul.f32 v13, v10;
	v11 =	vmul.f32 $5.000000000e-01, v11;
	v8 =	vsub.f32 v8, v12  }
0x3d: {  	v9 =	vmul.f32 v9, v14;
	v13 =	vadd.f32 @p0 v28, v27;
	v62 =	vadd.f32 v59, v7  }
0x3e: {  	vm2 =	vgt.f32 v17, v11;
	v8 =	vmul.f32 $5.000000000e-01, v8;
	v11 =	vsub.f32 v19, v10  }
0x3f: {  	v13 =	vpsel p0, v13, v1;
	v14 =	vsub.f32 v62, v9;
	v63 =	vsel vm2, $0x3F800000, v1  }
0x40: {  	v13 =	vadd.f32 v63, v13;
	vm2 =	vgt.f32 v12, v8;
	v8 =	vmul.f32 $5.000000000e-01, v11  }
0x41: {  	v11 =	vsel vm2, $0x3F800000, v1  }
0x42: {  	v11 =	vadd.f32 v11, v13;
	vm2 =	vgt.f32 v10, v8;
	v8 =	vmul.f32 $5.000000000e-01, v14  }
0x43: {  	v10 =	vsel vm2, $0x3F800000, v1  }
0x44: {  	v10 =	vadd.f32 v10, v11;
	vm2 =	vgt.f32 v9, v8  }
0x45: {  	v8 =	vsel vm2, $0x3F800000, v1  }
0x46: {  	v8 =	vadd.f32 v8, v10  }
.LBB2_12:
0x47: {  	s7 =	sor.u32 s1, s6  }
0x48: {  	v9 =	vld.msk [tilespmem:s7+$0x0 ss:$0x0], $0xffff  }
0x49: {  	v10 =	vld.msk [tilespmem:s7+$0x2900 ss:$0x0], $0xffff  }
0x4a: {  	v11 =	vld.msk [tilespmem:s7+$0x1480 ss:$0x0], $0xffff  }
0x4b: {  	v12 =	vld.msk [tilespmem:s7+$0x3D80 ss:$0x0], $0xffff;
	_ =	sdelay $0x3  }
0x4c: {  	v13 =	vsub.f32 v10, v9  }
0x4d: {  	v14 =	vsub.f32 v12, v11;
	v3 =	vmax.f32 v3, v9;
	v5 =	vmin.f32 v5, v10  }
0x4e: {  	v4 =	vmax.f32 v4, v11;
	v6 =	vmin.f32 v6, v12;
	v3 =	vsub.f32 v5, v3  }
0x4f: {  	v4 =	vsub.f32 v6, v4;
	v13 =	vmax.f32 v13, $0.0e+00;
	v25 =	vmax.f32 v14, $0.0e+00  }
0x50: {  	v26 =	vmul.f32 v25, v13  }
0x51: {  	v3 =	vmax.f32 v3, $0.0e+00;
	v4 =	vmax.f32 v4, $0.0e+00  }
0x52: {  	v3 =	vmul.f32 v4, v3;
	v27 =	vadd.f32 v26, v7;
	_ =	sdelay $0x1  }
0x53: {  	v4 =	vsub.f32 v27, v3;
	_ =	sdelay $0x1  }
0x54: {  	v4 =	vmul.f32 $5.000000000e-01, v4;
	_ =	sdelay $0x1  }
0x55: {  	vm2 =	vgt.f32 v3, v4  }
0x56: {  	vm2 =	vmand vm2, vm0  }
0x57: {  	v3 =	vld [tilespmem:s6+$0x5200];
	[tilespmem:$0xE080] =	vst v8;
	v28 =	vsel vm2, $0x3F800000, v1  }
0x58: {  	[tilespmem:$0xE090] =	vst v28  }
0x59: {  	[spmem:s30] =	stream.linear.scatter [tilespmem:s3], [sflag:$0x1], $0x20, $0x38;
	[tilespmem:$0xEBA0] =	vst v63  }
0x5a: {  	_ =	swait.ge [sflag:s0], $0x20  }
0x5b: {  	[sflag:s0] =	ssyncset.done $0x0  }
0x5c: {  	[sflag:s0] =	ssyncadd.s32 $0xFFFFFFE0  }
0x5d: {  	[bflag:$0x0] =	sbarrier.arrive $0xFFFF  }
0x5e: {  	[tilespmem:s4], [sflag:$0x1] =	stream.linear.gather [spmem:s28], $0x200, $0x38;
	[tilespmem:$0xEBA0] =	vst v63  }
0x5f: {  	_ =	swait.ge [sflag:s0], $0x200  }
0x60: {  	[sflag:s0] =	ssyncset.done $0x0  }
0x61: {  	[sflag:s0] =	ssyncadd.s32 $0xFFFFFE00  }
0x62: {  	v29 =	vld [tilespmem:$0xE100]  }
0x63: {  	v30 =	vld [tilespmem:$0xE120];
	_ =	sdelay $0x1  }
0x64: {  	v31 =	vld [tilespmem:$0xE140];
	_ =	sdelay $0x1  }
0x65: {  	v32 =	vld [tilespmem:$0xE160]  }
0x66: {  	v4 =	vadd.f32 v30, v29  }
0x67: {  	v33 =	vld [tilespmem:$0xE180]  }
0x68: {  	v4 =	vadd.f32 v31, v4  }
0x69: {  	v34 =	vld [tilespmem:$0xE1A0]  }
0x6a: {  	v4 =	vadd.f32 v32, v4  }
0x6b: {  	v35 =	vld [tilespmem:$0xE1C0]  }
0x6c: {  	v4 =	vadd.f32 v33, v4  }
0x6d: {  	v36 =	vld [tilespmem:$0xE1E0]  }
0x6e: {  	v4 =	vadd.f32 v34, v4  }
0x6f: {  	v37 =	vld [tilespmem:$0xE200]  }
0x70: {  	v4 =	vadd.f32 v35, v4  }
0x71: {  	v38 =	vld [tilespmem:$0xE220]  }
0x72: {  	v4 =	vadd.f32 v36, v4  }
0x73: {  	v39 =	vld [tilespmem:$0xE240]  }
0x74: {  	v4 =	vadd.f32 v37, v4  }
0x75: {  	v40 =	vld [tilespmem:$0xE260]  }
0x76: {  	v4 =	vadd.f32 v38, v4  }
0x77: {  	v41 =	vld [tilespmem:$0xE280]  }
0x78: {  	v4 =	vadd.f32 v39, v4  }
0x79: {  	v42 =	vld [tilespmem:$0xE2A0]  }
0x7a: {  	v4 =	vadd.f32 v40, v4  }
0x7b: {  	v43 =	vld [tilespmem:$0xE2C0]  }
0x7c: {  	v4 =	vadd.f32 v41, v4  }
0x7d: {  	v44 =	vld [tilespmem:$0xE2E0]  }
0x7e: {  	v4 =	vadd.f32 v42, v4  }
0x7f: {  	vm2 =	vge.f32 v3, $5.000000070e-02;
	v3 =	vld [tilespmem:$0xE110]  }
0x80: {  	v47 =	vld.msk [tilespmem:s6+$0x0 ss:$0x0], $0xffff;
	v4 =	vadd.f32 v43, v4  }
0x81: {  	v48 =	vld.msk [tilespmem:s6+$0x1480 ss:$0x0], $0xffff  }
0x82: {  	v49 =	vld.msk [tilespmem:s6+$0x2900 ss:$0x0], $0xffff;
	v4 =	vadd.f32 v44, v4  }
0x83: {  	v50 =	vld.msk [tilespmem:s6+$0x3D80 ss:$0x0], $0xffff  }
0x84: {  	s8 =	sor.u32 $0x1, s6;
	v51 =	vld [tilespmem:$0xE130];
	vm3 =	veq.f32 v4, $0.0e+00  }
0x85: {  	v52 =	vld.msk [tilespmem:s8+$0x0 ss:$0x0], $0xffff;
	vm2 =	vmand vm2, vm3  }
0x86: {  	v53 =	vld.msk [tilespmem:s6+$0x1481 ss:$0x0], $0xffff;
	v45 =	vsel vm2, $0x3F800000, v1  }
0x87: {  	v55 =	vld.msk [tilespmem:s6+$0x2901 ss:$0x0], $0xffff;
	(v2sf) =	vpush v45, $0x0;
	v46 =	vbroadcast v45, $0x0  }
0x88: {  	v16 =	vld.msk [tilespmem:s6+$0x3D81 ss:$0x0], $0xffff  }
0x89: {  	v18 =	vld.msk [tilespmem:s6+$0x1482 ss:$0x0], $0xffff;
	v3 =	vmul.f32 v46, v3  }
0x8a: {  	s11 =	sor.u32 $0x3, s6;
	v20 =	vld.msk [tilespmem:s6+$0x3D82 ss:$0x0], $0xffff  }
0x8b: {  	v25 =	vld.msk [tilespmem:s11+$0x0 ss:$0x0], $0xffff;
	v3 =	vsub.f32 $1.000000000e+00, v3  }
0x8c: {  	v27 =	vld.msk [tilespmem:s6+$0x1483 ss:$0x0], $0xffff  }
0x8d: {  	v54 =	vsub.f32 v49, v47;
	v30 =	vld.msk [tilespmem:s6+$0x2903 ss:$0x0], $0xffff;
	v3 =	vmul.f32 v3, v45  }
0x8e: {  	v56 =	vsub.f32 v50, v48;
	v57 =	vsub.f32 v55, v52;
	v32 =	vld.msk [tilespmem:s6+$0x3D83 ss:$0x0], $0xffff  }
0x8f: {  	v17 =	vsub.f32 v16, v53;
	(v2sf) =	vpush v3, $0x1  }
0x90: {  	v12 =	vmax.f32 v54, $0.0e+00;
	v14 =	vmax.f32 v56, $0.0e+00;
	v15 =	vbroadcast v3, $0x1  }
0x91: {  	v22 =	vsub.f32 v20, v18;
	v59 =	vmax.f32 v57, $0.0e+00;
	v12 =	vmul.f32 v14, v12  }
0x92: {  	v35 =	vsub.f32 v30, v25;
	v4 =	vnsel vm1, $0x0, v45;
	v9 =	vmul.f32 v15, v51  }
0x93: {  	v36 =	vsub.f32 v32, v27;
	v5 =	vmul.f32 v4, v47;
	v6 =	vmul.f32 v4, v48  }
0x94: {  	v58 =	vld [tilespmem:$0xE150];
	v7 =	vmul.f32 v49, v4;
	v8 =	vmul.f32 v50, v4;
	v9 =	vsub.f32 $1.000000000e+00, v9  }
0x95: {  	v4 =	vmul.f32 v12, v4;
	v49 =	vld.msk [tilespmem:s6+$0x3D84 ss:$0x0], $0xffff;
	v5 =	vadd.f32 $0.0e+00, v5;
	v6 =	vadd.f32 $0.0e+00, v6  }
0x96: {  	v7 =	vadd.f32 $0.0e+00, v7;
	v8 =	vadd.f32 $0.0e+00, v8;
	v45 =	vld.msk [tilespmem:s6+$0x1484 ss:$0x0], $0xffff;
	v3 =	vmul.f32 v9, v3;
	s9 =	spop (v2sf)  }
0x97: {  	v60 =	vmax.f32 v17, $0.0e+00;
	v46 =	vld.msk [tilespmem:s6+$0x2904 ss:$0x0], $0xffff;
	v4 =	vadd.f32 $0.0e+00, v4;
	v10 =	vsub.f32 v52, v5;
	s7 =	scvt.f32.s32 s9;
	s9 =	sor.u32 $0x4, s6  }
0x98: {  	v11 =	vsub.f32 v53, v6;
	v13 =	vsub.f32 v55, v7;
	v62 =	vbroadcast v3, $0x2;
	v42 =	vld.msk [tilespmem:s9+$0x0 ss:$0x0], $0xffff  }
0x99: {  	v9 =	vmul.f32 v60, v59;
	(v2sf) =	vpush v3, $0x2;
	v61 =	vmov s7  }
0x9a: {  	s8 =	sor.u32 $0x2, s6;
	v19 =	vld.msk [tilespmem:s6+$0x2902 ss:$0x0], $0xffff;
	v16 =	vsub.f32 v16, v8;
	v12 =	vmul.f32 v62, v58;
	vm2 =	veq.s32 v61, v0  }
0x9b: {  	v63 =	vld.msk [tilespmem:s8+$0x0 ss:$0x0], $0xffff;
	v54 =	vsub.f32 v49, v45;
	v9 =	vsub.f32 v9, v4;
	v15 =	vnsel vm2, $0x0, v15  }
0x9c: {  	v12 =	vsub.f32 $1.000000000e+00, v12;
	v10 =	vmul.f32 v15, v10;
	v11 =	vmul.f32 v11, v15  }
0x9d: {  	v13 =	vmul.f32 v13, v15;
	v16 =	vmul.f32 v16, v15;
	v51 =	vsub.f32 v46, v42  }
0x9e: {  	v9 =	vmul.f32 v9, v15;
	s10 =	spop (v2sf);
	v5 =	vadd.f32 v10, v5;
	v6 =	vadd.f32 v11, v6  }
0x9f: {  	v21 =	vld [tilespmem:$0xE170];
	s11 =	sor.u32 $0x5, s6;
	v3 =	vmul.f32 v12, v3;
	v7 =	vadd.f32 v13, v7;
	v8 =	vadd.f32 v16, v8;
	s8 =	scvt.f32.s32 s10  }
0xa0: {  	v57 =	vld.msk [tilespmem:s11+$0x0 ss:$0x0], $0xffff;
	v4 =	vadd.f32 v9, v4;
	v16 =	vsub.f32 v19, v63  }
0xa1: {  	v58 =	vld.msk [tilespmem:s6+$0x2905 ss:$0x0], $0xffff;
	v11 =	vmax.f32 v22, $0.0e+00;
	(v2sf) =	vpush v3, $0x3;
	v26 =	vbroadcast v3, $0x3;
	s7 =	sadd.s32 s7, s8  }
0xa2: {  	v61 =	vld.msk [tilespmem:s6+$0x1485 ss:$0x0], $0xffff;
	v9 =	vmax.f32 v16, $0.0e+00;
	v24 =	vsub.f32 v63, v5;
	v23 =	vmov s7  }
0xa3: {  	v28 =	vsub.f32 v18, v6;
	v63 =	vld.msk [tilespmem:s6+$0x3D85 ss:$0x0], $0xffff;
	v9 =	vmul.f32 v11, v9;
	vm2 =	veq.s32 v23, v0  }
0xa4: {  	v29 =	vsub.f32 v19, v7;
	v10 =	vmul.f32 v26, v21;
	v14 =	vnsel vm2, $0x0, v62  }
0xa5: {  	v31 =	vsub.f32 v20, v8;
	v9 =	vsub.f32 v9, v4;
	v12 =	vmul.f32 v14, v24  }
0xa6: {  	v10 =	vsub.f32 $1.000000000e+00, v10;
	v33 =	vmul.f32 v28, v14;
	v34 =	vmul.f32 v29, v14  }
0xa7: {  	v23 =	vsub.f32 v58, v57;
	v11 =	vmul.f32 v31, v14;
	v9 =	vmul.f32 v9, v14  }
0xa8: {  	v3 =	vmul.f32 v10, v3;
	v28 =	vsub.f32 v63, v61;
	s12 =	spop (v2sf);
	v5 =	vadd.f32 v12, v5  }
0xa9: {  	v37 =	vld [tilespmem:$0xE190];
	v10 =	vmax.f32 v35, $0.0e+00;
	v6 =	vadd.f32 v33, v6;
	v7 =	vadd.f32 v34, v7;
	s8 =	scvt.f32.s32 s12  }
0xaa: {  	v8 =	vadd.f32 v11, v8;
	v4 =	vadd.f32 v9, v4;
	v11 =	vmax.f32 v36, $0.0e+00  }
0xab: {  	(v2sf) =	vpush v3, $0x4;
	v41 =	vbroadcast v3, $0x4;
	v10 =	vmul.f32 v11, v10;
	s7 =	sadd.s32 s8, s7  }
0xac: {  	v39 =	vsub.f32 v25, v5;
	v40 =	vsub.f32 v27, v6;
	v38 =	vmov s7  }
0xad: {  	v43 =	vsub.f32 v30, v7;
	v44 =	vsub.f32 v32, v8;
	vm2 =	veq.s32 v38, v0  }
0xae: {  	v9 =	vmul.f32 v41, v37;
	v25 =	vmax.f32 v23, $0.0e+00;
	v12 =	vnsel vm2, $0x0, v26  }
0xaf: {  	v10 =	vsub.f32 v10, v4;
	v11 =	vmul.f32 v39, v12;
	v47 =	vmul.f32 v43, v12  }
0xb0: {  	v53 =	vld [tilespmem:$0xE1B0];
	v9 =	vsub.f32 $1.000000000e+00, v9;
	v13 =	vmul.f32 v40, v12;
	v48 =	vmul.f32 v44, v12  }
0xb1: {  	s9 =	sor.u32 $0x6, s6;
	v31 =	vld.msk [tilespmem:s6+$0x2906 ss:$0x0], $0xffff;
	v10 =	vmul.f32 v10, v12;
	s10 =	spop (v2sf);
	v5 =	vadd.f32 v11, v5;
	v7 =	vadd.f32 v47, v7  }
0xb2: {  	s11 =	sor.u32 $0x7, s6;
	v27 =	vld.msk [tilespmem:s9+$0x0 ss:$0x0], $0xffff;
	v3 =	vmul.f32 v9, v3;
	s8 =	scvt.f32.s32 s10;
	v6 =	vadd.f32 v13, v6;
	v8 =	vadd.f32 v48, v8  }
0xb3: {  	v12 =	vmax.f32 v54, $0.0e+00;
	v4 =	vadd.f32 v10, v4;
	v60 =	vsub.f32 v46, v7;
	v46 =	vld.msk [tilespmem:s11+$0x0 ss:$0x0], $0xffff  }
0xb4: {  	v10 =	vmax.f32 v51, $0.0e+00;
	(v2sf) =	vpush v3, $0x5;
	s7 =	sadd.s32 s8, s7;
	v17 =	vsub.f32 v49, v8;
	v49 =	vld.msk [tilespmem:s6+$0x2907 ss:$0x0], $0xffff  }
0xb5: {  	v59 =	vbroadcast v3, $0x5;
	v10 =	vmul.f32 v12, v10;
	v50 =	vmov s7  }
0xb6: {  	v52 =	vsub.f32 v42, v5;
	v56 =	vsub.f32 v45, v6;
	vm2 =	veq.s32 v50, v0  }
0xb7: {  	v36 =	vsub.f32 v31, v27;
	v62 =	vmul.f32 v53, v59;
	v55 =	vnsel vm2, $0x0, v41  }
0xb8: {  	v10 =	vsub.f32 v10, v4;
	v9 =	vmul.f32 v52, v55;
	v14 =	vmul.f32 v56, v55  }
0xb9: {  	v24 =	vld [tilespmem:$0xE1D0];
	v12 =	vmul.f32 v60, v55;
	v22 =	vmul.f32 v17, v55;
	v54 =	vsub.f32 v49, v46  }
0xba: {  	v51 =	vld.msk [tilespmem:s6+$0x1487 ss:$0x0], $0xffff;
	v10 =	vmul.f32 v10, v55;
	s12 =	spop (v2sf);
	v5 =	vadd.f32 v9, v5;
	v9 =	vsub.f32 $1.000000000e+00, v62  }
0xbb: {  	v39 =	vmax.f32 v36, $0.0e+00;
	v52 =	vld.msk [tilespmem:s6+$0x3D87 ss:$0x0], $0xffff;
	v6 =	vadd.f32 v14, v6;
	s8 =	scvt.f32.s32 s12;
	v7 =	vadd.f32 v12, v7  }
0xbc: {  	v30 =	vld.msk [tilespmem:s6+$0x1486 ss:$0x0], $0xffff;
	v8 =	vadd.f32 v22, v8;
	v4 =	vadd.f32 v10, v4;
	v3 =	vmul.f32 v9, v3  }
0xbd: {  	s9 =	sor.u32 $0x8, s6;
	v17 =	vmax.f32 v28, $0.0e+00;
	v22 =	vld.msk [tilespmem:s6+$0x3D86 ss:$0x0], $0xffff;
	s7 =	sadd.s32 s8, s7;
	v29 =	vsub.f32 v57, v5;
	v19 =	vsub.f32 v61, v6  }
0xbe: {  	v56 =	vld.msk [tilespmem:s9+$0x0 ss:$0x0], $0xffff;
	v9 =	vmul.f32 v17, v25;
	v26 =	vmov s7;
	(v2sf) =	vpush v3, $0x6  }
0xbf: {  	v33 =	vsub.f32 v58, v7;
	v61 =	vld.msk [tilespmem:s6+$0x2908 ss:$0x0], $0xffff;
	vm2 =	veq.s32 v26, v0;
	v21 =	vbroadcast v3, $0x6  }
0xc0: {  	v34 =	vsub.f32 v63, v8;
	v57 =	vsub.f32 v52, v51;
	v18 =	vnsel vm2, $0x0, v59  }
0xc1: {  	v9 =	vsub.f32 v9, v4;
	v13 =	vmul.f32 v29, v18;
	v12 =	vmul.f32 v24, v21  }
0xc2: {  	v37 =	vsub.f32 v22, v30;
	v32 =	vmul.f32 v19, v18;
	v35 =	vmul.f32 v33, v18  }
0xc3: {  	v38 =	vld [tilespmem:$0xE1F0];
	v10 =	vmul.f32 v34, v18;
	v9 =	vmul.f32 v9, v18;
	v12 =	vsub.f32 $1.000000000e+00, v12  }
0xc4: {  	v63 =	vld.msk [tilespmem:s6+$0x3D88 ss:$0x0], $0xffff;
	s10 =	spop (v2sf);
	v40 =	vmax.f32 v37, $0.0e+00;
	v23 =	vsub.f32 v61, v56;
	v5 =	vadd.f32 v13, v5  }
0xc5: {  	v59 =	vld.msk [tilespmem:s6+$0x1488 ss:$0x0], $0xffff;
	v6 =	vadd.f32 v32, v6;
	v7 =	vadd.f32 v35, v7;
	s8 =	scvt.f32.s32 s10;
	v3 =	vmul.f32 v12, v3  }
0xc6: {  	v8 =	vadd.f32 v10, v8;
	v4 =	vadd.f32 v9, v4;
	v41 =	vmul.f32 v40, v39  }
0xc7: {  	v25 =	vmax.f32 v23, $0.0e+00;
	s7 =	sadd.s32 s8, s7;
	v44 =	vsub.f32 v27, v5;
	v43 =	vbroadcast v3, $0x7  }
0xc8: {  	v45 =	vsub.f32 v30, v6;
	v42 =	vmov s7;
	(v2sf) =	vpush v3, $0x7  }
0xc9: {  	v48 =	vsub.f32 v31, v7;
	vm2 =	veq.s32 v42, v0;
	v11 =	vmul.f32 v38, v43  }
0xca: {  	v50 =	vsub.f32 v22, v8;
	v24 =	vsub.f32 v63, v59;
	v47 =	vnsel vm2, $0x0, v21  }
0xcb: {  	v9 =	vsub.f32 v41, v4;
	v10 =	vmul.f32 v44, v47;
	v11 =	vsub.f32 $1.000000000e+00, v11  }
0xcc: {  	v55 =	vld [tilespmem:$0xE210];
	v26 =	vmax.f32 v24, $0.0e+00;
	v13 =	vmul.f32 v45, v47;
	v16 =	vmul.f32 v48, v47  }
0xcd: {  	v36 =	vld.msk [tilespmem:s6+$0x2909 ss:$0x0], $0xffff;
	v53 =	vmul.f32 v50, v47;
	v5 =	vadd.f32 v10, v5;
	v3 =	vmul.f32 v11, v3;
	s12 =	spop (v2sf)  }
0xce: {  	v34 =	vld.msk [tilespmem:s6+$0x1489 ss:$0x0], $0xffff;
	s10 =	sor.u32 $0x9, s6;
	v9 =	vmul.f32 v9, v47;
	v6 =	vadd.f32 v13, v6;
	v7 =	vadd.f32 v16, v7;
	s8 =	scvt.f32.s32 s12  }
0xcf: {  	v30 =	vld.msk [tilespmem:s10+$0x0 ss:$0x0], $0xffff;
	v10 =	vmax.f32 v54, $0.0e+00;
	v13 =	vmax.f32 v57, $0.0e+00;
	v62 =	vbroadcast v3, $0x8  }
0xd0: {  	v38 =	vld.msk [tilespmem:s6+$0x3D89 ss:$0x0], $0xffff;
	v8 =	vadd.f32 v53, v8;
	v4 =	vadd.f32 v9, v4;
	v10 =	vmul.f32 v13, v10;
	s7 =	sadd.s32 s8, s7  }
0xd1: {  	v50 =	vld.msk [tilespmem:s6+$0x148A ss:$0x0], $0xffff;
	(v2sf) =	vpush v3, $0x8;
	v11 =	vmul.f32 v55, v62;
	v58 =	vmov s7  }
0xd2: {  	v53 =	vld.msk [tilespmem:s6+$0x3D8A ss:$0x0], $0xffff;
	v14 =	vsub.f32 v46, v5;
	v60 =	vsub.f32 v51, v6;
	vm2 =	veq.s32 v58, v0  }
0xd3: {  	v17 =	vsub.f32 v49, v7;
	v11 =	vsub.f32 $1.000000000e+00, v11;
	v12 =	vnsel vm2, $0x0, v43  }
0xd4: {  	v27 =	vld [tilespmem:$0xE230];
	v20 =	vsub.f32 v52, v8;
	v10 =	vsub.f32 v10, v4;
	v14 =	vmul.f32 v14, v12  }
0xd5: {  	v45 =	vsub.f32 v38, v34;
	v15 =	vmul.f32 v60, v12;
	v3 =	vmul.f32 v11, v3  }
0xd6: {  	v43 =	vsub.f32 v36, v30;
	v22 =	vmul.f32 v17, v12;
	v13 =	vmul.f32 v20, v12  }
0xd7: {  	v10 =	vmul.f32 v10, v12;
	v60 =	vsub.f32 v53, v50;
	s9 =	spop (v2sf);
	v33 =	vbroadcast v3, $0x9  }
0xd8: {  	v11 =	vmul.f32 v26, v25;
	v5 =	vadd.f32 v14, v5;
	v6 =	vadd.f32 v15, v6;
	s8 =	scvt.f32.s32 s9  }
0xd9: {  	v51 =	vld.msk [tilespmem:s6+$0x290A ss:$0x0], $0xffff;
	s12 =	sor.u32 $0xA, s6;
	v7 =	vadd.f32 v22, v7;
	v8 =	vadd.f32 v13, v8;
	v13 =	vmul.f32 v27, v33  }
0xda: {  	v49 =	vld.msk [tilespmem:s12+$0x0 ss:$0x0], $0xffff;
	(v2sf) =	vpush v3, $0x9;
	v4 =	vadd.f32 v10, v4;
	v10 =	vmax.f32 v43, $0.0e+00;
	s7 =	sadd.s32 s8, s7  }
0xdb: {  	v9 =	vsub.f32 v56, v5;
	v28 =	vmov s7;
	v40 =	vsub.f32 $1.000000000e+00, v13  }
0xdc: {  	v42 =	vld [tilespmem:$0xE250];
	v29 =	vsub.f32 v59, v6;
	v32 =	vsub.f32 v61, v7;
	vm2 =	veq.s32 v28, v0  }
0xdd: {  	v35 =	vsub.f32 v63, v8;
	v31 =	vnsel vm2, $0x0, v62;
	v3 =	vmul.f32 v40, v3  }
0xde: {  	s10 =	sor.u32 $0xB, s6;
	v41 =	vsub.f32 v11, v4;
	v9 =	vmul.f32 v9, v31;
	v12 =	vmul.f32 v29, v31  }
0xdf: {  	v26 =	vld.msk [tilespmem:s10+$0x0 ss:$0x0], $0xffff;
	v59 =	vsub.f32 v51, v49;
	v37 =	vmul.f32 v32, v31;
	v48 =	vbroadcast v3, $0xA  }
0xe0: {  	v13 =	vmax.f32 v45, $0.0e+00;
	v28 =	vld.msk [tilespmem:s6+$0x148B ss:$0x0], $0xffff;
	v39 =	vmul.f32 v35, v31;
	s11 =	spop (v2sf);
	v5 =	vadd.f32 v9, v5  }
0xe1: {  	v29 =	vld.msk [tilespmem:s6+$0x290B ss:$0x0], $0xffff;
	v6 =	vadd.f32 v12, v6;
	s8 =	scvt.f32.s32 s11;
	v7 =	vadd.f32 v37, v7;
	v11 =	vmul.f32 v42, v48  }
0xe2: {  	v32 =	vld.msk [tilespmem:s6+$0x3D8B ss:$0x0], $0xffff;
	v8 =	vadd.f32 v39, v8;
	(v2sf) =	vpush v3, $0xA;
	v9 =	vmul.f32 v41, v31  }
0xe3: {  	v52 =	vmul.f32 v13, v10;
	s7 =	sadd.s32 s8, s7;
	v46 =	vsub.f32 v30, v5;
	v11 =	vsub.f32 $1.000000000e+00, v11  }
0xe4: {  	v56 =	vld [tilespmem:$0xE270];
	v18 =	vsub.f32 v34, v6;
	v4 =	vadd.f32 v9, v4;
	v44 =	vmov s7  }
0xe5: {  	v55 =	vsub.f32 v36, v7;
	vm2 =	veq.s32 v44, v0;
	v3 =	vmul.f32 v11, v3  }
0xe6: {  	v16 =	vsub.f32 v38, v8;
	v34 =	vsub.f32 v29, v26;
	v47 =	vnsel vm2, $0x0, v33  }
0xe7: {  	v37 =	vsub.f32 v32, v28;
	v12 =	vmul.f32 v46, v47;
	v61 =	vbroadcast v3, $0xB  }
0xe8: {  	v40 =	vld.msk [tilespmem:s6+$0x290C ss:$0x0], $0xffff;
	v9 =	vsub.f32 v52, v4;
	v54 =	vmul.f32 v18, v47;
	v57 =	vmul.f32 v55, v47  }
0xe9: {  	s12 =	sor.u32 $0xC, s6;
	v39 =	vld.msk [tilespmem:s6+$0x148C ss:$0x0], $0xffff;
	v58 =	vmul.f32 v16, v47;
	v5 =	vadd.f32 v12, v5;
	v25 =	vmul.f32 v56, v61  }
0xea: {  	v36 =	vld.msk [tilespmem:s12+$0x0 ss:$0x0], $0xffff;
	v9 =	vmul.f32 v9, v47;
	s9 =	spop (v2sf);
	v6 =	vadd.f32 v54, v6;
	v7 =	vadd.f32 v57, v7  }
0xeb: {  	v63 =	vmax.f32 v60, $0.0e+00;
	v42 =	vld.msk [tilespmem:s6+$0x3D8C ss:$0x0], $0xffff;
	s8 =	scvt.f32.s32 s9;
	v8 =	vadd.f32 v58, v8;
	v13 =	vsub.f32 $1.000000000e+00, v25  }
0xec: {  	v62 =	vmax.f32 v59, $0.0e+00;
	v31 =	vld [tilespmem:$0xE290];
	v4 =	vadd.f32 v9, v4;
	(v2sf) =	vpush v3, $0xB  }
0xed: {  	v9 =	vmul.f32 v63, v62;
	s7 =	sadd.s32 s8, s7;
	v27 =	vsub.f32 v49, v5;
	v3 =	vmul.f32 v13, v3  }
0xee: {  	v15 =	vsub.f32 v50, v6;
	v30 =	vsub.f32 v51, v7;
	v24 =	vmov s7  }
0xef: {  	v10 =	vsub.f32 v53, v8;
	vm2 =	veq.s32 v24, v0;
	v13 =	vbroadcast v3, $0xC  }
0xf0: {  	v49 =	vsub.f32 v40, v36;
	v50 =	vsub.f32 v42, v39;
	v17 =	vnsel vm2, $0x0, v48  }
0xf1: {  	v9 =	vsub.f32 v9, v4;
	v10 =	vmul.f32 v10, v17;
	v35 =	vmul.f32 v31, v13  }
0xf2: {  	v52 =	vmax.f32 v49, $0.0e+00;
	v53 =	vmax.f32 v50, $0.0e+00;
	v12 =	vmul.f32 v27, v17;
	s11 =	spop (v2sf)  }
0xf3: {  	v41 =	vld [tilespmem:$0xE2B0];
	v33 =	vmul.f32 v30, v17;
	s8 =	scvt.f32.s32 s11;
	v8 =	vadd.f32 v10, v8;
	v10 =	vsub.f32 $1.000000000e+00, v35  }
0xf4: {  	v62 =	vld.msk [tilespmem:s6+$0x290D ss:$0x0], $0xffff;
	v15 =	vmul.f32 v15, v17;
	v9 =	vmul.f32 v9, v17;
	v5 =	vadd.f32 v12, v5  }
0xf5: {  	v7 =	vadd.f32 v33, v7;
	(v2sf) =	vpush v3, $0xC;
	v33 =	vld.msk [tilespmem:s6+$0x290E ss:$0x0], $0xffff;
	s7 =	sadd.s32 s8, s7;
	v3 =	vmul.f32 v10, v3  }
0xf6: {  	v6 =	vadd.f32 v15, v6;
	v12 =	vmax.f32 v34, $0.0e+00;
	s11 =	sor.u32 $0xD, s6;
	v34 =	vld.msk [tilespmem:s6+$0x3D8E ss:$0x0], $0xffff;
	v38 =	vmov s7  }
0xf7: {  	s9 =	sor.u32 $0xE, s6;
	v57 =	vld.msk [tilespmem:s11+$0x0 ss:$0x0], $0xffff;
	v16 =	vsub.f32 v26, v5;
	vm2 =	veq.s32 v38, v0;
	v46 =	vbroadcast v3, $0xD  }
0xf8: {  	v17 =	vmax.f32 v37, $0.0e+00;
	v18 =	vsub.f32 v28, v6;
	v26 =	vld.msk [tilespmem:s9+$0x0 ss:$0x0], $0xffff;
	v14 =	vnsel vm2, $0x0, v61  }
0xf9: {  	v45 =	vsub.f32 v29, v7;
	v29 =	vld.msk [tilespmem:s6+$0x148E ss:$0x0], $0xffff;
	v16 =	vmul.f32 v16, v14;
	v48 =	vmul.f32 v41, v46  }
0xfa: {  	v4 =	vadd.f32 v9, v4;
	v43 =	vmul.f32 v17, v12;
	v11 =	vsub.f32 v32, v8  }
0xfb: {  	v63 =	vld.msk [tilespmem:s6+$0x3D8D ss:$0x0], $0xffff;
	v44 =	vmul.f32 v18, v14;
	v5 =	vadd.f32 v16, v5;
	v16 =	vsub.f32 $1.000000000e+00, v48  }
0xfc: {  	v51 =	vld [tilespmem:$0xE2D0];
	v9 =	vsub.f32 v43, v4;
	v47 =	vmul.f32 v45, v14;
	v11 =	vmul.f32 v11, v14  }
0xfd: {  	v49 =	vld.msk [tilespmem:s6+$0x3D8F ss:$0x0], $0xffff;
	v23 =	vsub.f32 v62, v57;
	s10 =	spop (v2sf);
	(v2sf) =	vpush v3, $0xD;
	v3 =	vmul.f32 v16, v3  }
0xfe: {  	v61 =	vld.msk [tilespmem:s6+$0x148D ss:$0x0], $0xffff;
	v9 =	vmul.f32 v9, v14;
	v35 =	vsub.f32 v33, v26;
	v37 =	vsub.f32 v34, v29;
	s8 =	scvt.f32.s32 s10  }
0xff: {  	v45 =	vld.msk [tilespmem:s6+$0x148F ss:$0x0], $0xffff;
	v6 =	vadd.f32 v44, v6;
	v7 =	vadd.f32 v47, v7;
	v58 =	vbroadcast v3, $0xE  }
0x100: {  	v54 =	vmul.f32 v53, v52;
	s11 =	sor.u32 $0xF, s6;
	v8 =	vadd.f32 v11, v8;
	v4 =	vadd.f32 v9, v4;
	v47 =	vld.msk [tilespmem:s6+$0x290F ss:$0x0], $0xffff;
	s7 =	sadd.s32 s8, s7  }
0x101: {  	v60 =	vsub.f32 v40, v7;
	v40 =	vld.msk [tilespmem:s11+$0x0 ss:$0x0], $0xffff;
	v55 =	vmov s7;
	v11 =	vmul.f32 v51, v58  }
0x102: {  	v56 =	vsub.f32 v36, v5;
	v59 =	vsub.f32 v39, v6;
	vm2 =	veq.s32 v55, v0  }
0x103: {  	v10 =	vsub.f32 v42, v8;
	v13 =	vnsel vm2, $0x0, v13;
	v11 =	vsub.f32 $1.000000000e+00, v11  }
0x104: {  	v9 =	vsub.f32 v54, v4;
	v24 =	vsub.f32 v63, v61;
	v12 =	vmul.f32 v56, v13  }
0x105: {  	v16 =	vmul.f32 v59, v13;
	(v2sf) =	vpush v3, $0xE;
	v3 =	vmul.f32 v11, v3  }
0x106: {  	v10 =	vmul.f32 v10, v13;
	v56 =	vsub.f32 v49, v45;
	s12 =	spop (v2sf);
	v55 =	vsub.f32 v47, v40  }
0x107: {  	v9 =	vmul.f32 v9, v13;
	v5 =	vadd.f32 v12, v5;
	s8 =	scvt.f32.s32 s12;
	(v2sf) =	vpush v3, $0xF  }
0x108: {  	v18 =	vmul.f32 v60, v13;
	v6 =	vadd.f32 v16, v6;
	v8 =	vadd.f32 v10, v8  }
0x109: {  	v4 =	vadd.f32 v9, v4;
	v9 =	vmax.f32 v23, $0.0e+00;
	v10 =	vmax.f32 v24, $0.0e+00;
	s7 =	sadd.s32 s8, s7  }
0x10a: {  	v7 =	vadd.f32 v18, v7;
	v9 =	vmul.f32 v10, v9;
	v25 =	vmov s7  }
0x10b: {  	v27 =	vsub.f32 v57, v5;
	v28 =	vsub.f32 v61, v6;
	vm2 =	veq.s32 v25, v0  }
0x10c: {  	v31 =	vsub.f32 v62, v7;
	v32 =	vsub.f32 v63, v8;
	v30 =	vnsel vm2, $0x0, v46  }
0x10d: {  	v9 =	vsub.f32 v9, v4;
	v11 =	vmul.f32 v27, v30;
	v13 =	vmul.f32 v28, v30  }
0x10e: {  	v39 =	vld [tilespmem:$0xE2F0];
	v10 =	vmax.f32 v35, $0.0e+00;
	v17 =	vmul.f32 v31, v30;
	v18 =	vmul.f32 v32, v30;
	s10 =	spop (v2sf)  }
0x10f: {  	v9 =	vmul.f32 v9, v30;
	s8 =	scvt.f32.s32 s10;
	v5 =	vadd.f32 v11, v5;
	v6 =	vadd.f32 v13, v6  }
0x110: {  	v7 =	vadd.f32 v17, v7;
	v8 =	vadd.f32 v18, v8;
	v13 =	vmax.f32 v37, $0.0e+00  }
0x111: {  	v4 =	vadd.f32 v9, v4;
	v44 =	vbroadcast v3, $0xF;
	v41 =	vmul.f32 v13, v10;
	s7 =	sadd.s32 s8, s7  }
0x112: {  	v38 =	vsub.f32 v26, v5;
	v14 =	vsub.f32 v29, v6;
	v36 =	vmov s7  }
0x113: {  	v42 =	vsub.f32 v33, v7;
	v12 =	vmul.f32 v39, v44;
	vm2 =	veq.s32 v36, v0  }
0x114: {  	v46 =	vsub.f32 v34, v8;
	v9 =	vsub.f32 v41, v4;
	v15 =	vnsel vm2, $0x0, v58;
	s12 =	spop (v2sf)  }
0x115: {  	v53 =	vsub.f32 $1.000000000e+00, v12;
	v11 =	vmul.f32 v38, v15;
	v43 =	vmul.f32 v14, v15;
	s10 =	scvt.f32.s32 s12  }
0x116: {  	v12 =	vmax.f32 v56, $0.0e+00;
	v10 =	vmul.f32 v42, v15;
	v52 =	vmul.f32 v46, v15;
	s11 =	spop (v2sf)  }
0x117: {  	v3 =	vmul.f32 v53, v3;
	v9 =	vmul.f32 v9, v15;
	v5 =	vadd.f32 v11, v5;
	s7 =	sadd.s32 s10, s7;
	s8 =	scvt.f32.s32 s11  }
0x118: {  	v6 =	vadd.f32 v43, v6;
	v7 =	vadd.f32 v10, v7;
	s12 =	ssub.s32 s1, s31;
	v48 =	vmov s7  }
0x119: {  	v8 =	vadd.f32 v52, v8;
	v50 =	vsub.f32 v40, v5;
	vm2 =	veq.s32 v48, v0;
	s7 =	sadd.s32 s8, s7;
	s8 =	sand.u32 $0xF, s12  }
0x11a: {  	vm3 =	vgt.f32 v3, $0.0e+00;
	v57 =	vsub.f32 v45, v6;
	v51 =	vnsel vm2, $0x0, v44;
	p0 =	sge.s32 s8, s7  }
0x11b: {  	v58 =	vsub.f32 v47, v7;
	vm2 =	vlt.f32 v3, $0.0e+00;
	v54 =	vmul.f32 v50, v51;
	s9 =	sadd.s32 @!p0 s31, s8  }
0x11c: {  	v3 =	vmax.f32 v55, $0.0e+00;
	vm2 =	vmor vm3, vm2;
	v59 =	vmul.f32 v57, v51;
	p1 =	sne.s32 @!p0 s9, s1  }
0x11d: {  	v60 =	vmul.f32 v58, v51;
	v61 =	vsel vm2, $0x1, v2;
	v5 =	vadd.f32 v54, v5;
	s10 =	simm.s32 @!p0 $0x1;
	s9 =	ssub.s32 @!p0 s9, s1;
	p1 =	por !p1, p0  }
0x11e: {  	v4 =	vadd.f32 v9, v4;
	v3 =	vmul.f32 v12, v3;
	v6 =	vadd.f32 v59, v6;
	[tilespmem:s6+$0xCC80] =	vst v61;
	s6 =	sshra.s32 @!p0 s9, $0x1F;
	s10 =	simm.s32 @p1 $0x0  }
0x11f: {  	v62 =	vsub.f32 v49, v8;
	v7 =	vadd.f32 v60, v7;
	[tilespmem:$0xE300] =	vst v5;
	s11 =	sand.u32 @!p0 $0xF, s9;
	s10 =	sor.u32 @!p0 s10, s6  }
0x120: {  	v3 =	vsub.f32 v3, v4;
	[tilespmem:$0xE320] =	vst v6;
	p2 =	sne.s32 @!p0 s11, $0x0;
	p1 =	sne.s32 @!p0 s10, $0x1  }
0x121: {  	v63 =	vmul.f32 v62, v51;
	[tilespmem:$0xE340] =	vst v7;
	s10 =	sor.u32 @!p0 $0xE300, s8;
	p1 =	por @!p0 !p2, !p1  }
0x122: {  	v3 =	vmul.f32 v3, v51;
	s6 =	sshrl.u32 @!p0 s6, $0x1C;
	v6 =	vld.msk @!p0 [tilespmem:s10+$0x0 ss:$0x0], $0xffff;
	p1 =	por @!p0 !p1, !p1  }
0x123: {  	v5 =	vadd.f32 v63, v8;
	s6 =	sadd.s32 @!p0 s6, s9;
	s9 =	simm.s32 @!p0 $0x1;
	p1 =	por !p1, p0  }
0x124: {  	v3 =	vadd.f32 v3, v4;
	s6 =	sshrl.u32 @!p0 s6, $0x4;
	s9 =	simm.s32 @p1 $0x0  }
0x125: {  	[tilespmem:$0xE360] =	vst v5;
	s6 =	ssub.s32 @!p0 s6, s9  }
0x126: {  	[tilespmem:$0xE380] =	vst v3;
	s6 =	sshll.u32 @!p0 s6, $0x4  }
0x127: {  	s9 =	sor.u32 @!p0 $0xE320, s8;
	[tilespmem:s6+$0x6600] =	vst @!p0 v6  }
0x128: {  	v3 =	vld.msk @!p0 [tilespmem:s9+$0x0 ss:$0x0], $0xffff;
	_ =	sdelay $0x4  }
0x129: {  	s9 =	sor.u32 @!p0 $0xE340, s8;
	[tilespmem:s6+$0x7A80] =	vst @!p0 v3  }
0x12a: {  	v3 =	vld.msk @!p0 [tilespmem:s9+$0x0 ss:$0x0], $0xffff;
	_ =	sdelay $0x4  }
0x12b: {  	s9 =	sor.u32 @!p0 $0xE360, s8;
	[tilespmem:s6+$0x8F00] =	vst @!p0 v3  }
0x12c: {  	v3 =	vld.msk @!p0 [tilespmem:s9+$0x0 ss:$0x0], $0xffff;
	_ =	sdelay $0x4  }
0x12d: {  	s5 =	sadd.s32 $0x1, s5;
	s8 =	sor.u32 @!p0 $0xE380, s8;
	[tilespmem:s6+$0xA380] =	vst @!p0 v3  }
0x12e: {  	p1 =	sne.s32 s5, $0x140;
	v3 =	vld.msk @!p0 [tilespmem:s8+$0x0 ss:$0x0], $0xffff  }
.Ltmp3:
0x12f: {  	_ = 	snop;
	(pc) =	sbr.rel @!p1 .LBB2_13-.Ltmp3, $2  }
0x130: {  	_ =	sdelay $0x2  }
0x131: {  	s31 =	sadd.s32 s31, s7;
	[tilespmem:s6+$0xB800] =	vst @!p0 v3  }
.LBB2_4:
0x132: {  	s7 =	sadd.s32 s29, s31  }
0x133: {  	p0 =	sgt.s32 s7, $0x0  }
0x134: {  	p1 =	slt.s32 s7, $0x1;
	s7 =	simm.s32 @!p0 $0x0  }
0x135: {  	s6 =	sshll.u32 s5, $0x4;
	s8 =	sand.u32 $0xF, s7  }
0x136: {  	v3 =	vld [tilespmem:s6+$0x0];
	p6 =	sne.s32 s8, $0x0  }
0x137: {  	v4 =	vld [tilespmem:s6+$0x1480];
	p0 =	por !p1, !p6  }
0x138: {  	v5 =	vld [tilespmem:s6+$0x2900];
	s8 =	simm.s32 $0x1;
	p0 =	por !p0, !p0  }
0x139: {  	v6 =	vld [tilespmem:s6+$0x3D80];
	s7 =	sshrl.u32 s7, $0x4;
	s8 =	simm.s32 @!p0 $0x0  }
0x13a: {  	s7 =	ssub.s32 s7, s8  }
0x13b: {  	s7 =	sadd.s32 $0x3, s7  }
0x13c: {  	s10 =	sshrl.u32 s7, $0x2  }
0x13d: {  	p0 =	seq.s32 s10, $0x0  }
.Ltmp4:
0x13e: {  	v7 =	vsub.f32 v5, v3;
	v8 =	vsub.f32 v6, v4;
	(pc) =	sbr.rel @p0 .LBB2_12-.Ltmp4, $4  }
0x13f: {  	_ = 	snop  }
0x140: {  	v7 =	vmax.f32 v7, $0.0e+00;
	v8 =	vmax.f32 v8, $0.0e+00  }
0x141: {  	v7 =	vmul.f32 v8, v7  }
0x142: {  	v8 =	vimm.f32 $0.0e+00  }
0x143: {  	s7 =	simm.s32 $0xB820  }
0x144: {  	v8 =	vld [tilespmem:s7+$0x0]  }
0x145: {  	s11 =	simm.s32 $0x6620;
	v9 =	vld [tilespmem:s7+$0xFFFFFFF0]  }
0x146: {  	s12 =	simm.s32 $0x7AA0;
	v12 =	vld [tilespmem:s11+$0x10]  }
0x147: {  	s8 =	simm.s32 $0x8F20;
	v15 =	vld [tilespmem:s12+$0x10]  }
0x148: {  	s9 =	simm.s32 $0xA3A0;
	v21 =	vld [tilespmem:s8+$0x10]  }
0x149: {  	v26 =	vld [tilespmem:s9+$0x10]  }
0x14a: {  	v11 =	vld [tilespmem:s7+$0xFFFFFFE0]  }
0x14b: {  	v10 =	vld [tilespmem:s11+$0x0]  }
0x14c: {  	v13 =	vld [tilespmem:s12+$0x0]  }
0x14d: {  	v16 =	vld [tilespmem:s8+$0x0]  }
0x14e: {  	v18 =	vld [tilespmem:s9+$0x0]  }
0x14f: {  	p1 =	sne.s32 s10, $0x1;
	v17 =	vld [tilespmem:s11+$0xFFFFFFF0]  }
.Ltmp5:
0x150: {  	v20 =	vld [tilespmem:s12+$0xFFFFFFF0];
	(pc) =	sbr.rel @!p1 .LBB2_6-.Ltmp5, $4  }
0x151: {  	v23 =	vld [tilespmem:s11+$0xFFFFFFE0]  }
0x152: {  	v22 =	vld [tilespmem:s12+$0xFFFFFFE0]  }
0x153: {  	v24 =	vld [tilespmem:s8+$0xFFFFFFE0];
	v19 =	vadd.f32 v8, v7;
	v8 =	vadd.f32 v9, v7;
	v14 =	vmax.f32 v3, v12  }
0x154: {  	p0 =	por $0x0, $0x0;
	v25 =	vld [tilespmem:s9+$0xFFFFFFE0];
	s12 =	sadd.s32 $0xFFFFFFFF, s10;
	v9 =	vmax.f32 v4, v15;
	v21 =	vmin.f32 v5, v21;
	v12 =	vmin.f32 v6, v26  }
0x155: {  	v15 =	vld [tilespmem:s8+$0xFFFFFFF0];
	v27 =	vadd.f32 v11, v7;
	v10 =	vmax.f32 v3, v10;
	v13 =	vmax.f32 v4, v13  }
0x156: {  	v26 =	vld [tilespmem:s9+$0xFFFFFFF0];
	v11 =	vmin.f32 v5, v16;
	v16 =	vmin.f32 v6, v18;
	v17 =	vmax.f32 v3, v17  }
0x157: {  	v28 =	vld [tilespmem:s7+$0x10];
	s7 =	simm.s32 $0xB860;
	v20 =	vmax.f32 v4, v20;
	v14 =	vsub.f32 v21, v14;
	v9 =	vsub.f32 v12, v9  }
0x158: {  	v29 =	vld [tilespmem:s7+$0x0];
	v18 =	vmax.f32 v3, v23;
	v16 =	vsub.f32 v16, v13;
	v22 =	vmax.f32 v4, v22  }
0x159: {  	s10 =	simm.s32 $0x6660;
	v23 =	vld [tilespmem:s7+$0xFFFFFFF0];
	v14 =	vmax.f32 v14, $0.0e+00;
	v24 =	vmin.f32 v5, v24;
	v25 =	vmin.f32 v6, v25  }
0x15a: {  	s11 =	simm.s32 $0x7AE0;
	v30 =	vld [tilespmem:s10+$0x10];
	v18 =	vsub.f32 v24, v18;
	v22 =	vsub.f32 v25, v22;
	v15 =	vmin.f32 v5, v15  }
0x15b: {  	s8 =	simm.s32 $0x8F60;
	v9 =	vmax.f32 v9, $0.0e+00;
	v24 =	vld [tilespmem:s11+$0x10];
	v25 =	vmin.f32 v6, v26;
	v15 =	vsub.f32 v15, v17  }
0x15c: {  	s9 =	simm.s32 $0xA3E0;
	v21 =	vld [tilespmem:s8+$0x10];
	v17 =	vmax.f32 v18, $0.0e+00;
	v20 =	vsub.f32 v25, v20;
	v18 =	vmax.f32 v22, $0.0e+00  }
0x15d: {  	v31 =	vld [tilespmem:s9+$0x10];
	v26 =	vmul.f32 v9, v14;
	v9 =	vadd.f32 v28, v7;
	v22 =	vmul.f32 v18, v17  }
0x15e: {  	v13 =	vld [tilespmem:s11+$0x0];
	v17 =	vsub.f32 v11, v10;
	v12 =	vmax.f32 v15, $0.0e+00;
	v15 =	vmax.f32 v20, $0.0e+00  }
0x15f: {  	v28 =	vsub.f32 v9, v26;
	v11 =	vld [tilespmem:s7+$0xFFFFFFE0];
	v12 =	vmul.f32 v15, v12;
	v18 =	vsub.f32 v27, v22  }
0x160: {  	v10 =	vld [tilespmem:s10+$0x0];
	v9 =	vmax.f32 v4, v24;
	v15 =	vmax.f32 v17, $0.0e+00;
	v17 =	vmax.f32 v16, $0.0e+00  }
0x161: {  	v24 =	vld [tilespmem:s8+$0xFFFFFFE0];
	v8 =	vsub.f32 v8, v12;
	v25 =	vmul.f32 v17, v15;
	v20 =	vmul.f32 $5.000000000e-01, v18  }
0x162: {  	v16 =	vld [tilespmem:s8+$0x0]  }
0x163: {  	p1 =	sne.s32 s12, $0x1;
	v17 =	vld [tilespmem:s10+$0xFFFFFFF0];
	v14 =	vmul.f32 $5.000000000e-01, v8;
	v19 =	vsub.f32 v19, v25;
	vm2 =	vgt.f32 v22, v20  }
.Ltmp6:
0x164: {  	v18 =	vld [tilespmem:s9+$0x0];
	v8 =	vadd.f32 v23, v7;
	v22 =	vsel vm2, $0x3F800000, v1;
	(pc) =	sbr.rel @!p1 .LBB2_8-.Ltmp6, $4  }
0x165: {  	v23 =	vld [tilespmem:s10+$0xFFFFFFE0];
	vm2 =	vgt.f32 v12, v14;
	v12 =	vmul.f32 $5.000000000e-01, v19;
	v27 =	vadd.f32 v22, v1  }
0x166: {  	v21 =	vmin.f32 v5, v21;
	v28 =	vmul.f32 $5.000000000e-01, v28;
	v20 =	vld [tilespmem:s11+$0xFFFFFFF0];
	v19 =	vsel vm2, $0x3F800000, v1  }
0x167: {  	v15 =	vadd.f32 v29, v7;
	v22 =	vld [tilespmem:s11+$0xFFFFFFE0];
	vm2 =	vgt.f32 v25, v12;
	v27 =	vadd.f32 v19, v27  }
0x168: {  	s12 =	sadd.s32 $0xFFFFFFFF, s12;
	p0 =	por $0x1, $0x1;
	v14 =	vmax.f32 v3, v30;
	v25 =	vld [tilespmem:s9+$0xFFFFFFE0];
	v12 =	vmin.f32 v6, v31;
	v29 =	vsel vm2, $0x3F800000, v1  }
.LBB2_9:
0x169: {  	p1 =	sne.s32 s12, $0x1;
	v19 =	vadd.f32 v11, v7;
	v11 =	vld [tilespmem:s8+$0xFFFFFFF0];
	v27 =	vadd.f32 v29, v27;
	vm2 =	vgt.f32 v26, v28  }
0x16a: {  	v10 =	vmax.f32 v3, v10;
	v13 =	vmax.f32 v4, v13;
	v26 =	vld [tilespmem:s9+$0xFFFFFFF0];
	v28 =	vsel vm2, $0x3F800000, v1  }
0x16b: {  	v16 =	vmin.f32 v5, v16;
	v18 =	vmin.f32 v6, v18;
	v29 =	vld [tilespmem:s7+$0x10];
	s7 =	sadd.s32 $0x40, s7;
	v27 =	vadd.f32 v28, v27  }
0x16c: {  	v17 =	vmax.f32 v3, v17;
	v20 =	vmax.f32 v4, v20;
	v23 =	vmax.f32 v3, v23;
	v28 =	vld [tilespmem:s7+$0x0]  }
0x16d: {  	s10 =	sadd.s32 $0x40, s10;
	v22 =	vmax.f32 v4, v22;
	v24 =	vmin.f32 v5, v24;
	v30 =	vld [tilespmem:s7+$0xFFFFFFF0];
	v25 =	vmin.f32 v6, v25  }
0x16e: {  	s11 =	sadd.s32 $0x40, s11;
	v23 =	vsub.f32 v24, v23;
	v31 =	vld [tilespmem:s10+$0x10];
	v22 =	vsub.f32 v25, v22;
	v11 =	vmin.f32 v5, v11  }
0x16f: {  	v14 =	vsub.f32 v21, v14;
	s8 =	sadd.s32 $0x40, s8;
	v24 =	vld [tilespmem:s11+$0x10];
	v25 =	vmin.f32 v6, v26;
	v17 =	vsub.f32 v11, v17  }
0x170: {  	s9 =	sadd.s32 $0x40, s9;
	v11 =	vmax.f32 v23, $0.0e+00;
	v21 =	vld [tilespmem:s8+$0x10];
	v22 =	vmax.f32 v22, $0.0e+00;
	v20 =	vsub.f32 v25, v20  }
0x171: {  	v9 =	vsub.f32 v12, v9;
	v16 =	vsub.f32 v16, v10;
	v32 =	vld [tilespmem:s9+$0x10];
	v22 =	vmul.f32 v22, v11  }
0x172: {  	v18 =	vsub.f32 v18, v13;
	v12 =	vmax.f32 v17, $0.0e+00;
	v11 =	vld [tilespmem:s7+$0xFFFFFFE0];
	v17 =	vmax.f32 v20, $0.0e+00  }
0x173: {  	v14 =	vmax.f32 v14, $0.0e+00;
	v10 =	vld [tilespmem:s10+$0x0];
	v19 =	vsub.f32 v19, v22;
	v12 =	vmul.f32 v17, v12  }
0x174: {  	v9 =	vmax.f32 v9, $0.0e+00;
	v18 =	vmax.f32 v18, $0.0e+00;
	v17 =	vmax.f32 v16, $0.0e+00;
	v13 =	vld [tilespmem:s11+$0x0]  }
0x175: {  	v25 =	vmul.f32 v18, v17;
	v16 =	vld [tilespmem:s8+$0x0];
	v19 =	vmul.f32 $5.000000000e-01, v19;
	v8 =	vsub.f32 v8, v12  }
0x176: {  	v26 =	vmul.f32 v9, v14;
	v9 =	vadd.f32 v29, v7;
	v23 =	vadd.f32 v28, v7;
	v18 =	vld [tilespmem:s9+$0x0]  }
0x177: {  	v17 =	vld [tilespmem:s10+$0xFFFFFFF0];
	vm2 =	vgt.f32 v22, v19;
	v14 =	vmul.f32 $5.000000000e-01, v8;
	v19 =	vsub.f32 v15, v25  }
.Ltmp7:
0x178: {  	v28 =	vsub.f32 v9, v26;
	v8 =	vadd.f32 v30, v7;
	v15 =	vmovc v23;
	v20 =	vld [tilespmem:s11+$0xFFFFFFF0];
	v22 =	vsel vm2, $0x3F800000, v1;
	(pc) =	sbr.rel @p1 .LBB2_9-.Ltmp7, $4  }
0x179: {  	v23 =	vld [tilespmem:s10+$0xFFFFFFE0];
	v27 =	vadd.f32 v22, v27;
	vm2 =	vgt.f32 v12, v14;
	v12 =	vmul.f32 $5.000000000e-01, v19  }
0x17a: {  	v9 =	vmax.f32 v4, v24;
	v14 =	vmax.f32 v3, v31;
	v22 =	vld [tilespmem:s11+$0xFFFFFFE0];
	v19 =	vsel vm2, $0x3F800000, v1  }
0x17b: {  	v28 =	vmul.f32 $5.000000000e-01, v28;
	v24 =	vld [tilespmem:s8+$0xFFFFFFE0];
	v27 =	vadd.f32 v19, v27;
	vm2 =	vgt.f32 v25, v12  }
0x17c: {  	s12 =	sadd.s32 $0xFFFFFFFF, s12;
	v21 =	vmin.f32 v5, v21;
	v12 =	vmin.f32 v6, v32;
	v25 =	vld [tilespmem:s9+$0xFFFFFFE0];
	v29 =	vsel vm2, $0x3F800000, v1  }
.Ltmp8:
0x17d: {  	(pc) =	sbr.rel .LBB2_11-.Ltmp8, $2  }
0x17e: {  	_ =	sdelay $0x2  }
0x17f: {  	v19 =	vmov v15  }
.LBB2_8:
.Ltmp9:
0x180: {  	(pc) =	sbr.rel .LBB2_11-.Ltmp9, $2  }
0x181: {  	_ =	sdelay $0x2  }
0x182: {  	v19 =	vmov v15  }
.LBB2_13:
0x183: {  	v0 =	vld [tilespmem:s2+$0xCC80];
	_ =	sdelay $0x1  }
0x184: {  	v1 =	vld [tilespmem:s2+$0x0];
	_ =	sdelay $0x2  }
0x185: {  	v43 =	vimm.f32 $1.000000000e+00;
	vm0 =	veq.s32 v0, $0x0  }
0x186: {  	v2 =	vsel vm0, $0x0, v43  }
0x187: {  	v1 =	vmul.f32 v2, v1;
	_ =	sdelay $0x1  }
0x188: {  	[tilespmem:$0xE400] =	vst v1  }
0x189: {  	v1 =	vld [tilespmem:s2+$0x1480];
	_ =	sdelay $0x4  }
0x18a: {  	v1 =	vmul.f32 v1, v2;
	_ =	sdelay $0x1  }
0x18b: {  	[tilespmem:$0xE580] =	vst v1  }
0x18c: {  	v1 =	vld [tilespmem:s2+$0x2900];
	_ =	sdelay $0x4  }
0x18d: {  	v1 =	vmul.f32 v1, v2;
	_ =	sdelay $0x1  }
0x18e: {  	[tilespmem:$0xE700] =	vst v1  }
0x18f: {  	v1 =	vld [tilespmem:s2+$0x3D80];
	_ =	sdelay $0x4  }
0x190: {  	v1 =	vmul.f32 v1, v2;
	_ =	sdelay $0x1  }
0x191: {  	[tilespmem:$0xE880] =	vst v1  }
0x192: {  	v1 =	vld [tilespmem:s2+$0x5200];
	_ =	sdelay $0x4  }
0x193: {  	v1 =	vmul.f32 v1, v2;
	_ =	sdelay $0x1  }
0x194: {  	[tilespmem:$0xEA00] =	vst v1  }
0x195: {  	v1 =	vld [tilespmem:s26+$0xCC80];
	_ =	sdelay $0x1  }
0x196: {  	v44 =	vld [tilespmem:s26+$0x0];
	_ =	sdelay $0x2  }
0x197: {  	vm9 =	veq.s32 v1, $0x0  }
0x198: {  	v1 =	vsel vm9, $0x0, v43  }
0x199: {  	v2 =	vmul.f32 v1, v44;
	_ =	sdelay $0x1  }
0x19a: {  	[tilespmem:$0xE410] =	vst v2  }
0x19b: {  	v2 =	vld [tilespmem:s26+$0x1480];
	_ =	sdelay $0x4  }
0x19c: {  	v2 =	vmul.f32 v2, v1;
	_ =	sdelay $0x1  }
0x19d: {  	[tilespmem:$0xE590] =	vst v2  }
0x19e: {  	v2 =	vld [tilespmem:s26+$0x2900];
	_ =	sdelay $0x4  }
0x19f: {  	v2 =	vmul.f32 v2, v1;
	_ =	sdelay $0x1  }
0x1a0: {  	[tilespmem:$0xE710] =	vst v2  }
0x1a1: {  	v2 =	vld [tilespmem:s26+$0x3D80];
	_ =	sdelay $0x4  }
0x1a2: {  	v2 =	vmul.f32 v2, v1;
	_ =	sdelay $0x1  }
0x1a3: {  	[tilespmem:$0xE890] =	vst v2  }
0x1a4: {  	v2 =	vld [tilespmem:s26+$0x5200];
	_ =	sdelay $0x4  }
0x1a5: {  	v1 =	vmul.f32 v2, v1;
	_ =	sdelay $0x1  }
0x1a6: {  	[tilespmem:$0xEA10] =	vst v1  }
0x1a7: {  	v1 =	vld [tilespmem:s25+$0xCC80];
	_ =	sdelay $0x1  }
0x1a8: {  	v45 =	vld [tilespmem:s25+$0x0];
	_ =	sdelay $0x2  }
0x1a9: {  	vm10 =	veq.s32 v1, $0x0  }
0x1aa: {  	v1 =	vsel vm10, $0x0, v43  }
0x1ab: {  	v2 =	vmul.f32 v1, v45;
	_ =	sdelay $0x1  }
0x1ac: {  	[tilespmem:$0xE420] =	vst v2  }
0x1ad: {  	v2 =	vld [tilespmem:s25+$0x1480];
	_ =	sdelay $0x4  }
0x1ae: {  	v2 =	vmul.f32 v2, v1;
	_ =	sdelay $0x1  }
0x1af: {  	[tilespmem:$0xE5A0] =	vst v2  }
0x1b0: {  	v2 =	vld [tilespmem:s25+$0x2900];
	_ =	sdelay $0x4  }
0x1b1: {  	v2 =	vmul.f32 v2, v1;
	_ =	sdelay $0x1  }
0x1b2: {  	[tilespmem:$0xE720] =	vst v2  }
0x1b3: {  	v2 =	vld [tilespmem:s25+$0x3D80];
	_ =	sdelay $0x4  }
0x1b4: {  	v2 =	vmul.f32 v2, v1;
	_ =	sdelay $0x1  }
0x1b5: {  	[tilespmem:$0xE8A0] =	vst v2  }
0x1b6: {  	v2 =	vld [tilespmem:s25+$0x5200];
	_ =	sdelay $0x4  }
0x1b7: {  	v1 =	vmul.f32 v2, v1;
	_ =	sdelay $0x1  }
0x1b8: {  	[tilespmem:$0xEA20] =	vst v1  }
0x1b9: {  	v1 =	vld [tilespmem:s24+$0xCC80];
	_ =	sdelay $0x1  }
0x1ba: {  	v46 =	vld [tilespmem:s24+$0x0];
	_ =	sdelay $0x2  }
0x1bb: {  	vm11 =	veq.s32 v1, $0x0  }
0x1bc: {  	v1 =	vsel vm11, $0x0, v43  }
0x1bd: {  	v2 =	vmul.f32 v1, v46;
	_ =	sdelay $0x1  }
0x1be: {  	[tilespmem:$0xE430] =	vst v2  }
0x1bf: {  	v2 =	vld [tilespmem:s24+$0x1480];
	_ =	sdelay $0x4  }
0x1c0: {  	v2 =	vmul.f32 v2, v1;
	_ =	sdelay $0x1  }
0x1c1: {  	[tilespmem:$0xE5B0] =	vst v2  }
0x1c2: {  	v2 =	vld [tilespmem:s24+$0x2900];
	_ =	sdelay $0x4  }
0x1c3: {  	v2 =	vmul.f32 v2, v1;
	_ =	sdelay $0x1  }
0x1c4: {  	[tilespmem:$0xE730] =	vst v2  }
0x1c5: {  	v2 =	vld [tilespmem:s24+$0x3D80];
	_ =	sdelay $0x4  }
0x1c6: {  	v2 =	vmul.f32 v2, v1;
	_ =	sdelay $0x1  }
0x1c7: {  	[tilespmem:$0xE8B0] =	vst v2  }
0x1c8: {  	v2 =	vld [tilespmem:s24+$0x5200];
	_ =	sdelay $0x4  }
0x1c9: {  	v1 =	vmul.f32 v2, v1;
	_ =	sdelay $0x1  }
0x1ca: {  	[tilespmem:$0xEA30] =	vst v1  }
0x1cb: {  	v1 =	vld [tilespmem:s23+$0xCC80];
	_ =	sdelay $0x1  }
0x1cc: {  	v47 =	vld [tilespmem:s2+$0x40];
	_ =	sdelay $0x2  }
0x1cd: {  	vm12 =	veq.s32 v1, $0x0  }
0x1ce: {  	v1 =	vsel vm12, $0x0, v43  }
0x1cf: {  	v2 =	vmul.f32 v1, v47;
	_ =	sdelay $0x1  }
0x1d0: {  	[tilespmem:$0xE440] =	vst v2  }
0x1d1: {  	v2 =	vld [tilespmem:s23+$0x1480];
	_ =	sdelay $0x4  }
0x1d2: {  	v2 =	vmul.f32 v2, v1;
	_ =	sdelay $0x1  }
0x1d3: {  	[tilespmem:$0xE5C0] =	vst v2  }
0x1d4: {  	v2 =	vld [tilespmem:s23+$0x2900];
	_ =	sdelay $0x4  }
0x1d5: {  	v2 =	vmul.f32 v2, v1;
	_ =	sdelay $0x1  }
0x1d6: {  	[tilespmem:$0xE740] =	vst v2  }
0x1d7: {  	v2 =	vld [tilespmem:s23+$0x3D80];
	_ =	sdelay $0x4  }
0x1d8: {  	v2 =	vmul.f32 v2, v1;
	_ =	sdelay $0x1  }
0x1d9: {  	[tilespmem:$0xE8C0] =	vst v2  }
0x1da: {  	v2 =	vld [tilespmem:s23+$0x5200];
	_ =	sdelay $0x4  }
0x1db: {  	v1 =	vmul.f32 v2, v1;
	_ =	sdelay $0x1  }
0x1dc: {  	[tilespmem:$0xEA40] =	vst v1  }
0x1dd: {  	v1 =	vld [tilespmem:s22+$0xCC80];
	_ =	sdelay $0x1  }
0x1de: {  	v48 =	vld [tilespmem:s2+$0x50];
	_ =	sdelay $0x2  }
0x1df: {  	vm13 =	veq.s32 v1, $0x0  }
0x1e0: {  	v1 =	vsel vm13, $0x0, v43  }
0x1e1: {  	v2 =	vmul.f32 v1, v48;
	_ =	sdelay $0x1  }
0x1e2: {  	[tilespmem:$0xE450] =	vst v2  }
0x1e3: {  	v2 =	vld [tilespmem:s22+$0x1480];
	_ =	sdelay $0x4  }
0x1e4: {  	v2 =	vmul.f32 v2, v1;
	_ =	sdelay $0x1  }
0x1e5: {  	[tilespmem:$0xE5D0] =	vst v2  }
0x1e6: {  	v2 =	vld [tilespmem:s22+$0x2900];
	_ =	sdelay $0x4  }
0x1e7: {  	v2 =	vmul.f32 v2, v1;
	_ =	sdelay $0x1  }
0x1e8: {  	[tilespmem:$0xE750] =	vst v2  }
0x1e9: {  	v2 =	vld [tilespmem:s22+$0x3D80];
	_ =	sdelay $0x4  }
0x1ea: {  	v2 =	vmul.f32 v2, v1;
	_ =	sdelay $0x1  }
0x1eb: {  	[tilespmem:$0xE8D0] =	vst v2  }
0x1ec: {  	v2 =	vld [tilespmem:s22+$0x5200];
	_ =	sdelay $0x4  }
0x1ed: {  	v1 =	vmul.f32 v2, v1;
	_ =	sdelay $0x1  }
0x1ee: {  	[tilespmem:$0xEA50] =	vst v1  }
0x1ef: {  	v1 =	vld [tilespmem:s21+$0xCC80];
	_ =	sdelay $0x1  }
0x1f0: {  	v49 =	vld [tilespmem:s2+$0x60];
	_ =	sdelay $0x2  }
0x1f1: {  	vm14 =	veq.s32 v1, $0x0  }
0x1f2: {  	v1 =	vsel vm14, $0x0, v43  }
0x1f3: {  	v2 =	vmul.f32 v1, v49;
	_ =	sdelay $0x1  }
0x1f4: {  	[tilespmem:$0xE460] =	vst v2  }
0x1f5: {  	v2 =	vld [tilespmem:s21+$0x1480];
	_ =	sdelay $0x4  }
0x1f6: {  	v2 =	vmul.f32 v2, v1;
	_ =	sdelay $0x1  }
0x1f7: {  	[tilespmem:$0xE5E0] =	vst v2  }
0x1f8: {  	v2 =	vld [tilespmem:s21+$0x2900];
	_ =	sdelay $0x4  }
0x1f9: {  	v2 =	vmul.f32 v2, v1;
	_ =	sdelay $0x1  }
0x1fa: {  	[tilespmem:$0xE760] =	vst v2  }
0x1fb: {  	v2 =	vld [tilespmem:s21+$0x3D80];
	_ =	sdelay $0x4  }
0x1fc: {  	v2 =	vmul.f32 v2, v1;
	_ =	sdelay $0x1  }
0x1fd: {  	[tilespmem:$0xE8E0] =	vst v2  }
0x1fe: {  	v2 =	vld [tilespmem:s21+$0x5200];
	_ =	sdelay $0x4  }
0x1ff: {  	v1 =	vmul.f32 v2, v1;
	_ =	sdelay $0x1  }
0x200: {  	[tilespmem:$0xEA60] =	vst v1  }
0x201: {  	v1 =	vld [tilespmem:s20+$0xCC80];
	_ =	sdelay $0x1  }
0x202: {  	v50 =	vld [tilespmem:s2+$0x70];
	_ =	sdelay $0x2  }
0x203: {  	vm15 =	veq.s32 v1, $0x0  }
0x204: {  	v1 =	vsel vm15, $0x0, v43  }
0x205: {  	v2 =	vmul.f32 v1, v50;
	_ =	sdelay $0x1  }
0x206: {  	[tilespmem:$0xE470] =	vst v2  }
0x207: {  	v2 =	vld [tilespmem:s20+$0x1480];
	_ =	sdelay $0x4  }
0x208: {  	v2 =	vmul.f32 v2, v1;
	_ =	sdelay $0x1  }
0x209: {  	[tilespmem:$0xE5F0] =	vst v2  }
0x20a: {  	v2 =	vld [tilespmem:s20+$0x2900];
	_ =	sdelay $0x4  }
0x20b: {  	v2 =	vmul.f32 v2, v1;
	_ =	sdelay $0x1  }
0x20c: {  	[tilespmem:$0xE770] =	vst v2  }
0x20d: {  	v2 =	vld [tilespmem:s20+$0x3D80];
	_ =	sdelay $0x4  }
0x20e: {  	v2 =	vmul.f32 v2, v1;
	_ =	sdelay $0x1  }
0x20f: {  	[tilespmem:$0xE8F0] =	vst v2  }
0x210: {  	v2 =	vld [tilespmem:s20+$0x5200];
	_ =	sdelay $0x4  }
0x211: {  	v1 =	vmul.f32 v2, v1;
	_ =	sdelay $0x1  }
0x212: {  	[tilespmem:$0xEA70] =	vst v1  }
0x213: {  	v1 =	vld [tilespmem:s19+$0xCC80];
	_ =	sdelay $0x1  }
0x214: {  	v51 =	vld [tilespmem:s2+$0x80];
	_ =	sdelay $0x2  }
0x215: {  	vm4 =	veq.s32 v1, $0x0  }
0x216: {  	v1 =	vsel vm4, $0x0, v43  }
0x217: {  	v2 =	vmul.f32 v1, v51;
	_ =	sdelay $0x1  }
0x218: {  	[tilespmem:$0xE480] =	vst v2  }
0x219: {  	v2 =	vld [tilespmem:s19+$0x1480];
	_ =	sdelay $0x4  }
0x21a: {  	v2 =	vmul.f32 v2, v1;
	_ =	sdelay $0x1  }
0x21b: {  	[tilespmem:$0xE600] =	vst v2  }
0x21c: {  	v2 =	vld [tilespmem:s19+$0x2900];
	_ =	sdelay $0x4  }
0x21d: {  	v2 =	vmul.f32 v2, v1;
	_ =	sdelay $0x1  }
0x21e: {  	[tilespmem:$0xE780] =	vst v2  }
0x21f: {  	v2 =	vld [tilespmem:s19+$0x3D80];
	_ =	sdelay $0x4  }
0x220: {  	v2 =	vmul.f32 v2, v1;
	_ =	sdelay $0x1  }
0x221: {  	[tilespmem:$0xE900] =	vst v2  }
0x222: {  	v2 =	vld [tilespmem:s19+$0x5200];
	_ =	sdelay $0x4  }
0x223: {  	v1 =	vmul.f32 v2, v1;
	_ =	sdelay $0x1  }
0x224: {  	[tilespmem:$0xEA80] =	vst v1  }
0x225: {  	v1 =	vld [tilespmem:s18+$0xCC80];
	_ =	sdelay $0x1  }
0x226: {  	v52 =	vld [tilespmem:s2+$0x90];
	_ =	sdelay $0x2  }
0x227: {  	vm5 =	veq.s32 v1, $0x0  }
0x228: {  	v1 =	vsel vm5, $0x0, v43  }
0x229: {  	v2 =	vmul.f32 v1, v52;
	_ =	sdelay $0x1  }
0x22a: {  	[tilespmem:$0xE490] =	vst v2  }
0x22b: {  	v2 =	vld [tilespmem:s18+$0x1480];
	_ =	sdelay $0x4  }
0x22c: {  	v2 =	vmul.f32 v2, v1;
	_ =	sdelay $0x1  }
0x22d: {  	[tilespmem:$0xE610] =	vst v2  }
0x22e: {  	v2 =	vld [tilespmem:s18+$0x2900];
	_ =	sdelay $0x4  }
0x22f: {  	v2 =	vmul.f32 v2, v1;
	_ =	sdelay $0x1  }
0x230: {  	[tilespmem:$0xE790] =	vst v2  }
0x231: {  	v2 =	vld [tilespmem:s18+$0x3D80];
	_ =	sdelay $0x4  }
0x232: {  	v2 =	vmul.f32 v2, v1;
	_ =	sdelay $0x1  }
0x233: {  	[tilespmem:$0xE910] =	vst v2  }
0x234: {  	v2 =	vld [tilespmem:s18+$0x5200];
	_ =	sdelay $0x4  }
0x235: {  	v1 =	vmul.f32 v2, v1;
	_ =	sdelay $0x1  }
0x236: {  	[tilespmem:$0xEA90] =	vst v1  }
0x237: {  	v1 =	vld [tilespmem:s17+$0xCC80];
	_ =	sdelay $0x1  }
0x238: {  	v53 =	vld [tilespmem:s2+$0xA0];
	_ =	sdelay $0x2  }
0x239: {  	vm6 =	veq.s32 v1, $0x0  }
0x23a: {  	v1 =	vsel vm6, $0x0, v43  }
0x23b: {  	v2 =	vmul.f32 v1, v53;
	_ =	sdelay $0x1  }
0x23c: {  	[tilespmem:$0xE4A0] =	vst v2  }
0x23d: {  	v2 =	vld [tilespmem:s17+$0x1480];
	_ =	sdelay $0x4  }
0x23e: {  	v2 =	vmul.f32 v2, v1;
	_ =	sdelay $0x1  }
0x23f: {  	[tilespmem:$0xE620] =	vst v2  }
0x240: {  	v2 =	vld [tilespmem:s17+$0x2900];
	_ =	sdelay $0x4  }
0x241: {  	v2 =	vmul.f32 v2, v1;
	_ =	sdelay $0x1  }
0x242: {  	[tilespmem:$0xE7A0] =	vst v2  }
0x243: {  	v2 =	vld [tilespmem:s17+$0x3D80];
	_ =	sdelay $0x4  }
0x244: {  	v2 =	vmul.f32 v2, v1;
	_ =	sdelay $0x1  }
0x245: {  	[tilespmem:$0xE920] =	vst v2  }
0x246: {  	v2 =	vld [tilespmem:s17+$0x5200];
	_ =	sdelay $0x4  }
0x247: {  	v1 =	vmul.f32 v2, v1;
	_ =	sdelay $0x1  }
0x248: {  	[tilespmem:$0xEAA0] =	vst v1  }
0x249: {  	v1 =	vld [tilespmem:s16+$0xCC80];
	_ =	sdelay $0x1  }
0x24a: {  	v54 =	vld [tilespmem:s2+$0xB0];
	_ =	sdelay $0x2  }
0x24b: {  	vm7 =	veq.s32 v1, $0x0  }
0x24c: {  	v1 =	vsel vm7, $0x0, v43  }
0x24d: {  	v2 =	vmul.f32 v1, v54;
	_ =	sdelay $0x1  }
0x24e: {  	[tilespmem:$0xE4B0] =	vst v2  }
0x24f: {  	v2 =	vld [tilespmem:s16+$0x1480];
	_ =	sdelay $0x4  }
0x250: {  	v2 =	vmul.f32 v2, v1;
	_ =	sdelay $0x1  }
0x251: {  	[tilespmem:$0xE630] =	vst v2  }
0x252: {  	v2 =	vld [tilespmem:s16+$0x2900];
	_ =	sdelay $0x4  }
0x253: {  	v2 =	vmul.f32 v2, v1;
	_ =	sdelay $0x1  }
0x254: {  	[tilespmem:$0xE7B0] =	vst v2  }
0x255: {  	v2 =	vld [tilespmem:s16+$0x3D80];
	_ =	sdelay $0x4  }
0x256: {  	v2 =	vmul.f32 v2, v1;
	_ =	sdelay $0x1  }
0x257: {  	[tilespmem:$0xE930] =	vst v2  }
0x258: {  	v2 =	vld [tilespmem:s16+$0x5200];
	_ =	sdelay $0x4  }
0x259: {  	v1 =	vmul.f32 v2, v1;
	_ =	sdelay $0x1  }
0x25a: {  	[tilespmem:$0xEAB0] =	vst v1  }
0x25b: {  	v1 =	vld [tilespmem:s15+$0xCC80];
	_ =	sdelay $0x1  }
0x25c: {  	v55 =	vld [tilespmem:s2+$0xC0];
	_ =	sdelay $0x2  }
0x25d: {  	vm8 =	veq.s32 v1, $0x0  }
0x25e: {  	v1 =	vsel vm8, $0x0, v43  }
0x25f: {  	v2 =	vmul.f32 v1, v55;
	_ =	sdelay $0x1  }
0x260: {  	[tilespmem:$0xE4C0] =	vst v2  }
0x261: {  	v2 =	vld [tilespmem:s15+$0x1480];
	_ =	sdelay $0x4  }
0x262: {  	v2 =	vmul.f32 v2, v1;
	_ =	sdelay $0x1  }
0x263: {  	[tilespmem:$0xE640] =	vst v2  }
0x264: {  	v2 =	vld [tilespmem:s15+$0x2900];
	_ =	sdelay $0x4  }
0x265: {  	v2 =	vmul.f32 v2, v1;
	_ =	sdelay $0x1  }
0x266: {  	[tilespmem:$0xE7C0] =	vst v2  }
0x267: {  	v2 =	vld [tilespmem:s15+$0x3D80];
	_ =	sdelay $0x4  }
0x268: {  	v2 =	vmul.f32 v2, v1;
	_ =	sdelay $0x1  }
0x269: {  	[tilespmem:$0xE940] =	vst v2  }
0x26a: {  	v2 =	vld [tilespmem:s15+$0x5200];
	_ =	sdelay $0x4  }
0x26b: {  	v1 =	vmul.f32 v2, v1;
	_ =	sdelay $0x1  }
0x26c: {  	[tilespmem:$0xEAC0] =	vst v1  }
0x26d: {  	v1 =	vld [tilespmem:s14+$0xCC80];
	_ =	sdelay $0x1  }
0x26e: {  	v56 =	vld [tilespmem:s2+$0xD0];
	_ =	sdelay $0x2  }
0x26f: {  	vm9 =	veq.s32 v1, $0x0  }
0x270: {  	v1 =	vsel vm9, $0x0, v43  }
0x271: {  	v2 =	vmul.f32 v1, v56;
	_ =	sdelay $0x1  }
0x272: {  	[tilespmem:$0xE4D0] =	vst v2  }
0x273: {  	v2 =	vld [tilespmem:s14+$0x1480];
	_ =	sdelay $0x4  }
0x274: {  	v2 =	vmul.f32 v2, v1;
	_ =	sdelay $0x1  }
0x275: {  	[tilespmem:$0xE650] =	vst v2  }
0x276: {  	v2 =	vld [tilespmem:s14+$0x2900];
	_ =	sdelay $0x4  }
0x277: {  	v2 =	vmul.f32 v2, v1;
	_ =	sdelay $0x1  }
0x278: {  	[tilespmem:$0xE7D0] =	vst v2  }
0x279: {  	v2 =	vld [tilespmem:s14+$0x3D80];
	_ =	sdelay $0x4  }
0x27a: {  	v2 =	vmul.f32 v2, v1;
	_ =	sdelay $0x1  }
0x27b: {  	[tilespmem:$0xE950] =	vst v2  }
0x27c: {  	v2 =	vld [tilespmem:s14+$0x5200];
	_ =	sdelay $0x4  }
0x27d: {  	v1 =	vmul.f32 v2, v1;
	_ =	sdelay $0x1  }
0x27e: {  	[tilespmem:$0xEAD0] =	vst v1  }
0x27f: {  	v1 =	vld [tilespmem:s13+$0xCC80];
	_ =	sdelay $0x1  }
0x280: {  	v57 =	vld [tilespmem:s2+$0xE0];
	_ =	sdelay $0x2  }
0x281: {  	vm10 =	veq.s32 v1, $0x0  }
0x282: {  	v1 =	vsel vm10, $0x0, v43  }
0x283: {  	v2 =	vmul.f32 v1, v57;
	_ =	sdelay $0x1  }
0x284: {  	[tilespmem:$0xE4E0] =	vst v2  }
0x285: {  	v2 =	vld [tilespmem:s13+$0x1480];
	_ =	sdelay $0x4  }
0x286: {  	v2 =	vmul.f32 v2, v1;
	_ =	sdelay $0x1  }
0x287: {  	[tilespmem:$0xE660] =	vst v2  }
0x288: {  	v2 =	vld [tilespmem:s13+$0x2900];
	_ =	sdelay $0x4  }
0x289: {  	v2 =	vmul.f32 v2, v1;
	_ =	sdelay $0x1  }
0x28a: {  	[tilespmem:$0xE7E0] =	vst v2  }
0x28b: {  	v2 =	vld [tilespmem:s13+$0x3D80];
	_ =	sdelay $0x4  }
0x28c: {  	v2 =	vmul.f32 v2, v1;
	_ =	sdelay $0x1  }
0x28d: {  	[tilespmem:$0xE960] =	vst v2  }
0x28e: {  	v2 =	vld [tilespmem:s13+$0x5200];
	_ =	sdelay $0x4  }
0x28f: {  	v1 =	vmul.f32 v2, v1;
	_ =	sdelay $0x1  }
0x290: {  	s0 =	rddreg [dreg:$0xd];
	[tilespmem:$0xEAE0] =	vst v1  }
0x291: {  	v1 =	vld [tilespmem:s0+$0xCC80];
	_ =	sdelay $0x1  }
0x292: {  	v58 =	vld [tilespmem:s2+$0xF0];
	_ =	sdelay $0x2  }
0x293: {  	vm11 =	veq.s32 v1, $0x0  }
0x294: {  	v1 =	vsel vm11, $0x0, v43  }
0x295: {  	v2 =	vmul.f32 v1, v58;
	_ =	sdelay $0x1  }
0x296: {  	[tilespmem:$0xE4F0] =	vst v2  }
0x297: {  	v2 =	vld [tilespmem:s0+$0x1480];
	_ =	sdelay $0x4  }
0x298: {  	v2 =	vmul.f32 v2, v1;
	_ =	sdelay $0x1  }
0x299: {  	[tilespmem:$0xE670] =	vst v2  }
0x29a: {  	v2 =	vld [tilespmem:s0+$0x2900];
	_ =	sdelay $0x4  }
0x29b: {  	v2 =	vmul.f32 v2, v1;
	_ =	sdelay $0x1  }
0x29c: {  	[tilespmem:$0xE7F0] =	vst v2  }
0x29d: {  	v2 =	vld [tilespmem:s0+$0x3D80];
	_ =	sdelay $0x4  }
0x29e: {  	v2 =	vmul.f32 v2, v1;
	_ =	sdelay $0x1  }
0x29f: {  	[tilespmem:$0xE970] =	vst v2  }
0x2a0: {  	v2 =	vld [tilespmem:s0+$0x5200];
	_ =	sdelay $0x4  }
0x2a1: {  	v1 =	vmul.f32 v2, v1;
	_ =	sdelay $0x1  }
0x2a2: {  	s17 =	rddreg [dreg:$0xc];
	[tilespmem:$0xEAF0] =	vst v1  }
0x2a3: {  	v1 =	vld [tilespmem:s17+$0xCC80];
	_ =	sdelay $0x1  }
0x2a4: {  	v59 =	vld [tilespmem:s2+$0x100];
	_ =	sdelay $0x2  }
0x2a5: {  	vm12 =	veq.s32 v1, $0x0  }
0x2a6: {  	v1 =	vsel vm12, $0x0, v43  }
0x2a7: {  	v2 =	vmul.f32 v1, v59;
	_ =	sdelay $0x1  }
0x2a8: {  	[tilespmem:$0xE500] =	vst v2  }
0x2a9: {  	v2 =	vld [tilespmem:s17+$0x1480];
	_ =	sdelay $0x4  }
0x2aa: {  	v2 =	vmul.f32 v2, v1;
	_ =	sdelay $0x1  }
0x2ab: {  	[tilespmem:$0xE680] =	vst v2  }
0x2ac: {  	v2 =	vld [tilespmem:s17+$0x2900];
	_ =	sdelay $0x4  }
0x2ad: {  	v2 =	vmul.f32 v2, v1;
	_ =	sdelay $0x1  }
0x2ae: {  	[tilespmem:$0xE800] =	vst v2  }
0x2af: {  	v2 =	vld [tilespmem:s17+$0x3D80];
	_ =	sdelay $0x4  }
0x2b0: {  	v2 =	vmul.f32 v2, v1;
	_ =	sdelay $0x1  }
0x2b1: {  	[tilespmem:$0xE980] =	vst v2  }
0x2b2: {  	v2 =	vld [tilespmem:s17+$0x5200];
	_ =	sdelay $0x4  }
0x2b3: {  	v1 =	vmul.f32 v2, v1;
	_ =	sdelay $0x1  }
0x2b4: {  	s18 =	rddreg [dreg:$0xb];
	[tilespmem:$0xEB00] =	vst v1  }
0x2b5: {  	v1 =	vld [tilespmem:s18+$0xCC80];
	_ =	sdelay $0x1  }
0x2b6: {  	v60 =	vld [tilespmem:s2+$0x110];
	_ =	sdelay $0x2  }
0x2b7: {  	vm13 =	veq.s32 v1, $0x0  }
0x2b8: {  	v1 =	vsel vm13, $0x0, v43  }
0x2b9: {  	v2 =	vmul.f32 v1, v60;
	_ =	sdelay $0x1  }
0x2ba: {  	[tilespmem:$0xE510] =	vst v2  }
0x2bb: {  	v2 =	vld [tilespmem:s18+$0x1480];
	_ =	sdelay $0x4  }
0x2bc: {  	v2 =	vmul.f32 v2, v1;
	_ =	sdelay $0x1  }
0x2bd: {  	[tilespmem:$0xE690] =	vst v2  }
0x2be: {  	v2 =	vld [tilespmem:s18+$0x2900];
	_ =	sdelay $0x4  }
0x2bf: {  	v2 =	vmul.f32 v2, v1;
	_ =	sdelay $0x1  }
0x2c0: {  	[tilespmem:$0xE810] =	vst v2  }
0x2c1: {  	v2 =	vld [tilespmem:s18+$0x3D80];
	_ =	sdelay $0x4  }
0x2c2: {  	v2 =	vmul.f32 v2, v1;
	_ =	sdelay $0x1  }
0x2c3: {  	[tilespmem:$0xE990] =	vst v2  }
0x2c4: {  	v2 =	vld [tilespmem:s18+$0x5200];
	_ =	sdelay $0x4  }
0x2c5: {  	v1 =	vmul.f32 v2, v1;
	_ =	sdelay $0x1  }
0x2c6: {  	s19 =	rddreg [dreg:$0xa];
	[tilespmem:$0xEB10] =	vst v1  }
0x2c7: {  	v1 =	vld [tilespmem:s19+$0xCC80];
	_ =	sdelay $0x1  }
0x2c8: {  	v61 =	vld [tilespmem:s2+$0x120];
	_ =	sdelay $0x2  }
0x2c9: {  	vm14 =	veq.s32 v1, $0x0  }
0x2ca: {  	v1 =	vsel vm14, $0x0, v43  }
0x2cb: {  	v2 =	vmul.f32 v1, v61;
	_ =	sdelay $0x1  }
0x2cc: {  	[tilespmem:$0xE520] =	vst v2  }
0x2cd: {  	v2 =	vld [tilespmem:s19+$0x1480];
	_ =	sdelay $0x4  }
0x2ce: {  	v2 =	vmul.f32 v2, v1;
	_ =	sdelay $0x1  }
0x2cf: {  	[tilespmem:$0xE6A0] =	vst v2  }
0x2d0: {  	v2 =	vld [tilespmem:s19+$0x2900];
	_ =	sdelay $0x4  }
0x2d1: {  	v2 =	vmul.f32 v2, v1;
	_ =	sdelay $0x1  }
0x2d2: {  	[tilespmem:$0xE820] =	vst v2  }
0x2d3: {  	v2 =	vld [tilespmem:s19+$0x3D80];
	_ =	sdelay $0x4  }
0x2d4: {  	v2 =	vmul.f32 v2, v1;
	_ =	sdelay $0x1  }
0x2d5: {  	[tilespmem:$0xE9A0] =	vst v2  }
0x2d6: {  	v2 =	vld [tilespmem:s19+$0x5200];
	_ =	sdelay $0x4  }
0x2d7: {  	v1 =	vmul.f32 v2, v1;
	_ =	sdelay $0x1  }
0x2d8: {  	s20 =	rddreg [dreg:$0x9];
	[tilespmem:$0xEB20] =	vst v1  }
0x2d9: {  	v1 =	vld [tilespmem:s20+$0xCC80];
	_ =	sdelay $0x1  }
0x2da: {  	v62 =	vld [tilespmem:s2+$0x130];
	_ =	sdelay $0x2  }
0x2db: {  	vm15 =	veq.s32 v1, $0x0  }
0x2dc: {  	v0 =	vsel vm15, $0x0, v43  }
0x2dd: {  	v63 =	vmul.f32 v0, v62;
	_ =	sdelay $0x1  }
0x2de: {  	[tilespmem:$0xE530] =	vst v63  }
0x2df: {  	v1 =	vld [tilespmem:s20+$0x1480];
	_ =	sdelay $0x4  }
0x2e0: {  	v1 =	vmul.f32 v1, v0;
	_ =	sdelay $0x1  }
0x2e1: {  	[tilespmem:$0xE6B0] =	vst v1  }
0x2e2: {  	v1 =	vld [tilespmem:s20+$0x2900];
	_ =	sdelay $0x4  }
0x2e3: {  	v1 =	vmul.f32 v1, v0;
	_ =	sdelay $0x1  }
0x2e4: {  	[tilespmem:$0xE830] =	vst v1  }
0x2e5: {  	v1 =	vld [tilespmem:s20+$0x3D80];
	_ =	sdelay $0x4  }
0x2e6: {  	v1 =	vmul.f32 v1, v0;
	_ =	sdelay $0x1  }
0x2e7: {  	[tilespmem:$0xE9B0] =	vst v1  }
0x2e8: {  	v1 =	vld [tilespmem:s20+$0x5200];
	_ =	sdelay $0x4  }
0x2e9: {  	v0 =	vmul.f32 v1, v0  }
0x2ea: {  	s3 =	rddreg [dreg:$0x8]  }
0x2eb: {  	s23 =	simm.s32 $0x1;
	s22 =	simm.s32 $0xE400;
	s21 =	simm.s32 $0x0;
	[tilespmem:$0xEB30] =	vst v0  }
0x2ec: {  	[hbm4b:s3+s21] =	stream.linear.scatter [tilespmem:s22], [sflag:$0x1], $0x140, $0x38;
	[tilespmem:$0xEBA0] =	vst v63  }
0x2ed: {  	_ =	swait.ge [sflag:s23], $0x140  }
0x2ee: {  	[sflag:s23] =	ssyncset.done $0x0  }
0x2ef: {  	s24 =	simm.s32 $0xE580;
	s4 =	rddreg [dreg:$0x7];
	[sflag:s23] =	ssyncadd.s32 $0xFFFFFEC0  }
0x2f0: {  	[hbm4b:s4+s21] =	stream.linear.scatter [tilespmem:s24], [sflag:$0x1], $0x140, $0x38;
	[tilespmem:$0xEBA0] =	vst v63  }
0x2f1: {  	_ =	swait.ge [sflag:s23], $0x140  }
0x2f2: {  	[sflag:s23] =	ssyncset.done $0x0  }
0x2f3: {  	s25 =	simm.s32 $0xE700;
	s26 =	rddreg [dreg:$0x6];
	[sflag:s23] =	ssyncadd.s32 $0xFFFFFEC0  }
0x2f4: {  	[hbm4b:s26+s21] =	stream.linear.scatter [tilespmem:s25], [sflag:$0x1], $0x140, $0x38;
	[tilespmem:$0xEBA0] =	vst v63  }
0x2f5: {  	_ =	swait.ge [sflag:s23], $0x140  }
0x2f6: {  	[sflag:s23] =	ssyncset.done $0x0  }
0x2f7: {  	s28 =	simm.s32 $0xE880;
	s29 =	rddreg [dreg:$0x5];
	[sflag:s23] =	ssyncadd.s32 $0xFFFFFEC0  }
0x2f8: {  	[hbm4b:s29+s21] =	stream.linear.scatter [tilespmem:s28], [sflag:$0x1], $0x140, $0x38;
	[tilespmem:$0xEBA0] =	vst v63  }
0x2f9: {  	_ =	swait.ge [sflag:s23], $0x140  }
0x2fa: {  	[sflag:s23] =	ssyncset.done $0x0  }
0x2fb: {  	s30 =	simm.s32 $0xEA00;
	s31 =	rddreg [dreg:$0x4];
	[sflag:s23] =	ssyncadd.s32 $0xFFFFFEC0  }
0x2fc: {  	[hbm4b:s31+s21] =	stream.linear.scatter [tilespmem:s30], [sflag:$0x1], $0x140, $0x38;
	[tilespmem:$0xEBA0] =	vst v63  }
0x2fd: {  	_ =	swait.ge [sflag:s23], $0x140  }
0x2fe: {  	[sflag:s23] =	ssyncset.done $0x0  }
0x2ff: {  	[sflag:s23] =	ssyncadd.s32 $0xFFFFFEC0  }
0x300: {  	s2 =	rddreg [dreg:$0x3]  }
.LBB2_14:
0x301: {  	_ =	sfence.sel $0x180000  }
0x302: {  	[bflag:$0x0] =	sbarrier.arrive $0xFFFF  }
0x303: {  	p0 =	sne.s32 s1, $0x0;
	_ =	strace $0x9000004D  }
0x304: {  	s0 =	sadd.s32 @!p0 $0x100000, s2;
	[bflag:$0x2] =	sbarrier.arrive $0xFFFF  }
0x305: {  	[sflag:s0] =	ssyncadd.tile.s32 @!p0 $0x1;
	_ =	shalt  }
.Lfunc_end2:
_tile_overlayer_lowered:
.L_overlay_start_2:
0x306: {  	(tag) =	ssettag $0x2  }
0x307: {  	s0 =	rddreg [dreg:$0x0];
	s2 =	stileid.u32  }
0x308: {  	s1 =	rddreg [dreg:$0x1];
	p0 =	sne.s32 s2, $0x0  }
0x309: {  	s3 =	rddreg [dreg:$0x2];
	[bflag:$0x3] =	sbarrier.arrive $0xFFFF;
	s2 =	simm.s32 @!p0 $0x1C01  }
0x30a: {  	[timem:s3], [sflag:s2] =	dma.local @!p0 [hbm:s0], s1  }
0x30b: {  	s0 =	simm.s32 @!p0 $0x1  }
0x30c: {  	_ =	swait.ge @!p0 [sflag:s0], s1  }
0x30d: {  	s1 =	ssub.s32 @!p0 $0x0, s1;
	[sflag:s0] =	ssyncset.done @!p0 $0x0  }
0x30e: {  	[sflag:s0] =	ssyncadd.s32 @!p0 s1  }
0x30f: {  	[bflag:$0x3] =	sbarrier.arrive $0xFFFF  }
0x310: {  	_ =	shalt  }

</sc_bundles>
